<compile_context>
chip_gen: v7x
topology: tpu7x:2x2x1
jax: 0.10.2.dev20260603
libtpu: 0.0.44.dev20260713+nightly
codegen_flags: <defaults>
</compile_context>

<pallas_src>
import functools

import jax
import jax.numpy as jnp
from jax import lax
from jax.experimental import pallas as pl
from jax.experimental.pallas import tpu as pltpu
from jax.experimental.pallas import tpu_sc as plsc

N_EXP = 16
N_TOK = 2048
D_MODEL = 1024
D_FF = 512
TILE = 128
NT = N_TOK // TILE
GMAX = (2 * N_TOK) // TILE + N_EXP
NW = 32
EPT = (N_TOK * 2) // NW
TPW = N_TOK // NW



def _router_body(x_ref, wgt_ref, e1_ref, e2_ref, r1_ref, r2_ref,
                 p1_ref, p2_ref, cnt_ref, te_ref, tt_ref, ntl_ref):
    x = x_ref[...]
    logits = jnp.dot(x, wgt_ref[...], preferred_element_type=jnp.float32)
    m = jnp.max(logits, axis=-1, keepdims=True)
    p = jnp.exp(logits - m)
    p = p / jnp.sum(p, axis=-1, keepdims=True)
    idx = lax.broadcasted_iota(jnp.int32, p.shape, 1)
    big = jnp.int32(N_EXP + 1)
    m1 = jnp.max(p, axis=-1, keepdims=True)
    i1 = jnp.min(jnp.where(p >= m1, idx, big), axis=-1, keepdims=True)
    pm = jnp.where(idx == i1, -jnp.inf, p)
    m2 = jnp.max(pm, axis=-1, keepdims=True)
    i2 = jnp.min(jnp.where(pm >= m2, idx, big), axis=-1, keepdims=True)

    oh1 = (idx == i1).astype(jnp.float32)
    oh2 = (idx == i2).astype(jnp.float32)
    oh = oh1 + oh2
    s = oh
    sh = 1
    while sh < N_TOK:
        s = s + jnp.concatenate(
            [jnp.zeros((sh, N_EXP), jnp.float32), s[:-sh, :]], axis=0)
        sh *= 2
    excl = s - oh
    r1 = jnp.sum(excl * oh1, axis=-1, keepdims=True)
    r2 = jnp.sum((excl + oh1) * oh2, axis=-1, keepdims=True)

    e1_ref[...] = i1
    e2_ref[...] = i2
    r1_ref[...] = r1.astype(jnp.int32)
    r2_ref[...] = r2.astype(jnp.int32)
    p1_ref[...] = jnp.broadcast_to(m1, (N_TOK, 128))
    p2_ref[...] = jnp.broadcast_to(m2, (N_TOK, 128))
    cntf = jnp.sum(oh, axis=0, keepdims=True)
    cnt_ref[...] = cntf.astype(jnp.int32)

    ntf = jnp.floor((cntf + (TILE - 1)) / TILE)
    r16 = lax.broadcasted_iota(jnp.int32, (N_EXP, N_EXP), 0)
    c16 = lax.broadcasted_iota(jnp.int32, (N_EXP, N_EXP), 1)
    upper = (r16 <= c16).astype(jnp.float32)
    incl = jnp.dot(ntf, upper, preferred_element_type=jnp.float32)
    excl = incl - ntf
    gi = lax.broadcasted_iota(jnp.int32, (GMAX, N_EXP), 0).astype(jnp.float32)
    exclB = jnp.broadcast_to(excl, (GMAX, N_EXP))
    inclB = jnp.broadcast_to(incl, (GMAX, N_EXP))
    ind = jnp.logical_and(gi >= exclB, gi < inclB).astype(jnp.float32)
    lane_e = lax.broadcasted_iota(
        jnp.int32, (GMAX, N_EXP), 1).astype(jnp.float32)
    te = jnp.sum(ind * lane_e, axis=-1, keepdims=True)
    tt = jnp.sum(ind * (gi - exclB), axis=-1, keepdims=True)
    tot = jnp.max(incl, axis=-1, keepdims=True)
    lane1 = lax.broadcasted_iota(jnp.int32, (1, N_EXP), 1)
    nt_last = jnp.sum(jnp.where(lane1 == (N_EXP - 1), ntf, 0.0),
                      axis=-1, keepdims=True)
    g1 = lax.broadcasted_iota(jnp.int32, (GMAX, 1), 0).astype(jnp.float32)
    act = g1 < tot
    te_ref[...] = jnp.where(act, te, float(N_EXP - 1)).astype(jnp.int32)
    tt_ref[...] = jnp.where(
        act, tt, jnp.maximum(nt_last - 1.0, 0.0)).astype(jnp.int32)
    ntl_ref[...] = tot.astype(jnp.int32)


def _router(x_flat, WgT):
    i32 = jnp.int32
    f32 = jnp.float32
    outs = pl.pallas_call(
        _router_body,
        out_shape=[
            jax.ShapeDtypeStruct((N_TOK, 1), i32),
            jax.ShapeDtypeStruct((N_TOK, 1), i32),
            jax.ShapeDtypeStruct((N_TOK, 1), i32),
            jax.ShapeDtypeStruct((N_TOK, 1), i32),
            jax.ShapeDtypeStruct((N_TOK, 128), f32),
            jax.ShapeDtypeStruct((N_TOK, 128), f32),
            jax.ShapeDtypeStruct((1, N_EXP), i32),
            jax.ShapeDtypeStruct((GMAX, 1), i32),
            jax.ShapeDtypeStruct((GMAX, 1), i32),
            jax.ShapeDtypeStruct((1, 1), i32),
        ],
    )(x_flat, WgT)
    return outs



def _dispatch_sc(x_flat, ek, rk, pk):
    mesh = plsc.VectorSubcoreMesh(core_axis_name="c", subcore_axis_name="s")

    @functools.partial(
        pl.kernel,
        mesh=mesh,
        out_type=[
            jax.ShapeDtypeStruct((N_EXP * N_TOK, D_MODEL), jnp.float32),
            jax.ShapeDtypeStruct((N_EXP * N_TOK, 128), jnp.float32),
        ],
        scratch_types=[
            pltpu.VMEM((EPT,), jnp.int32),
            pltpu.VMEM((EPT,), jnp.int32),
            pltpu.VMEM((EPT // 2,), jnp.int32),
            pltpu.VMEM((EPT // 2,), jnp.int32),
            pltpu.VMEM((EPT // 2, 128), jnp.float32),
            pltpu.VMEM((EPT // 2, D_MODEL), jnp.float32),
        ],
    )
    def k(x_hbm, ek_hbm, rk_hbm, pk_hbm, xg_hbm, pg_hbm,
          ev, rv, dva, dvb, prows, rows):
        wid = lax.axis_index("s") * 2 + lax.axis_index("c")
        kk = wid & 1
        mm = wid >> 1
        base = mm * EPT
        pltpu.sync_copy(ek_hbm.at[kk, pl.ds(base, EPT)], ev)
        pltpu.sync_copy(rk_hbm.at[kk, pl.ds(base, EPT)], rv)
        for c in range(EPT // 16):
            e16 = ev[pl.ds(c * 16, 16)]
            r16 = rv[pl.ds(c * 16, 16)]
            d16 = e16 * N_TOK + r16
            half = c // (EPT // 32)
            off = (c % (EPT // 32)) * 16
            if half == 0:
                dva[pl.ds(off, 16)] = d16
            else:
                dvb[pl.ds(off, 16)] = d16
        for h, dv in ((0, dva), (1, dvb)):
            hb = base + h * (EPT // 2)
            pltpu.sync_copy(pk_hbm.at[kk, pl.ds(hb, EPT // 2)], prows)
            pltpu.sync_copy(x_hbm.at[pl.ds(hb, EPT // 2)], rows)
            pltpu.sync_copy(rows, xg_hbm.at[dv])
            pltpu.sync_copy(prows, pg_hbm.at[dv])

    return k(x_flat, ek, rk, pk)



def _gmm_body(te_ref, tt_ref, ntl_ref, xg_ref, pg_ref,
              w1_ref, w3_ref, w2_ref, yg_ref):
    g = pl.program_id(0)

    @pl.when(g < ntl_ref[0])
    def _compute():
        xg = xg_ref[...]
        h1 = jnp.dot(xg, w1_ref[0], preferred_element_type=jnp.float32)
        h3 = jnp.dot(xg, w3_ref[0], preferred_element_type=jnp.float32)
        h = (h1 / (1.0 + jnp.exp(-h1))) * h3
        out = jnp.dot(h, w2_ref[0], preferred_element_type=jnp.float32)
        yg_ref[...] = out * pg_ref[:, 0:1]


def _row_blk(g, te, tt, ntl):
    return te[g] * NT + tt[g], 0


def _w_blk(g, te, tt, ntl):
    return te[g], 0, 0


def _gmm(te, tt, ntl, xg, pg, W1, W3, W2):
    grid_spec = pltpu.PrefetchScalarGridSpec(
        num_scalar_prefetch=3,
        grid=(GMAX,),
        in_specs=[
            pl.BlockSpec((TILE, D_MODEL), _row_blk),
            pl.BlockSpec((TILE, 128), _row_blk),
            pl.BlockSpec((1, D_MODEL, D_FF), _w_blk),
            pl.BlockSpec((1, D_MODEL, D_FF), _w_blk),
            pl.BlockSpec((1, D_FF, D_MODEL), _w_blk),
        ],
        out_specs=pl.BlockSpec((TILE, D_MODEL), _row_blk),
    )
    return pl.pallas_call(
        _gmm_body,
        grid_spec=grid_spec,
        out_shape=jax.ShapeDtypeStruct((N_EXP * N_TOK, D_MODEL), jnp.float32),
        compiler_params=pltpu.CompilerParams(
            dimension_semantics=("arbitrary",),
        ),
    )(te, tt, ntl, xg, pg, W1, W3, W2)



def _combine_sc(yg, ek, rk):
    mesh = plsc.VectorSubcoreMesh(core_axis_name="c", subcore_axis_name="s")

    @functools.partial(
        pl.kernel,
        mesh=mesh,
        out_type=jax.ShapeDtypeStruct((N_TOK, D_MODEL), jnp.float32),
        scratch_types=[
            pltpu.VMEM((TPW,), jnp.int32),
            pltpu.VMEM((TPW,), jnp.int32),
            pltpu.VMEM((TPW,), jnp.int32),
            pltpu.VMEM((TPW,), jnp.int32),
            pltpu.VMEM((TPW // 2, D_MODEL), jnp.float32),
            pltpu.VMEM((TPW // 2, D_MODEL), jnp.float32),
        ],
    )
    def k(yg_hbm, ek_hbm, rk_hbm, y_hbm,
          i1v, i2v, evs, rvs, rows1, rows2):
        wid = lax.axis_index("s") * 2 + lax.axis_index("c")
        base = wid * TPW
        pltpu.sync_copy(ek_hbm.at[0, pl.ds(base, TPW)], evs)
        pltpu.sync_copy(rk_hbm.at[0, pl.ds(base, TPW)], rvs)
        for c in range(TPW // 16):
            i1v[pl.ds(c * 16, 16)] = (
                evs[pl.ds(c * 16, 16)] * N_TOK + rvs[pl.ds(c * 16, 16)])
        pltpu.sync_copy(ek_hbm.at[1, pl.ds(base, TPW)], evs)
        pltpu.sync_copy(rk_hbm.at[1, pl.ds(base, TPW)], rvs)
        for c in range(TPW // 16):
            i2v[pl.ds(c * 16, 16)] = (
                evs[pl.ds(c * 16, 16)] * N_TOK + rvs[pl.ds(c * 16, 16)])

        half = TPW // 2
        for c in range(2):
            pltpu.sync_copy(yg_hbm.at[i1v.at[pl.ds(c * half, half)]], rows1)
            pltpu.sync_copy(yg_hbm.at[i2v.at[pl.ds(c * half, half)]], rows2)

            def row_loop(i, _):
                for cc in range(D_MODEL // 16):
                    a = rows1[i, pl.ds(cc * 16, 16)]
                    b = rows2[i, pl.ds(cc * 16, 16)]
                    rows1[i, pl.ds(cc * 16, 16)] = a + b
                return 0

            lax.fori_loop(0, half, row_loop, 0)
            pltpu.sync_copy(rows1, y_hbm.at[pl.ds(base + c * half, half)])

    return k(yg, ek, rk)



def kernel(x, Wg, W1, W3, W2):
    Bs, Ts, C = x.shape
    x_flat = x.reshape(-1, C)

    e1, e2, r1, r2, p1, p2, cnt, te, tt, ntl = _router(x_flat, Wg.T)
    ek = jnp.concatenate([e1.reshape(1, -1), e2.reshape(1, -1)], axis=0)
    rk = jnp.concatenate([r1.reshape(1, -1), r2.reshape(1, -1)], axis=0)
    pk = jnp.concatenate(
        [p1.reshape(1, N_TOK, 128), p2.reshape(1, N_TOK, 128)], axis=0)
    xg, pg = _dispatch_sc(x_flat, ek, rk, pk)
    yg = _gmm(te.reshape(GMAX), tt.reshape(GMAX), ntl.reshape(1),
              xg, pg, W1, W3, W2)
    y = _combine_sc(yg, ek, rk)
    return y.reshape(Bs, Ts, C)

# --- scband reference (transcript-rebuilt; emitter-appended) ---
"""Pipeline reference for scband-simplified-lla-mamo-e-7017976561988 (READ-ONLY COPY).

The authoritative reference and input builder live on the scoring server;
editing this copy changes nothing except your own understanding.
"""

import jax, jax.numpy as jnp
import numpy as np

N_EXPERT = 16
TOP_K = 2
N_EMBD = 1024
D_FF = 512
B, T = 1, 2048


def setup_inputs(seed: int = 0) -> dict:
    key = jax.random.key(seed)
    ks = jax.random.split(key, 5)
    x = jax.random.normal(ks[0], (B, T, N_EMBD), dtype=jnp.float32)
    Wg = jax.random.normal(ks[1], (N_EXPERT, N_EMBD), dtype=jnp.float32) * 0.02
    W1 = jax.random.normal(ks[2], (N_EXPERT, N_EMBD, D_FF), dtype=jnp.float32) * 0.02
    W3 = jax.random.normal(ks[3], (N_EXPERT, N_EMBD, D_FF), dtype=jnp.float32) * 0.02
    W2 = jax.random.normal(ks[4], (N_EXPERT, D_FF, N_EMBD), dtype=jnp.float32) * 0.02
    return {"x": x, "Wg": Wg, "W1": W1, "W3": W3, "W2": W2}


def reference(x, Wg, W1, W3, W2):
    # SimplifiedLLaMAMoE.forward (n_shared_expert = 0)
    Bs, Ts, C = x.shape
    x_flat = x.reshape(-1, C)
    # gate: Linear(n_embd, n_expert, bias=False)
    router_logits = x_flat @ Wg.T
    router_probs = jax.nn.softmax(router_logits.astype(jnp.float32), axis=-1)
    topk_probs, topk_indices = jax.lax.top_k(router_probs, TOP_K)
    topk_probs = topk_probs.astype(x.dtype)
    # combine weights c[n, e]: equivalent to the torch double loop over (k, expert_id)
    combine = jnp.zeros((x_flat.shape[0], N_EXPERT), dtype=x.dtype)
    for k in range(TOP_K):
        combine = combine + topk_probs[:, k:k + 1] * jax.nn.one_hot(topk_indices[:, k], N_EXPERT, dtype=x.dtype)
    # LLaMAMLP per expert: proj(silu(fc_1(x)) * fc_2(x)), bias=False
    h1 = jnp.einsum('nc,ecf->nef', x_flat, W1)
    h3 = jnp.einsum('nc,ecf->nef', x_flat, W3)
    h = jax.nn.silu(h1) * h3
    expert_out = jnp.einsum('nef,efc->nec', h, W2)
    y = jnp.einsum('ne,nec->nc', combine, expert_out)
    return y.reshape(Bs, Ts, C)

if __name__ == "__main__":
    import jax
    _d = setup_inputs()
    print(jax.jit(kernel)(*tuple(_d.values())))

</pallas_src>

<mosaic_0001>
#map = affine_map<(d0, d1) -> (0, 0)>
#map1 = affine_map<(d0, d1) -> (0, 0, 0)>
module attributes {stable_mosaic.version = 14 : i64} {
  func.func @k(%arg0: i32, %arg1: i32, %arg2: memref<2048x1024xf32, #tpu.memory_space<hbm>>, %arg3: memref<2x2048xi32, #tpu.memory_space<hbm>>, %arg4: memref<2x2048xi32, #tpu.memory_space<hbm>>, %arg5: memref<2x2048x128xf32, #tpu.memory_space<hbm>>, %arg6: memref<32768x1024xf32, #tpu.memory_space<hbm>>, %arg7: memref<32768x128xf32, #tpu.memory_space<hbm>>, %arg8: memref<128xi32, #tpu.memory_space<vmem>>, %arg9: memref<128xi32, #tpu.memory_space<vmem>>, %arg10: memref<64xi32, #tpu.memory_space<vmem>>, %arg11: memref<64xi32, #tpu.memory_space<vmem>>, %arg12: memref<64x128xf32, #tpu.memory_space<vmem>>, %arg13: memref<64x1024xf32, #tpu.memory_space<vmem>>) attributes {dimension_semantics = [#tpu.dimension_semantics<core_parallel>, #tpu.dimension_semantics<subcore_parallel>], iteration_bounds = array<i64: 2, 16>, scalar_prefetch = 0 : i64, scratch_operands = 6 : i64, tpu.core_type = #tpu.core_type<sc_vector_subcore>, window_params = [{transform_indices = #map}, {transform_indices = #map}, {transform_indices = #map}, {transform_indices = #map1}, {transform_indices = #map}, {transform_indices = #map}]} {
    %mul3A = arith.constant 2 : i32
    %mul3A_0 = arith.muli %arg1, %mul3A : i32
    %add3A = arith.addi %mul3A_0, %arg0 : i32
    %and3A = arith.constant 1 : i32
    %and3A_1 = arith.andi %add3A, %and3A : i32
    %shift_right_arithmetic3A = arith.constant 1 : i32
    %shift_right_arithmetic3A_2 = arith.shrsi %add3A, %shift_right_arithmetic3A : i32
    %mul3A_3 = arith.constant 128 : i32
    %mul3A_4 = arith.muli %shift_right_arithmetic3A_2, %mul3A_3 : i32
    "tpu.region"() ({
      %run_scoped3A = tpu.sem_alloc : memref<!tpu.dma_semaphore, #tpu.memory_space<semaphore_mem>>
      %dma_start3A = tpu.memref_slice %arg3[%and3A_1, %mul3A_4] : memref<2x2048xi32, #tpu.memory_space<hbm>> -> memref<1x128xi32, #tpu.memory_space<hbm>>
      %dma_start3A_119 = tpu.memref_squeeze %dma_start3A : memref<1x128xi32, #tpu.memory_space<hbm>> -> memref<128xi32, #tpu.memory_space<hbm>>
      %dma_start3A_120 = tpu.memref_slice %arg3[%and3A_1, %mul3A_4] : memref<2x2048xi32, #tpu.memory_space<hbm>> -> memref<1x128xi32, #tpu.memory_space<hbm>>
      %dma_start3A_121 = tpu.memref_squeeze %dma_start3A_120 : memref<1x128xi32, #tpu.memory_space<hbm>> -> memref<128xi32, #tpu.memory_space<hbm>>
      tpu.enqueue_dma source(%dma_start3A_121 : memref<128xi32, #tpu.memory_space<hbm>>) target(%arg8 : memref<128xi32, #tpu.memory_space<vmem>>) target_semaphore(%run_scoped3A : memref<!tpu.dma_semaphore, #tpu.memory_space<semaphore_mem>>)
      %dma_wait3A = tpu.memref_slice %arg3[%and3A_1, %mul3A_4] : memref<2x2048xi32, #tpu.memory_space<hbm>> -> memref<1x128xi32, #tpu.memory_space<hbm>>
      %dma_wait3A_122 = tpu.memref_squeeze %dma_wait3A : memref<1x128xi32, #tpu.memory_space<hbm>> -> memref<128xi32, #tpu.memory_space<hbm>>
      %dma_wait3A_123 = tpu.memref_slice %arg3[%and3A_1, %mul3A_4] : memref<2x2048xi32, #tpu.memory_space<hbm>> -> memref<1x128xi32, #tpu.memory_space<hbm>>
      %dma_wait3A_124 = tpu.memref_squeeze %dma_wait3A_123 : memref<1x128xi32, #tpu.memory_space<hbm>> -> memref<128xi32, #tpu.memory_space<hbm>>
      tpu.wait_dma2 semaphore(%run_scoped3A : memref<!tpu.dma_semaphore, #tpu.memory_space<semaphore_mem>>) src(%dma_wait3A_124 : memref<128xi32, #tpu.memory_space<hbm>>) dst(%arg8 : memref<128xi32, #tpu.memory_space<vmem>>)
      tpu.yield
    }) : () -> ()
    "tpu.region"() ({
      %run_scoped3A = tpu.sem_alloc : memref<!tpu.dma_semaphore, #tpu.memory_space<semaphore_mem>>
      %dma_start3A = tpu.memref_slice %arg4[%and3A_1, %mul3A_4] : memref<2x2048xi32, #tpu.memory_space<hbm>> -> memref<1x128xi32, #tpu.memory_space<hbm>>
      %dma_start3A_119 = tpu.memref_squeeze %dma_start3A : memref<1x128xi32, #tpu.memory_space<hbm>> -> memref<128xi32, #tpu.memory_space<hbm>>
      %dma_start3A_120 = tpu.memref_slice %arg4[%and3A_1, %mul3A_4] : memref<2x2048xi32, #tpu.memory_space<hbm>> -> memref<1x128xi32, #tpu.memory_space<hbm>>
      %dma_start3A_121 = tpu.memref_squeeze %dma_start3A_120 : memref<1x128xi32, #tpu.memory_space<hbm>> -> memref<128xi32, #tpu.memory_space<hbm>>
      tpu.enqueue_dma source(%dma_start3A_121 : memref<128xi32, #tpu.memory_space<hbm>>) target(%arg9 : memref<128xi32, #tpu.memory_space<vmem>>) target_semaphore(%run_scoped3A : memref<!tpu.dma_semaphore, #tpu.memory_space<semaphore_mem>>)
      %dma_wait3A = tpu.memref_slice %arg4[%and3A_1, %mul3A_4] : memref<2x2048xi32, #tpu.memory_space<hbm>> -> memref<1x128xi32, #tpu.memory_space<hbm>>
      %dma_wait3A_122 = tpu.memref_squeeze %dma_wait3A : memref<1x128xi32, #tpu.memory_space<hbm>> -> memref<128xi32, #tpu.memory_space<hbm>>
      %dma_wait3A_123 = tpu.memref_slice %arg4[%and3A_1, %mul3A_4] : memref<2x2048xi32, #tpu.memory_space<hbm>> -> memref<1x128xi32, #tpu.memory_space<hbm>>
      %dma_wait3A_124 = tpu.memref_squeeze %dma_wait3A_123 : memref<1x128xi32, #tpu.memory_space<hbm>> -> memref<128xi32, #tpu.memory_space<hbm>>
      tpu.wait_dma2 semaphore(%run_scoped3A : memref<!tpu.dma_semaphore, #tpu.memory_space<semaphore_mem>>) src(%dma_wait3A_124 : memref<128xi32, #tpu.memory_space<hbm>>) dst(%arg9 : memref<128xi32, #tpu.memory_space<vmem>>)
      tpu.yield
    }) : () -> ()
    %get3A = arith.constant 0 : index
    %get3A_5 = tpu.vector_load %arg8[%get3A] {strides = array<i32>} : memref<128xi32, #tpu.memory_space<vmem>>, vector<16xi32>,
    %get3A_6 = vector.shape_cast %get3A_5 : vector<16xi32> to vector<16xi32>
    %get3A_7 = arith.constant 0 : index
    %get3A_8 = tpu.vector_load %arg9[%get3A_7] {strides = array<i32>} : memref<128xi32, #tpu.memory_space<vmem>>, vector<16xi32>,
    %get3A_9 = vector.shape_cast %get3A_8 : vector<16xi32> to vector<16xi32>
    %mul3A_10 = arith.constant 2048 : i32
    %mul3A_11 = vector.broadcast %mul3A_10 : i32 to vector<16xi32>
    %mul3A_12 = arith.muli %get3A_6, %mul3A_11 : vector<16xi32>
    %add3A_13 = arith.addi %mul3A_12, %get3A_9 : vector<16xi32>
    %swap3A = arith.constant 0 : index
    %swap3A_14 = tpu.vector_load %arg10[%swap3A] {strides = array<i32>} : memref<64xi32, #tpu.memory_space<vmem>>, vector<16xi32>,
    %swap3A_15 = vector.shape_cast %swap3A_14 : vector<16xi32> to vector<16xi32>
    %swap3A_16 = vector.shape_cast %add3A_13 : vector<16xi32> to vector<16xi32>
    tpu.vector_store %arg10[%swap3A], %swap3A_16 {strides = array<i32>} : memref<64xi32, #tpu.memory_space<vmem>>, vector<16xi32>,
    %get3A_17 = arith.constant 16 : index
    %get3A_18 = tpu.vector_load %arg8[%get3A_17] {strides = array<i32>} : memref<128xi32, #tpu.memory_space<vmem>>, vector<16xi32>,
    %get3A_19 = vector.shape_cast %get3A_18 : vector<16xi32> to vector<16xi32>
    %get3A_20 = arith.constant 16 : index
    %get3A_21 = tpu.vector_load %arg9[%get3A_20] {strides = array<i32>} : memref<128xi32, #tpu.memory_space<vmem>>, vector<16xi32>,
    %get3A_22 = vector.shape_cast %get3A_21 : vector<16xi32> to vector<16xi32>
    %mul3A_23 = arith.constant 2048 : i32
    %mul3A_24 = vector.broadcast %mul3A_23 : i32 to vector<16xi32>
    %mul3A_25 = arith.muli %get3A_19, %mul3A_24 : vector<16xi32>
    %add3A_26 = arith.addi %mul3A_25, %get3A_22 : vector<16xi32>
    %swap3A_27 = arith.constant 16 : index
    %swap3A_28 = tpu.vector_load %arg10[%swap3A_27] {strides = array<i32>} : memref<64xi32, #tpu.memory_space<vmem>>, vector<16xi32>,
    %swap3A_29 = vector.shape_cast %swap3A_28 : vector<16xi32> to vector<16xi32>
    %swap3A_30 = vector.shape_cast %add3A_26 : vector<16xi32> to vector<16xi32>
    tpu.vector_store %arg10[%swap3A_27], %swap3A_30 {strides = array<i32>} : memref<64xi32, #tpu.memory_space<vmem>>, vector<16xi32>,
    %get3A_31 = arith.constant 32 : index
    %get3A_32 = tpu.vector_load %arg8[%get3A_31] {strides = array<i32>} : memref<128xi32, #tpu.memory_space<vmem>>, vector<16xi32>,
    %get3A_33 = vector.shape_cast %get3A_32 : vector<16xi32> to vector<16xi32>
    %get3A_34 = arith.constant 32 : index
    %get3A_35 = tpu.vector_load %arg9[%get3A_34] {strides = array<i32>} : memref<128xi32, #tpu.memory_space<vmem>>, vector<16xi32>,
    %get3A_36 = vector.shape_cast %get3A_35 : vector<16xi32> to vector<16xi32>
    %mul3A_37 = arith.constant 2048 : i32
    %mul3A_38 = vector.broadcast %mul3A_37 : i32 to vector<16xi32>
    %mul3A_39 = arith.muli %get3A_33, %mul3A_38 : vector<16xi32>
    %add3A_40 = arith.addi %mul3A_39, %get3A_36 : vector<16xi32>
    %swap3A_41 = arith.constant 32 : index
    %swap3A_42 = tpu.vector_load %arg10[%swap3A_41] {strides = array<i32>} : memref<64xi32, #tpu.memory_space<vmem>>, vector<16xi32>,
    %swap3A_43 = vector.shape_cast %swap3A_42 : vector<16xi32> to vector<16xi32>
    %swap3A_44 = vector.shape_cast %add3A_40 : vector<16xi32> to vector<16xi32>
    tpu.vector_store %arg10[%swap3A_41], %swap3A_44 {strides = array<i32>} : memref<64xi32, #tpu.memory_space<vmem>>, vector<16xi32>,
    %get3A_45 = arith.constant 48 : index
    %get3A_46 = tpu.vector_load %arg8[%get3A_45] {strides = array<i32>} : memref<128xi32, #tpu.memory_space<vmem>>, vector<16xi32>,
    %get3A_47 = vector.shape_cast %get3A_46 : vector<16xi32> to vector<16xi32>
    %get3A_48 = arith.constant 48 : index
    %get3A_49 = tpu.vector_load %arg9[%get3A_48] {strides = array<i32>} : memref<128xi32, #tpu.memory_space<vmem>>, vector<16xi32>,
    %get3A_50 = vector.shape_cast %get3A_49 : vector<16xi32> to vector<16xi32>
    %mul3A_51 = arith.constant 2048 : i32
    %mul3A_52 = vector.broadcast %mul3A_51 : i32 to vector<16xi32>
    %mul3A_53 = arith.muli %get3A_47, %mul3A_52 : vector<16xi32>
    %add3A_54 = arith.addi %mul3A_53, %get3A_50 : vector<16xi32>
    %swap3A_55 = arith.constant 48 : index
    %swap3A_56 = tpu.vector_load %arg10[%swap3A_55] {strides = array<i32>} : memref<64xi32, #tpu.memory_space<vmem>>, vector<16xi32>,
    %swap3A_57 = vector.shape_cast %swap3A_56 : vector<16xi32> to vector<16xi32>
    %swap3A_58 = vector.shape_cast %add3A_54 : vector<16xi32> to vector<16xi32>
    tpu.vector_store %arg10[%swap3A_55], %swap3A_58 {strides = array<i32>} : memref<64xi32, #tpu.memory_space<vmem>>, vector<16xi32>,
    %get3A_59 = arith.constant 64 : index
    %get3A_60 = tpu.vector_load %arg8[%get3A_59] {strides = array<i32>} : memref<128xi32, #tpu.memory_space<vmem>>, vector<16xi32>,
    %get3A_61 = vector.shape_cast %get3A_60 : vector<16xi32> to vector<16xi32>
    %get3A_62 = arith.constant 64 : index
    %get3A_63 = tpu.vector_load %arg9[%get3A_62] {strides = array<i32>} : memref<128xi32, #tpu.memory_space<vmem>>, vector<16xi32>,
    %get3A_64 = vector.shape_cast %get3A_63 : vector<16xi32> to vector<16xi32>
    %mul3A_65 = arith.constant 2048 : i32
    %mul3A_66 = vector.broadcast %mul3A_65 : i32 to vector<16xi32>
    %mul3A_67 = arith.muli %get3A_61, %mul3A_66 : vector<16xi32>
    %add3A_68 = arith.addi %mul3A_67, %get3A_64 : vector<16xi32>
    %swap3A_69 = arith.constant 0 : index
    %swap3A_70 = tpu.vector_load %arg11[%swap3A_69] {strides = array<i32>} : memref<64xi32, #tpu.memory_space<vmem>>, vector<16xi32>,
    %swap3A_71 = vector.shape_cast %swap3A_70 : vector<16xi32> to vector<16xi32>
    %swap3A_72 = vector.shape_cast %add3A_68 : vector<16xi32> to vector<16xi32>
    tpu.vector_store %arg11[%swap3A_69], %swap3A_72 {strides = array<i32>} : memref<64xi32, #tpu.memory_space<vmem>>, vector<16xi32>,
    %get3A_73 = arith.constant 80 : index
    %get3A_74 = tpu.vector_load %arg8[%get3A_73] {strides = array<i32>} : memref<128xi32, #tpu.memory_space<vmem>>, vector<16xi32>,
    %get3A_75 = vector.shape_cast %get3A_74 : vector<16xi32> to vector<16xi32>
    %get3A_76 = arith.constant 80 : index
    %get3A_77 = tpu.vector_load %arg9[%get3A_76] {strides = array<i32>} : memref<128xi32, #tpu.memory_space<vmem>>, vector<16xi32>,
    %get3A_78 = vector.shape_cast %get3A_77 : vector<16xi32> to vector<16xi32>
    %mul3A_79 = arith.constant 2048 : i32
    %mul3A_80 = vector.broadcast %mul3A_79 : i32 to vector<16xi32>
    %mul3A_81 = arith.muli %get3A_75, %mul3A_80 : vector<16xi32>
    %add3A_82 = arith.addi %mul3A_81, %get3A_78 : vector<16xi32>
    %swap3A_83 = arith.constant 16 : index
    %swap3A_84 = tpu.vector_load %arg11[%swap3A_83] {strides = array<i32>} : memref<64xi32, #tpu.memory_space<vmem>>, vector<16xi32>,
    %swap3A_85 = vector.shape_cast %swap3A_84 : vector<16xi32> to vector<16xi32>
    %swap3A_86 = vector.shape_cast %add3A_82 : vector<16xi32> to vector<16xi32>
    tpu.vector_store %arg11[%swap3A_83], %swap3A_86 {strides = array<i32>} : memref<64xi32, #tpu.memory_space<vmem>>, vector<16xi32>,
    %get3A_87 = arith.constant 96 : index
    %get3A_88 = tpu.vector_load %arg8[%get3A_87] {strides = array<i32>} : memref<128xi32, #tpu.memory_space<vmem>>, vector<16xi32>,
    %get3A_89 = vector.shape_cast %get3A_88 : vector<16xi32> to vector<16xi32>
    %get3A_90 = arith.constant 96 : index
    %get3A_91 = tpu.vector_load %arg9[%get3A_90] {strides = array<i32>} : memref<128xi32, #tpu.memory_space<vmem>>, vector<16xi32>,
    %get3A_92 = vector.shape_cast %get3A_91 : vector<16xi32> to vector<16xi32>
    %mul3A_93 = arith.constant 2048 : i32
    %mul3A_94 = vector.broadcast %mul3A_93 : i32 to vector<16xi32>
    %mul3A_95 = arith.muli %get3A_89, %mul3A_94 : vector<16xi32>
    %add3A_96 = arith.addi %mul3A_95, %get3A_92 : vector<16xi32>
    %swap3A_97 = arith.constant 32 : index
    %swap3A_98 = tpu.vector_load %arg11[%swap3A_97] {strides = array<i32>} : memref<64xi32, #tpu.memory_space<vmem>>, vector<16xi32>,
    %swap3A_99 = vector.shape_cast %swap3A_98 : vector<16xi32> to vector<16xi32>
    %swap3A_100 = vector.shape_cast %add3A_96 : vector<16xi32> to vector<16xi32>
    tpu.vector_store %arg11[%swap3A_97], %swap3A_100 {strides = array<i32>} : memref<64xi32, #tpu.memory_space<vmem>>, vector<16xi32>,
    %get3A_101 = arith.constant 112 : index
    %get3A_102 = tpu.vector_load %arg8[%get3A_101] {strides = array<i32>} : memref<128xi32, #tpu.memory_space<vmem>>, vector<16xi32>,
    %get3A_103 = vector.shape_cast %get3A_102 : vector<16xi32> to vector<16xi32>
    %get3A_104 = arith.constant 112 : index
    %get3A_105 = tpu.vector_load %arg9[%get3A_104] {strides = array<i32>} : memref<128xi32, #tpu.memory_space<vmem>>, vector<16xi32>,
    %get3A_106 = vector.shape_cast %get3A_105 : vector<16xi32> to vector<16xi32>
    %mul3A_107 = arith.constant 2048 : i32
    %mul3A_108 = vector.broadcast %mul3A_107 : i32 to vector<16xi32>
    %mul3A_109 = arith.muli %get3A_103, %mul3A_108 : vector<16xi32>
    %add3A_110 = arith.addi %mul3A_109, %get3A_106 : vector<16xi32>
    %swap3A_111 = arith.constant 48 : index
    %swap3A_112 = tpu.vector_load %arg11[%swap3A_111] {strides = array<i32>} : memref<64xi32, #tpu.memory_space<vmem>>, vector<16xi32>,
    %swap3A_113 = vector.shape_cast %swap3A_112 : vector<16xi32> to vector<16xi32>
    %swap3A_114 = vector.shape_cast %add3A_110 : vector<16xi32> to vector<16xi32>
    tpu.vector_store %arg11[%swap3A_111], %swap3A_114 {strides = array<i32>} : memref<64xi32, #tpu.memory_space<vmem>>, vector<16xi32>,
    %add3A_115 = arith.constant 0 : i32
    %add3A_116 = arith.addi %mul3A_4, %add3A_115 : i32
    "tpu.region"() ({
      %run_scoped3A = tpu.sem_alloc : memref<!tpu.dma_semaphore, #tpu.memory_space<semaphore_mem>>
      %dma_start3A = arith.constant 0 : i32
      %dma_start3A_119 = tpu.memref_slice %arg5[%and3A_1, %add3A_116, %dma_start3A] : memref<2x2048x128xf32, #tpu.memory_space<hbm>> -> memref<1x64x128xf32, #tpu.memory_space<hbm>>
      %dma_start3A_120 = tpu.memref_squeeze %dma_start3A_119 : memref<1x64x128xf32, #tpu.memory_space<hbm>> -> memref<64x128xf32, #tpu.memory_space<hbm>>
      %dma_start3A_121 = arith.constant 0 : i32
      %dma_start3A_122 = tpu.memref_slice %arg5[%and3A_1, %add3A_116, %dma_start3A_121] : memref<2x2048x128xf32, #tpu.memory_space<hbm>> -> memref<1x64x128xf32, #tpu.memory_space<hbm>>
      %dma_start3A_123 = tpu.memref_squeeze %dma_start3A_122 : memref<1x64x128xf32, #tpu.memory_space<hbm>> -> memref<64x128xf32, #tpu.memory_space<hbm>>
      tpu.enqueue_dma source(%dma_start3A_123 : memref<64x128xf32, #tpu.memory_space<hbm>>) target(%arg12 : memref<64x128xf32, #tpu.memory_space<vmem>>) target_semaphore(%run_scoped3A : memref<!tpu.dma_semaphore, #tpu.memory_space<semaphore_mem>>)
      %dma_wait3A = arith.constant 0 : i32
      %dma_wait3A_124 = tpu.memref_slice %arg5[%and3A_1, %add3A_116, %dma_wait3A] : memref<2x2048x128xf32, #tpu.memory_space<hbm>> -> memref<1x64x128xf32, #tpu.memory_space<hbm>>
      %dma_wait3A_125 = tpu.memref_squeeze %dma_wait3A_124 : memref<1x64x128xf32, #tpu.memory_space<hbm>> -> memref<64x128xf32, #tpu.memory_space<hbm>>
      %dma_wait3A_126 = arith.constant 0 : i32
      %dma_wait3A_127 = tpu.memref_slice %arg5[%and3A_1, %add3A_116, %dma_wait3A_126] : memref<2x2048x128xf32, #tpu.memory_space<hbm>> -> memref<1x64x128xf32, #tpu.memory_space<hbm>>
      %dma_wait3A_128 = tpu.memref_squeeze %dma_wait3A_127 : memref<1x64x128xf32, #tpu.memory_space<hbm>> -> memref<64x128xf32, #tpu.memory_space<hbm>>
      tpu.wait_dma2 semaphore(%run_scoped3A : memref<!tpu.dma_semaphore, #tpu.memory_space<semaphore_mem>>) src(%dma_wait3A_128 : memref<64x128xf32, #tpu.memory_space<hbm>>) dst(%arg12 : memref<64x128xf32, #tpu.memory_space<vmem>>)
      tpu.yield
    }) : () -> ()
    "tpu.region"() ({
      %run_scoped3A = tpu.sem_alloc : memref<!tpu.dma_semaphore, #tpu.memory_space<semaphore_mem>>
      %dma_start3A = arith.constant 0 : i32
      %dma_start3A_119 = tpu.memref_slice %arg2[%add3A_116, %dma_start3A] : memref<2048x1024xf32, #tpu.memory_space<hbm>> -> memref<64x1024xf32, #tpu.memory_space<hbm>>
      %dma_start3A_120 = arith.constant 0 : i32
      %dma_start3A_121 = tpu.memref_slice %arg2[%add3A_116, %dma_start3A_120] : memref<2048x1024xf32, #tpu.memory_space<hbm>> -> memref<64x1024xf32, #tpu.memory_space<hbm>>
      tpu.enqueue_dma source(%dma_start3A_121 : memref<64x1024xf32, #tpu.memory_space<hbm>>) target(%arg13 : memref<64x1024xf32, #tpu.memory_space<vmem>>) target_semaphore(%run_scoped3A : memref<!tpu.dma_semaphore, #tpu.memory_space<semaphore_mem>>)
      %dma_wait3A = arith.constant 0 : i32
      %dma_wait3A_122 = tpu.memref_slice %arg2[%add3A_116, %dma_wait3A] : memref<2048x1024xf32, #tpu.memory_space<hbm>> -> memref<64x1024xf32, #tpu.memory_space<hbm>>
      %dma_wait3A_123 = arith.constant 0 : i32
      %dma_wait3A_124 = tpu.memref_slice %arg2[%add3A_116, %dma_wait3A_123] : memref<2048x1024xf32, #tpu.memory_space<hbm>> -> memref<64x1024xf32, #tpu.memory_space<hbm>>
      tpu.wait_dma2 semaphore(%run_scoped3A : memref<!tpu.dma_semaphore, #tpu.memory_space<semaphore_mem>>) src(%dma_wait3A_124 : memref<64x1024xf32, #tpu.memory_space<hbm>>) dst(%arg13 : memref<64x1024xf32, #tpu.memory_space<vmem>>)
      tpu.yield
    }) : () -> ()
    "tpu.region"() ({
      %run_scoped3A = tpu.sem_alloc : memref<!tpu.dma_semaphore, #tpu.memory_space<semaphore_mem>>
      %dma_start3A = arith.constant 0 : i32
      %dma_start3A_119 = arith.constant 0 : i32
      %dma_start3A_120 = tpu.memref_slice %arg6[%dma_start3A, %dma_start3A_119] : memref<32768x1024xf32, #tpu.memory_space<hbm>> -> memref<32768x1024xf32, #tpu.memory_space<hbm>>
      tpu.enqueue_indirect_dma source(%arg13 : memref<64x1024xf32, #tpu.memory_space<vmem>>) target(%dma_start3A_120 : memref<32768x1024xf32, #tpu.memory_space<hbm>>) offsets(%arg10 : memref<64xi32, #tpu.memory_space<vmem>>) semaphore(%run_scoped3A : memref<!tpu.dma_semaphore, #tpu.memory_space<semaphore_mem>>)
      %dma_wait3A = arith.constant 0 : i32
      %dma_wait3A_121 = arith.constant 0 : i32
      %dma_wait3A_122 = tpu.memref_slice %arg6[%dma_wait3A, %dma_wait3A_121] : memref<32768x1024xf32, #tpu.memory_space<hbm>> -> memref<32768x1024xf32, #tpu.memory_space<hbm>>
      tpu.wait_indirect_dma semaphore(%run_scoped3A : memref<!tpu.dma_semaphore, #tpu.memory_space<semaphore_mem>>) src(%arg13 : memref<64x1024xf32, #tpu.memory_space<vmem>>) dst(%dma_wait3A_122 : memref<32768x1024xf32, #tpu.memory_space<hbm>>)
      tpu.yield
    }) : () -> ()
    "tpu.region"() ({
      %run_scoped3A = tpu.sem_alloc : memref<!tpu.dma_semaphore, #tpu.memory_space<semaphore_mem>>
      %dma_start3A = arith.constant 0 : i32
      %dma_start3A_119 = arith.constant 0 : i32
      %dma_start3A_120 = tpu.memref_slice %arg7[%dma_start3A, %dma_start3A_119] : memref<32768x128xf32, #tpu.memory_space<hbm>> -> memref<32768x128xf32, #tpu.memory_space<hbm>>
      tpu.enqueue_indirect_dma source(%arg12 : memref<64x128xf32, #tpu.memory_space<vmem>>) target(%dma_start3A_120 : memref<32768x128xf32, #tpu.memory_space<hbm>>) offsets(%arg10 : memref<64xi32, #tpu.memory_space<vmem>>) semaphore(%run_scoped3A : memref<!tpu.dma_semaphore, #tpu.memory_space<semaphore_mem>>)
      %dma_wait3A = arith.constant 0 : i32
      %dma_wait3A_121 = arith.constant 0 : i32
      %dma_wait3A_122 = tpu.memref_slice %arg7[%dma_wait3A, %dma_wait3A_121] : memref<32768x128xf32, #tpu.memory_space<hbm>> -> memref<32768x128xf32, #tpu.memory_space<hbm>>
      tpu.wait_indirect_dma semaphore(%run_scoped3A : memref<!tpu.dma_semaphore, #tpu.memory_space<semaphore_mem>>) src(%arg12 : memref<64x128xf32, #tpu.memory_space<vmem>>) dst(%dma_wait3A_122 : memref<32768x128xf32, #tpu.memory_space<hbm>>)
      tpu.yield
    }) : () -> ()
    %add3A_117 = arith.constant 64 : i32
    %add3A_118 = arith.addi %mul3A_4, %add3A_117 : i32
    "tpu.region"() ({
      %run_scoped3A = tpu.sem_alloc : memref<!tpu.dma_semaphore, #tpu.memory_space<semaphore_mem>>
      %dma_start3A = arith.constant 0 : i32
      %dma_start3A_119 = tpu.memref_slice %arg5[%and3A_1, %add3A_118, %dma_start3A] : memref<2x2048x128xf32, #tpu.memory_space<hbm>> -> memref<1x64x128xf32, #tpu.memory_space<hbm>>
      %dma_start3A_120 = tpu.memref_squeeze %dma_start3A_119 : memref<1x64x128xf32, #tpu.memory_space<hbm>> -> memref<64x128xf32, #tpu.memory_space<hbm>>
      %dma_start3A_121 = arith.constant 0 : i32
      %dma_start3A_122 = tpu.memref_slice %arg5[%and3A_1, %add3A_118, %dma_start3A_121] : memref<2x2048x128xf32, #tpu.memory_space<hbm>> -> memref<1x64x128xf32, #tpu.memory_space<hbm>>
      %dma_start3A_123 = tpu.memref_squeeze %dma_start3A_122 : memref<1x64x128xf32, #tpu.memory_space<hbm>> -> memref<64x128xf32, #tpu.memory_space<hbm>>
      tpu.enqueue_dma source(%dma_start3A_123 : memref<64x128xf32, #tpu.memory_space<hbm>>) target(%arg12 : memref<64x128xf32, #tpu.memory_space<vmem>>) target_semaphore(%run_scoped3A : memref<!tpu.dma_semaphore, #tpu.memory_space<semaphore_mem>>)
      %dma_wait3A = arith.constant 0 : i32
      %dma_wait3A_124 = tpu.memref_slice %arg5[%and3A_1, %add3A_118, %dma_wait3A] : memref<2x2048x128xf32, #tpu.memory_space<hbm>> -> memref<1x64x128xf32, #tpu.memory_space<hbm>>
      %dma_wait3A_125 = tpu.memref_squeeze %dma_wait3A_124 : memref<1x64x128xf32, #tpu.memory_space<hbm>> -> memref<64x128xf32, #tpu.memory_space<hbm>>
      %dma_wait3A_126 = arith.constant 0 : i32
      %dma_wait3A_127 = tpu.memref_slice %arg5[%and3A_1, %add3A_118, %dma_wait3A_126] : memref<2x2048x128xf32, #tpu.memory_space<hbm>> -> memref<1x64x128xf32, #tpu.memory_space<hbm>>
      %dma_wait3A_128 = tpu.memref_squeeze %dma_wait3A_127 : memref<1x64x128xf32, #tpu.memory_space<hbm>> -> memref<64x128xf32, #tpu.memory_space<hbm>>
      tpu.wait_dma2 semaphore(%run_scoped3A : memref<!tpu.dma_semaphore, #tpu.memory_space<semaphore_mem>>) src(%dma_wait3A_128 : memref<64x128xf32, #tpu.memory_space<hbm>>) dst(%arg12 : memref<64x128xf32, #tpu.memory_space<vmem>>)
      tpu.yield
    }) : () -> ()
    "tpu.region"() ({
      %run_scoped3A = tpu.sem_alloc : memref<!tpu.dma_semaphore, #tpu.memory_space<semaphore_mem>>
      %dma_start3A = arith.constant 0 : i32
      %dma_start3A_119 = tpu.memref_slice %arg2[%add3A_118, %dma_start3A] : memref<2048x1024xf32, #tpu.memory_space<hbm>> -> memref<64x1024xf32, #tpu.memory_space<hbm>>
      %dma_start3A_120 = arith.constant 0 : i32
      %dma_start3A_121 = tpu.memref_slice %arg2[%add3A_118, %dma_start3A_120] : memref<2048x1024xf32, #tpu.memory_space<hbm>> -> memref<64x1024xf32, #tpu.memory_space<hbm>>
      tpu.enqueue_dma source(%dma_start3A_121 : memref<64x1024xf32, #tpu.memory_space<hbm>>) target(%arg13 : memref<64x1024xf32, #tpu.memory_space<vmem>>) target_semaphore(%run_scoped3A : memref<!tpu.dma_semaphore, #tpu.memory_space<semaphore_mem>>)
      %dma_wait3A = arith.constant 0 : i32
      %dma_wait3A_122 = tpu.memref_slice %arg2[%add3A_118, %dma_wait3A] : memref<2048x1024xf32, #tpu.memory_space<hbm>> -> memref<64x1024xf32, #tpu.memory_space<hbm>>
      %dma_wait3A_123 = arith.constant 0 : i32
      %dma_wait3A_124 = tpu.memref_slice %arg2[%add3A_118, %dma_wait3A_123] : memref<2048x1024xf32, #tpu.memory_space<hbm>> -> memref<64x1024xf32, #tpu.memory_space<hbm>>
      tpu.wait_dma2 semaphore(%run_scoped3A : memref<!tpu.dma_semaphore, #tpu.memory_space<semaphore_mem>>) src(%dma_wait3A_124 : memref<64x1024xf32, #tpu.memory_space<hbm>>) dst(%arg13 : memref<64x1024xf32, #tpu.memory_space<vmem>>)
      tpu.yield
    }) : () -> ()
    "tpu.region"() ({
      %run_scoped3A = tpu.sem_alloc : memref<!tpu.dma_semaphore, #tpu.memory_space<semaphore_mem>>
      %dma_start3A = arith.constant 0 : i32
      %dma_start3A_119 = arith.constant 0 : i32
      %dma_start3A_120 = tpu.memref_slice %arg6[%dma_start3A, %dma_start3A_119] : memref<32768x1024xf32, #tpu.memory_space<hbm>> -> memref<32768x1024xf32, #tpu.memory_space<hbm>>
      tpu.enqueue_indirect_dma source(%arg13 : memref<64x1024xf32, #tpu.memory_space<vmem>>) target(%dma_start3A_120 : memref<32768x1024xf32, #tpu.memory_space<hbm>>) offsets(%arg11 : memref<64xi32, #tpu.memory_space<vmem>>) semaphore(%run_scoped3A : memref<!tpu.dma_semaphore, #tpu.memory_space<semaphore_mem>>)
      %dma_wait3A = arith.constant 0 : i32
      %dma_wait3A_121 = arith.constant 0 : i32
      %dma_wait3A_122 = tpu.memref_slice %arg6[%dma_wait3A, %dma_wait3A_121] : memref<32768x1024xf32, #tpu.memory_space<hbm>> -> memref<32768x1024xf32, #tpu.memory_space<hbm>>
      tpu.wait_indirect_dma semaphore(%run_scoped3A : memref<!tpu.dma_semaphore, #tpu.memory_space<semaphore_mem>>) src(%arg13 : memref<64x1024xf32, #tpu.memory_space<vmem>>) dst(%dma_wait3A_122 : memref<32768x1024xf32, #tpu.memory_space<hbm>>)
      tpu.yield
    }) : () -> ()
    "tpu.region"() ({
      %run_scoped3A = tpu.sem_alloc : memref<!tpu.dma_semaphore, #tpu.memory_space<semaphore_mem>>
      %dma_start3A = arith.constant 0 : i32
      %dma_start3A_119 = arith.constant 0 : i32
      %dma_start3A_120 = tpu.memref_slice %arg7[%dma_start3A, %dma_start3A_119] : memref<32768x128xf32, #tpu.memory_space<hbm>> -> memref<32768x128xf32, #tpu.memory_space<hbm>>
      tpu.enqueue_indirect_dma source(%arg12 : memref<64x128xf32, #tpu.memory_space<vmem>>) target(%dma_start3A_120 : memref<32768x128xf32, #tpu.memory_space<hbm>>) offsets(%arg11 : memref<64xi32, #tpu.memory_space<vmem>>) semaphore(%run_scoped3A : memref<!tpu.dma_semaphore, #tpu.memory_space<semaphore_mem>>)
      %dma_wait3A = arith.constant 0 : i32
      %dma_wait3A_121 = arith.constant 0 : i32
      %dma_wait3A_122 = tpu.memref_slice %arg7[%dma_wait3A, %dma_wait3A_121] : memref<32768x128xf32, #tpu.memory_space<hbm>> -> memref<32768x128xf32, #tpu.memory_space<hbm>>
      tpu.wait_indirect_dma semaphore(%run_scoped3A : memref<!tpu.dma_semaphore, #tpu.memory_space<semaphore_mem>>) src(%arg12 : memref<64x128xf32, #tpu.memory_space<vmem>>) dst(%dma_wait3A_122 : memref<32768x128xf32, #tpu.memory_space<hbm>>)
      tpu.yield
    }) : () -> ()
    return
  }
}

#map = affine_map<(d0, d1) -> (0, 0)>
module attributes {stable_mosaic.version = 14 : i64} {
  func.func @k(%arg0: i32, %arg1: i32, %arg2: memref<32768x1024xf32, #tpu.memory_space<hbm>>, %arg3: memref<2x2048xi32, #tpu.memory_space<hbm>>, %arg4: memref<2x2048xi32, #tpu.memory_space<hbm>>, %arg5: memref<2048x1024xf32, #tpu.memory_space<hbm>>, %arg6: memref<64xi32, #tpu.memory_space<vmem>>, %arg7: memref<64xi32, #tpu.memory_space<vmem>>, %arg8: memref<64xi32, #tpu.memory_space<vmem>>, %arg9: memref<64xi32, #tpu.memory_space<vmem>>, %arg10: memref<32x1024xf32, #tpu.memory_space<vmem>>, %arg11: memref<32x1024xf32, #tpu.memory_space<vmem>>) attributes {dimension_semantics = [#tpu.dimension_semantics<core_parallel>, #tpu.dimension_semantics<subcore_parallel>], iteration_bounds = array<i64: 2, 16>, scalar_prefetch = 0 : i64, scratch_operands = 6 : i64, tpu.core_type = #tpu.core_type<sc_vector_subcore>, window_params = [{transform_indices = #map}, {transform_indices = #map}, {transform_indices = #map}, {transform_indices = #map}]} {
    %mul3A = arith.constant 2 : i32
    %mul3A_0 = arith.muli %arg1, %mul3A : i32
    %add3A = arith.addi %mul3A_0, %arg0 : i32
    %mul3A_1 = arith.constant 64 : i32
    %mul3A_2 = arith.muli %add3A, %mul3A_1 : i32
    %run_scoped3A = arith.constant 0 : i32
    "tpu.region"() ({
      %run_scoped3A_133 = tpu.sem_alloc : memref<!tpu.dma_semaphore, #tpu.memory_space<semaphore_mem>>
      %dma_start3A = tpu.memref_slice %arg3[%run_scoped3A, %mul3A_2] : memref<2x2048xi32, #tpu.memory_space<hbm>> -> memref<1x64xi32, #tpu.memory_space<hbm>>
      %dma_start3A_134 = tpu.memref_squeeze %dma_start3A : memref<1x64xi32, #tpu.memory_space<hbm>> -> memref<64xi32, #tpu.memory_space<hbm>>
      %dma_start3A_135 = tpu.memref_slice %arg3[%run_scoped3A, %mul3A_2] : memref<2x2048xi32, #tpu.memory_space<hbm>> -> memref<1x64xi32, #tpu.memory_space<hbm>>
      %dma_start3A_136 = tpu.memref_squeeze %dma_start3A_135 : memref<1x64xi32, #tpu.memory_space<hbm>> -> memref<64xi32, #tpu.memory_space<hbm>>
      tpu.enqueue_dma source(%dma_start3A_136 : memref<64xi32, #tpu.memory_space<hbm>>) target(%arg8 : memref<64xi32, #tpu.memory_space<vmem>>) target_semaphore(%run_scoped3A_133 : memref<!tpu.dma_semaphore, #tpu.memory_space<semaphore_mem>>)
      %dma_wait3A = tpu.memref_slice %arg3[%run_scoped3A, %mul3A_2] : memref<2x2048xi32, #tpu.memory_space<hbm>> -> memref<1x64xi32, #tpu.memory_space<hbm>>
      %dma_wait3A_137 = tpu.memref_squeeze %dma_wait3A : memref<1x64xi32, #tpu.memory_space<hbm>> -> memref<64xi32, #tpu.memory_space<hbm>>
      %dma_wait3A_138 = tpu.memref_slice %arg3[%run_scoped3A, %mul3A_2] : memref<2x2048xi32, #tpu.memory_space<hbm>> -> memref<1x64xi32, #tpu.memory_space<hbm>>
      %dma_wait3A_139 = tpu.memref_squeeze %dma_wait3A_138 : memref<1x64xi32, #tpu.memory_space<hbm>> -> memref<64xi32, #tpu.memory_space<hbm>>
      tpu.wait_dma2 semaphore(%run_scoped3A_133 : memref<!tpu.dma_semaphore, #tpu.memory_space<semaphore_mem>>) src(%dma_wait3A_139 : memref<64xi32, #tpu.memory_space<hbm>>) dst(%arg8 : memref<64xi32, #tpu.memory_space<vmem>>)
      tpu.yield
    }) : () -> ()
    %run_scoped3A_3 = arith.constant 0 : i32
    "tpu.region"() ({
      %run_scoped3A_133 = tpu.sem_alloc : memref<!tpu.dma_semaphore, #tpu.memory_space<semaphore_mem>>
      %dma_start3A = tpu.memref_slice %arg4[%run_scoped3A_3, %mul3A_2] : memref<2x2048xi32, #tpu.memory_space<hbm>> -> memref<1x64xi32, #tpu.memory_space<hbm>>
      %dma_start3A_134 = tpu.memref_squeeze %dma_start3A : memref<1x64xi32, #tpu.memory_space<hbm>> -> memref<64xi32, #tpu.memory_space<hbm>>
      %dma_start3A_135 = tpu.memref_slice %arg4[%run_scoped3A_3, %mul3A_2] : memref<2x2048xi32, #tpu.memory_space<hbm>> -> memref<1x64xi32, #tpu.memory_space<hbm>>
      %dma_start3A_136 = tpu.memref_squeeze %dma_start3A_135 : memref<1x64xi32, #tpu.memory_space<hbm>> -> memref<64xi32, #tpu.memory_space<hbm>>
      tpu.enqueue_dma source(%dma_start3A_136 : memref<64xi32, #tpu.memory_space<hbm>>) target(%arg9 : memref<64xi32, #tpu.memory_space<vmem>>) target_semaphore(%run_scoped3A_133 : memref<!tpu.dma_semaphore, #tpu.memory_space<semaphore_mem>>)
      %dma_wait3A = tpu.memref_slice %arg4[%run_scoped3A_3, %mul3A_2] : memref<2x2048xi32, #tpu.memory_space<hbm>> -> memref<1x64xi32, #tpu.memory_space<hbm>>
      %dma_wait3A_137 = tpu.memref_squeeze %dma_wait3A : memref<1x64xi32, #tpu.memory_space<hbm>> -> memref<64xi32, #tpu.memory_space<hbm>>
      %dma_wait3A_138 = tpu.memref_slice %arg4[%run_scoped3A_3, %mul3A_2] : memref<2x2048xi32, #tpu.memory_space<hbm>> -> memref<1x64xi32, #tpu.memory_space<hbm>>
      %dma_wait3A_139 = tpu.memref_squeeze %dma_wait3A_138 : memref<1x64xi32, #tpu.memory_space<hbm>> -> memref<64xi32, #tpu.memory_space<hbm>>
      tpu.wait_dma2 semaphore(%run_scoped3A_133 : memref<!tpu.dma_semaphore, #tpu.memory_space<semaphore_mem>>) src(%dma_wait3A_139 : memref<64xi32, #tpu.memory_space<hbm>>) dst(%arg9 : memref<64xi32, #tpu.memory_space<vmem>>)
      tpu.yield
    }) : () -> ()
    %get3A = arith.constant 0 : index
    %get3A_4 = tpu.vector_load %arg8[%get3A] {strides = array<i32>} : memref<64xi32, #tpu.memory_space<vmem>>, vector<16xi32>,
    %get3A_5 = vector.shape_cast %get3A_4 : vector<16xi32> to vector<16xi32>
    %mul3A_6 = arith.constant 2048 : i32
    %mul3A_7 = vector.broadcast %mul3A_6 : i32 to vector<16xi32>
    %mul3A_8 = arith.muli %get3A_5, %mul3A_7 : vector<16xi32>
    %get3A_9 = arith.constant 0 : index
    %get3A_10 = tpu.vector_load %arg9[%get3A_9] {strides = array<i32>} : memref<64xi32, #tpu.memory_space<vmem>>, vector<16xi32>,
    %get3A_11 = vector.shape_cast %get3A_10 : vector<16xi32> to vector<16xi32>
    %add3A_12 = arith.addi %mul3A_8, %get3A_11 : vector<16xi32>
    %swap3A = arith.constant 0 : index
    %swap3A_13 = tpu.vector_load %arg6[%swap3A] {strides = array<i32>} : memref<64xi32, #tpu.memory_space<vmem>>, vector<16xi32>,
    %swap3A_14 = vector.shape_cast %swap3A_13 : vector<16xi32> to vector<16xi32>
    %swap3A_15 = vector.shape_cast %add3A_12 : vector<16xi32> to vector<16xi32>
    tpu.vector_store %arg6[%swap3A], %swap3A_15 {strides = array<i32>} : memref<64xi32, #tpu.memory_space<vmem>>, vector<16xi32>,
    %get3A_16 = arith.constant 16 : index
    %get3A_17 = tpu.vector_load %arg8[%get3A_16] {strides = array<i32>} : memref<64xi32, #tpu.memory_space<vmem>>, vector<16xi32>,
    %get3A_18 = vector.shape_cast %get3A_17 : vector<16xi32> to vector<16xi32>
    %mul3A_19 = arith.constant 2048 : i32
    %mul3A_20 = vector.broadcast %mul3A_19 : i32 to vector<16xi32>
    %mul3A_21 = arith.muli %get3A_18, %mul3A_20 : vector<16xi32>
    %get3A_22 = arith.constant 16 : index
    %get3A_23 = tpu.vector_load %arg9[%get3A_22] {strides = array<i32>} : memref<64xi32, #tpu.memory_space<vmem>>, vector<16xi32>,
    %get3A_24 = vector.shape_cast %get3A_23 : vector<16xi32> to vector<16xi32>
    %add3A_25 = arith.addi %mul3A_21, %get3A_24 : vector<16xi32>
    %swap3A_26 = arith.constant 16 : index
    %swap3A_27 = tpu.vector_load %arg6[%swap3A_26] {strides = array<i32>} : memref<64xi32, #tpu.memory_space<vmem>>, vector<16xi32>,
    %swap3A_28 = vector.shape_cast %swap3A_27 : vector<16xi32> to vector<16xi32>
    %swap3A_29 = vector.shape_cast %add3A_25 : vector<16xi32> to vector<16xi32>
    tpu.vector_store %arg6[%swap3A_26], %swap3A_29 {strides = array<i32>} : memref<64xi32, #tpu.memory_space<vmem>>, vector<16xi32>,
    %get3A_30 = arith.constant 32 : index
    %get3A_31 = tpu.vector_load %arg8[%get3A_30] {strides = array<i32>} : memref<64xi32, #tpu.memory_space<vmem>>, vector<16xi32>,
    %get3A_32 = vector.shape_cast %get3A_31 : vector<16xi32> to vector<16xi32>
    %mul3A_33 = arith.constant 2048 : i32
    %mul3A_34 = vector.broadcast %mul3A_33 : i32 to vector<16xi32>
    %mul3A_35 = arith.muli %get3A_32, %mul3A_34 : vector<16xi32>
    %get3A_36 = arith.constant 32 : index
    %get3A_37 = tpu.vector_load %arg9[%get3A_36] {strides = array<i32>} : memref<64xi32, #tpu.memory_space<vmem>>, vector<16xi32>,
    %get3A_38 = vector.shape_cast %get3A_37 : vector<16xi32> to vector<16xi32>
    %add3A_39 = arith.addi %mul3A_35, %get3A_38 : vector<16xi32>
    %swap3A_40 = arith.constant 32 : index
    %swap3A_41 = tpu.vector_load %arg6[%swap3A_40] {strides = array<i32>} : memref<64xi32, #tpu.memory_space<vmem>>, vector<16xi32>,
    %swap3A_42 = vector.shape_cast %swap3A_41 : vector<16xi32> to vector<16xi32>
    %swap3A_43 = vector.shape_cast %add3A_39 : vector<16xi32> to vector<16xi32>
    tpu.vector_store %arg6[%swap3A_40], %swap3A_43 {strides = array<i32>} : memref<64xi32, #tpu.memory_space<vmem>>, vector<16xi32>,
    %get3A_44 = arith.constant 48 : index
    %get3A_45 = tpu.vector_load %arg8[%get3A_44] {strides = array<i32>} : memref<64xi32, #tpu.memory_space<vmem>>, vector<16xi32>,
    %get3A_46 = vector.shape_cast %get3A_45 : vector<16xi32> to vector<16xi32>
    %mul3A_47 = arith.constant 2048 : i32
    %mul3A_48 = vector.broadcast %mul3A_47 : i32 to vector<16xi32>
    %mul3A_49 = arith.muli %get3A_46, %mul3A_48 : vector<16xi32>
    %get3A_50 = arith.constant 48 : index
    %get3A_51 = tpu.vector_load %arg9[%get3A_50] {strides = array<i32>} : memref<64xi32, #tpu.memory_space<vmem>>, vector<16xi32>,
    %get3A_52 = vector.shape_cast %get3A_51 : vector<16xi32> to vector<16xi32>
    %add3A_53 = arith.addi %mul3A_49, %get3A_52 : vector<16xi32>
    %swap3A_54 = arith.constant 48 : index
    %swap3A_55 = tpu.vector_load %arg6[%swap3A_54] {strides = array<i32>} : memref<64xi32, #tpu.memory_space<vmem>>, vector<16xi32>,
    %swap3A_56 = vector.shape_cast %swap3A_55 : vector<16xi32> to vector<16xi32>
    %swap3A_57 = vector.shape_cast %add3A_53 : vector<16xi32> to vector<16xi32>
    tpu.vector_store %arg6[%swap3A_54], %swap3A_57 {strides = array<i32>} : memref<64xi32, #tpu.memory_space<vmem>>, vector<16xi32>,
    %run_scoped3A_58 = arith.constant 1 : i32
    "tpu.region"() ({
      %run_scoped3A_133 = tpu.sem_alloc : memref<!tpu.dma_semaphore, #tpu.memory_space<semaphore_mem>>
      %dma_start3A = tpu.memref_slice %arg3[%run_scoped3A_58, %mul3A_2] : memref<2x2048xi32, #tpu.memory_space<hbm>> -> memref<1x64xi32, #tpu.memory_space<hbm>>
      %dma_start3A_134 = tpu.memref_squeeze %dma_start3A : memref<1x64xi32, #tpu.memory_space<hbm>> -> memref<64xi32, #tpu.memory_space<hbm>>
      %dma_start3A_135 = tpu.memref_slice %arg3[%run_scoped3A_58, %mul3A_2] : memref<2x2048xi32, #tpu.memory_space<hbm>> -> memref<1x64xi32, #tpu.memory_space<hbm>>
      %dma_start3A_136 = tpu.memref_squeeze %dma_start3A_135 : memref<1x64xi32, #tpu.memory_space<hbm>> -> memref<64xi32, #tpu.memory_space<hbm>>
      tpu.enqueue_dma source(%dma_start3A_136 : memref<64xi32, #tpu.memory_space<hbm>>) target(%arg8 : memref<64xi32, #tpu.memory_space<vmem>>) target_semaphore(%run_scoped3A_133 : memref<!tpu.dma_semaphore, #tpu.memory_space<semaphore_mem>>)
      %dma_wait3A = tpu.memref_slice %arg3[%run_scoped3A_58, %mul3A_2] : memref<2x2048xi32, #tpu.memory_space<hbm>> -> memref<1x64xi32, #tpu.memory_space<hbm>>
      %dma_wait3A_137 = tpu.memref_squeeze %dma_wait3A : memref<1x64xi32, #tpu.memory_space<hbm>> -> memref<64xi32, #tpu.memory_space<hbm>>
      %dma_wait3A_138 = tpu.memref_slice %arg3[%run_scoped3A_58, %mul3A_2] : memref<2x2048xi32, #tpu.memory_space<hbm>> -> memref<1x64xi32, #tpu.memory_space<hbm>>
      %dma_wait3A_139 = tpu.memref_squeeze %dma_wait3A_138 : memref<1x64xi32, #tpu.memory_space<hbm>> -> memref<64xi32, #tpu.memory_space<hbm>>
      tpu.wait_dma2 semaphore(%run_scoped3A_133 : memref<!tpu.dma_semaphore, #tpu.memory_space<semaphore_mem>>) src(%dma_wait3A_139 : memref<64xi32, #tpu.memory_space<hbm>>) dst(%arg8 : memref<64xi32, #tpu.memory_space<vmem>>)
      tpu.yield
    }) : () -> ()
    %run_scoped3A_59 = arith.constant 1 : i32
    "tpu.region"() ({
      %run_scoped3A_133 = tpu.sem_alloc : memref<!tpu.dma_semaphore, #tpu.memory_space<semaphore_mem>>
      %dma_start3A = tpu.memref_slice %arg4[%run_scoped3A_59, %mul3A_2] : memref<2x2048xi32, #tpu.memory_space<hbm>> -> memref<1x64xi32, #tpu.memory_space<hbm>>
      %dma_start3A_134 = tpu.memref_squeeze %dma_start3A : memref<1x64xi32, #tpu.memory_space<hbm>> -> memref<64xi32, #tpu.memory_space<hbm>>
      %dma_start3A_135 = tpu.memref_slice %arg4[%run_scoped3A_59, %mul3A_2] : memref<2x2048xi32, #tpu.memory_space<hbm>> -> memref<1x64xi32, #tpu.memory_space<hbm>>
      %dma_start3A_136 = tpu.memref_squeeze %dma_start3A_135 : memref<1x64xi32, #tpu.memory_space<hbm>> -> memref<64xi32, #tpu.memory_space<hbm>>
      tpu.enqueue_dma source(%dma_start3A_136 : memref<64xi32, #tpu.memory_space<hbm>>) target(%arg9 : memref<64xi32, #tpu.memory_space<vmem>>) target_semaphore(%run_scoped3A_133 : memref<!tpu.dma_semaphore, #tpu.memory_space<semaphore_mem>>)
      %dma_wait3A = tpu.memref_slice %arg4[%run_scoped3A_59, %mul3A_2] : memref<2x2048xi32, #tpu.memory_space<hbm>> -> memref<1x64xi32, #tpu.memory_space<hbm>>
      %dma_wait3A_137 = tpu.memref_squeeze %dma_wait3A : memref<1x64xi32, #tpu.memory_space<hbm>> -> memref<64xi32, #tpu.memory_space<hbm>>
      %dma_wait3A_138 = tpu.memref_slice %arg4[%run_scoped3A_59, %mul3A_2] : memref<2x2048xi32, #tpu.memory_space<hbm>> -> memref<1x64xi32, #tpu.memory_space<hbm>>
      %dma_wait3A_139 = tpu.memref_squeeze %dma_wait3A_138 : memref<1x64xi32, #tpu.memory_space<hbm>> -> memref<64xi32, #tpu.memory_space<hbm>>
      tpu.wait_dma2 semaphore(%run_scoped3A_133 : memref<!tpu.dma_semaphore, #tpu.memory_space<semaphore_mem>>) src(%dma_wait3A_139 : memref<64xi32, #tpu.memory_space<hbm>>) dst(%arg9 : memref<64xi32, #tpu.memory_space<vmem>>)
      tpu.yield
    }) : () -> ()
    %get3A_60 = arith.constant 0 : index
    %get3A_61 = tpu.vector_load %arg8[%get3A_60] {strides = array<i32>} : memref<64xi32, #tpu.memory_space<vmem>>, vector<16xi32>,
    %get3A_62 = vector.shape_cast %get3A_61 : vector<16xi32> to vector<16xi32>
    %mul3A_63 = arith.constant 2048 : i32
    %mul3A_64 = vector.broadcast %mul3A_63 : i32 to vector<16xi32>
    %mul3A_65 = arith.muli %get3A_62, %mul3A_64 : vector<16xi32>
    %get3A_66 = arith.constant 0 : index
    %get3A_67 = tpu.vector_load %arg9[%get3A_66] {strides = array<i32>} : memref<64xi32, #tpu.memory_space<vmem>>, vector<16xi32>,
    %get3A_68 = vector.shape_cast %get3A_67 : vector<16xi32> to vector<16xi32>
    %add3A_69 = arith.addi %mul3A_65, %get3A_68 : vector<16xi32>
    %swap3A_70 = arith.constant 0 : index
    %swap3A_71 = tpu.vector_load %arg7[%swap3A_70] {strides = array<i32>} : memref<64xi32, #tpu.memory_space<vmem>>, vector<16xi32>,
    %swap3A_72 = vector.shape_cast %swap3A_71 : vector<16xi32> to vector<16xi32>
    %swap3A_73 = vector.shape_cast %add3A_69 : vector<16xi32> to vector<16xi32>
    tpu.vector_store %arg7[%swap3A_70], %swap3A_73 {strides = array<i32>} : memref<64xi32, #tpu.memory_space<vmem>>, vector<16xi32>,
    %get3A_74 = arith.constant 16 : index
    %get3A_75 = tpu.vector_load %arg8[%get3A_74] {strides = array<i32>} : memref<64xi32, #tpu.memory_space<vmem>>, vector<16xi32>,
    %get3A_76 = vector.shape_cast %get3A_75 : vector<16xi32> to vector<16xi32>
    %mul3A_77 = arith.constant 2048 : i32
    %mul3A_78 = vector.broadcast %mul3A_77 : i32 to vector<16xi32>
    %mul3A_79 = arith.muli %get3A_76, %mul3A_78 : vector<16xi32>
    %get3A_80 = arith.constant 16 : index
    %get3A_81 = tpu.vector_load %arg9[%get3A_80] {strides = array<i32>} : memref<64xi32, #tpu.memory_space<vmem>>, vector<16xi32>,
    %get3A_82 = vector.shape_cast %get3A_81 : vector<16xi32> to vector<16xi32>
    %add3A_83 = arith.addi %mul3A_79, %get3A_82 : vector<16xi32>
    %swap3A_84 = arith.constant 16 : index
    %swap3A_85 = tpu.vector_load %arg7[%swap3A_84] {strides = array<i32>} : memref<64xi32, #tpu.memory_space<vmem>>, vector<16xi32>,
    %swap3A_86 = vector.shape_cast %swap3A_85 : vector<16xi32> to vector<16xi32>
    %swap3A_87 = vector.shape_cast %add3A_83 : vector<16xi32> to vector<16xi32>
    tpu.vector_store %arg7[%swap3A_84], %swap3A_87 {strides = array<i32>} : memref<64xi32, #tpu.memory_space<vmem>>, vector<16xi32>,
    %get3A_88 = arith.constant 32 : index
    %get3A_89 = tpu.vector_load %arg8[%get3A_88] {strides = array<i32>} : memref<64xi32, #tpu.memory_space<vmem>>, vector<16xi32>,
    %get3A_90 = vector.shape_cast %get3A_89 : vector<16xi32> to vector<16xi32>
    %mul3A_91 = arith.constant 2048 : i32
    %mul3A_92 = vector.broadcast %mul3A_91 : i32 to vector<16xi32>
    %mul3A_93 = arith.muli %get3A_90, %mul3A_92 : vector<16xi32>
    %get3A_94 = arith.constant 32 : index
    %get3A_95 = tpu.vector_load %arg9[%get3A_94] {strides = array<i32>} : memref<64xi32, #tpu.memory_space<vmem>>, vector<16xi32>,
    %get3A_96 = vector.shape_cast %get3A_95 : vector<16xi32> to vector<16xi32>
    %add3A_97 = arith.addi %mul3A_93, %get3A_96 : vector<16xi32>
    %swap3A_98 = arith.constant 32 : index
    %swap3A_99 = tpu.vector_load %arg7[%swap3A_98] {strides = array<i32>} : memref<64xi32, #tpu.memory_space<vmem>>, vector<16xi32>,
    %swap3A_100 = vector.shape_cast %swap3A_99 : vector<16xi32> to vector<16xi32>
    %swap3A_101 = vector.shape_cast %add3A_97 : vector<16xi32> to vector<16xi32>
    tpu.vector_store %arg7[%swap3A_98], %swap3A_101 {strides = array<i32>} : memref<64xi32, #tpu.memory_space<vmem>>, vector<16xi32>,
    %get3A_102 = arith.constant 48 : index
    %get3A_103 = tpu.vector_load %arg8[%get3A_102] {strides = array<i32>} : memref<64xi32, #tpu.memory_space<vmem>>, vector<16xi32>,
    %get3A_104 = vector.shape_cast %get3A_103 : vector<16xi32> to vector<16xi32>
    %mul3A_105 = arith.constant 2048 : i32
    %mul3A_106 = vector.broadcast %mul3A_105 : i32 to vector<16xi32>
    %mul3A_107 = arith.muli %get3A_104, %mul3A_106 : vector<16xi32>
    %get3A_108 = arith.constant 48 : index
    %get3A_109 = tpu.vector_load %arg9[%get3A_108] {strides = array<i32>} : memref<64xi32, #tpu.memory_space<vmem>>, vector<16xi32>,
    %get3A_110 = vector.shape_cast %get3A_109 : vector<16xi32> to vector<16xi32>
    %add3A_111 = arith.addi %mul3A_107, %get3A_110 : vector<16xi32>
    %swap3A_112 = arith.constant 48 : index
    %swap3A_113 = tpu.vector_load %arg7[%swap3A_112] {strides = array<i32>} : memref<64xi32, #tpu.memory_space<vmem>>, vector<16xi32>,
    %swap3A_114 = vector.shape_cast %swap3A_113 : vector<16xi32> to vector<16xi32>
    %swap3A_115 = vector.shape_cast %add3A_111 : vector<16xi32> to vector<16xi32>
    tpu.vector_store %arg7[%swap3A_112], %swap3A_115 {strides = array<i32>} : memref<64xi32, #tpu.memory_space<vmem>>, vector<16xi32>,
    "tpu.region"() ({
      %run_scoped3A_133 = tpu.sem_alloc : memref<!tpu.dma_semaphore, #tpu.memory_space<semaphore_mem>>
      %dma_start3A = arith.constant 0 : i32
      %dma_start3A_134 = tpu.memref_slice %arg6[%dma_start3A] : memref<64xi32, #tpu.memory_space<vmem>> -> memref<32xi32, #tpu.memory_space<vmem>>
      %dma_start3A_135 = arith.constant 0 : i32
      %dma_start3A_136 = arith.constant 0 : i32
      %dma_start3A_137 = tpu.memref_slice %arg2[%dma_start3A_135, %dma_start3A_136] : memref<32768x1024xf32, #tpu.memory_space<hbm>> -> memref<32768x1024xf32, #tpu.memory_space<hbm>>
      tpu.enqueue_indirect_dma source(%dma_start3A_137 : memref<32768x1024xf32, #tpu.memory_space<hbm>>) target(%arg10 : memref<32x1024xf32, #tpu.memory_space<vmem>>) offsets(%dma_start3A_134 : memref<32xi32, #tpu.memory_space<vmem>>) semaphore(%run_scoped3A_133 : memref<!tpu.dma_semaphore, #tpu.memory_space<semaphore_mem>>)
      %dma_wait3A = arith.constant 0 : i32
      %dma_wait3A_138 = tpu.memref_slice %arg6[%dma_wait3A] : memref<64xi32, #tpu.memory_space<vmem>> -> memref<32xi32, #tpu.memory_space<vmem>>
      %dma_wait3A_139 = arith.constant 0 : i32
      %dma_wait3A_140 = arith.constant 0 : i32
      %dma_wait3A_141 = tpu.memref_slice %arg2[%dma_wait3A_139, %dma_wait3A_140] : memref<32768x1024xf32, #tpu.memory_space<hbm>> -> memref<32768x1024xf32, #tpu.memory_space<hbm>>
      tpu.wait_indirect_dma semaphore(%run_scoped3A_133 : memref<!tpu.dma_semaphore, #tpu.memory_space<semaphore_mem>>) src(%dma_wait3A_141 : memref<32768x1024xf32, #tpu.memory_space<hbm>>) dst(%arg10 : memref<32x1024xf32, #tpu.memory_space<vmem>>)
      tpu.yield
    }) : () -> ()
    "tpu.region"() ({
      %run_scoped3A_133 = tpu.sem_alloc : memref<!tpu.dma_semaphore, #tpu.memory_space<semaphore_mem>>
      %dma_start3A = arith.constant 0 : i32
      %dma_start3A_134 = tpu.memref_slice %arg7[%dma_start3A] : memref<64xi32, #tpu.memory_space<vmem>> -> memref<32xi32, #tpu.memory_space<vmem>>
      %dma_start3A_135 = arith.constant 0 : i32
      %dma_start3A_136 = arith.constant 0 : i32
      %dma_start3A_137 = tpu.memref_slice %arg2[%dma_start3A_135, %dma_start3A_136] : memref<32768x1024xf32, #tpu.memory_space<hbm>> -> memref<32768x1024xf32, #tpu.memory_space<hbm>>
      tpu.enqueue_indirect_dma source(%dma_start3A_137 : memref<32768x1024xf32, #tpu.memory_space<hbm>>) target(%arg11 : memref<32x1024xf32, #tpu.memory_space<vmem>>) offsets(%dma_start3A_134 : memref<32xi32, #tpu.memory_space<vmem>>) semaphore(%run_scoped3A_133 : memref<!tpu.dma_semaphore, #tpu.memory_space<semaphore_mem>>)
      %dma_wait3A = arith.constant 0 : i32
      %dma_wait3A_138 = tpu.memref_slice %arg7[%dma_wait3A] : memref<64xi32, #tpu.memory_space<vmem>> -> memref<32xi32, #tpu.memory_space<vmem>>
      %dma_wait3A_139 = arith.constant 0 : i32
      %dma_wait3A_140 = arith.constant 0 : i32
      %dma_wait3A_141 = tpu.memref_slice %arg2[%dma_wait3A_139, %dma_wait3A_140] : memref<32768x1024xf32, #tpu.memory_space<hbm>> -> memref<32768x1024xf32, #tpu.memory_space<hbm>>
      tpu.wait_indirect_dma semaphore(%run_scoped3A_133 : memref<!tpu.dma_semaphore, #tpu.memory_space<semaphore_mem>>) src(%dma_wait3A_141 : memref<32768x1024xf32, #tpu.memory_space<hbm>>) dst(%arg11 : memref<32x1024xf32, #tpu.memory_space<vmem>>)
      tpu.yield
    }) : () -> ()
    %scan3A = arith.constant 0 : i32
    %scan3A_116 = arith.constant 0 : i32
    %scan3A_117 = arith.constant 32 : i32
    %scan3A_118 = arith.addi %scan3A_116, %scan3A_117 : i32
    %scan3A_119 = arith.constant 1 : i32
    %scan3A_120 = scf.for %scan3A_133 = %scan3A_116 to %scan3A_118 step %scan3A_119 iter_args(%scan3A_134 = %scan3A) -> (i32)  : i32 {
      %get3A_135 = arith.index_cast %scan3A_133 : i32 to index
      %get3A_136 = arith.constant 0 : index
      %get3A_137 = tpu.vector_load %arg10[%get3A_135, %get3A_136] {strides = array<i32>} : memref<32x1024xf32, #tpu.memory_space<vmem>>, vector<1x16xf32>,
      %get3A_138 = vector.shape_cast %get3A_137 : vector<1x16xf32> to vector<16xf32>
      %get3A_139 = arith.index_cast %scan3A_133 : i32 to index
      %get3A_140 = arith.constant 0 : index
      %get3A_141 = tpu.vector_load %arg11[%get3A_139, %get3A_140] {strides = array<i32>} : memref<32x1024xf32, #tpu.memory_space<vmem>>, vector<1x16xf32>,
      %get3A_142 = vector.shape_cast %get3A_141 : vector<1x16xf32> to vector<16xf32>
      %add3A_143 = arith.addf %get3A_138, %get3A_142 : vector<16xf32>
      %swap3A_144 = arith.index_cast %scan3A_133 : i32 to index
      %swap3A_145 = arith.constant 0 : index
      %swap3A_146 = tpu.vector_load %arg10[%swap3A_144, %swap3A_145] {strides = array<i32>} : memref<32x1024xf32, #tpu.memory_space<vmem>>, vector<1x16xf32>,
      %swap3A_147 = vector.shape_cast %swap3A_146 : vector<1x16xf32> to vector<16xf32>
      %swap3A_148 = vector.shape_cast %add3A_143 : vector<16xf32> to vector<1x16xf32>
      tpu.vector_store %arg10[%swap3A_144, %swap3A_145], %swap3A_148 {strides = array<i32>} : memref<32x1024xf32, #tpu.memory_space<vmem>>, vector<1x16xf32>,
      %get3A_149 = arith.index_cast %scan3A_133 : i32 to index
      %get3A_150 = arith.constant 16 : index
      %get3A_151 = tpu.vector_load %arg10[%get3A_149, %get3A_150] {strides = array<i32>} : memref<32x1024xf32, #tpu.memory_space<vmem>>, vector<1x16xf32>,
      %get3A_152 = vector.shape_cast %get3A_151 : vector<1x16xf32> to vector<16xf32>
      %get3A_153 = arith.index_cast %scan3A_133 : i32 to index
      %get3A_154 = arith.constant 16 : index
      %get3A_155 = tpu.vector_load %arg11[%get3A_153, %get3A_154] {strides = array<i32>} : memref<32x1024xf32, #tpu.memory_space<vmem>>, vector<1x16xf32>,
      %get3A_156 = vector.shape_cast %get3A_155 : vector<1x16xf32> to vector<16xf32>
      %add3A_157 = arith.addf %get3A_152, %get3A_156 : vector<16xf32>
      %swap3A_158 = arith.index_cast %scan3A_133 : i32 to index
      %swap3A_159 = arith.constant 16 : index
      %swap3A_160 = tpu.vector_load %arg10[%swap3A_158, %swap3A_159] {strides = array<i32>} : memref<32x1024xf32, #tpu.memory_space<vmem>>, vector<1x16xf32>,
      %swap3A_161 = vector.shape_cast %swap3A_160 : vector<1x16xf32> to vector<16xf32>
      %swap3A_162 = vector.shape_cast %add3A_157 : vector<16xf32> to vector<1x16xf32>
      tpu.vector_store %arg10[%swap3A_158, %swap3A_159], %swap3A_162 {strides = array<i32>} : memref<32x1024xf32, #tpu.memory_space<vmem>>, vector<1x16xf32>,
      %get3A_163 = arith.index_cast %scan3A_133 : i32 to index
      %get3A_164 = arith.constant 32 : index
      %get3A_165 = tpu.vector_load %arg10[%get3A_163, %get3A_164] {strides = array<i32>} : memref<32x1024xf32, #tpu.memory_space<vmem>>, vector<1x16xf32>,
      %get3A_166 = vector.shape_cast %get3A_165 : vector<1x16xf32> to vector<16xf32>
      %get3A_167 = arith.index_cast %scan3A_133 : i32 to index
      %get3A_168 = arith.constant 32 : index
      %get3A_169 = tpu.vector_load %arg11[%get3A_167, %get3A_168] {strides = array<i32>} : memref<32x1024xf32, #tpu.memory_space<vmem>>, vector<1x16xf32>,
      %get3A_170 = vector.shape_cast %get3A_169 : vector<1x16xf32> to vector<16xf32>
      %add3A_171 = arith.addf %get3A_166, %get3A_170 : vector<16xf32>
      %swap3A_172 = arith.index_cast %scan3A_133 : i32 to index
      %swap3A_173 = arith.constant 32 : index
      %swap3A_174 = tpu.vector_load %arg10[%swap3A_172, %swap3A_173] {strides = array<i32>} : memref<32x1024xf32, #tpu.memory_space<vmem>>, vector<1x16xf32>,
      %swap3A_175 = vector.shape_cast %swap3A_174 : vector<1x16xf32> to vector<16xf32>
      %swap3A_176 = vector.shape_cast %add3A_171 : vector<16xf32> to vector<1x16xf32>
      tpu.vector_store %arg10[%swap3A_172, %swap3A_173], %swap3A_176 {strides = array<i32>} : memref<32x1024xf32, #tpu.memory_space<vmem>>, vector<1x16xf32>,
      %get3A_177 = arith.index_cast %scan3A_133 : i32 to index
      %get3A_178 = arith.constant 48 : index
      %get3A_179 = tpu.vector_load %arg10[%get3A_177, %get3A_178] {strides = array<i32>} : memref<32x1024xf32, #tpu.memory_space<vmem>>, vector<1x16xf32>,
      %get3A_180 = vector.shape_cast %get3A_179 : vector<1x16xf32> to vector<16xf32>
      %get3A_181 = arith.index_cast %scan3A_133 : i32 to index
      %get3A_182 = arith.constant 48 : index
      %get3A_183 = tpu.vector_load %arg11[%get3A_181, %get3A_182] {strides = array<i32>} : memref<32x1024xf32, #tpu.memory_space<vmem>>, vector<1x16xf32>,
      %get3A_184 = vector.shape_cast %get3A_183 : vector<1x16xf32> to vector<16xf32>
      %add3A_185 = arith.addf %get3A_180, %get3A_184 : vector<16xf32>
      %swap3A_186 = arith.index_cast %scan3A_133 : i32 to index
      %swap3A_187 = arith.constant 48 : index
      %swap3A_188 = tpu.vector_load %arg10[%swap3A_186, %swap3A_187] {strides = array<i32>} : memref<32x1024xf32, #tpu.memory_space<vmem>>, vector<1x16xf32>,
      %swap3A_189 = vector.shape_cast %swap3A_188 : vector<1x16xf32> to vector<16xf32>
      %swap3A_190 = vector.shape_cast %add3A_185 : vector<16xf32> to vector<1x16xf32>
      tpu.vector_store %arg10[%swap3A_186, %swap3A_187], %swap3A_190 {strides = array<i32>} : memref<32x1024xf32, #tpu.memory_space<vmem>>, vector<1x16xf32>,
      %get3A_191 = arith.index_cast %scan3A_133 : i32 to index
      %get3A_192 = arith.constant 64 : index
      %get3A_193 = tpu.vector_load %arg10[%get3A_191, %get3A_192] {strides = array<i32>} : memref<32x1024xf32, #tpu.memory_space<vmem>>, vector<1x16xf32>,
      %get3A_194 = vector.shape_cast %get3A_193 : vector<1x16xf32> to vector<16xf32>
      %get3A_195 = arith.index_cast %scan3A_133 : i32 to index
      %get3A_196 = arith.constant 64 : index
      %get3A_197 = tpu.vector_load %arg11[%get3A_195, %get3A_196] {strides = array<i32>} : memref<32x1024xf32, #tpu.memory_space<vmem>>, vector<1x16xf32>,
      %get3A_198 = vector.shape_cast %get3A_197 : vector<1x16xf32> to vector<16xf32>
      %add3A_199 = arith.addf %get3A_194, %get3A_198 : vector<16xf32>
      %swap3A_200 = arith.index_cast %scan3A_133 : i32 to index
      %swap3A_201 = arith.constant 64 : index
      %swap3A_202 = tpu.vector_load %arg10[%swap3A_200, %swap3A_201] {strides = array<i32>} : memref<32x1024xf32, #tpu.memory_space<vmem>>, vector<1x16xf32>,
      %swap3A_203 = vector.shape_cast %swap3A_202 : vector<1x16xf32> to vector<16xf32>
      %swap3A_204 = vector.shape_cast %add3A_199 : vector<16xf32> to vector<1x16xf32>
      tpu.vector_store %arg10[%swap3A_200, %swap3A_201], %swap3A_204 {strides = array<i32>} : memref<32x1024xf32, #tpu.memory_space<vmem>>, vector<1x16xf32>,
      %get3A_205 = arith.index_cast %scan3A_133 : i32 to index
      %get3A_206 = arith.constant 80 : index
      %get3A_207 = tpu.vector_load %arg10[%get3A_205, %get3A_206] {strides = array<i32>} : memref<32x1024xf32, #tpu.memory_space<vmem>>, vector<1x16xf32>,
      %get3A_208 = vector.shape_cast %get3A_207 : vector<1x16xf32> to vector<16xf32>
      %get3A_209 = arith.index_cast %scan3A_133 : i32 to index
      %get3A_210 = arith.constant 80 : index
      %get3A_211 = tpu.vector_load %arg11[%get3A_209, %get3A_210] {strides = array<i32>} : memref<32x1024xf32, #tpu.memory_space<vmem>>, vector<1x16xf32>,
      %get3A_212 = vector.shape_cast %get3A_211 : vector<1x16xf32> to vector<16xf32>
      %add3A_213 = arith.addf %get3A_208, %get3A_212 : vector<16xf32>
      %swap3A_214 = arith.index_cast %scan3A_133 : i32 to index
      %swap3A_215 = arith.constant 80 : index
      %swap3A_216 = tpu.vector_load %arg10[%swap3A_214, %swap3A_215] {strides = array<i32>} : memref<32x1024xf32, #tpu.memory_space<vmem>>, vector<1x16xf32>,
      %swap3A_217 = vector.shape_cast %swap3A_216 : vector<1x16xf32> to vector<16xf32>
      %swap3A_218 = vector.shape_cast %add3A_213 : vector<16xf32> to vector<1x16xf32>
      tpu.vector_store %arg10[%swap3A_214, %swap3A_215], %swap3A_218 {strides = array<i32>} : memref<32x1024xf32, #tpu.memory_space<vmem>>, vector<1x16xf32>,
      %get3A_219 = arith.index_cast %scan3A_133 : i32 to index
      %get3A_220 = arith.constant 96 : index
      %get3A_221 = tpu.vector_load %arg10[%get3A_219, %get3A_220] {strides = array<i32>} : memref<32x1024xf32, #tpu.memory_space<vmem>>, vector<1x16xf32>,
      %get3A_222 = vector.shape_cast %get3A_221 : vector<1x16xf32> to vector<16xf32>
      %get3A_223 = arith.index_cast %scan3A_133 : i32 to index
      %get3A_224 = arith.constant 96 : index
      %get3A_225 = tpu.vector_load %arg11[%get3A_223, %get3A_224] {strides = array<i32>} : memref<32x1024xf32, #tpu.memory_space<vmem>>, vector<1x16xf32>,
      %get3A_226 = vector.shape_cast %get3A_225 : vector<1x16xf32> to vector<16xf32>
      %add3A_227 = arith.addf %get3A_222, %get3A_226 : vector<16xf32>
      %swap3A_228 = arith.index_cast %scan3A_133 : i32 to index
      %swap3A_229 = arith.constant 96 : index
      %swap3A_230 = tpu.vector_load %arg10[%swap3A_228, %swap3A_229] {strides = array<i32>} : memref<32x1024xf32, #tpu.memory_space<vmem>>, vector<1x16xf32>,
      %swap3A_231 = vector.shape_cast %swap3A_230 : vector<1x16xf32> to vector<16xf32>
      %swap3A_232 = vector.shape_cast %add3A_227 : vector<16xf32> to vector<1x16xf32>
      tpu.vector_store %arg10[%swap3A_228, %swap3A_229], %swap3A_232 {strides = array<i32>} : memref<32x1024xf32, #tpu.memory_space<vmem>>, vector<1x16xf32>,
      %get3A_233 = arith.index_cast %scan3A_133 : i32 to index
      %get3A_234 = arith.constant 112 : index
      %get3A_235 = tpu.vector_load %arg10[%get3A_233, %get3A_234] {strides = array<i32>} : memref<32x1024xf32, #tpu.memory_space<vmem>>, vector<1x16xf32>,
      %get3A_236 = vector.shape_cast %get3A_235 : vector<1x16xf32> to vector<16xf32>
      %get3A_237 = arith.index_cast %scan3A_133 : i32 to index
      %get3A_238 = arith.constant 112 : index
      %get3A_239 = tpu.vector_load %arg11[%get3A_237, %get3A_238] {strides = array<i32>} : memref<32x1024xf32, #tpu.memory_space<vmem>>, vector<1x16xf32>,
      %get3A_240 = vector.shape_cast %get3A_239 : vector<1x16xf32> to vector<16xf32>
      %add3A_241 = arith.addf %get3A_236, %get3A_240 : vector<16xf32>
      %swap3A_242 = arith.index_cast %scan3A_133 : i32 to index
      %swap3A_243 = arith.constant 112 : index
      %swap3A_244 = tpu.vector_load %arg10[%swap3A_242, %swap3A_243] {strides = array<i32>} : memref<32x1024xf32, #tpu.memory_space<vmem>>, vector<1x16xf32>,
      %swap3A_245 = vector.shape_cast %swap3A_244 : vector<1x16xf32> to vector<16xf32>
      %swap3A_246 = vector.shape_cast %add3A_241 : vector<16xf32> to vector<1x16xf32>
      tpu.vector_store %arg10[%swap3A_242, %swap3A_243], %swap3A_246 {strides = array<i32>} : memref<32x1024xf32, #tpu.memory_space<vmem>>, vector<1x16xf32>,
      %get3A_247 = arith.index_cast %scan3A_133 : i32 to index
      %get3A_248 = arith.constant 128 : index
      %get3A_249 = tpu.vector_load %arg10[%get3A_247, %get3A_248] {strides = array<i32>} : memref<32x1024xf32, #tpu.memory_space<vmem>>, vector<1x16xf32>,
      %get3A_250 = vector.shape_cast %get3A_249 : vector<1x16xf32> to vector<16xf32>
      %get3A_251 = arith.index_cast %scan3A_133 : i32 to index
      %get3A_252 = arith.constant 128 : index
      %get3A_253 = tpu.vector_load %arg11[%get3A_251, %get3A_252] {strides = array<i32>} : memref<32x1024xf32, #tpu.memory_space<vmem>>, vector<1x16xf32>,
      %get3A_254 = vector.shape_cast %get3A_253 : vector<1x16xf32> to vector<16xf32>
      %add3A_255 = arith.addf %get3A_250, %get3A_254 : vector<16xf32>
      %swap3A_256 = arith.index_cast %scan3A_133 : i32 to index
      %swap3A_257 = arith.constant 128 : index
      %swap3A_258 = tpu.vector_load %arg10[%swap3A_256, %swap3A_257] {strides = array<i32>} : memref<32x1024xf32, #tpu.memory_space<vmem>>, vector<1x16xf32>,
      %swap3A_259 = vector.shape_cast %swap3A_258 : vector<1x16xf32> to vector<16xf32>
      %swap3A_260 = vector.shape_cast %add3A_255 : vector<16xf32> to vector<1x16xf32>
      tpu.vector_store %arg10[%swap3A_256, %swap3A_257], %swap3A_260 {strides = array<i32>} : memref<32x1024xf32, #tpu.memory_space<vmem>>, vector<1x16xf32>,
      %get3A_261 = arith.index_cast %scan3A_133 : i32 to index
      %get3A_262 = arith.constant 144 : index
      %get3A_263 = tpu.vector_load %arg10[%get3A_261, %get3A_262] {strides = array<i32>} : memref<32x1024xf32, #tpu.memory_space<vmem>>, vector<1x16xf32>,
      %get3A_264 = vector.shape_cast %get3A_263 : vector<1x16xf32> to vector<16xf32>
      %get3A_265 = arith.index_cast %scan3A_133 : i32 to index
      %get3A_266 = arith.constant 144 : index
      %get3A_267 = tpu.vector_load %arg11[%get3A_265, %get3A_266] {strides = array<i32>} : memref<32x1024xf32, #tpu.memory_space<vmem>>, vector<1x16xf32>,
      %get3A_268 = vector.shape_cast %get3A_267 : vector<1x16xf32> to vector<16xf32>
      %add3A_269 = arith.addf %get3A_264, %get3A_268 : vector<16xf32>
      %swap3A_270 = arith.index_cast %scan3A_133 : i32 to index
      %swap3A_271 = arith.constant 144 : index
      %swap3A_272 = tpu.vector_load %arg10[%swap3A_270, %swap3A_271] {strides = array<i32>} : memref<32x1024xf32, #tpu.memory_space<vmem>>, vector<1x16xf32>,
      %swap3A_273 = vector.shape_cast %swap3A_272 : vector<1x16xf32> to vector<16xf32>
      %swap3A_274 = vector.shape_cast %add3A_269 : vector<16xf32> to vector<1x16xf32>
      tpu.vector_store %arg10[%swap3A_270, %swap3A_271], %swap3A_274 {strides = array<i32>} : memref<32x1024xf32, #tpu.memory_space<vmem>>, vector<1x16xf32>,
      %get3A_275 = arith.index_cast %scan3A_133 : i32 to index
      %get3A_276 = arith.constant 160 : index
      %get3A_277 = tpu.vector_load %arg10[%get3A_275, %get3A_276] {strides = array<i32>} : memref<32x1024xf32, #tpu.memory_space<vmem>>, vector<1x16xf32>,
      %get3A_278 = vector.shape_cast %get3A_277 : vector<1x16xf32> to vector<16xf32>
      %get3A_279 = arith.index_cast %scan3A_133 : i32 to index
      %get3A_280 = arith.constant 160 : index
      %get3A_281 = tpu.vector_load %arg11[%get3A_279, %get3A_280] {strides = array<i32>} : memref<32x1024xf32, #tpu.memory_space<vmem>>, vector<1x16xf32>,
      %get3A_282 = vector.shape_cast %get3A_281 : vector<1x16xf32> to vector<16xf32>
      %add3A_283 = arith.addf %get3A_278, %get3A_282 : vector<16xf32>
      %swap3A_284 = arith.index_cast %scan3A_133 : i32 to index
      %swap3A_285 = arith.constant 160 : index
      %swap3A_286 = tpu.vector_load %arg10[%swap3A_284, %swap3A_285] {strides = array<i32>} : memref<32x1024xf32, #tpu.memory_space<vmem>>, vector<1x16xf32>,
      %swap3A_287 = vector.shape_cast %swap3A_286 : vector<1x16xf32> to vector<16xf32>
      %swap3A_288 = vector.shape_cast %add3A_283 : vector<16xf32> to vector<1x16xf32>
      tpu.vector_store %arg10[%swap3A_284, %swap3A_285], %swap3A_288 {strides = array<i32>} : memref<32x1024xf32, #tpu.memory_space<vmem>>, vector<1x16xf32>,
      %get3A_289 = arith.index_cast %scan3A_133 : i32 to index
      %get3A_290 = arith.constant 176 : index
      %get3A_291 = tpu.vector_load %arg10[%get3A_289, %get3A_290] {strides = array<i32>} : memref<32x1024xf32, #tpu.memory_space<vmem>>, vector<1x16xf32>,
      %get3A_292 = vector.shape_cast %get3A_291 : vector<1x16xf32> to vector<16xf32>
      %get3A_293 = arith.index_cast %scan3A_133 : i32 to index
      %get3A_294 = arith.constant 176 : index
      %get3A_295 = tpu.vector_load %arg11[%get3A_293, %get3A_294] {strides = array<i32>} : memref<32x1024xf32, #tpu.memory_space<vmem>>, vector<1x16xf32>,
      %get3A_296 = vector.shape_cast %get3A_295 : vector<1x16xf32> to vector<16xf32>
      %add3A_297 = arith.addf %get3A_292, %get3A_296 : vector<16xf32>
      %swap3A_298 = arith.index_cast %scan3A_133 : i32 to index
      %swap3A_299 = arith.constant 176 : index
      %swap3A_300 = tpu.vector_load %arg10[%swap3A_298, %swap3A_299] {strides = array<i32>} : memref<32x1024xf32, #tpu.memory_space<vmem>>, vector<1x16xf32>,
      %swap3A_301 = vector.shape_cast %swap3A_300 : vector<1x16xf32> to vector<16xf32>
      %swap3A_302 = vector.shape_cast %add3A_297 : vector<16xf32> to vector<1x16xf32>
      tpu.vector_store %arg10[%swap3A_298, %swap3A_299], %swap3A_302 {strides = array<i32>} : memref<32x1024xf32, #tpu.memory_space<vmem>>, vector<1x16xf32>,
      %get3A_303 = arith.index_cast %scan3A_133 : i32 to index
      %get3A_304 = arith.constant 192 : index
      %get3A_305 = tpu.vector_load %arg10[%get3A_303, %get3A_304] {strides = array<i32>} : memref<32x1024xf32, #tpu.memory_space<vmem>>, vector<1x16xf32>,
      %get3A_306 = vector.shape_cast %get3A_305 : vector<1x16xf32> to vector<16xf32>
      %get3A_307 = arith.index_cast %scan3A_133 : i32 to index
      %get3A_308 = arith.constant 192 : index
      %get3A_309 = tpu.vector_load %arg11[%get3A_307, %get3A_308] {strides = array<i32>} : memref<32x1024xf32, #tpu.memory_space<vmem>>, vector<1x16xf32>,
      %get3A_310 = vector.shape_cast %get3A_309 : vector<1x16xf32> to vector<16xf32>
      %add3A_311 = arith.addf %get3A_306, %get3A_310 : vector<16xf32>
      %swap3A_312 = arith.index_cast %scan3A_133 : i32 to index
      %swap3A_313 = arith.constant 192 : index
      %swap3A_314 = tpu.vector_load %arg10[%swap3A_312, %swap3A_313] {strides = array<i32>} : memref<32x1024xf32, #tpu.memory_space<vmem>>, vector<1x16xf32>,
      %swap3A_315 = vector.shape_cast %swap3A_314 : vector<1x16xf32> to vector<16xf32>
      %swap3A_316 = vector.shape_cast %add3A_311 : vector<16xf32> to vector<1x16xf32>
      tpu.vector_store %arg10[%swap3A_312, %swap3A_313], %swap3A_316 {strides = array<i32>} : memref<32x1024xf32, #tpu.memory_space<vmem>>, vector<1x16xf32>,
      %get3A_317 = arith.index_cast %scan3A_133 : i32 to index
      %get3A_318 = arith.constant 208 : index
      %get3A_319 = tpu.vector_load %arg10[%get3A_317, %get3A_318] {strides = array<i32>} : memref<32x1024xf32, #tpu.memory_space<vmem>>, vector<1x16xf32>,
      %get3A_320 = vector.shape_cast %get3A_319 : vector<1x16xf32> to vector<16xf32>
      %get3A_321 = arith.index_cast %scan3A_133 : i32 to index
      %get3A_322 = arith.constant 208 : index
      %get3A_323 = tpu.vector_load %arg11[%get3A_321, %get3A_322] {strides = array<i32>} : memref<32x1024xf32, #tpu.memory_space<vmem>>, vector<1x16xf32>,
      %get3A_324 = vector.shape_cast %get3A_323 : vector<1x16xf32> to vector<16xf32>
      %add3A_325 = arith.addf %get3A_320, %get3A_324 : vector<16xf32>
      %swap3A_326 = arith.index_cast %scan3A_133 : i32 to index
      %swap3A_327 = arith.constant 208 : index
      %swap3A_328 = tpu.vector_load %arg10[%swap3A_326, %swap3A_327] {strides = array<i32>} : memref<32x1024xf32, #tpu.memory_space<vmem>>, vector<1x16xf32>,
      %swap3A_329 = vector.shape_cast %swap3A_328 : vector<1x16xf32> to vector<16xf32>
      %swap3A_330 = vector.shape_cast %add3A_325 : vector<16xf32> to vector<1x16xf32>
      tpu.vector_store %arg10[%swap3A_326, %swap3A_327], %swap3A_330 {strides = array<i32>} : memref<32x1024xf32, #tpu.memory_space<vmem>>, vector<1x16xf32>,
      %get3A_331 = arith.index_cast %scan3A_133 : i32 to index
      %get3A_332 = arith.constant 224 : index
      %get3A_333 = tpu.vector_load %arg10[%get3A_331, %get3A_332] {strides = array<i32>} : memref<32x1024xf32, #tpu.memory_space<vmem>>, vector<1x16xf32>,
      %get3A_334 = vector.shape_cast %get3A_333 : vector<1x16xf32> to vector<16xf32>
      %get3A_335 = arith.index_cast %scan3A_133 : i32 to index
      %get3A_336 = arith.constant 224 : index
      %get3A_337 = tpu.vector_load %arg11[%get3A_335, %get3A_336] {strides = array<i32>} : memref<32x1024xf32, #tpu.memory_space<vmem>>, vector<1x16xf32>,
      %get3A_338 = vector.shape_cast %get3A_337 : vector<1x16xf32> to vector<16xf32>
      %add3A_339 = arith.addf %get3A_334, %get3A_338 : vector<16xf32>
      %swap3A_340 = arith.index_cast %scan3A_133 : i32 to index
      %swap3A_341 = arith.constant 224 : index
      %swap3A_342 = tpu.vector_load %arg10[%swap3A_340, %swap3A_341] {strides = array<i32>} : memref<32x1024xf32, #tpu.memory_space<vmem>>, vector<1x16xf32>,
      %swap3A_343 = vector.shape_cast %swap3A_342 : vector<1x16xf32> to vector<16xf32>
      %swap3A_344 = vector.shape_cast %add3A_339 : vector<16xf32> to vector<1x16xf32>
      tpu.vector_store %arg10[%swap3A_340, %swap3A_341], %swap3A_344 {strides = array<i32>} : memref<32x1024xf32, #tpu.memory_space<vmem>>, vector<1x16xf32>,
      %get3A_345 = arith.index_cast %scan3A_133 : i32 to index
      %get3A_346 = arith.constant 240 : index
      %get3A_347 = tpu.vector_load %arg10[%get3A_345, %get3A_346] {strides = array<i32>} : memref<32x1024xf32, #tpu.memory_space<vmem>>, vector<1x16xf32>,
      %get3A_348 = vector.shape_cast %get3A_347 : vector<1x16xf32> to vector<16xf32>
      %get3A_349 = arith.index_cast %scan3A_133 : i32 to index
      %get3A_350 = arith.constant 240 : index
      %get3A_351 = tpu.vector_load %arg11[%get3A_349, %get3A_350] {strides = array<i32>} : memref<32x1024xf32, #tpu.memory_space<vmem>>, vector<1x16xf32>,
      %get3A_352 = vector.shape_cast %get3A_351 : vector<1x16xf32> to vector<16xf32>
      %add3A_353 = arith.addf %get3A_348, %get3A_352 : vector<16xf32>
      %swap3A_354 = arith.index_cast %scan3A_133 : i32 to index
      %swap3A_355 = arith.constant 240 : index
      %swap3A_356 = tpu.vector_load %arg10[%swap3A_354, %swap3A_355] {strides = array<i32>} : memref<32x1024xf32, #tpu.memory_space<vmem>>, vector<1x16xf32>,
      %swap3A_357 = vector.shape_cast %swap3A_356 : vector<1x16xf32> to vector<16xf32>
      %swap3A_358 = vector.shape_cast %add3A_353 : vector<16xf32> to vector<1x16xf32>
      tpu.vector_store %arg10[%swap3A_354, %swap3A_355], %swap3A_358 {strides = array<i32>} : memref<32x1024xf32, #tpu.memory_space<vmem>>, vector<1x16xf32>,
      %get3A_359 = arith.index_cast %scan3A_133 : i32 to index
      %get3A_360 = arith.constant 256 : index
      %get3A_361 = tpu.vector_load %arg10[%get3A_359, %get3A_360] {strides = array<i32>} : memref<32x1024xf32, #tpu.memory_space<vmem>>, vector<1x16xf32>,
      %get3A_362 = vector.shape_cast %get3A_361 : vector<1x16xf32> to vector<16xf32>
      %get3A_363 = arith.index_cast %scan3A_133 : i32 to index
      %get3A_364 = arith.constant 256 : index
      %get3A_365 = tpu.vector_load %arg11[%get3A_363, %get3A_364] {strides = array<i32>} : memref<32x1024xf32, #tpu.memory_space<vmem>>, vector<1x16xf32>,
      %get3A_366 = vector.shape_cast %get3A_365 : vector<1x16xf32> to vector<16xf32>
      %add3A_367 = arith.addf %get3A_362, %get3A_366 : vector<16xf32>
      %swap3A_368 = arith.index_cast %scan3A_133 : i32 to index
      %swap3A_369 = arith.constant 256 : index
      %swap3A_370 = tpu.vector_load %arg10[%swap3A_368, %swap3A_369] {strides = array<i32>} : memref<32x1024xf32, #tpu.memory_space<vmem>>, vector<1x16xf32>,
      %swap3A_371 = vector.shape_cast %swap3A_370 : vector<1x16xf32> to vector<16xf32>
      %swap3A_372 = vector.shape_cast %add3A_367 : vector<16xf32> to vector<1x16xf32>
      tpu.vector_store %arg10[%swap3A_368, %swap3A_369], %swap3A_372 {strides = array<i32>} : memref<32x1024xf32, #tpu.memory_space<vmem>>, vector<1x16xf32>,
      %get3A_373 = arith.index_cast %scan3A_133 : i32 to index
      %get3A_374 = arith.constant 272 : index
      %get3A_375 = tpu.vector_load %arg10[%get3A_373, %get3A_374] {strides = array<i32>} : memref<32x1024xf32, #tpu.memory_space<vmem>>, vector<1x16xf32>,
      %get3A_376 = vector.shape_cast %get3A_375 : vector<1x16xf32> to vector<16xf32>
      %get3A_377 = arith.index_cast %scan3A_133 : i32 to index
      %get3A_378 = arith.constant 272 : index
      %get3A_379 = tpu.vector_load %arg11[%get3A_377, %get3A_378] {strides = array<i32>} : memref<32x1024xf32, #tpu.memory_space<vmem>>, vector<1x16xf32>,
      %get3A_380 = vector.shape_cast %get3A_379 : vector<1x16xf32> to vector<16xf32>
      %add3A_381 = arith.addf %get3A_376, %get3A_380 : vector<16xf32>
      %swap3A_382 = arith.index_cast %scan3A_133 : i32 to index
      %swap3A_383 = arith.constant 272 : index
      %swap3A_384 = tpu.vector_load %arg10[%swap3A_382, %swap3A_383] {strides = array<i32>} : memref<32x1024xf32, #tpu.memory_space<vmem>>, vector<1x16xf32>,
      %swap3A_385 = vector.shape_cast %swap3A_384 : vector<1x16xf32> to vector<16xf32>
      %swap3A_386 = vector.shape_cast %add3A_381 : vector<16xf32> to vector<1x16xf32>
      tpu.vector_store %arg10[%swap3A_382, %swap3A_383], %swap3A_386 {strides = array<i32>} : memref<32x1024xf32, #tpu.memory_space<vmem>>, vector<1x16xf32>,
      %get3A_387 = arith.index_cast %scan3A_133 : i32 to index
      %get3A_388 = arith.constant 288 : index
      %get3A_389 = tpu.vector_load %arg10[%get3A_387, %get3A_388] {strides = array<i32>} : memref<32x1024xf32, #tpu.memory_space<vmem>>, vector<1x16xf32>,
      %get3A_390 = vector.shape_cast %get3A_389 : vector<1x16xf32> to vector<16xf32>
      %get3A_391 = arith.index_cast %scan3A_133 : i32 to index
      %get3A_392 = arith.constant 288 : index
      %get3A_393 = tpu.vector_load %arg11[%get3A_391, %get3A_392] {strides = array<i32>} : memref<32x1024xf32, #tpu.memory_space<vmem>>, vector<1x16xf32>,
      %get3A_394 = vector.shape_cast %get3A_393 : vector<1x16xf32> to vector<16xf32>
      %add3A_395 = arith.addf %get3A_390, %get3A_394 : vector<16xf32>
      %swap3A_396 = arith.index_cast %scan3A_133 : i32 to index
      %swap3A_397 = arith.constant 288 : index
      %swap3A_398 = tpu.vector_load %arg10[%swap3A_396, %swap3A_397] {strides = array<i32>} : memref<32x1024xf32, #tpu.memory_space<vmem>>, vector<1x16xf32>,
      %swap3A_399 = vector.shape_cast %swap3A_398 : vector<1x16xf32> to vector<16xf32>
      %swap3A_400 = vector.shape_cast %add3A_395 : vector<16xf32> to vector<1x16xf32>
      tpu.vector_store %arg10[%swap3A_396, %swap3A_397], %swap3A_400 {strides = array<i32>} : memref<32x1024xf32, #tpu.memory_space<vmem>>, vector<1x16xf32>,
      %get3A_401 = arith.index_cast %scan3A_133 : i32 to index
      %get3A_402 = arith.constant 304 : index
      %get3A_403 = tpu.vector_load %arg10[%get3A_401, %get3A_402] {strides = array<i32>} : memref<32x1024xf32, #tpu.memory_space<vmem>>, vector<1x16xf32>,
      %get3A_404 = vector.shape_cast %get3A_403 : vector<1x16xf32> to vector<16xf32>
      %get3A_405 = arith.index_cast %scan3A_133 : i32 to index
      %get3A_406 = arith.constant 304 : index
      %get3A_407 = tpu.vector_load %arg11[%get3A_405, %get3A_406] {strides = array<i32>} : memref<32x1024xf32, #tpu.memory_space<vmem>>, vector<1x16xf32>,
      %get3A_408 = vector.shape_cast %get3A_407 : vector<1x16xf32> to vector<16xf32>
      %add3A_409 = arith.addf %get3A_404, %get3A_408 : vector<16xf32>
      %swap3A_410 = arith.index_cast %scan3A_133 : i32 to index
      %swap3A_411 = arith.constant 304 : index
      %swap3A_412 = tpu.vector_load %arg10[%swap3A_410, %swap3A_411] {strides = array<i32>} : memref<32x1024xf32, #tpu.memory_space<vmem>>, vector<1x16xf32>,
      %swap3A_413 = vector.shape_cast %swap3A_412 : vector<1x16xf32> to vector<16xf32>
      %swap3A_414 = vector.shape_cast %add3A_409 : vector<16xf32> to vector<1x16xf32>
      tpu.vector_store %arg10[%swap3A_410, %swap3A_411], %swap3A_414 {strides = array<i32>} : memref<32x1024xf32, #tpu.memory_space<vmem>>, vector<1x16xf32>,
      %get3A_415 = arith.index_cast %scan3A_133 : i32 to index
      %get3A_416 = arith.constant 320 : index
      %get3A_417 = tpu.vector_load %arg10[%get3A_415, %get3A_416] {strides = array<i32>} : memref<32x1024xf32, #tpu.memory_space<vmem>>, vector<1x16xf32>,
      %get3A_418 = vector.shape_cast %get3A_417 : vector<1x16xf32> to vector<16xf32>
      %get3A_419 = arith.index_cast %scan3A_133 : i32 to index
      %get3A_420 = arith.constant 320 : index
      %get3A_421 = tpu.vector_load %arg11[%get3A_419, %get3A_420] {strides = array<i32>} : memref<32x1024xf32, #tpu.memory_space<vmem>>, vector<1x16xf32>,
      %get3A_422 = vector.shape_cast %get3A_421 : vector<1x16xf32> to vector<16xf32>
      %add3A_423 = arith.addf %get3A_418, %get3A_422 : vector<16xf32>
      %swap3A_424 = arith.index_cast %scan3A_133 : i32 to index
      %swap3A_425 = arith.constant 320 : index
      %swap3A_426 = tpu.vector_load %arg10[%swap3A_424, %swap3A_425] {strides = array<i32>} : memref<32x1024xf32, #tpu.memory_space<vmem>>, vector<1x16xf32>,
      %swap3A_427 = vector.shape_cast %swap3A_426 : vector<1x16xf32> to vector<16xf32>
      %swap3A_428 = vector.shape_cast %add3A_423 : vector<16xf32> to vector<1x16xf32>
      tpu.vector_store %arg10[%swap3A_424, %swap3A_425], %swap3A_428 {strides = array<i32>} : memref<32x1024xf32, #tpu.memory_space<vmem>>, vector<1x16xf32>,
      %get3A_429 = arith.index_cast %scan3A_133 : i32 to index
      %get3A_430 = arith.constant 336 : index
      %get3A_431 = tpu.vector_load %arg10[%get3A_429, %get3A_430] {strides = array<i32>} : memref<32x1024xf32, #tpu.memory_space<vmem>>, vector<1x16xf32>,
      %get3A_432 = vector.shape_cast %get3A_431 : vector<1x16xf32> to vector<16xf32>
      %get3A_433 = arith.index_cast %scan3A_133 : i32 to index
      %get3A_434 = arith.constant 336 : index
      %get3A_435 = tpu.vector_load %arg11[%get3A_433, %get3A_434] {strides = array<i32>} : memref<32x1024xf32, #tpu.memory_space<vmem>>, vector<1x16xf32>,
      %get3A_436 = vector.shape_cast %get3A_435 : vector<1x16xf32> to vector<16xf32>
      %add3A_437 = arith.addf %get3A_432, %get3A_436 : vector<16xf32>
      %swap3A_438 = arith.index_cast %scan3A_133 : i32 to index
      %swap3A_439 = arith.constant 336 : index
      %swap3A_440 = tpu.vector_load %arg10[%swap3A_438, %swap3A_439] {strides = array<i32>} : memref<32x1024xf32, #tpu.memory_space<vmem>>, vector<1x16xf32>,
      %swap3A_441 = vector.shape_cast %swap3A_440 : vector<1x16xf32> to vector<16xf32>
      %swap3A_442 = vector.shape_cast %add3A_437 : vector<16xf32> to vector<1x16xf32>
      tpu.vector_store %arg10[%swap3A_438, %swap3A_439], %swap3A_442 {strides = array<i32>} : memref<32x1024xf32, #tpu.memory_space<vmem>>, vector<1x16xf32>,
      %get3A_443 = arith.index_cast %scan3A_133 : i32 to index
      %get3A_444 = arith.constant 352 : index
      %get3A_445 = tpu.vector_load %arg10[%get3A_443, %get3A_444] {strides = array<i32>} : memref<32x1024xf32, #tpu.memory_space<vmem>>, vector<1x16xf32>,
      %get3A_446 = vector.shape_cast %get3A_445 : vector<1x16xf32> to vector<16xf32>
      %get3A_447 = arith.index_cast %scan3A_133 : i32 to index
      %get3A_448 = arith.constant 352 : index
      %get3A_449 = tpu.vector_load %arg11[%get3A_447, %get3A_448] {strides = array<i32>} : memref<32x1024xf32, #tpu.memory_space<vmem>>, vector<1x16xf32>,
      %get3A_450 = vector.shape_cast %get3A_449 : vector<1x16xf32> to vector<16xf32>
      %add3A_451 = arith.addf %get3A_446, %get3A_450 : vector<16xf32>
      %swap3A_452 = arith.index_cast %scan3A_133 : i32 to index
      %swap3A_453 = arith.constant 352 : index
      %swap3A_454 = tpu.vector_load %arg10[%swap3A_452, %swap3A_453] {strides = array<i32>} : memref<32x1024xf32, #tpu.memory_space<vmem>>, vector<1x16xf32>,
      %swap3A_455 = vector.shape_cast %swap3A_454 : vector<1x16xf32> to vector<16xf32>
      %swap3A_456 = vector.shape_cast %add3A_451 : vector<16xf32> to vector<1x16xf32>
      tpu.vector_store %arg10[%swap3A_452, %swap3A_453], %swap3A_456 {strides = array<i32>} : memref<32x1024xf32, #tpu.memory_space<vmem>>, vector<1x16xf32>,
      %get3A_457 = arith.index_cast %scan3A_133 : i32 to index
      %get3A_458 = arith.constant 368 : index
      %get3A_459 = tpu.vector_load %arg10[%get3A_457, %get3A_458] {strides = array<i32>} : memref<32x1024xf32, #tpu.memory_space<vmem>>, vector<1x16xf32>,
      %get3A_460 = vector.shape_cast %get3A_459 : vector<1x16xf32> to vector<16xf32>
      %get3A_461 = arith.index_cast %scan3A_133 : i32 to index
      %get3A_462 = arith.constant 368 : index
      %get3A_463 = tpu.vector_load %arg11[%get3A_461, %get3A_462] {strides = array<i32>} : memref<32x1024xf32, #tpu.memory_space<vmem>>, vector<1x16xf32>,
      %get3A_464 = vector.shape_cast %get3A_463 : vector<1x16xf32> to vector<16xf32>
      %add3A_465 = arith.addf %get3A_460, %get3A_464 : vector<16xf32>
      %swap3A_466 = arith.index_cast %scan3A_133 : i32 to index
      %swap3A_467 = arith.constant 368 : index
      %swap3A_468 = tpu.vector_load %arg10[%swap3A_466, %swap3A_467] {strides = array<i32>} : memref<32x1024xf32, #tpu.memory_space<vmem>>, vector<1x16xf32>,
      %swap3A_469 = vector.shape_cast %swap3A_468 : vector<1x16xf32> to vector<16xf32>
      %swap3A_470 = vector.shape_cast %add3A_465 : vector<16xf32> to vector<1x16xf32>
      tpu.vector_store %arg10[%swap3A_466, %swap3A_467], %swap3A_470 {strides = array<i32>} : memref<32x1024xf32, #tpu.memory_space<vmem>>, vector<1x16xf32>,
      %get3A_471 = arith.index_cast %scan3A_133 : i32 to index
      %get3A_472 = arith.constant 384 : index
      %get3A_473 = tpu.vector_load %arg10[%get3A_471, %get3A_472] {strides = array<i32>} : memref<32x1024xf32, #tpu.memory_space<vmem>>, vector<1x16xf32>,
      %get3A_474 = vector.shape_cast %get3A_473 : vector<1x16xf32> to vector<16xf32>
      %get3A_475 = arith.index_cast %scan3A_133 : i32 to index
      %get3A_476 = arith.constant 384 : index
      %get3A_477 = tpu.vector_load %arg11[%get3A_475, %get3A_476] {strides = array<i32>} : memref<32x1024xf32, #tpu.memory_space<vmem>>, vector<1x16xf32>,
      %get3A_478 = vector.shape_cast %get3A_477 : vector<1x16xf32> to vector<16xf32>
      %add3A_479 = arith.addf %get3A_474, %get3A_478 : vector<16xf32>
      %swap3A_480 = arith.index_cast %scan3A_133 : i32 to index
      %swap3A_481 = arith.constant 384 : index
      %swap3A_482 = tpu.vector_load %arg10[%swap3A_480, %swap3A_481] {strides = array<i32>} : memref<32x1024xf32, #tpu.memory_space<vmem>>, vector<1x16xf32>,
      %swap3A_483 = vector.shape_cast %swap3A_482 : vector<1x16xf32> to vector<16xf32>
      %swap3A_484 = vector.shape_cast %add3A_479 : vector<16xf32> to vector<1x16xf32>
      tpu.vector_store %arg10[%swap3A_480, %swap3A_481], %swap3A_484 {strides = array<i32>} : memref<32x1024xf32, #tpu.memory_space<vmem>>, vector<1x16xf32>,
      %get3A_485 = arith.index_cast %scan3A_133 : i32 to index
      %get3A_486 = arith.constant 400 : index
      %get3A_487 = tpu.vector_load %arg10[%get3A_485, %get3A_486] {strides = array<i32>} : memref<32x1024xf32, #tpu.memory_space<vmem>>, vector<1x16xf32>,
      %get3A_488 = vector.shape_cast %get3A_487 : vector<1x16xf32> to vector<16xf32>
      %get3A_489 = arith.index_cast %scan3A_133 : i32 to index
      %get3A_490 = arith.constant 400 : index
      %get3A_491 = tpu.vector_load %arg11[%get3A_489, %get3A_490] {strides = array<i32>} : memref<32x1024xf32, #tpu.memory_space<vmem>>, vector<1x16xf32>,
      %get3A_492 = vector.shape_cast %get3A_491 : vector<1x16xf32> to vector<16xf32>
      %add3A_493 = arith.addf %get3A_488, %get3A_492 : vector<16xf32>
      %swap3A_494 = arith.index_cast %scan3A_133 : i32 to index
      %swap3A_495 = arith.constant 400 : index
      %swap3A_496 = tpu.vector_load %arg10[%swap3A_494, %swap3A_495] {strides = array<i32>} : memref<32x1024xf32, #tpu.memory_space<vmem>>, vector<1x16xf32>,
      %swap3A_497 = vector.shape_cast %swap3A_496 : vector<1x16xf32> to vector<16xf32>
      %swap3A_498 = vector.shape_cast %add3A_493 : vector<16xf32> to vector<1x16xf32>
      tpu.vector_store %arg10[%swap3A_494, %swap3A_495], %swap3A_498 {strides = array<i32>} : memref<32x1024xf32, #tpu.memory_space<vmem>>, vector<1x16xf32>,
      %get3A_499 = arith.index_cast %scan3A_133 : i32 to index
      %get3A_500 = arith.constant 416 : index
      %get3A_501 = tpu.vector_load %arg10[%get3A_499, %get3A_500] {strides = array<i32>} : memref<32x1024xf32, #tpu.memory_space<vmem>>, vector<1x16xf32>,
      %get3A_502 = vector.shape_cast %get3A_501 : vector<1x16xf32> to vector<16xf32>
      %get3A_503 = arith.index_cast %scan3A_133 : i32 to index
      %get3A_504 = arith.constant 416 : index
      %get3A_505 = tpu.vector_load %arg11[%get3A_503, %get3A_504] {strides = array<i32>} : memref<32x1024xf32, #tpu.memory_space<vmem>>, vector<1x16xf32>,
      %get3A_506 = vector.shape_cast %get3A_505 : vector<1x16xf32> to vector<16xf32>
      %add3A_507 = arith.addf %get3A_502, %get3A_506 : vector<16xf32>
      %swap3A_508 = arith.index_cast %scan3A_133 : i32 to index
      %swap3A_509 = arith.constant 416 : index
      %swap3A_510 = tpu.vector_load %arg10[%swap3A_508, %swap3A_509] {strides = array<i32>} : memref<32x1024xf32, #tpu.memory_space<vmem>>, vector<1x16xf32>,
      %swap3A_511 = vector.shape_cast %swap3A_510 : vector<1x16xf32> to vector<16xf32>
      %swap3A_512 = vector.shape_cast %add3A_507 : vector<16xf32> to vector<1x16xf32>
      tpu.vector_store %arg10[%swap3A_508, %swap3A_509], %swap3A_512 {strides = array<i32>} : memref<32x1024xf32, #tpu.memory_space<vmem>>, vector<1x16xf32>,
      %get3A_513 = arith.index_cast %scan3A_133 : i32 to index
      %get3A_514 = arith.constant 432 : index
      %get3A_515 = tpu.vector_load %arg10[%get3A_513, %get3A_514] {strides = array<i32>} : memref<32x1024xf32, #tpu.memory_space<vmem>>, vector<1x16xf32>,
      %get3A_516 = vector.shape_cast %get3A_515 : vector<1x16xf32> to vector<16xf32>
      %get3A_517 = arith.index_cast %scan3A_133 : i32 to index
      %get3A_518 = arith.constant 432 : index
      %get3A_519 = tpu.vector_load %arg11[%get3A_517, %get3A_518] {strides = array<i32>} : memref<32x1024xf32, #tpu.memory_space<vmem>>, vector<1x16xf32>,
      %get3A_520 = vector.shape_cast %get3A_519 : vector<1x16xf32> to vector<16xf32>
      %add3A_521 = arith.addf %get3A_516, %get3A_520 : vector<16xf32>
      %swap3A_522 = arith.index_cast %scan3A_133 : i32 to index
      %swap3A_523 = arith.constant 432 : index
      %swap3A_524 = tpu.vector_load %arg10[%swap3A_522, %swap3A_523] {strides = array<i32>} : memref<32x1024xf32, #tpu.memory_space<vmem>>, vector<1x16xf32>,
      %swap3A_525 = vector.shape_cast %swap3A_524 : vector<1x16xf32> to vector<16xf32>
      %swap3A_526 = vector.shape_cast %add3A_521 : vector<16xf32> to vector<1x16xf32>
      tpu.vector_store %arg10[%swap3A_522, %swap3A_523], %swap3A_526 {strides = array<i32>} : memref<32x1024xf32, #tpu.memory_space<vmem>>, vector<1x16xf32>,
      %get3A_527 = arith.index_cast %scan3A_133 : i32 to index
      %get3A_528 = arith.constant 448 : index
      %get3A_529 = tpu.vector_load %arg10[%get3A_527, %get3A_528] {strides = array<i32>} : memref<32x1024xf32, #tpu.memory_space<vmem>>, vector<1x16xf32>,
      %get3A_530 = vector.shape_cast %get3A_529 : vector<1x16xf32> to vector<16xf32>
      %get3A_531 = arith.index_cast %scan3A_133 : i32 to index
      %get3A_532 = arith.constant 448 : index
      %get3A_533 = tpu.vector_load %arg11[%get3A_531, %get3A_532] {strides = array<i32>} : memref<32x1024xf32, #tpu.memory_space<vmem>>, vector<1x16xf32>,
      %get3A_534 = vector.shape_cast %get3A_533 : vector<1x16xf32> to vector<16xf32>
      %add3A_535 = arith.addf %get3A_530, %get3A_534 : vector<16xf32>
      %swap3A_536 = arith.index_cast %scan3A_133 : i32 to index
      %swap3A_537 = arith.constant 448 : index
      %swap3A_538 = tpu.vector_load %arg10[%swap3A_536, %swap3A_537] {strides = array<i32>} : memref<32x1024xf32, #tpu.memory_space<vmem>>, vector<1x16xf32>,
      %swap3A_539 = vector.shape_cast %swap3A_538 : vector<1x16xf32> to vector<16xf32>
      %swap3A_540 = vector.shape_cast %add3A_535 : vector<16xf32> to vector<1x16xf32>
      tpu.vector_store %arg10[%swap3A_536, %swap3A_537], %swap3A_540 {strides = array<i32>} : memref<32x1024xf32, #tpu.memory_space<vmem>>, vector<1x16xf32>,
      %get3A_541 = arith.index_cast %scan3A_133 : i32 to index
      %get3A_542 = arith.constant 464 : index
      %get3A_543 = tpu.vector_load %arg10[%get3A_541, %get3A_542] {strides = array<i32>} : memref<32x1024xf32, #tpu.memory_space<vmem>>, vector<1x16xf32>,
      %get3A_544 = vector.shape_cast %get3A_543 : vector<1x16xf32> to vector<16xf32>
      %get3A_545 = arith.index_cast %scan3A_133 : i32 to index
      %get3A_546 = arith.constant 464 : index
      %get3A_547 = tpu.vector_load %arg11[%get3A_545, %get3A_546] {strides = array<i32>} : memref<32x1024xf32, #tpu.memory_space<vmem>>, vector<1x16xf32>,
      %get3A_548 = vector.shape_cast %get3A_547 : vector<1x16xf32> to vector<16xf32>
      %add3A_549 = arith.addf %get3A_544, %get3A_548 : vector<16xf32>
      %swap3A_550 = arith.index_cast %scan3A_133 : i32 to index
      %swap3A_551 = arith.constant 464 : index
      %swap3A_552 = tpu.vector_load %arg10[%swap3A_550, %swap3A_551] {strides = array<i32>} : memref<32x1024xf32, #tpu.memory_space<vmem>>, vector<1x16xf32>,
      %swap3A_553 = vector.shape_cast %swap3A_552 : vector<1x16xf32> to vector<16xf32>
      %swap3A_554 = vector.shape_cast %add3A_549 : vector<16xf32> to vector<1x16xf32>
      tpu.vector_store %arg10[%swap3A_550, %swap3A_551], %swap3A_554 {strides = array<i32>} : memref<32x1024xf32, #tpu.memory_space<vmem>>, vector<1x16xf32>,
      %get3A_555 = arith.index_cast %scan3A_133 : i32 to index
      %get3A_556 = arith.constant 480 : index
      %get3A_557 = tpu.vector_load %arg10[%get3A_555, %get3A_556] {strides = array<i32>} : memref<32x1024xf32, #tpu.memory_space<vmem>>, vector<1x16xf32>,
      %get3A_558 = vector.shape_cast %get3A_557 : vector<1x16xf32> to vector<16xf32>
      %get3A_559 = arith.index_cast %scan3A_133 : i32 to index
      %get3A_560 = arith.constant 480 : index
      %get3A_561 = tpu.vector_load %arg11[%get3A_559, %get3A_560] {strides = array<i32>} : memref<32x1024xf32, #tpu.memory_space<vmem>>, vector<1x16xf32>,
      %get3A_562 = vector.shape_cast %get3A_561 : vector<1x16xf32> to vector<16xf32>
      %add3A_563 = arith.addf %get3A_558, %get3A_562 : vector<16xf32>
      %swap3A_564 = arith.index_cast %scan3A_133 : i32 to index
      %swap3A_565 = arith.constant 480 : index
      %swap3A_566 = tpu.vector_load %arg10[%swap3A_564, %swap3A_565] {strides = array<i32>} : memref<32x1024xf32, #tpu.memory_space<vmem>>, vector<1x16xf32>,
      %swap3A_567 = vector.shape_cast %swap3A_566 : vector<1x16xf32> to vector<16xf32>
      %swap3A_568 = vector.shape_cast %add3A_563 : vector<16xf32> to vector<1x16xf32>
      tpu.vector_store %arg10[%swap3A_564, %swap3A_565], %swap3A_568 {strides = array<i32>} : memref<32x1024xf32, #tpu.memory_space<vmem>>, vector<1x16xf32>,
      %get3A_569 = arith.index_cast %scan3A_133 : i32 to index
      %get3A_570 = arith.constant 496 : index
      %get3A_571 = tpu.vector_load %arg10[%get3A_569, %get3A_570] {strides = array<i32>} : memref<32x1024xf32, #tpu.memory_space<vmem>>, vector<1x16xf32>,
      %get3A_572 = vector.shape_cast %get3A_571 : vector<1x16xf32> to vector<16xf32>
      %get3A_573 = arith.index_cast %scan3A_133 : i32 to index
      %get3A_574 = arith.constant 496 : index
      %get3A_575 = tpu.vector_load %arg11[%get3A_573, %get3A_574] {strides = array<i32>} : memref<32x1024xf32, #tpu.memory_space<vmem>>, vector<1x16xf32>,
      %get3A_576 = vector.shape_cast %get3A_575 : vector<1x16xf32> to vector<16xf32>
      %add3A_577 = arith.addf %get3A_572, %get3A_576 : vector<16xf32>
      %swap3A_578 = arith.index_cast %scan3A_133 : i32 to index
      %swap3A_579 = arith.constant 496 : index
      %swap3A_580 = tpu.vector_load %arg10[%swap3A_578, %swap3A_579] {strides = array<i32>} : memref<32x1024xf32, #tpu.memory_space<vmem>>, vector<1x16xf32>,
      %swap3A_581 = vector.shape_cast %swap3A_580 : vector<1x16xf32> to vector<16xf32>
      %swap3A_582 = vector.shape_cast %add3A_577 : vector<16xf32> to vector<1x16xf32>
      tpu.vector_store %arg10[%swap3A_578, %swap3A_579], %swap3A_582 {strides = array<i32>} : memref<32x1024xf32, #tpu.memory_space<vmem>>, vector<1x16xf32>,
      %get3A_583 = arith.index_cast %scan3A_133 : i32 to index
      %get3A_584 = arith.constant 512 : index
      %get3A_585 = tpu.vector_load %arg10[%get3A_583, %get3A_584] {strides = array<i32>} : memref<32x1024xf32, #tpu.memory_space<vmem>>, vector<1x16xf32>,
      %get3A_586 = vector.shape_cast %get3A_585 : vector<1x16xf32> to vector<16xf32>
      %get3A_587 = arith.index_cast %scan3A_133 : i32 to index
      %get3A_588 = arith.constant 512 : index
      %get3A_589 = tpu.vector_load %arg11[%get3A_587, %get3A_588] {strides = array<i32>} : memref<32x1024xf32, #tpu.memory_space<vmem>>, vector<1x16xf32>,
      %get3A_590 = vector.shape_cast %get3A_589 : vector<1x16xf32> to vector<16xf32>
      %add3A_591 = arith.addf %get3A_586, %get3A_590 : vector<16xf32>
      %swap3A_592 = arith.index_cast %scan3A_133 : i32 to index
      %swap3A_593 = arith.constant 512 : index
      %swap3A_594 = tpu.vector_load %arg10[%swap3A_592, %swap3A_593] {strides = array<i32>} : memref<32x1024xf32, #tpu.memory_space<vmem>>, vector<1x16xf32>,
      %swap3A_595 = vector.shape_cast %swap3A_594 : vector<1x16xf32> to vector<16xf32>
      %swap3A_596 = vector.shape_cast %add3A_591 : vector<16xf32> to vector<1x16xf32>
      tpu.vector_store %arg10[%swap3A_592, %swap3A_593], %swap3A_596 {strides = array<i32>} : memref<32x1024xf32, #tpu.memory_space<vmem>>, vector<1x16xf32>,
      %get3A_597 = arith.index_cast %scan3A_133 : i32 to index
      %get3A_598 = arith.constant 528 : index
      %get3A_599 = tpu.vector_load %arg10[%get3A_597, %get3A_598] {strides = array<i32>} : memref<32x1024xf32, #tpu.memory_space<vmem>>, vector<1x16xf32>,
      %get3A_600 = vector.shape_cast %get3A_599 : vector<1x16xf32> to vector<16xf32>
      %get3A_601 = arith.index_cast %scan3A_133 : i32 to index
      %get3A_602 = arith.constant 528 : index
      %get3A_603 = tpu.vector_load %arg11[%get3A_601, %get3A_602] {strides = array<i32>} : memref<32x1024xf32, #tpu.memory_space<vmem>>, vector<1x16xf32>,
      %get3A_604 = vector.shape_cast %get3A_603 : vector<1x16xf32> to vector<16xf32>
      %add3A_605 = arith.addf %get3A_600, %get3A_604 : vector<16xf32>
      %swap3A_606 = arith.index_cast %scan3A_133 : i32 to index
      %swap3A_607 = arith.constant 528 : index
      %swap3A_608 = tpu.vector_load %arg10[%swap3A_606, %swap3A_607] {strides = array<i32>} : memref<32x1024xf32, #tpu.memory_space<vmem>>, vector<1x16xf32>,
      %swap3A_609 = vector.shape_cast %swap3A_608 : vector<1x16xf32> to vector<16xf32>
      %swap3A_610 = vector.shape_cast %add3A_605 : vector<16xf32> to vector<1x16xf32>
      tpu.vector_store %arg10[%swap3A_606, %swap3A_607], %swap3A_610 {strides = array<i32>} : memref<32x1024xf32, #tpu.memory_space<vmem>>, vector<1x16xf32>,
      %get3A_611 = arith.index_cast %scan3A_133 : i32 to index
      %get3A_612 = arith.constant 544 : index
      %get3A_613 = tpu.vector_load %arg10[%get3A_611, %get3A_612] {strides = array<i32>} : memref<32x1024xf32, #tpu.memory_space<vmem>>, vector<1x16xf32>,
      %get3A_614 = vector.shape_cast %get3A_613 : vector<1x16xf32> to vector<16xf32>
      %get3A_615 = arith.index_cast %scan3A_133 : i32 to index
      %get3A_616 = arith.constant 544 : index
      %get3A_617 = tpu.vector_load %arg11[%get3A_615, %get3A_616] {strides = array<i32>} : memref<32x1024xf32, #tpu.memory_space<vmem>>, vector<1x16xf32>,
      %get3A_618 = vector.shape_cast %get3A_617 : vector<1x16xf32> to vector<16xf32>
      %add3A_619 = arith.addf %get3A_614, %get3A_618 : vector<16xf32>
      %swap3A_620 = arith.index_cast %scan3A_133 : i32 to index
      %swap3A_621 = arith.constant 544 : index
      %swap3A_622 = tpu.vector_load %arg10[%swap3A_620, %swap3A_621] {strides = array<i32>} : memref<32x1024xf32, #tpu.memory_space<vmem>>, vector<1x16xf32>,
      %swap3A_623 = vector.shape_cast %swap3A_622 : vector<1x16xf32> to vector<16xf32>
      %swap3A_624 = vector.shape_cast %add3A_619 : vector<16xf32> to vector<1x16xf32>
      tpu.vector_store %arg10[%swap3A_620, %swap3A_621], %swap3A_624 {strides = array<i32>} : memref<32x1024xf32, #tpu.memory_space<vmem>>, vector<1x16xf32>,
      %get3A_625 = arith.index_cast %scan3A_133 : i32 to index
      %get3A_626 = arith.constant 560 : index
      %get3A_627 = tpu.vector_load %arg10[%get3A_625, %get3A_626] {strides = array<i32>} : memref<32x1024xf32, #tpu.memory_space<vmem>>, vector<1x16xf32>,
      %get3A_628 = vector.shape_cast %get3A_627 : vector<1x16xf32> to vector<16xf32>
      %get3A_629 = arith.index_cast %scan3A_133 : i32 to index
      %get3A_630 = arith.constant 560 : index
      %get3A_631 = tpu.vector_load %arg11[%get3A_629, %get3A_630] {strides = array<i32>} : memref<32x1024xf32, #tpu.memory_space<vmem>>, vector<1x16xf32>,
      %get3A_632 = vector.shape_cast %get3A_631 : vector<1x16xf32> to vector<16xf32>
      %add3A_633 = arith.addf %get3A_628, %get3A_632 : vector<16xf32>
      %swap3A_634 = arith.index_cast %scan3A_133 : i32 to index
      %swap3A_635 = arith.constant 560 : index
      %swap3A_636 = tpu.vector_load %arg10[%swap3A_634, %swap3A_635] {strides = array<i32>} : memref<32x1024xf32, #tpu.memory_space<vmem>>, vector<1x16xf32>,
      %swap3A_637 = vector.shape_cast %swap3A_636 : vector<1x16xf32> to vector<16xf32>
      %swap3A_638 = vector.shape_cast %add3A_633 : vector<16xf32> to vector<1x16xf32>
      tpu.vector_store %arg10[%swap3A_634, %swap3A_635], %swap3A_638 {strides = array<i32>} : memref<32x1024xf32, #tpu.memory_space<vmem>>, vector<1x16xf32>,
      %get3A_639 = arith.index_cast %scan3A_133 : i32 to index
      %get3A_640 = arith.constant 576 : index
      %get3A_641 = tpu.vector_load %arg10[%get3A_639, %get3A_640] {strides = array<i32>} : memref<32x1024xf32, #tpu.memory_space<vmem>>, vector<1x16xf32>,
      %get3A_642 = vector.shape_cast %get3A_641 : vector<1x16xf32> to vector<16xf32>
      %get3A_643 = arith.index_cast %scan3A_133 : i32 to index
      %get3A_644 = arith.constant 576 : index
      %get3A_645 = tpu.vector_load %arg11[%get3A_643, %get3A_644] {strides = array<i32>} : memref<32x1024xf32, #tpu.memory_space<vmem>>, vector<1x16xf32>,
      %get3A_646 = vector.shape_cast %get3A_645 : vector<1x16xf32> to vector<16xf32>
      %add3A_647 = arith.addf %get3A_642, %get3A_646 : vector<16xf32>
      %swap3A_648 = arith.index_cast %scan3A_133 : i32 to index
      %swap3A_649 = arith.constant 576 : index
      %swap3A_650 = tpu.vector_load %arg10[%swap3A_648, %swap3A_649] {strides = array<i32>} : memref<32x1024xf32, #tpu.memory_space<vmem>>, vector<1x16xf32>,
      %swap3A_651 = vector.shape_cast %swap3A_650 : vector<1x16xf32> to vector<16xf32>
      %swap3A_652 = vector.shape_cast %add3A_647 : vector<16xf32> to vector<1x16xf32>
      tpu.vector_store %arg10[%swap3A_648, %swap3A_649], %swap3A_652 {strides = array<i32>} : memref<32x1024xf32, #tpu.memory_space<vmem>>, vector<1x16xf32>,
      %get3A_653 = arith.index_cast %scan3A_133 : i32 to index
      %get3A_654 = arith.constant 592 : index
      %get3A_655 = tpu.vector_load %arg10[%get3A_653, %get3A_654] {strides = array<i32>} : memref<32x1024xf32, #tpu.memory_space<vmem>>, vector<1x16xf32>,
      %get3A_656 = vector.shape_cast %get3A_655 : vector<1x16xf32> to vector<16xf32>
      %get3A_657 = arith.index_cast %scan3A_133 : i32 to index
      %get3A_658 = arith.constant 592 : index
      %get3A_659 = tpu.vector_load %arg11[%get3A_657, %get3A_658] {strides = array<i32>} : memref<32x1024xf32, #tpu.memory_space<vmem>>, vector<1x16xf32>,
      %get3A_660 = vector.shape_cast %get3A_659 : vector<1x16xf32> to vector<16xf32>
      %add3A_661 = arith.addf %get3A_656, %get3A_660 : vector<16xf32>
      %swap3A_662 = arith.index_cast %scan3A_133 : i32 to index
      %swap3A_663 = arith.constant 592 : index
      %swap3A_664 = tpu.vector_load %arg10[%swap3A_662, %swap3A_663] {strides = array<i32>} : memref<32x1024xf32, #tpu.memory_space<vmem>>, vector<1x16xf32>,
      %swap3A_665 = vector.shape_cast %swap3A_664 : vector<1x16xf32> to vector<16xf32>
      %swap3A_666 = vector.shape_cast %add3A_661 : vector<16xf32> to vector<1x16xf32>
      tpu.vector_store %arg10[%swap3A_662, %swap3A_663], %swap3A_666 {strides = array<i32>} : memref<32x1024xf32, #tpu.memory_space<vmem>>, vector<1x16xf32>,
      %get3A_667 = arith.index_cast %scan3A_133 : i32 to index
      %get3A_668 = arith.constant 608 : index
      %get3A_669 = tpu.vector_load %arg10[%get3A_667, %get3A_668] {strides = array<i32>} : memref<32x1024xf32, #tpu.memory_space<vmem>>, vector<1x16xf32>,
      %get3A_670 = vector.shape_cast %get3A_669 : vector<1x16xf32> to vector<16xf32>
      %get3A_671 = arith.index_cast %scan3A_133 : i32 to index
      %get3A_672 = arith.constant 608 : index
      %get3A_673 = tpu.vector_load %arg11[%get3A_671, %get3A_672] {strides = array<i32>} : memref<32x1024xf32, #tpu.memory_space<vmem>>, vector<1x16xf32>,
      %get3A_674 = vector.shape_cast %get3A_673 : vector<1x16xf32> to vector<16xf32>
      %add3A_675 = arith.addf %get3A_670, %get3A_674 : vector<16xf32>
      %swap3A_676 = arith.index_cast %scan3A_133 : i32 to index
      %swap3A_677 = arith.constant 608 : index
      %swap3A_678 = tpu.vector_load %arg10[%swap3A_676, %swap3A_677] {strides = array<i32>} : memref<32x1024xf32, #tpu.memory_space<vmem>>, vector<1x16xf32>,
      %swap3A_679 = vector.shape_cast %swap3A_678 : vector<1x16xf32> to vector<16xf32>
      %swap3A_680 = vector.shape_cast %add3A_675 : vector<16xf32> to vector<1x16xf32>
      tpu.vector_store %arg10[%swap3A_676, %swap3A_677], %swap3A_680 {strides = array<i32>} : memref<32x1024xf32, #tpu.memory_space<vmem>>, vector<1x16xf32>,
      %get3A_681 = arith.index_cast %scan3A_133 : i32 to index
      %get3A_682 = arith.constant 624 : index
      %get3A_683 = tpu.vector_load %arg10[%get3A_681, %get3A_682] {strides = array<i32>} : memref<32x1024xf32, #tpu.memory_space<vmem>>, vector<1x16xf32>,
      %get3A_684 = vector.shape_cast %get3A_683 : vector<1x16xf32> to vector<16xf32>
      %get3A_685 = arith.index_cast %scan3A_133 : i32 to index
      %get3A_686 = arith.constant 624 : index
      %get3A_687 = tpu.vector_load %arg11[%get3A_685, %get3A_686] {strides = array<i32>} : memref<32x1024xf32, #tpu.memory_space<vmem>>, vector<1x16xf32>,
      %get3A_688 = vector.shape_cast %get3A_687 : vector<1x16xf32> to vector<16xf32>
      %add3A_689 = arith.addf %get3A_684, %get3A_688 : vector<16xf32>
      %swap3A_690 = arith.index_cast %scan3A_133 : i32 to index
      %swap3A_691 = arith.constant 624 : index
      %swap3A_692 = tpu.vector_load %arg10[%swap3A_690, %swap3A_691] {strides = array<i32>} : memref<32x1024xf32, #tpu.memory_space<vmem>>, vector<1x16xf32>,
      %swap3A_693 = vector.shape_cast %swap3A_692 : vector<1x16xf32> to vector<16xf32>
      %swap3A_694 = vector.shape_cast %add3A_689 : vector<16xf32> to vector<1x16xf32>
      tpu.vector_store %arg10[%swap3A_690, %swap3A_691], %swap3A_694 {strides = array<i32>} : memref<32x1024xf32, #tpu.memory_space<vmem>>, vector<1x16xf32>,
      %get3A_695 = arith.index_cast %scan3A_133 : i32 to index
      %get3A_696 = arith.constant 640 : index
      %get3A_697 = tpu.vector_load %arg10[%get3A_695, %get3A_696] {strides = array<i32>} : memref<32x1024xf32, #tpu.memory_space<vmem>>, vector<1x16xf32>,
      %get3A_698 = vector.shape_cast %get3A_697 : vector<1x16xf32> to vector<16xf32>
      %get3A_699 = arith.index_cast %scan3A_133 : i32 to index
      %get3A_700 = arith.constant 640 : index
      %get3A_701 = tpu.vector_load %arg11[%get3A_699, %get3A_700] {strides = array<i32>} : memref<32x1024xf32, #tpu.memory_space<vmem>>, vector<1x16xf32>,
      %get3A_702 = vector.shape_cast %get3A_701 : vector<1x16xf32> to vector<16xf32>
      %add3A_703 = arith.addf %get3A_698, %get3A_702 : vector<16xf32>
      %swap3A_704 = arith.index_cast %scan3A_133 : i32 to index
      %swap3A_705 = arith.constant 640 : index
      %swap3A_706 = tpu.vector_load %arg10[%swap3A_704, %swap3A_705] {strides = array<i32>} : memref<32x1024xf32, #tpu.memory_space<vmem>>, vector<1x16xf32>,
      %swap3A_707 = vector.shape_cast %swap3A_706 : vector<1x16xf32> to vector<16xf32>
      %swap3A_708 = vector.shape_cast %add3A_703 : vector<16xf32> to vector<1x16xf32>
      tpu.vector_store %arg10[%swap3A_704, %swap3A_705], %swap3A_708 {strides = array<i32>} : memref<32x1024xf32, #tpu.memory_space<vmem>>, vector<1x16xf32>,
      %get3A_709 = arith.index_cast %scan3A_133 : i32 to index
      %get3A_710 = arith.constant 656 : index
      %get3A_711 = tpu.vector_load %arg10[%get3A_709, %get3A_710] {strides = array<i32>} : memref<32x1024xf32, #tpu.memory_space<vmem>>, vector<1x16xf32>,
      %get3A_712 = vector.shape_cast %get3A_711 : vector<1x16xf32> to vector<16xf32>
      %get3A_713 = arith.index_cast %scan3A_133 : i32 to index
      %get3A_714 = arith.constant 656 : index
      %get3A_715 = tpu.vector_load %arg11[%get3A_713, %get3A_714] {strides = array<i32>} : memref<32x1024xf32, #tpu.memory_space<vmem>>, vector<1x16xf32>,
      %get3A_716 = vector.shape_cast %get3A_715 : vector<1x16xf32> to vector<16xf32>
      %add3A_717 = arith.addf %get3A_712, %get3A_716 : vector<16xf32>
      %swap3A_718 = arith.index_cast %scan3A_133 : i32 to index
      %swap3A_719 = arith.constant 656 : index
      %swap3A_720 = tpu.vector_load %arg10[%swap3A_718, %swap3A_719] {strides = array<i32>} : memref<32x1024xf32, #tpu.memory_space<vmem>>, vector<1x16xf32>,
      %swap3A_721 = vector.shape_cast %swap3A_720 : vector<1x16xf32> to vector<16xf32>
      %swap3A_722 = vector.shape_cast %add3A_717 : vector<16xf32> to vector<1x16xf32>
      tpu.vector_store %arg10[%swap3A_718, %swap3A_719], %swap3A_722 {strides = array<i32>} : memref<32x1024xf32, #tpu.memory_space<vmem>>, vector<1x16xf32>,
      %get3A_723 = arith.index_cast %scan3A_133 : i32 to index
      %get3A_724 = arith.constant 672 : index
      %get3A_725 = tpu.vector_load %arg10[%get3A_723, %get3A_724] {strides = array<i32>} : memref<32x1024xf32, #tpu.memory_space<vmem>>, vector<1x16xf32>,
      %get3A_726 = vector.shape_cast %get3A_725 : vector<1x16xf32> to vector<16xf32>
      %get3A_727 = arith.index_cast %scan3A_133 : i32 to index
      %get3A_728 = arith.constant 672 : index
      %get3A_729 = tpu.vector_load %arg11[%get3A_727, %get3A_728] {strides = array<i32>} : memref<32x1024xf32, #tpu.memory_space<vmem>>, vector<1x16xf32>,
      %get3A_730 = vector.shape_cast %get3A_729 : vector<1x16xf32> to vector<16xf32>
      %add3A_731 = arith.addf %get3A_726, %get3A_730 : vector<16xf32>
      %swap3A_732 = arith.index_cast %scan3A_133 : i32 to index
      %swap3A_733 = arith.constant 672 : index
      %swap3A_734 = tpu.vector_load %arg10[%swap3A_732, %swap3A_733] {strides = array<i32>} : memref<32x1024xf32, #tpu.memory_space<vmem>>, vector<1x16xf32>,
      %swap3A_735 = vector.shape_cast %swap3A_734 : vector<1x16xf32> to vector<16xf32>
      %swap3A_736 = vector.shape_cast %add3A_731 : vector<16xf32> to vector<1x16xf32>
      tpu.vector_store %arg10[%swap3A_732, %swap3A_733], %swap3A_736 {strides = array<i32>} : memref<32x1024xf32, #tpu.memory_space<vmem>>, vector<1x16xf32>,
      %get3A_737 = arith.index_cast %scan3A_133 : i32 to index
      %get3A_738 = arith.constant 688 : index
      %get3A_739 = tpu.vector_load %arg10[%get3A_737, %get3A_738] {strides = array<i32>} : memref<32x1024xf32, #tpu.memory_space<vmem>>, vector<1x16xf32>,
      %get3A_740 = vector.shape_cast %get3A_739 : vector<1x16xf32> to vector<16xf32>
      %get3A_741 = arith.index_cast %scan3A_133 : i32 to index
      %get3A_742 = arith.constant 688 : index
      %get3A_743 = tpu.vector_load %arg11[%get3A_741, %get3A_742] {strides = array<i32>} : memref<32x1024xf32, #tpu.memory_space<vmem>>, vector<1x16xf32>,
      %get3A_744 = vector.shape_cast %get3A_743 : vector<1x16xf32> to vector<16xf32>
      %add3A_745 = arith.addf %get3A_740, %get3A_744 : vector<16xf32>
      %swap3A_746 = arith.index_cast %scan3A_133 : i32 to index
      %swap3A_747 = arith.constant 688 : index
      %swap3A_748 = tpu.vector_load %arg10[%swap3A_746, %swap3A_747] {strides = array<i32>} : memref<32x1024xf32, #tpu.memory_space<vmem>>, vector<1x16xf32>,
      %swap3A_749 = vector.shape_cast %swap3A_748 : vector<1x16xf32> to vector<16xf32>
      %swap3A_750 = vector.shape_cast %add3A_745 : vector<16xf32> to vector<1x16xf32>
      tpu.vector_store %arg10[%swap3A_746, %swap3A_747], %swap3A_750 {strides = array<i32>} : memref<32x1024xf32, #tpu.memory_space<vmem>>, vector<1x16xf32>,
      %get3A_751 = arith.index_cast %scan3A_133 : i32 to index
      %get3A_752 = arith.constant 704 : index
      %get3A_753 = tpu.vector_load %arg10[%get3A_751, %get3A_752] {strides = array<i32>} : memref<32x1024xf32, #tpu.memory_space<vmem>>, vector<1x16xf32>,
      %get3A_754 = vector.shape_cast %get3A_753 : vector<1x16xf32> to vector<16xf32>
      %get3A_755 = arith.index_cast %scan3A_133 : i32 to index
      %get3A_756 = arith.constant 704 : index
      %get3A_757 = tpu.vector_load %arg11[%get3A_755, %get3A_756] {strides = array<i32>} : memref<32x1024xf32, #tpu.memory_space<vmem>>, vector<1x16xf32>,
      %get3A_758 = vector.shape_cast %get3A_757 : vector<1x16xf32> to vector<16xf32>
      %add3A_759 = arith.addf %get3A_754, %get3A_758 : vector<16xf32>
      %swap3A_760 = arith.index_cast %scan3A_133 : i32 to index
      %swap3A_761 = arith.constant 704 : index
      %swap3A_762 = tpu.vector_load %arg10[%swap3A_760, %swap3A_761] {strides = array<i32>} : memref<32x1024xf32, #tpu.memory_space<vmem>>, vector<1x16xf32>,
      %swap3A_763 = vector.shape_cast %swap3A_762 : vector<1x16xf32> to vector<16xf32>
      %swap3A_764 = vector.shape_cast %add3A_759 : vector<16xf32> to vector<1x16xf32>
      tpu.vector_store %arg10[%swap3A_760, %swap3A_761], %swap3A_764 {strides = array<i32>} : memref<32x1024xf32, #tpu.memory_space<vmem>>, vector<1x16xf32>,
      %get3A_765 = arith.index_cast %scan3A_133 : i32 to index
      %get3A_766 = arith.constant 720 : index
      %get3A_767 = tpu.vector_load %arg10[%get3A_765, %get3A_766] {strides = array<i32>} : memref<32x1024xf32, #tpu.memory_space<vmem>>, vector<1x16xf32>,
      %get3A_768 = vector.shape_cast %get3A_767 : vector<1x16xf32> to vector<16xf32>
      %get3A_769 = arith.index_cast %scan3A_133 : i32 to index
      %get3A_770 = arith.constant 720 : index
      %get3A_771 = tpu.vector_load %arg11[%get3A_769, %get3A_770] {strides = array<i32>} : memref<32x1024xf32, #tpu.memory_space<vmem>>, vector<1x16xf32>,
      %get3A_772 = vector.shape_cast %get3A_771 : vector<1x16xf32> to vector<16xf32>
      %add3A_773 = arith.addf %get3A_768, %get3A_772 : vector<16xf32>
      %swap3A_774 = arith.index_cast %scan3A_133 : i32 to index
      %swap3A_775 = arith.constant 720 : index
      %swap3A_776 = tpu.vector_load %arg10[%swap3A_774, %swap3A_775] {strides = array<i32>} : memref<32x1024xf32, #tpu.memory_space<vmem>>, vector<1x16xf32>,
      %swap3A_777 = vector.shape_cast %swap3A_776 : vector<1x16xf32> to vector<16xf32>
      %swap3A_778 = vector.shape_cast %add3A_773 : vector<16xf32> to vector<1x16xf32>
      tpu.vector_store %arg10[%swap3A_774, %swap3A_775], %swap3A_778 {strides = array<i32>} : memref<32x1024xf32, #tpu.memory_space<vmem>>, vector<1x16xf32>,
      %get3A_779 = arith.index_cast %scan3A_133 : i32 to index
      %get3A_780 = arith.constant 736 : index
      %get3A_781 = tpu.vector_load %arg10[%get3A_779, %get3A_780] {strides = array<i32>} : memref<32x1024xf32, #tpu.memory_space<vmem>>, vector<1x16xf32>,
      %get3A_782 = vector.shape_cast %get3A_781 : vector<1x16xf32> to vector<16xf32>
      %get3A_783 = arith.index_cast %scan3A_133 : i32 to index
      %get3A_784 = arith.constant 736 : index
      %get3A_785 = tpu.vector_load %arg11[%get3A_783, %get3A_784] {strides = array<i32>} : memref<32x1024xf32, #tpu.memory_space<vmem>>, vector<1x16xf32>,
      %get3A_786 = vector.shape_cast %get3A_785 : vector<1x16xf32> to vector<16xf32>
      %add3A_787 = arith.addf %get3A_782, %get3A_786 : vector<16xf32>
      %swap3A_788 = arith.index_cast %scan3A_133 : i32 to index
      %swap3A_789 = arith.constant 736 : index
      %swap3A_790 = tpu.vector_load %arg10[%swap3A_788, %swap3A_789] {strides = array<i32>} : memref<32x1024xf32, #tpu.memory_space<vmem>>, vector<1x16xf32>,
      %swap3A_791 = vector.shape_cast %swap3A_790 : vector<1x16xf32> to vector<16xf32>
      %swap3A_792 = vector.shape_cast %add3A_787 : vector<16xf32> to vector<1x16xf32>
      tpu.vector_store %arg10[%swap3A_788, %swap3A_789], %swap3A_792 {strides = array<i32>} : memref<32x1024xf32, #tpu.memory_space<vmem>>, vector<1x16xf32>,
      %get3A_793 = arith.index_cast %scan3A_133 : i32 to index
      %get3A_794 = arith.constant 752 : index
      %get3A_795 = tpu.vector_load %arg10[%get3A_793, %get3A_794] {strides = array<i32>} : memref<32x1024xf32, #tpu.memory_space<vmem>>, vector<1x16xf32>,
      %get3A_796 = vector.shape_cast %get3A_795 : vector<1x16xf32> to vector<16xf32>
      %get3A_797 = arith.index_cast %scan3A_133 : i32 to index
      %get3A_798 = arith.constant 752 : index
      %get3A_799 = tpu.vector_load %arg11[%get3A_797, %get3A_798] {strides = array<i32>} : memref<32x1024xf32, #tpu.memory_space<vmem>>, vector<1x16xf32>,
      %get3A_800 = vector.shape_cast %get3A_799 : vector<1x16xf32> to vector<16xf32>
      %add3A_801 = arith.addf %get3A_796, %get3A_800 : vector<16xf32>
      %swap3A_802 = arith.index_cast %scan3A_133 : i32 to index
      %swap3A_803 = arith.constant 752 : index
      %swap3A_804 = tpu.vector_load %arg10[%swap3A_802, %swap3A_803] {strides = array<i32>} : memref<32x1024xf32, #tpu.memory_space<vmem>>, vector<1x16xf32>,
      %swap3A_805 = vector.shape_cast %swap3A_804 : vector<1x16xf32> to vector<16xf32>
      %swap3A_806 = vector.shape_cast %add3A_801 : vector<16xf32> to vector<1x16xf32>
      tpu.vector_store %arg10[%swap3A_802, %swap3A_803], %swap3A_806 {strides = array<i32>} : memref<32x1024xf32, #tpu.memory_space<vmem>>, vector<1x16xf32>,
      %get3A_807 = arith.index_cast %scan3A_133 : i32 to index
      %get3A_808 = arith.constant 768 : index
      %get3A_809 = tpu.vector_load %arg10[%get3A_807, %get3A_808] {strides = array<i32>} : memref<32x1024xf32, #tpu.memory_space<vmem>>, vector<1x16xf32>,
      %get3A_810 = vector.shape_cast %get3A_809 : vector<1x16xf32> to vector<16xf32>
      %get3A_811 = arith.index_cast %scan3A_133 : i32 to index
      %get3A_812 = arith.constant 768 : index
      %get3A_813 = tpu.vector_load %arg11[%get3A_811, %get3A_812] {strides = array<i32>} : memref<32x1024xf32, #tpu.memory_space<vmem>>, vector<1x16xf32>,
      %get3A_814 = vector.shape_cast %get3A_813 : vector<1x16xf32> to vector<16xf32>
      %add3A_815 = arith.addf %get3A_810, %get3A_814 : vector<16xf32>
      %swap3A_816 = arith.index_cast %scan3A_133 : i32 to index
      %swap3A_817 = arith.constant 768 : index
      %swap3A_818 = tpu.vector_load %arg10[%swap3A_816, %swap3A_817] {strides = array<i32>} : memref<32x1024xf32, #tpu.memory_space<vmem>>, vector<1x16xf32>,
      %swap3A_819 = vector.shape_cast %swap3A_818 : vector<1x16xf32> to vector<16xf32>
      %swap3A_820 = vector.shape_cast %add3A_815 : vector<16xf32> to vector<1x16xf32>
      tpu.vector_store %arg10[%swap3A_816, %swap3A_817], %swap3A_820 {strides = array<i32>} : memref<32x1024xf32, #tpu.memory_space<vmem>>, vector<1x16xf32>,
      %get3A_821 = arith.index_cast %scan3A_133 : i32 to index
      %get3A_822 = arith.constant 784 : index
      %get3A_823 = tpu.vector_load %arg10[%get3A_821, %get3A_822] {strides = array<i32>} : memref<32x1024xf32, #tpu.memory_space<vmem>>, vector<1x16xf32>,
      %get3A_824 = vector.shape_cast %get3A_823 : vector<1x16xf32> to vector<16xf32>
      %get3A_825 = arith.index_cast %scan3A_133 : i32 to index
      %get3A_826 = arith.constant 784 : index
      %get3A_827 = tpu.vector_load %arg11[%get3A_825, %get3A_826] {strides = array<i32>} : memref<32x1024xf32, #tpu.memory_space<vmem>>, vector<1x16xf32>,
      %get3A_828 = vector.shape_cast %get3A_827 : vector<1x16xf32> to vector<16xf32>
      %add3A_829 = arith.addf %get3A_824, %get3A_828 : vector<16xf32>
      %swap3A_830 = arith.index_cast %scan3A_133 : i32 to index
      %swap3A_831 = arith.constant 784 : index
      %swap3A_832 = tpu.vector_load %arg10[%swap3A_830, %swap3A_831] {strides = array<i32>} : memref<32x1024xf32, #tpu.memory_space<vmem>>, vector<1x16xf32>,
      %swap3A_833 = vector.shape_cast %swap3A_832 : vector<1x16xf32> to vector<16xf32>
      %swap3A_834 = vector.shape_cast %add3A_829 : vector<16xf32> to vector<1x16xf32>
      tpu.vector_store %arg10[%swap3A_830, %swap3A_831], %swap3A_834 {strides = array<i32>} : memref<32x1024xf32, #tpu.memory_space<vmem>>, vector<1x16xf32>,
      %get3A_835 = arith.index_cast %scan3A_133 : i32 to index
      %get3A_836 = arith.constant 800 : index
      %get3A_837 = tpu.vector_load %arg10[%get3A_835, %get3A_836] {strides = array<i32>} : memref<32x1024xf32, #tpu.memory_space<vmem>>, vector<1x16xf32>,
      %get3A_838 = vector.shape_cast %get3A_837 : vector<1x16xf32> to vector<16xf32>
      %get3A_839 = arith.index_cast %scan3A_133 : i32 to index
      %get3A_840 = arith.constant 800 : index
      %get3A_841 = tpu.vector_load %arg11[%get3A_839, %get3A_840] {strides = array<i32>} : memref<32x1024xf32, #tpu.memory_space<vmem>>, vector<1x16xf32>,
      %get3A_842 = vector.shape_cast %get3A_841 : vector<1x16xf32> to vector<16xf32>
      %add3A_843 = arith.addf %get3A_838, %get3A_842 : vector<16xf32>
      %swap3A_844 = arith.index_cast %scan3A_133 : i32 to index
      %swap3A_845 = arith.constant 800 : index
      %swap3A_846 = tpu.vector_load %arg10[%swap3A_844, %swap3A_845] {strides = array<i32>} : memref<32x1024xf32, #tpu.memory_space<vmem>>, vector<1x16xf32>,
      %swap3A_847 = vector.shape_cast %swap3A_846 : vector<1x16xf32> to vector<16xf32>
      %swap3A_848 = vector.shape_cast %add3A_843 : vector<16xf32> to vector<1x16xf32>
      tpu.vector_store %arg10[%swap3A_844, %swap3A_845], %swap3A_848 {strides = array<i32>} : memref<32x1024xf32, #tpu.memory_space<vmem>>, vector<1x16xf32>,
      %get3A_849 = arith.index_cast %scan3A_133 : i32 to index
      %get3A_850 = arith.constant 816 : index
      %get3A_851 = tpu.vector_load %arg10[%get3A_849, %get3A_850] {strides = array<i32>} : memref<32x1024xf32, #tpu.memory_space<vmem>>, vector<1x16xf32>,
      %get3A_852 = vector.shape_cast %get3A_851 : vector<1x16xf32> to vector<16xf32>
      %get3A_853 = arith.index_cast %scan3A_133 : i32 to index
      %get3A_854 = arith.constant 816 : index
      %get3A_855 = tpu.vector_load %arg11[%get3A_853, %get3A_854] {strides = array<i32>} : memref<32x1024xf32, #tpu.memory_space<vmem>>, vector<1x16xf32>,
      %get3A_856 = vector.shape_cast %get3A_855 : vector<1x16xf32> to vector<16xf32>
      %add3A_857 = arith.addf %get3A_852, %get3A_856 : vector<16xf32>
      %swap3A_858 = arith.index_cast %scan3A_133 : i32 to index
      %swap3A_859 = arith.constant 816 : index
      %swap3A_860 = tpu.vector_load %arg10[%swap3A_858, %swap3A_859] {strides = array<i32>} : memref<32x1024xf32, #tpu.memory_space<vmem>>, vector<1x16xf32>,
      %swap3A_861 = vector.shape_cast %swap3A_860 : vector<1x16xf32> to vector<16xf32>
      %swap3A_862 = vector.shape_cast %add3A_857 : vector<16xf32> to vector<1x16xf32>
      tpu.vector_store %arg10[%swap3A_858, %swap3A_859], %swap3A_862 {strides = array<i32>} : memref<32x1024xf32, #tpu.memory_space<vmem>>, vector<1x16xf32>,
      %get3A_863 = arith.index_cast %scan3A_133 : i32 to index
      %get3A_864 = arith.constant 832 : index
      %get3A_865 = tpu.vector_load %arg10[%get3A_863, %get3A_864] {strides = array<i32>} : memref<32x1024xf32, #tpu.memory_space<vmem>>, vector<1x16xf32>,
      %get3A_866 = vector.shape_cast %get3A_865 : vector<1x16xf32> to vector<16xf32>
      %get3A_867 = arith.index_cast %scan3A_133 : i32 to index
      %get3A_868 = arith.constant 832 : index
      %get3A_869 = tpu.vector_load %arg11[%get3A_867, %get3A_868] {strides = array<i32>} : memref<32x1024xf32, #tpu.memory_space<vmem>>, vector<1x16xf32>,
      %get3A_870 = vector.shape_cast %get3A_869 : vector<1x16xf32> to vector<16xf32>
      %add3A_871 = arith.addf %get3A_866, %get3A_870 : vector<16xf32>
      %swap3A_872 = arith.index_cast %scan3A_133 : i32 to index
      %swap3A_873 = arith.constant 832 : index
      %swap3A_874 = tpu.vector_load %arg10[%swap3A_872, %swap3A_873] {strides = array<i32>} : memref<32x1024xf32, #tpu.memory_space<vmem>>, vector<1x16xf32>,
      %swap3A_875 = vector.shape_cast %swap3A_874 : vector<1x16xf32> to vector<16xf32>
      %swap3A_876 = vector.shape_cast %add3A_871 : vector<16xf32> to vector<1x16xf32>
      tpu.vector_store %arg10[%swap3A_872, %swap3A_873], %swap3A_876 {strides = array<i32>} : memref<32x1024xf32, #tpu.memory_space<vmem>>, vector<1x16xf32>,
      %get3A_877 = arith.index_cast %scan3A_133 : i32 to index
      %get3A_878 = arith.constant 848 : index
      %get3A_879 = tpu.vector_load %arg10[%get3A_877, %get3A_878] {strides = array<i32>} : memref<32x1024xf32, #tpu.memory_space<vmem>>, vector<1x16xf32>,
      %get3A_880 = vector.shape_cast %get3A_879 : vector<1x16xf32> to vector<16xf32>
      %get3A_881 = arith.index_cast %scan3A_133 : i32 to index
      %get3A_882 = arith.constant 848 : index
      %get3A_883 = tpu.vector_load %arg11[%get3A_881, %get3A_882] {strides = array<i32>} : memref<32x1024xf32, #tpu.memory_space<vmem>>, vector<1x16xf32>,
      %get3A_884 = vector.shape_cast %get3A_883 : vector<1x16xf32> to vector<16xf32>
      %add3A_885 = arith.addf %get3A_880, %get3A_884 : vector<16xf32>
      %swap3A_886 = arith.index_cast %scan3A_133 : i32 to index
      %swap3A_887 = arith.constant 848 : index
      %swap3A_888 = tpu.vector_load %arg10[%swap3A_886, %swap3A_887] {strides = array<i32>} : memref<32x1024xf32, #tpu.memory_space<vmem>>, vector<1x16xf32>,
      %swap3A_889 = vector.shape_cast %swap3A_888 : vector<1x16xf32> to vector<16xf32>
      %swap3A_890 = vector.shape_cast %add3A_885 : vector<16xf32> to vector<1x16xf32>
      tpu.vector_store %arg10[%swap3A_886, %swap3A_887], %swap3A_890 {strides = array<i32>} : memref<32x1024xf32, #tpu.memory_space<vmem>>, vector<1x16xf32>,
      %get3A_891 = arith.index_cast %scan3A_133 : i32 to index
      %get3A_892 = arith.constant 864 : index
      %get3A_893 = tpu.vector_load %arg10[%get3A_891, %get3A_892] {strides = array<i32>} : memref<32x1024xf32, #tpu.memory_space<vmem>>, vector<1x16xf32>,
      %get3A_894 = vector.shape_cast %get3A_893 : vector<1x16xf32> to vector<16xf32>
      %get3A_895 = arith.index_cast %scan3A_133 : i32 to index
      %get3A_896 = arith.constant 864 : index
      %get3A_897 = tpu.vector_load %arg11[%get3A_895, %get3A_896] {strides = array<i32>} : memref<32x1024xf32, #tpu.memory_space<vmem>>, vector<1x16xf32>,
      %get3A_898 = vector.shape_cast %get3A_897 : vector<1x16xf32> to vector<16xf32>
      %add3A_899 = arith.addf %get3A_894, %get3A_898 : vector<16xf32>
      %swap3A_900 = arith.index_cast %scan3A_133 : i32 to index
      %swap3A_901 = arith.constant 864 : index
      %swap3A_902 = tpu.vector_load %arg10[%swap3A_900, %swap3A_901] {strides = array<i32>} : memref<32x1024xf32, #tpu.memory_space<vmem>>, vector<1x16xf32>,
      %swap3A_903 = vector.shape_cast %swap3A_902 : vector<1x16xf32> to vector<16xf32>
      %swap3A_904 = vector.shape_cast %add3A_899 : vector<16xf32> to vector<1x16xf32>
      tpu.vector_store %arg10[%swap3A_900, %swap3A_901], %swap3A_904 {strides = array<i32>} : memref<32x1024xf32, #tpu.memory_space<vmem>>, vector<1x16xf32>,
      %get3A_905 = arith.index_cast %scan3A_133 : i32 to index
      %get3A_906 = arith.constant 880 : index
      %get3A_907 = tpu.vector_load %arg10[%get3A_905, %get3A_906] {strides = array<i32>} : memref<32x1024xf32, #tpu.memory_space<vmem>>, vector<1x16xf32>,
      %get3A_908 = vector.shape_cast %get3A_907 : vector<1x16xf32> to vector<16xf32>
      %get3A_909 = arith.index_cast %scan3A_133 : i32 to index
      %get3A_910 = arith.constant 880 : index
      %get3A_911 = tpu.vector_load %arg11[%get3A_909, %get3A_910] {strides = array<i32>} : memref<32x1024xf32, #tpu.memory_space<vmem>>, vector<1x16xf32>,
      %get3A_912 = vector.shape_cast %get3A_911 : vector<1x16xf32> to vector<16xf32>
      %add3A_913 = arith.addf %get3A_908, %get3A_912 : vector<16xf32>
      %swap3A_914 = arith.index_cast %scan3A_133 : i32 to index
      %swap3A_915 = arith.constant 880 : index
      %swap3A_916 = tpu.vector_load %arg10[%swap3A_914, %swap3A_915] {strides = array<i32>} : memref<32x1024xf32, #tpu.memory_space<vmem>>, vector<1x16xf32>,
      %swap3A_917 = vector.shape_cast %swap3A_916 : vector<1x16xf32> to vector<16xf32>
      %swap3A_918 = vector.shape_cast %add3A_913 : vector<16xf32> to vector<1x16xf32>
      tpu.vector_store %arg10[%swap3A_914, %swap3A_915], %swap3A_918 {strides = array<i32>} : memref<32x1024xf32, #tpu.memory_space<vmem>>, vector<1x16xf32>,
      %get3A_919 = arith.index_cast %scan3A_133 : i32 to index
      %get3A_920 = arith.constant 896 : index
      %get3A_921 = tpu.vector_load %arg10[%get3A_919, %get3A_920] {strides = array<i32>} : memref<32x1024xf32, #tpu.memory_space<vmem>>, vector<1x16xf32>,
      %get3A_922 = vector.shape_cast %get3A_921 : vector<1x16xf32> to vector<16xf32>
      %get3A_923 = arith.index_cast %scan3A_133 : i32 to index
      %get3A_924 = arith.constant 896 : index
      %get3A_925 = tpu.vector_load %arg11[%get3A_923, %get3A_924] {strides = array<i32>} : memref<32x1024xf32, #tpu.memory_space<vmem>>, vector<1x16xf32>,
      %get3A_926 = vector.shape_cast %get3A_925 : vector<1x16xf32> to vector<16xf32>
      %add3A_927 = arith.addf %get3A_922, %get3A_926 : vector<16xf32>
      %swap3A_928 = arith.index_cast %scan3A_133 : i32 to index
      %swap3A_929 = arith.constant 896 : index
      %swap3A_930 = tpu.vector_load %arg10[%swap3A_928, %swap3A_929] {strides = array<i32>} : memref<32x1024xf32, #tpu.memory_space<vmem>>, vector<1x16xf32>,
      %swap3A_931 = vector.shape_cast %swap3A_930 : vector<1x16xf32> to vector<16xf32>
      %swap3A_932 = vector.shape_cast %add3A_927 : vector<16xf32> to vector<1x16xf32>
      tpu.vector_store %arg10[%swap3A_928, %swap3A_929], %swap3A_932 {strides = array<i32>} : memref<32x1024xf32, #tpu.memory_space<vmem>>, vector<1x16xf32>,
      %get3A_933 = arith.index_cast %scan3A_133 : i32 to index
      %get3A_934 = arith.constant 912 : index
      %get3A_935 = tpu.vector_load %arg10[%get3A_933, %get3A_934] {strides = array<i32>} : memref<32x1024xf32, #tpu.memory_space<vmem>>, vector<1x16xf32>,
      %get3A_936 = vector.shape_cast %get3A_935 : vector<1x16xf32> to vector<16xf32>
      %get3A_937 = arith.index_cast %scan3A_133 : i32 to index
      %get3A_938 = arith.constant 912 : index
      %get3A_939 = tpu.vector_load %arg11[%get3A_937, %get3A_938] {strides = array<i32>} : memref<32x1024xf32, #tpu.memory_space<vmem>>, vector<1x16xf32>,
      %get3A_940 = vector.shape_cast %get3A_939 : vector<1x16xf32> to vector<16xf32>
      %add3A_941 = arith.addf %get3A_936, %get3A_940 : vector<16xf32>
      %swap3A_942 = arith.index_cast %scan3A_133 : i32 to index
      %swap3A_943 = arith.constant 912 : index
      %swap3A_944 = tpu.vector_load %arg10[%swap3A_942, %swap3A_943] {strides = array<i32>} : memref<32x1024xf32, #tpu.memory_space<vmem>>, vector<1x16xf32>,
      %swap3A_945 = vector.shape_cast %swap3A_944 : vector<1x16xf32> to vector<16xf32>
      %swap3A_946 = vector.shape_cast %add3A_941 : vector<16xf32> to vector<1x16xf32>
      tpu.vector_store %arg10[%swap3A_942, %swap3A_943], %swap3A_946 {strides = array<i32>} : memref<32x1024xf32, #tpu.memory_space<vmem>>, vector<1x16xf32>,
      %get3A_947 = arith.index_cast %scan3A_133 : i32 to index
      %get3A_948 = arith.constant 928 : index
      %get3A_949 = tpu.vector_load %arg10[%get3A_947, %get3A_948] {strides = array<i32>} : memref<32x1024xf32, #tpu.memory_space<vmem>>, vector<1x16xf32>,
      %get3A_950 = vector.shape_cast %get3A_949 : vector<1x16xf32> to vector<16xf32>
      %get3A_951 = arith.index_cast %scan3A_133 : i32 to index
      %get3A_952 = arith.constant 928 : index
      %get3A_953 = tpu.vector_load %arg11[%get3A_951, %get3A_952] {strides = array<i32>} : memref<32x1024xf32, #tpu.memory_space<vmem>>, vector<1x16xf32>,
      %get3A_954 = vector.shape_cast %get3A_953 : vector<1x16xf32> to vector<16xf32>
      %add3A_955 = arith.addf %get3A_950, %get3A_954 : vector<16xf32>
      %swap3A_956 = arith.index_cast %scan3A_133 : i32 to index
      %swap3A_957 = arith.constant 928 : index
      %swap3A_958 = tpu.vector_load %arg10[%swap3A_956, %swap3A_957] {strides = array<i32>} : memref<32x1024xf32, #tpu.memory_space<vmem>>, vector<1x16xf32>,
      %swap3A_959 = vector.shape_cast %swap3A_958 : vector<1x16xf32> to vector<16xf32>
      %swap3A_960 = vector.shape_cast %add3A_955 : vector<16xf32> to vector<1x16xf32>
      tpu.vector_store %arg10[%swap3A_956, %swap3A_957], %swap3A_960 {strides = array<i32>} : memref<32x1024xf32, #tpu.memory_space<vmem>>, vector<1x16xf32>,
      %get3A_961 = arith.index_cast %scan3A_133 : i32 to index
      %get3A_962 = arith.constant 944 : index
      %get3A_963 = tpu.vector_load %arg10[%get3A_961, %get3A_962] {strides = array<i32>} : memref<32x1024xf32, #tpu.memory_space<vmem>>, vector<1x16xf32>,
      %get3A_964 = vector.shape_cast %get3A_963 : vector<1x16xf32> to vector<16xf32>
      %get3A_965 = arith.index_cast %scan3A_133 : i32 to index
      %get3A_966 = arith.constant 944 : index
      %get3A_967 = tpu.vector_load %arg11[%get3A_965, %get3A_966] {strides = array<i32>} : memref<32x1024xf32, #tpu.memory_space<vmem>>, vector<1x16xf32>,
      %get3A_968 = vector.shape_cast %get3A_967 : vector<1x16xf32> to vector<16xf32>
      %add3A_969 = arith.addf %get3A_964, %get3A_968 : vector<16xf32>
      %swap3A_970 = arith.index_cast %scan3A_133 : i32 to index
      %swap3A_971 = arith.constant 944 : index
      %swap3A_972 = tpu.vector_load %arg10[%swap3A_970, %swap3A_971] {strides = array<i32>} : memref<32x1024xf32, #tpu.memory_space<vmem>>, vector<1x16xf32>,
      %swap3A_973 = vector.shape_cast %swap3A_972 : vector<1x16xf32> to vector<16xf32>
      %swap3A_974 = vector.shape_cast %add3A_969 : vector<16xf32> to vector<1x16xf32>
      tpu.vector_store %arg10[%swap3A_970, %swap3A_971], %swap3A_974 {strides = array<i32>} : memref<32x1024xf32, #tpu.memory_space<vmem>>, vector<1x16xf32>,
      %get3A_975 = arith.index_cast %scan3A_133 : i32 to index
      %get3A_976 = arith.constant 960 : index
      %get3A_977 = tpu.vector_load %arg10[%get3A_975, %get3A_976] {strides = array<i32>} : memref<32x1024xf32, #tpu.memory_space<vmem>>, vector<1x16xf32>,
      %get3A_978 = vector.shape_cast %get3A_977 : vector<1x16xf32> to vector<16xf32>
      %get3A_979 = arith.index_cast %scan3A_133 : i32 to index
      %get3A_980 = arith.constant 960 : index
      %get3A_981 = tpu.vector_load %arg11[%get3A_979, %get3A_980] {strides = array<i32>} : memref<32x1024xf32, #tpu.memory_space<vmem>>, vector<1x16xf32>,
      %get3A_982 = vector.shape_cast %get3A_981 : vector<1x16xf32> to vector<16xf32>
      %add3A_983 = arith.addf %get3A_978, %get3A_982 : vector<16xf32>
      %swap3A_984 = arith.index_cast %scan3A_133 : i32 to index
      %swap3A_985 = arith.constant 960 : index
      %swap3A_986 = tpu.vector_load %arg10[%swap3A_984, %swap3A_985] {strides = array<i32>} : memref<32x1024xf32, #tpu.memory_space<vmem>>, vector<1x16xf32>,
      %swap3A_987 = vector.shape_cast %swap3A_986 : vector<1x16xf32> to vector<16xf32>
      %swap3A_988 = vector.shape_cast %add3A_983 : vector<16xf32> to vector<1x16xf32>
      tpu.vector_store %arg10[%swap3A_984, %swap3A_985], %swap3A_988 {strides = array<i32>} : memref<32x1024xf32, #tpu.memory_space<vmem>>, vector<1x16xf32>,
      %get3A_989 = arith.index_cast %scan3A_133 : i32 to index
      %get3A_990 = arith.constant 976 : index
      %get3A_991 = tpu.vector_load %arg10[%get3A_989, %get3A_990] {strides = array<i32>} : memref<32x1024xf32, #tpu.memory_space<vmem>>, vector<1x16xf32>,
      %get3A_992 = vector.shape_cast %get3A_991 : vector<1x16xf32> to vector<16xf32>
      %get3A_993 = arith.index_cast %scan3A_133 : i32 to index
      %get3A_994 = arith.constant 976 : index
      %get3A_995 = tpu.vector_load %arg11[%get3A_993, %get3A_994] {strides = array<i32>} : memref<32x1024xf32, #tpu.memory_space<vmem>>, vector<1x16xf32>,
      %get3A_996 = vector.shape_cast %get3A_995 : vector<1x16xf32> to vector<16xf32>
      %add3A_997 = arith.addf %get3A_992, %get3A_996 : vector<16xf32>
      %swap3A_998 = arith.index_cast %scan3A_133 : i32 to index
      %swap3A_999 = arith.constant 976 : index
      %swap3A_1000 = tpu.vector_load %arg10[%swap3A_998, %swap3A_999] {strides = array<i32>} : memref<32x1024xf32, #tpu.memory_space<vmem>>, vector<1x16xf32>,
      %swap3A_1001 = vector.shape_cast %swap3A_1000 : vector<1x16xf32> to vector<16xf32>
      %swap3A_1002 = vector.shape_cast %add3A_997 : vector<16xf32> to vector<1x16xf32>
      tpu.vector_store %arg10[%swap3A_998, %swap3A_999], %swap3A_1002 {strides = array<i32>} : memref<32x1024xf32, #tpu.memory_space<vmem>>, vector<1x16xf32>,
      %get3A_1003 = arith.index_cast %scan3A_133 : i32 to index
      %get3A_1004 = arith.constant 992 : index
      %get3A_1005 = tpu.vector_load %arg10[%get3A_1003, %get3A_1004] {strides = array<i32>} : memref<32x1024xf32, #tpu.memory_space<vmem>>, vector<1x16xf32>,
      %get3A_1006 = vector.shape_cast %get3A_1005 : vector<1x16xf32> to vector<16xf32>
      %get3A_1007 = arith.index_cast %scan3A_133 : i32 to index
      %get3A_1008 = arith.constant 992 : index
      %get3A_1009 = tpu.vector_load %arg11[%get3A_1007, %get3A_1008] {strides = array<i32>} : memref<32x1024xf32, #tpu.memory_space<vmem>>, vector<1x16xf32>,
      %get3A_1010 = vector.shape_cast %get3A_1009 : vector<1x16xf32> to vector<16xf32>
      %add3A_1011 = arith.addf %get3A_1006, %get3A_1010 : vector<16xf32>
      %swap3A_1012 = arith.index_cast %scan3A_133 : i32 to index
      %swap3A_1013 = arith.constant 992 : index
      %swap3A_1014 = tpu.vector_load %arg10[%swap3A_1012, %swap3A_1013] {strides = array<i32>} : memref<32x1024xf32, #tpu.memory_space<vmem>>, vector<1x16xf32>,
      %swap3A_1015 = vector.shape_cast %swap3A_1014 : vector<1x16xf32> to vector<16xf32>
      %swap3A_1016 = vector.shape_cast %add3A_1011 : vector<16xf32> to vector<1x16xf32>
      tpu.vector_store %arg10[%swap3A_1012, %swap3A_1013], %swap3A_1016 {strides = array<i32>} : memref<32x1024xf32, #tpu.memory_space<vmem>>, vector<1x16xf32>,
      %get3A_1017 = arith.index_cast %scan3A_133 : i32 to index
      %get3A_1018 = arith.constant 1008 : index
      %get3A_1019 = tpu.vector_load %arg10[%get3A_1017, %get3A_1018] {strides = array<i32>} : memref<32x1024xf32, #tpu.memory_space<vmem>>, vector<1x16xf32>,
      %get3A_1020 = vector.shape_cast %get3A_1019 : vector<1x16xf32> to vector<16xf32>
      %get3A_1021 = arith.index_cast %scan3A_133 : i32 to index
      %get3A_1022 = arith.constant 1008 : index
      %get3A_1023 = tpu.vector_load %arg11[%get3A_1021, %get3A_1022] {strides = array<i32>} : memref<32x1024xf32, #tpu.memory_space<vmem>>, vector<1x16xf32>,
      %get3A_1024 = vector.shape_cast %get3A_1023 : vector<1x16xf32> to vector<16xf32>
      %add3A_1025 = arith.addf %get3A_1020, %get3A_1024 : vector<16xf32>
      %swap3A_1026 = arith.index_cast %scan3A_133 : i32 to index
      %swap3A_1027 = arith.constant 1008 : index
      %swap3A_1028 = tpu.vector_load %arg10[%swap3A_1026, %swap3A_1027] {strides = array<i32>} : memref<32x1024xf32, #tpu.memory_space<vmem>>, vector<1x16xf32>,
      %swap3A_1029 = vector.shape_cast %swap3A_1028 : vector<1x16xf32> to vector<16xf32>
      %swap3A_1030 = vector.shape_cast %add3A_1025 : vector<16xf32> to vector<1x16xf32>
      tpu.vector_store %arg10[%swap3A_1026, %swap3A_1027], %swap3A_1030 {strides = array<i32>} : memref<32x1024xf32, #tpu.memory_space<vmem>>, vector<1x16xf32>,
      %scan3A_1031 = arith.constant 0 : i32
      scf.yield %scan3A_1031 : i32
    }
    %scan3A_121 = arith.constant 32 : i32
    %add3A_122 = arith.constant 0 : i32
    %add3A_123 = arith.addi %mul3A_2, %add3A_122 : i32
    "tpu.region"() ({
      %run_scoped3A_133 = tpu.sem_alloc : memref<!tpu.dma_semaphore, #tpu.memory_space<semaphore_mem>>
      %dma_start3A = arith.constant 0 : i32
      %dma_start3A_134 = tpu.memref_slice %arg5[%add3A_123, %dma_start3A] : memref<2048x1024xf32, #tpu.memory_space<hbm>> -> memref<32x1024xf32, #tpu.memory_space<hbm>>
      %dma_start3A_135 = arith.constant 0 : i32
      %dma_start3A_136 = tpu.memref_slice %arg5[%add3A_123, %dma_start3A_135] : memref<2048x1024xf32, #tpu.memory_space<hbm>> -> memref<32x1024xf32, #tpu.memory_space<hbm>>
      tpu.enqueue_dma source(%arg10 : memref<32x1024xf32, #tpu.memory_space<vmem>>) target(%dma_start3A_136 : memref<32x1024xf32, #tpu.memory_space<hbm>>) target_semaphore(%run_scoped3A_133 : memref<!tpu.dma_semaphore, #tpu.memory_space<semaphore_mem>>)
      %dma_wait3A = arith.constant 0 : i32
      %dma_wait3A_137 = tpu.memref_slice %arg5[%add3A_123, %dma_wait3A] : memref<2048x1024xf32, #tpu.memory_space<hbm>> -> memref<32x1024xf32, #tpu.memory_space<hbm>>
      %dma_wait3A_138 = arith.constant 0 : i32
      %dma_wait3A_139 = tpu.memref_slice %arg5[%add3A_123, %dma_wait3A_138] : memref<2048x1024xf32, #tpu.memory_space<hbm>> -> memref<32x1024xf32, #tpu.memory_space<hbm>>
      tpu.wait_dma2 semaphore(%run_scoped3A_133 : memref<!tpu.dma_semaphore, #tpu.memory_space<semaphore_mem>>) src(%arg10 : memref<32x1024xf32, #tpu.memory_space<vmem>>) dst(%dma_wait3A_139 : memref<32x1024xf32, #tpu.memory_space<hbm>>)
      tpu.yield
    }) : () -> ()
    "tpu.region"() ({
      %run_scoped3A_133 = tpu.sem_alloc : memref<!tpu.dma_semaphore, #tpu.memory_space<semaphore_mem>>
      %dma_start3A = arith.constant 32 : i32
      %dma_start3A_134 = tpu.memref_slice %arg6[%dma_start3A] : memref<64xi32, #tpu.memory_space<vmem>> -> memref<32xi32, #tpu.memory_space<vmem>>
      %dma_start3A_135 = arith.constant 0 : i32
      %dma_start3A_136 = arith.constant 0 : i32
      %dma_start3A_137 = tpu.memref_slice %arg2[%dma_start3A_135, %dma_start3A_136] : memref<32768x1024xf32, #tpu.memory_space<hbm>> -> memref<32768x1024xf32, #tpu.memory_space<hbm>>
      tpu.enqueue_indirect_dma source(%dma_start3A_137 : memref<32768x1024xf32, #tpu.memory_space<hbm>>) target(%arg10 : memref<32x1024xf32, #tpu.memory_space<vmem>>) offsets(%dma_start3A_134 : memref<32xi32, #tpu.memory_space<vmem>>) semaphore(%run_scoped3A_133 : memref<!tpu.dma_semaphore, #tpu.memory_space<semaphore_mem>>)
      %dma_wait3A = arith.constant 32 : i32
      %dma_wait3A_138 = tpu.memref_slice %arg6[%dma_wait3A] : memref<64xi32, #tpu.memory_space<vmem>> -> memref<32xi32, #tpu.memory_space<vmem>>
      %dma_wait3A_139 = arith.constant 0 : i32
      %dma_wait3A_140 = arith.constant 0 : i32
      %dma_wait3A_141 = tpu.memref_slice %arg2[%dma_wait3A_139, %dma_wait3A_140] : memref<32768x1024xf32, #tpu.memory_space<hbm>> -> memref<32768x1024xf32, #tpu.memory_space<hbm>>
      tpu.wait_indirect_dma semaphore(%run_scoped3A_133 : memref<!tpu.dma_semaphore, #tpu.memory_space<semaphore_mem>>) src(%dma_wait3A_141 : memref<32768x1024xf32, #tpu.memory_space<hbm>>) dst(%arg10 : memref<32x1024xf32, #tpu.memory_space<vmem>>)
      tpu.yield
    }) : () -> ()
    "tpu.region"() ({
      %run_scoped3A_133 = tpu.sem_alloc : memref<!tpu.dma_semaphore, #tpu.memory_space<semaphore_mem>>
      %dma_start3A = arith.constant 32 : i32
      %dma_start3A_134 = tpu.memref_slice %arg7[%dma_start3A] : memref<64xi32, #tpu.memory_space<vmem>> -> memref<32xi32, #tpu.memory_space<vmem>>
      %dma_start3A_135 = arith.constant 0 : i32
      %dma_start3A_136 = arith.constant 0 : i32
      %dma_start3A_137 = tpu.memref_slice %arg2[%dma_start3A_135, %dma_start3A_136] : memref<32768x1024xf32, #tpu.memory_space<hbm>> -> memref<32768x1024xf32, #tpu.memory_space<hbm>>
      tpu.enqueue_indirect_dma source(%dma_start3A_137 : memref<32768x1024xf32, #tpu.memory_space<hbm>>) target(%arg11 : memref<32x1024xf32, #tpu.memory_space<vmem>>) offsets(%dma_start3A_134 : memref<32xi32, #tpu.memory_space<vmem>>) semaphore(%run_scoped3A_133 : memref<!tpu.dma_semaphore, #tpu.memory_space<semaphore_mem>>)
      %dma_wait3A = arith.constant 32 : i32
      %dma_wait3A_138 = tpu.memref_slice %arg7[%dma_wait3A] : memref<64xi32, #tpu.memory_space<vmem>> -> memref<32xi32, #tpu.memory_space<vmem>>
      %dma_wait3A_139 = arith.constant 0 : i32
      %dma_wait3A_140 = arith.constant 0 : i32
      %dma_wait3A_141 = tpu.memref_slice %arg2[%dma_wait3A_139, %dma_wait3A_140] : memref<32768x1024xf32, #tpu.memory_space<hbm>> -> memref<32768x1024xf32, #tpu.memory_space<hbm>>
      tpu.wait_indirect_dma semaphore(%run_scoped3A_133 : memref<!tpu.dma_semaphore, #tpu.memory_space<semaphore_mem>>) src(%dma_wait3A_141 : memref<32768x1024xf32, #tpu.memory_space<hbm>>) dst(%arg11 : memref<32x1024xf32, #tpu.memory_space<vmem>>)
      tpu.yield
    }) : () -> ()
    %scan3A_124 = arith.constant 0 : i32
    %scan3A_125 = arith.constant 0 : i32
    %scan3A_126 = arith.constant 32 : i32
    %scan3A_127 = arith.addi %scan3A_125, %scan3A_126 : i32
    %scan3A_128 = arith.constant 1 : i32
    %scan3A_129 = scf.for %scan3A_133 = %scan3A_125 to %scan3A_127 step %scan3A_128 iter_args(%scan3A_134 = %scan3A_124) -> (i32)  : i32 {
      %get3A_135 = arith.index_cast %scan3A_133 : i32 to index
      %get3A_136 = arith.constant 0 : index
      %get3A_137 = tpu.vector_load %arg10[%get3A_135, %get3A_136] {strides = array<i32>} : memref<32x1024xf32, #tpu.memory_space<vmem>>, vector<1x16xf32>,
      %get3A_138 = vector.shape_cast %get3A_137 : vector<1x16xf32> to vector<16xf32>
      %get3A_139 = arith.index_cast %scan3A_133 : i32 to index
      %get3A_140 = arith.constant 0 : index
      %get3A_141 = tpu.vector_load %arg11[%get3A_139, %get3A_140] {strides = array<i32>} : memref<32x1024xf32, #tpu.memory_space<vmem>>, vector<1x16xf32>,
      %get3A_142 = vector.shape_cast %get3A_141 : vector<1x16xf32> to vector<16xf32>
      %add3A_143 = arith.addf %get3A_138, %get3A_142 : vector<16xf32>
      %swap3A_144 = arith.index_cast %scan3A_133 : i32 to index
      %swap3A_145 = arith.constant 0 : index
      %swap3A_146 = tpu.vector_load %arg10[%swap3A_144, %swap3A_145] {strides = array<i32>} : memref<32x1024xf32, #tpu.memory_space<vmem>>, vector<1x16xf32>,
      %swap3A_147 = vector.shape_cast %swap3A_146 : vector<1x16xf32> to vector<16xf32>
      %swap3A_148 = vector.shape_cast %add3A_143 : vector<16xf32> to vector<1x16xf32>
      tpu.vector_store %arg10[%swap3A_144, %swap3A_145], %swap3A_148 {strides = array<i32>} : memref<32x1024xf32, #tpu.memory_space<vmem>>, vector<1x16xf32>,
      %get3A_149 = arith.index_cast %scan3A_133 : i32 to index
      %get3A_150 = arith.constant 16 : index
      %get3A_151 = tpu.vector_load %arg10[%get3A_149, %get3A_150] {strides = array<i32>} : memref<32x1024xf32, #tpu.memory_space<vmem>>, vector<1x16xf32>,
      %get3A_152 = vector.shape_cast %get3A_151 : vector<1x16xf32> to vector<16xf32>
      %get3A_153 = arith.index_cast %scan3A_133 : i32 to index
      %get3A_154 = arith.constant 16 : index
      %get3A_155 = tpu.vector_load %arg11[%get3A_153, %get3A_154] {strides = array<i32>} : memref<32x1024xf32, #tpu.memory_space<vmem>>, vector<1x16xf32>,
      %get3A_156 = vector.shape_cast %get3A_155 : vector<1x16xf32> to vector<16xf32>
      %add3A_157 = arith.addf %get3A_152, %get3A_156 : vector<16xf32>
      %swap3A_158 = arith.index_cast %scan3A_133 : i32 to index
      %swap3A_159 = arith.constant 16 : index
      %swap3A_160 = tpu.vector_load %arg10[%swap3A_158, %swap3A_159] {strides = array<i32>} : memref<32x1024xf32, #tpu.memory_space<vmem>>, vector<1x16xf32>,
      %swap3A_161 = vector.shape_cast %swap3A_160 : vector<1x16xf32> to vector<16xf32>
      %swap3A_162 = vector.shape_cast %add3A_157 : vector<16xf32> to vector<1x16xf32>
      tpu.vector_store %arg10[%swap3A_158, %swap3A_159], %swap3A_162 {strides = array<i32>} : memref<32x1024xf32, #tpu.memory_space<vmem>>, vector<1x16xf32>,
      %get3A_163 = arith.index_cast %scan3A_133 : i32 to index
      %get3A_164 = arith.constant 32 : index
      %get3A_165 = tpu.vector_load %arg10[%get3A_163, %get3A_164] {strides = array<i32>} : memref<32x1024xf32, #tpu.memory_space<vmem>>, vector<1x16xf32>,
      %get3A_166 = vector.shape_cast %get3A_165 : vector<1x16xf32> to vector<16xf32>
      %get3A_167 = arith.index_cast %scan3A_133 : i32 to index
      %get3A_168 = arith.constant 32 : index
      %get3A_169 = tpu.vector_load %arg11[%get3A_167, %get3A_168] {strides = array<i32>} : memref<32x1024xf32, #tpu.memory_space<vmem>>, vector<1x16xf32>,
      %get3A_170 = vector.shape_cast %get3A_169 : vector<1x16xf32> to vector<16xf32>
      %add3A_171 = arith.addf %get3A_166, %get3A_170 : vector<16xf32>
      %swap3A_172 = arith.index_cast %scan3A_133 : i32 to index
      %swap3A_173 = arith.constant 32 : index
      %swap3A_174 = tpu.vector_load %arg10[%swap3A_172, %swap3A_173] {strides = array<i32>} : memref<32x1024xf32, #tpu.memory_space<vmem>>, vector<1x16xf32>,
      %swap3A_175 = vector.shape_cast %swap3A_174 : vector<1x16xf32> to vector<16xf32>
      %swap3A_176 = vector.shape_cast %add3A_171 : vector<16xf32> to vector<1x16xf32>
      tpu.vector_store %arg10[%swap3A_172, %swap3A_173], %swap3A_176 {strides = array<i32>} : memref<32x1024xf32, #tpu.memory_space<vmem>>, vector<1x16xf32>,
      %get3A_177 = arith.index_cast %scan3A_133 : i32 to index
      %get3A_178 = arith.constant 48 : index
      %get3A_179 = tpu.vector_load %arg10[%get3A_177, %get3A_178] {strides = array<i32>} : memref<32x1024xf32, #tpu.memory_space<vmem>>, vector<1x16xf32>,
      %get3A_180 = vector.shape_cast %get3A_179 : vector<1x16xf32> to vector<16xf32>
      %get3A_181 = arith.index_cast %scan3A_133 : i32 to index
      %get3A_182 = arith.constant 48 : index
      %get3A_183 = tpu.vector_load %arg11[%get3A_181, %get3A_182] {strides = array<i32>} : memref<32x1024xf32, #tpu.memory_space<vmem>>, vector<1x16xf32>,
      %get3A_184 = vector.shape_cast %get3A_183 : vector<1x16xf32> to vector<16xf32>
      %add3A_185 = arith.addf %get3A_180, %get3A_184 : vector<16xf32>
      %swap3A_186 = arith.index_cast %scan3A_133 : i32 to index
      %swap3A_187 = arith.constant 48 : index
      %swap3A_188 = tpu.vector_load %arg10[%swap3A_186, %swap3A_187] {strides = array<i32>} : memref<32x1024xf32, #tpu.memory_space<vmem>>, vector<1x16xf32>,
      %swap3A_189 = vector.shape_cast %swap3A_188 : vector<1x16xf32> to vector<16xf32>
      %swap3A_190 = vector.shape_cast %add3A_185 : vector<16xf32> to vector<1x16xf32>
      tpu.vector_store %arg10[%swap3A_186, %swap3A_187], %swap3A_190 {strides = array<i32>} : memref<32x1024xf32, #tpu.memory_space<vmem>>, vector<1x16xf32>,
      %get3A_191 = arith.index_cast %scan3A_133 : i32 to index
      %get3A_192 = arith.constant 64 : index
      %get3A_193 = tpu.vector_load %arg10[%get3A_191, %get3A_192] {strides = array<i32>} : memref<32x1024xf32, #tpu.memory_space<vmem>>, vector<1x16xf32>,
      %get3A_194 = vector.shape_cast %get3A_193 : vector<1x16xf32> to vector<16xf32>
      %get3A_195 = arith.index_cast %scan3A_133 : i32 to index
      %get3A_196 = arith.constant 64 : index
      %get3A_197 = tpu.vector_load %arg11[%get3A_195, %get3A_196] {strides = array<i32>} : memref<32x1024xf32, #tpu.memory_space<vmem>>, vector<1x16xf32>,
      %get3A_198 = vector.shape_cast %get3A_197 : vector<1x16xf32> to vector<16xf32>
      %add3A_199 = arith.addf %get3A_194, %get3A_198 : vector<16xf32>
      %swap3A_200 = arith.index_cast %scan3A_133 : i32 to index
      %swap3A_201 = arith.constant 64 : index
      %swap3A_202 = tpu.vector_load %arg10[%swap3A_200, %swap3A_201] {strides = array<i32>} : memref<32x1024xf32, #tpu.memory_space<vmem>>, vector<1x16xf32>,
      %swap3A_203 = vector.shape_cast %swap3A_202 : vector<1x16xf32> to vector<16xf32>
      %swap3A_204 = vector.shape_cast %add3A_199 : vector<16xf32> to vector<1x16xf32>
      tpu.vector_store %arg10[%swap3A_200, %swap3A_201], %swap3A_204 {strides = array<i32>} : memref<32x1024xf32, #tpu.memory_space<vmem>>, vector<1x16xf32>,
      %get3A_205 = arith.index_cast %scan3A_133 : i32 to index
      %get3A_206 = arith.constant 80 : index
      %get3A_207 = tpu.vector_load %arg10[%get3A_205, %get3A_206] {strides = array<i32>} : memref<32x1024xf32, #tpu.memory_space<vmem>>, vector<1x16xf32>,
      %get3A_208 = vector.shape_cast %get3A_207 : vector<1x16xf32> to vector<16xf32>
      %get3A_209 = arith.index_cast %scan3A_133 : i32 to index
      %get3A_210 = arith.constant 80 : index
      %get3A_211 = tpu.vector_load %arg11[%get3A_209, %get3A_210] {strides = array<i32>} : memref<32x1024xf32, #tpu.memory_space<vmem>>, vector<1x16xf32>,
      %get3A_212 = vector.shape_cast %get3A_211 : vector<1x16xf32> to vector<16xf32>
      %add3A_213 = arith.addf %get3A_208, %get3A_212 : vector<16xf32>
      %swap3A_214 = arith.index_cast %scan3A_133 : i32 to index
      %swap3A_215 = arith.constant 80 : index
      %swap3A_216 = tpu.vector_load %arg10[%swap3A_214, %swap3A_215] {strides = array<i32>} : memref<32x1024xf32, #tpu.memory_space<vmem>>, vector<1x16xf32>,
      %swap3A_217 = vector.shape_cast %swap3A_216 : vector<1x16xf32> to vector<16xf32>
      %swap3A_218 = vector.shape_cast %add3A_213 : vector<16xf32> to vector<1x16xf32>
      tpu.vector_store %arg10[%swap3A_214, %swap3A_215], %swap3A_218 {strides = array<i32>} : memref<32x1024xf32, #tpu.memory_space<vmem>>, vector<1x16xf32>,
      %get3A_219 = arith.index_cast %scan3A_133 : i32 to index
      %get3A_220 = arith.constant 96 : index
      %get3A_221 = tpu.vector_load %arg10[%get3A_219, %get3A_220] {strides = array<i32>} : memref<32x1024xf32, #tpu.memory_space<vmem>>, vector<1x16xf32>,
      %get3A_222 = vector.shape_cast %get3A_221 : vector<1x16xf32> to vector<16xf32>
      %get3A_223 = arith.index_cast %scan3A_133 : i32 to index
      %get3A_224 = arith.constant 96 : index
      %get3A_225 = tpu.vector_load %arg11[%get3A_223, %get3A_224] {strides = array<i32>} : memref<32x1024xf32, #tpu.memory_space<vmem>>, vector<1x16xf32>,
      %get3A_226 = vector.shape_cast %get3A_225 : vector<1x16xf32> to vector<16xf32>
      %add3A_227 = arith.addf %get3A_222, %get3A_226 : vector<16xf32>
      %swap3A_228 = arith.index_cast %scan3A_133 : i32 to index
      %swap3A_229 = arith.constant 96 : index
      %swap3A_230 = tpu.vector_load %arg10[%swap3A_228, %swap3A_229] {strides = array<i32>} : memref<32x1024xf32, #tpu.memory_space<vmem>>, vector<1x16xf32>,
      %swap3A_231 = vector.shape_cast %swap3A_230 : vector<1x16xf32> to vector<16xf32>
      %swap3A_232 = vector.shape_cast %add3A_227 : vector<16xf32> to vector<1x16xf32>
      tpu.vector_store %arg10[%swap3A_228, %swap3A_229], %swap3A_232 {strides = array<i32>} : memref<32x1024xf32, #tpu.memory_space<vmem>>, vector<1x16xf32>,
      %get3A_233 = arith.index_cast %scan3A_133 : i32 to index
      %get3A_234 = arith.constant 112 : index
      %get3A_235 = tpu.vector_load %arg10[%get3A_233, %get3A_234] {strides = array<i32>} : memref<32x1024xf32, #tpu.memory_space<vmem>>, vector<1x16xf32>,
      %get3A_236 = vector.shape_cast %get3A_235 : vector<1x16xf32> to vector<16xf32>
      %get3A_237 = arith.index_cast %scan3A_133 : i32 to index
      %get3A_238 = arith.constant 112 : index
      %get3A_239 = tpu.vector_load %arg11[%get3A_237, %get3A_238] {strides = array<i32>} : memref<32x1024xf32, #tpu.memory_space<vmem>>, vector<1x16xf32>,
      %get3A_240 = vector.shape_cast %get3A_239 : vector<1x16xf32> to vector<16xf32>
      %add3A_241 = arith.addf %get3A_236, %get3A_240 : vector<16xf32>
      %swap3A_242 = arith.index_cast %scan3A_133 : i32 to index
      %swap3A_243 = arith.constant 112 : index
      %swap3A_244 = tpu.vector_load %arg10[%swap3A_242, %swap3A_243] {strides = array<i32>} : memref<32x1024xf32, #tpu.memory_space<vmem>>, vector<1x16xf32>,
      %swap3A_245 = vector.shape_cast %swap3A_244 : vector<1x16xf32> to vector<16xf32>
      %swap3A_246 = vector.shape_cast %add3A_241 : vector<16xf32> to vector<1x16xf32>
      tpu.vector_store %arg10[%swap3A_242, %swap3A_243], %swap3A_246 {strides = array<i32>} : memref<32x1024xf32, #tpu.memory_space<vmem>>, vector<1x16xf32>,
      %get3A_247 = arith.index_cast %scan3A_133 : i32 to index
      %get3A_248 = arith.constant 128 : index
      %get3A_249 = tpu.vector_load %arg10[%get3A_247, %get3A_248] {strides = array<i32>} : memref<32x1024xf32, #tpu.memory_space<vmem>>, vector<1x16xf32>,
      %get3A_250 = vector.shape_cast %get3A_249 : vector<1x16xf32> to vector<16xf32>
      %get3A_251 = arith.index_cast %scan3A_133 : i32 to index
      %get3A_252 = arith.constant 128 : index
      %get3A_253 = tpu.vector_load %arg11[%get3A_251, %get3A_252] {strides = array<i32>} : memref<32x1024xf32, #tpu.memory_space<vmem>>, vector<1x16xf32>,
      %get3A_254 = vector.shape_cast %get3A_253 : vector<1x16xf32> to vector<16xf32>
      %add3A_255 = arith.addf %get3A_250, %get3A_254 : vector<16xf32>
      %swap3A_256 = arith.index_cast %scan3A_133 : i32 to index
      %swap3A_257 = arith.constant 128 : index
      %swap3A_258 = tpu.vector_load %arg10[%swap3A_256, %swap3A_257] {strides = array<i32>} : memref<32x1024xf32, #tpu.memory_space<vmem>>, vector<1x16xf32>,
      %swap3A_259 = vector.shape_cast %swap3A_258 : vector<1x16xf32> to vector<16xf32>
      %swap3A_260 = vector.shape_cast %add3A_255 : vector<16xf32> to vector<1x16xf32>
      tpu.vector_store %arg10[%swap3A_256, %swap3A_257], %swap3A_260 {strides = array<i32>} : memref<32x1024xf32, #tpu.memory_space<vmem>>, vector<1x16xf32>,
      %get3A_261 = arith.index_cast %scan3A_133 : i32 to index
      %get3A_262 = arith.constant 144 : index
      %get3A_263 = tpu.vector_load %arg10[%get3A_261, %get3A_262] {strides = array<i32>} : memref<32x1024xf32, #tpu.memory_space<vmem>>, vector<1x16xf32>,
      %get3A_264 = vector.shape_cast %get3A_263 : vector<1x16xf32> to vector<16xf32>
      %get3A_265 = arith.index_cast %scan3A_133 : i32 to index
      %get3A_266 = arith.constant 144 : index
      %get3A_267 = tpu.vector_load %arg11[%get3A_265, %get3A_266] {strides = array<i32>} : memref<32x1024xf32, #tpu.memory_space<vmem>>, vector<1x16xf32>,
      %get3A_268 = vector.shape_cast %get3A_267 : vector<1x16xf32> to vector<16xf32>
      %add3A_269 = arith.addf %get3A_264, %get3A_268 : vector<16xf32>
      %swap3A_270 = arith.index_cast %scan3A_133 : i32 to index
      %swap3A_271 = arith.constant 144 : index
      %swap3A_272 = tpu.vector_load %arg10[%swap3A_270, %swap3A_271] {strides = array<i32>} : memref<32x1024xf32, #tpu.memory_space<vmem>>, vector<1x16xf32>,
      %swap3A_273 = vector.shape_cast %swap3A_272 : vector<1x16xf32> to vector<16xf32>
      %swap3A_274 = vector.shape_cast %add3A_269 : vector<16xf32> to vector<1x16xf32>
      tpu.vector_store %arg10[%swap3A_270, %swap3A_271], %swap3A_274 {strides = array<i32>} : memref<32x1024xf32, #tpu.memory_space<vmem>>, vector<1x16xf32>,
      %get3A_275 = arith.index_cast %scan3A_133 : i32 to index
      %get3A_276 = arith.constant 160 : index
      %get3A_277 = tpu.vector_load %arg10[%get3A_275, %get3A_276] {strides = array<i32>} : memref<32x1024xf32, #tpu.memory_space<vmem>>, vector<1x16xf32>,
      %get3A_278 = vector.shape_cast %get3A_277 : vector<1x16xf32> to vector<16xf32>
      %get3A_279 = arith.index_cast %scan3A_133 : i32 to index
      %get3A_280 = arith.constant 160 : index
      %get3A_281 = tpu.vector_load %arg11[%get3A_279, %get3A_280] {strides = array<i32>} : memref<32x1024xf32, #tpu.memory_space<vmem>>, vector<1x16xf32>,
      %get3A_282 = vector.shape_cast %get3A_281 : vector<1x16xf32> to vector<16xf32>
      %add3A_283 = arith.addf %get3A_278, %get3A_282 : vector<16xf32>
      %swap3A_284 = arith.index_cast %scan3A_133 : i32 to index
      %swap3A_285 = arith.constant 160 : index
      %swap3A_286 = tpu.vector_load %arg10[%swap3A_284, %swap3A_285] {strides = array<i32>} : memref<32x1024xf32, #tpu.memory_space<vmem>>, vector<1x16xf32>,
      %swap3A_287 = vector.shape_cast %swap3A_286 : vector<1x16xf32> to vector<16xf32>
      %swap3A_288 = vector.shape_cast %add3A_283 : vector<16xf32> to vector<1x16xf32>
      tpu.vector_store %arg10[%swap3A_284, %swap3A_285], %swap3A_288 {strides = array<i32>} : memref<32x1024xf32, #tpu.memory_space<vmem>>, vector<1x16xf32>,
      %get3A_289 = arith.index_cast %scan3A_133 : i32 to index
      %get3A_290 = arith.constant 176 : index
      %get3A_291 = tpu.vector_load %arg10[%get3A_289, %get3A_290] {strides = array<i32>} : memref<32x1024xf32, #tpu.memory_space<vmem>>, vector<1x16xf32>,
      %get3A_292 = vector.shape_cast %get3A_291 : vector<1x16xf32> to vector<16xf32>
      %get3A_293 = arith.index_cast %scan3A_133 : i32 to index
      %get3A_294 = arith.constant 176 : index
      %get3A_295 = tpu.vector_load %arg11[%get3A_293, %get3A_294] {strides = array<i32>} : memref<32x1024xf32, #tpu.memory_space<vmem>>, vector<1x16xf32>,
      %get3A_296 = vector.shape_cast %get3A_295 : vector<1x16xf32> to vector<16xf32>
      %add3A_297 = arith.addf %get3A_292, %get3A_296 : vector<16xf32>
      %swap3A_298 = arith.index_cast %scan3A_133 : i32 to index
      %swap3A_299 = arith.constant 176 : index
      %swap3A_300 = tpu.vector_load %arg10[%swap3A_298, %swap3A_299] {strides = array<i32>} : memref<32x1024xf32, #tpu.memory_space<vmem>>, vector<1x16xf32>,
      %swap3A_301 = vector.shape_cast %swap3A_300 : vector<1x16xf32> to vector<16xf32>
      %swap3A_302 = vector.shape_cast %add3A_297 : vector<16xf32> to vector<1x16xf32>
      tpu.vector_store %arg10[%swap3A_298, %swap3A_299], %swap3A_302 {strides = array<i32>} : memref<32x1024xf32, #tpu.memory_space<vmem>>, vector<1x16xf32>,
      %get3A_303 = arith.index_cast %scan3A_133 : i32 to index
      %get3A_304 = arith.constant 192 : index
      %get3A_305 = tpu.vector_load %arg10[%get3A_303, %get3A_304] {strides = array<i32>} : memref<32x1024xf32, #tpu.memory_space<vmem>>, vector<1x16xf32>,
      %get3A_306 = vector.shape_cast %get3A_305 : vector<1x16xf32> to vector<16xf32>
      %get3A_307 = arith.index_cast %scan3A_133 : i32 to index
      %get3A_308 = arith.constant 192 : index
      %get3A_309 = tpu.vector_load %arg11[%get3A_307, %get3A_308] {strides = array<i32>} : memref<32x1024xf32, #tpu.memory_space<vmem>>, vector<1x16xf32>,
      %get3A_310 = vector.shape_cast %get3A_309 : vector<1x16xf32> to vector<16xf32>
      %add3A_311 = arith.addf %get3A_306, %get3A_310 : vector<16xf32>
      %swap3A_312 = arith.index_cast %scan3A_133 : i32 to index
      %swap3A_313 = arith.constant 192 : index
      %swap3A_314 = tpu.vector_load %arg10[%swap3A_312, %swap3A_313] {strides = array<i32>} : memref<32x1024xf32, #tpu.memory_space<vmem>>, vector<1x16xf32>,
      %swap3A_315 = vector.shape_cast %swap3A_314 : vector<1x16xf32> to vector<16xf32>
      %swap3A_316 = vector.shape_cast %add3A_311 : vector<16xf32> to vector<1x16xf32>
      tpu.vector_store %arg10[%swap3A_312, %swap3A_313], %swap3A_316 {strides = array<i32>} : memref<32x1024xf32, #tpu.memory_space<vmem>>, vector<1x16xf32>,
      %get3A_317 = arith.index_cast %scan3A_133 : i32 to index
      %get3A_318 = arith.constant 208 : index
      %get3A_319 = tpu.vector_load %arg10[%get3A_317, %get3A_318] {strides = array<i32>} : memref<32x1024xf32, #tpu.memory_space<vmem>>, vector<1x16xf32>,
      %get3A_320 = vector.shape_cast %get3A_319 : vector<1x16xf32> to vector<16xf32>
      %get3A_321 = arith.index_cast %scan3A_133 : i32 to index
      %get3A_322 = arith.constant 208 : index
      %get3A_323 = tpu.vector_load %arg11[%get3A_321, %get3A_322] {strides = array<i32>} : memref<32x1024xf32, #tpu.memory_space<vmem>>, vector<1x16xf32>,
      %get3A_324 = vector.shape_cast %get3A_323 : vector<1x16xf32> to vector<16xf32>
      %add3A_325 = arith.addf %get3A_320, %get3A_324 : vector<16xf32>
      %swap3A_326 = arith.index_cast %scan3A_133 : i32 to index
      %swap3A_327 = arith.constant 208 : index
      %swap3A_328 = tpu.vector_load %arg10[%swap3A_326, %swap3A_327] {strides = array<i32>} : memref<32x1024xf32, #tpu.memory_space<vmem>>, vector<1x16xf32>,
      %swap3A_329 = vector.shape_cast %swap3A_328 : vector<1x16xf32> to vector<16xf32>
      %swap3A_330 = vector.shape_cast %add3A_325 : vector<16xf32> to vector<1x16xf32>
      tpu.vector_store %arg10[%swap3A_326, %swap3A_327], %swap3A_330 {strides = array<i32>} : memref<32x1024xf32, #tpu.memory_space<vmem>>, vector<1x16xf32>,
      %get3A_331 = arith.index_cast %scan3A_133 : i32 to index
      %get3A_332 = arith.constant 224 : index
      %get3A_333 = tpu.vector_load %arg10[%get3A_331, %get3A_332] {strides = array<i32>} : memref<32x1024xf32, #tpu.memory_space<vmem>>, vector<1x16xf32>,
      %get3A_334 = vector.shape_cast %get3A_333 : vector<1x16xf32> to vector<16xf32>
      %get3A_335 = arith.index_cast %scan3A_133 : i32 to index
      %get3A_336 = arith.constant 224 : index
      %get3A_337 = tpu.vector_load %arg11[%get3A_335, %get3A_336] {strides = array<i32>} : memref<32x1024xf32, #tpu.memory_space<vmem>>, vector<1x16xf32>,
      %get3A_338 = vector.shape_cast %get3A_337 : vector<1x16xf32> to vector<16xf32>
      %add3A_339 = arith.addf %get3A_334, %get3A_338 : vector<16xf32>
      %swap3A_340 = arith.index_cast %scan3A_133 : i32 to index
      %swap3A_341 = arith.constant 224 : index
      %swap3A_342 = tpu.vector_load %arg10[%swap3A_340, %swap3A_341] {strides = array<i32>} : memref<32x1024xf32, #tpu.memory_space<vmem>>, vector<1x16xf32>,
      %swap3A_343 = vector.shape_cast %swap3A_342 : vector<1x16xf32> to vector<16xf32>
      %swap3A_344 = vector.shape_cast %add3A_339 : vector<16xf32> to vector<1x16xf32>
      tpu.vector_store %arg10[%swap3A_340, %swap3A_341], %swap3A_344 {strides = array<i32>} : memref<32x1024xf32, #tpu.memory_space<vmem>>, vector<1x16xf32>,
      %get3A_345 = arith.index_cast %scan3A_133 : i32 to index
      %get3A_346 = arith.constant 240 : index
      %get3A_347 = tpu.vector_load %arg10[%get3A_345, %get3A_346] {strides = array<i32>} : memref<32x1024xf32, #tpu.memory_space<vmem>>, vector<1x16xf32>,
      %get3A_348 = vector.shape_cast %get3A_347 : vector<1x16xf32> to vector<16xf32>
      %get3A_349 = arith.index_cast %scan3A_133 : i32 to index
      %get3A_350 = arith.constant 240 : index
      %get3A_351 = tpu.vector_load %arg11[%get3A_349, %get3A_350] {strides = array<i32>} : memref<32x1024xf32, #tpu.memory_space<vmem>>, vector<1x16xf32>,
      %get3A_352 = vector.shape_cast %get3A_351 : vector<1x16xf32> to vector<16xf32>
      %add3A_353 = arith.addf %get3A_348, %get3A_352 : vector<16xf32>
      %swap3A_354 = arith.index_cast %scan3A_133 : i32 to index
      %swap3A_355 = arith.constant 240 : index
      %swap3A_356 = tpu.vector_load %arg10[%swap3A_354, %swap3A_355] {strides = array<i32>} : memref<32x1024xf32, #tpu.memory_space<vmem>>, vector<1x16xf32>,
      %swap3A_357 = vector.shape_cast %swap3A_356 : vector<1x16xf32> to vector<16xf32>
      %swap3A_358 = vector.shape_cast %add3A_353 : vector<16xf32> to vector<1x16xf32>
      tpu.vector_store %arg10[%swap3A_354, %swap3A_355], %swap3A_358 {strides = array<i32>} : memref<32x1024xf32, #tpu.memory_space<vmem>>, vector<1x16xf32>,
      %get3A_359 = arith.index_cast %scan3A_133 : i32 to index
      %get3A_360 = arith.constant 256 : index
      %get3A_361 = tpu.vector_load %arg10[%get3A_359, %get3A_360] {strides = array<i32>} : memref<32x1024xf32, #tpu.memory_space<vmem>>, vector<1x16xf32>,
      %get3A_362 = vector.shape_cast %get3A_361 : vector<1x16xf32> to vector<16xf32>
      %get3A_363 = arith.index_cast %scan3A_133 : i32 to index
      %get3A_364 = arith.constant 256 : index
      %get3A_365 = tpu.vector_load %arg11[%get3A_363, %get3A_364] {strides = array<i32>} : memref<32x1024xf32, #tpu.memory_space<vmem>>, vector<1x16xf32>,
      %get3A_366 = vector.shape_cast %get3A_365 : vector<1x16xf32> to vector<16xf32>
      %add3A_367 = arith.addf %get3A_362, %get3A_366 : vector<16xf32>
      %swap3A_368 = arith.index_cast %scan3A_133 : i32 to index
      %swap3A_369 = arith.constant 256 : index
      %swap3A_370 = tpu.vector_load %arg10[%swap3A_368, %swap3A_369] {strides = array<i32>} : memref<32x1024xf32, #tpu.memory_space<vmem>>, vector<1x16xf32>,
      %swap3A_371 = vector.shape_cast %swap3A_370 : vector<1x16xf32> to vector<16xf32>
      %swap3A_372 = vector.shape_cast %add3A_367 : vector<16xf32> to vector<1x16xf32>
      tpu.vector_store %arg10[%swap3A_368, %swap3A_369], %swap3A_372 {strides = array<i32>} : memref<32x1024xf32, #tpu.memory_space<vmem>>, vector<1x16xf32>,
      %get3A_373 = arith.index_cast %scan3A_133 : i32 to index
      %get3A_374 = arith.constant 272 : index
      %get3A_375 = tpu.vector_load %arg10[%get3A_373, %get3A_374] {strides = array<i32>} : memref<32x1024xf32, #tpu.memory_space<vmem>>, vector<1x16xf32>,
      %get3A_376 = vector.shape_cast %get3A_375 : vector<1x16xf32> to vector<16xf32>
      %get3A_377 = arith.index_cast %scan3A_133 : i32 to index
      %get3A_378 = arith.constant 272 : index
      %get3A_379 = tpu.vector_load %arg11[%get3A_377, %get3A_378] {strides = array<i32>} : memref<32x1024xf32, #tpu.memory_space<vmem>>, vector<1x16xf32>,
      %get3A_380 = vector.shape_cast %get3A_379 : vector<1x16xf32> to vector<16xf32>
      %add3A_381 = arith.addf %get3A_376, %get3A_380 : vector<16xf32>
      %swap3A_382 = arith.index_cast %scan3A_133 : i32 to index
      %swap3A_383 = arith.constant 272 : index
      %swap3A_384 = tpu.vector_load %arg10[%swap3A_382, %swap3A_383] {strides = array<i32>} : memref<32x1024xf32, #tpu.memory_space<vmem>>, vector<1x16xf32>,
      %swap3A_385 = vector.shape_cast %swap3A_384 : vector<1x16xf32> to vector<16xf32>
      %swap3A_386 = vector.shape_cast %add3A_381 : vector<16xf32> to vector<1x16xf32>
      tpu.vector_store %arg10[%swap3A_382, %swap3A_383], %swap3A_386 {strides = array<i32>} : memref<32x1024xf32, #tpu.memory_space<vmem>>, vector<1x16xf32>,
      %get3A_387 = arith.index_cast %scan3A_133 : i32 to index
      %get3A_388 = arith.constant 288 : index
      %get3A_389 = tpu.vector_load %arg10[%get3A_387, %get3A_388] {strides = array<i32>} : memref<32x1024xf32, #tpu.memory_space<vmem>>, vector<1x16xf32>,
      %get3A_390 = vector.shape_cast %get3A_389 : vector<1x16xf32> to vector<16xf32>
      %get3A_391 = arith.index_cast %scan3A_133 : i32 to index
      %get3A_392 = arith.constant 288 : index
      %get3A_393 = tpu.vector_load %arg11[%get3A_391, %get3A_392] {strides = array<i32>} : memref<32x1024xf32, #tpu.memory_space<vmem>>, vector<1x16xf32>,
      %get3A_394 = vector.shape_cast %get3A_393 : vector<1x16xf32> to vector<16xf32>
      %add3A_395 = arith.addf %get3A_390, %get3A_394 : vector<16xf32>
      %swap3A_396 = arith.index_cast %scan3A_133 : i32 to index
      %swap3A_397 = arith.constant 288 : index
      %swap3A_398 = tpu.vector_load %arg10[%swap3A_396, %swap3A_397] {strides = array<i32>} : memref<32x1024xf32, #tpu.memory_space<vmem>>, vector<1x16xf32>,
      %swap3A_399 = vector.shape_cast %swap3A_398 : vector<1x16xf32> to vector<16xf32>
      %swap3A_400 = vector.shape_cast %add3A_395 : vector<16xf32> to vector<1x16xf32>
      tpu.vector_store %arg10[%swap3A_396, %swap3A_397], %swap3A_400 {strides = array<i32>} : memref<32x1024xf32, #tpu.memory_space<vmem>>, vector<1x16xf32>,
      %get3A_401 = arith.index_cast %scan3A_133 : i32 to index
      %get3A_402 = arith.constant 304 : index
      %get3A_403 = tpu.vector_load %arg10[%get3A_401, %get3A_402] {strides = array<i32>} : memref<32x1024xf32, #tpu.memory_space<vmem>>, vector<1x16xf32>,
      %get3A_404 = vector.shape_cast %get3A_403 : vector<1x16xf32> to vector<16xf32>
      %get3A_405 = arith.index_cast %scan3A_133 : i32 to index
      %get3A_406 = arith.constant 304 : index
      %get3A_407 = tpu.vector_load %arg11[%get3A_405, %get3A_406] {strides = array<i32>} : memref<32x1024xf32, #tpu.memory_space<vmem>>, vector<1x16xf32>,
      %get3A_408 = vector.shape_cast %get3A_407 : vector<1x16xf32> to vector<16xf32>
      %add3A_409 = arith.addf %get3A_404, %get3A_408 : vector<16xf32>
      %swap3A_410 = arith.index_cast %scan3A_133 : i32 to index
      %swap3A_411 = arith.constant 304 : index
      %swap3A_412 = tpu.vector_load %arg10[%swap3A_410, %swap3A_411] {strides = array<i32>} : memref<32x1024xf32, #tpu.memory_space<vmem>>, vector<1x16xf32>,
      %swap3A_413 = vector.shape_cast %swap3A_412 : vector<1x16xf32> to vector<16xf32>
      %swap3A_414 = vector.shape_cast %add3A_409 : vector<16xf32> to vector<1x16xf32>
      tpu.vector_store %arg10[%swap3A_410, %swap3A_411], %swap3A_414 {strides = array<i32>} : memref<32x1024xf32, #tpu.memory_space<vmem>>, vector<1x16xf32>,
      %get3A_415 = arith.index_cast %scan3A_133 : i32 to index
      %get3A_416 = arith.constant 320 : index
      %get3A_417 = tpu.vector_load %arg10[%get3A_415, %get3A_416] {strides = array<i32>} : memref<32x1024xf32, #tpu.memory_space<vmem>>, vector<1x16xf32>,
      %get3A_418 = vector.shape_cast %get3A_417 : vector<1x16xf32> to vector<16xf32>
      %get3A_419 = arith.index_cast %scan3A_133 : i32 to index
      %get3A_420 = arith.constant 320 : index
      %get3A_421 = tpu.vector_load %arg11[%get3A_419, %get3A_420] {strides = array<i32>} : memref<32x1024xf32, #tpu.memory_space<vmem>>, vector<1x16xf32>,
      %get3A_422 = vector.shape_cast %get3A_421 : vector<1x16xf32> to vector<16xf32>
      %add3A_423 = arith.addf %get3A_418, %get3A_422 : vector<16xf32>
      %swap3A_424 = arith.index_cast %scan3A_133 : i32 to index
      %swap3A_425 = arith.constant 320 : index
      %swap3A_426 = tpu.vector_load %arg10[%swap3A_424, %swap3A_425] {strides = array<i32>} : memref<32x1024xf32, #tpu.memory_space<vmem>>, vector<1x16xf32>,
      %swap3A_427 = vector.shape_cast %swap3A_426 : vector<1x16xf32> to vector<16xf32>
      %swap3A_428 = vector.shape_cast %add3A_423 : vector<16xf32> to vector<1x16xf32>
      tpu.vector_store %arg10[%swap3A_424, %swap3A_425], %swap3A_428 {strides = array<i32>} : memref<32x1024xf32, #tpu.memory_space<vmem>>, vector<1x16xf32>,
      %get3A_429 = arith.index_cast %scan3A_133 : i32 to index
      %get3A_430 = arith.constant 336 : index
      %get3A_431 = tpu.vector_load %arg10[%get3A_429, %get3A_430] {strides = array<i32>} : memref<32x1024xf32, #tpu.memory_space<vmem>>, vector<1x16xf32>,
      %get3A_432 = vector.shape_cast %get3A_431 : vector<1x16xf32> to vector<16xf32>
      %get3A_433 = arith.index_cast %scan3A_133 : i32 to index
      %get3A_434 = arith.constant 336 : index
      %get3A_435 = tpu.vector_load %arg11[%get3A_433, %get3A_434] {strides = array<i32>} : memref<32x1024xf32, #tpu.memory_space<vmem>>, vector<1x16xf32>,
      %get3A_436 = vector.shape_cast %get3A_435 : vector<1x16xf32> to vector<16xf32>
      %add3A_437 = arith.addf %get3A_432, %get3A_436 : vector<16xf32>
      %swap3A_438 = arith.index_cast %scan3A_133 : i32 to index
      %swap3A_439 = arith.constant 336 : index
      %swap3A_440 = tpu.vector_load %arg10[%swap3A_438, %swap3A_439] {strides = array<i32>} : memref<32x1024xf32, #tpu.memory_space<vmem>>, vector<1x16xf32>,
      %swap3A_441 = vector.shape_cast %swap3A_440 : vector<1x16xf32> to vector<16xf32>
      %swap3A_442 = vector.shape_cast %add3A_437 : vector<16xf32> to vector<1x16xf32>
      tpu.vector_store %arg10[%swap3A_438, %swap3A_439], %swap3A_442 {strides = array<i32>} : memref<32x1024xf32, #tpu.memory_space<vmem>>, vector<1x16xf32>,
      %get3A_443 = arith.index_cast %scan3A_133 : i32 to index
      %get3A_444 = arith.constant 352 : index
      %get3A_445 = tpu.vector_load %arg10[%get3A_443, %get3A_444] {strides = array<i32>} : memref<32x1024xf32, #tpu.memory_space<vmem>>, vector<1x16xf32>,
      %get3A_446 = vector.shape_cast %get3A_445 : vector<1x16xf32> to vector<16xf32>
      %get3A_447 = arith.index_cast %scan3A_133 : i32 to index
      %get3A_448 = arith.constant 352 : index
      %get3A_449 = tpu.vector_load %arg11[%get3A_447, %get3A_448] {strides = array<i32>} : memref<32x1024xf32, #tpu.memory_space<vmem>>, vector<1x16xf32>,
      %get3A_450 = vector.shape_cast %get3A_449 : vector<1x16xf32> to vector<16xf32>
      %add3A_451 = arith.addf %get3A_446, %get3A_450 : vector<16xf32>
      %swap3A_452 = arith.index_cast %scan3A_133 : i32 to index
      %swap3A_453 = arith.constant 352 : index
      %swap3A_454 = tpu.vector_load %arg10[%swap3A_452, %swap3A_453] {strides = array<i32>} : memref<32x1024xf32, #tpu.memory_space<vmem>>, vector<1x16xf32>,
      %swap3A_455 = vector.shape_cast %swap3A_454 : vector<1x16xf32> to vector<16xf32>
      %swap3A_456 = vector.shape_cast %add3A_451 : vector<16xf32> to vector<1x16xf32>
      tpu.vector_store %arg10[%swap3A_452, %swap3A_453], %swap3A_456 {strides = array<i32>} : memref<32x1024xf32, #tpu.memory_space<vmem>>, vector<1x16xf32>,
      %get3A_457 = arith.index_cast %scan3A_133 : i32 to index
      %get3A_458 = arith.constant 368 : index
      %get3A_459 = tpu.vector_load %arg10[%get3A_457, %get3A_458] {strides = array<i32>} : memref<32x1024xf32, #tpu.memory_space<vmem>>, vector<1x16xf32>,
      %get3A_460 = vector.shape_cast %get3A_459 : vector<1x16xf32> to vector<16xf32>
      %get3A_461 = arith.index_cast %scan3A_133 : i32 to index
      %get3A_462 = arith.constant 368 : index
      %get3A_463 = tpu.vector_load %arg11[%get3A_461, %get3A_462] {strides = array<i32>} : memref<32x1024xf32, #tpu.memory_space<vmem>>, vector<1x16xf32>,
      %get3A_464 = vector.shape_cast %get3A_463 : vector<1x16xf32> to vector<16xf32>
      %add3A_465 = arith.addf %get3A_460, %get3A_464 : vector<16xf32>
      %swap3A_466 = arith.index_cast %scan3A_133 : i32 to index
      %swap3A_467 = arith.constant 368 : index
      %swap3A_468 = tpu.vector_load %arg10[%swap3A_466, %swap3A_467] {strides = array<i32>} : memref<32x1024xf32, #tpu.memory_space<vmem>>, vector<1x16xf32>,
      %swap3A_469 = vector.shape_cast %swap3A_468 : vector<1x16xf32> to vector<16xf32>
      %swap3A_470 = vector.shape_cast %add3A_465 : vector<16xf32> to vector<1x16xf32>
      tpu.vector_store %arg10[%swap3A_466, %swap3A_467], %swap3A_470 {strides = array<i32>} : memref<32x1024xf32, #tpu.memory_space<vmem>>, vector<1x16xf32>,
      %get3A_471 = arith.index_cast %scan3A_133 : i32 to index
      %get3A_472 = arith.constant 384 : index
      %get3A_473 = tpu.vector_load %arg10[%get3A_471, %get3A_472] {strides = array<i32>} : memref<32x1024xf32, #tpu.memory_space<vmem>>, vector<1x16xf32>,
      %get3A_474 = vector.shape_cast %get3A_473 : vector<1x16xf32> to vector<16xf32>
      %get3A_475 = arith.index_cast %scan3A_133 : i32 to index
      %get3A_476 = arith.constant 384 : index
      %get3A_477 = tpu.vector_load %arg11[%get3A_475, %get3A_476] {strides = array<i32>} : memref<32x1024xf32, #tpu.memory_space<vmem>>, vector<1x16xf32>,
      %get3A_478 = vector.shape_cast %get3A_477 : vector<1x16xf32> to vector<16xf32>
      %add3A_479 = arith.addf %get3A_474, %get3A_478 : vector<16xf32>
      %swap3A_480 = arith.index_cast %scan3A_133 : i32 to index
      %swap3A_481 = arith.constant 384 : index
      %swap3A_482 = tpu.vector_load %arg10[%swap3A_480, %swap3A_481] {strides = array<i32>} : memref<32x1024xf32, #tpu.memory_space<vmem>>, vector<1x16xf32>,
      %swap3A_483 = vector.shape_cast %swap3A_482 : vector<1x16xf32> to vector<16xf32>
      %swap3A_484 = vector.shape_cast %add3A_479 : vector<16xf32> to vector<1x16xf32>
      tpu.vector_store %arg10[%swap3A_480, %swap3A_481], %swap3A_484 {strides = array<i32>} : memref<32x1024xf32, #tpu.memory_space<vmem>>, vector<1x16xf32>,
      %get3A_485 = arith.index_cast %scan3A_133 : i32 to index
      %get3A_486 = arith.constant 400 : index
      %get3A_487 = tpu.vector_load %arg10[%get3A_485, %get3A_486] {strides = array<i32>} : memref<32x1024xf32, #tpu.memory_space<vmem>>, vector<1x16xf32>,
      %get3A_488 = vector.shape_cast %get3A_487 : vector<1x16xf32> to vector<16xf32>
      %get3A_489 = arith.index_cast %scan3A_133 : i32 to index
      %get3A_490 = arith.constant 400 : index
      %get3A_491 = tpu.vector_load %arg11[%get3A_489, %get3A_490] {strides = array<i32>} : memref<32x1024xf32, #tpu.memory_space<vmem>>, vector<1x16xf32>,
      %get3A_492 = vector.shape_cast %get3A_491 : vector<1x16xf32> to vector<16xf32>
      %add3A_493 = arith.addf %get3A_488, %get3A_492 : vector<16xf32>
      %swap3A_494 = arith.index_cast %scan3A_133 : i32 to index
      %swap3A_495 = arith.constant 400 : index
      %swap3A_496 = tpu.vector_load %arg10[%swap3A_494, %swap3A_495] {strides = array<i32>} : memref<32x1024xf32, #tpu.memory_space<vmem>>, vector<1x16xf32>,
      %swap3A_497 = vector.shape_cast %swap3A_496 : vector<1x16xf32> to vector<16xf32>
      %swap3A_498 = vector.shape_cast %add3A_493 : vector<16xf32> to vector<1x16xf32>
      tpu.vector_store %arg10[%swap3A_494, %swap3A_495], %swap3A_498 {strides = array<i32>} : memref<32x1024xf32, #tpu.memory_space<vmem>>, vector<1x16xf32>,
      %get3A_499 = arith.index_cast %scan3A_133 : i32 to index
      %get3A_500 = arith.constant 416 : index
      %get3A_501 = tpu.vector_load %arg10[%get3A_499, %get3A_500] {strides = array<i32>} : memref<32x1024xf32, #tpu.memory_space<vmem>>, vector<1x16xf32>,
      %get3A_502 = vector.shape_cast %get3A_501 : vector<1x16xf32> to vector<16xf32>
      %get3A_503 = arith.index_cast %scan3A_133 : i32 to index
      %get3A_504 = arith.constant 416 : index
      %get3A_505 = tpu.vector_load %arg11[%get3A_503, %get3A_504] {strides = array<i32>} : memref<32x1024xf32, #tpu.memory_space<vmem>>, vector<1x16xf32>,
      %get3A_506 = vector.shape_cast %get3A_505 : vector<1x16xf32> to vector<16xf32>
      %add3A_507 = arith.addf %get3A_502, %get3A_506 : vector<16xf32>
      %swap3A_508 = arith.index_cast %scan3A_133 : i32 to index
      %swap3A_509 = arith.constant 416 : index
      %swap3A_510 = tpu.vector_load %arg10[%swap3A_508, %swap3A_509] {strides = array<i32>} : memref<32x1024xf32, #tpu.memory_space<vmem>>, vector<1x16xf32>,
      %swap3A_511 = vector.shape_cast %swap3A_510 : vector<1x16xf32> to vector<16xf32>
      %swap3A_512 = vector.shape_cast %add3A_507 : vector<16xf32> to vector<1x16xf32>
      tpu.vector_store %arg10[%swap3A_508, %swap3A_509], %swap3A_512 {strides = array<i32>} : memref<32x1024xf32, #tpu.memory_space<vmem>>, vector<1x16xf32>,
      %get3A_513 = arith.index_cast %scan3A_133 : i32 to index
      %get3A_514 = arith.constant 432 : index
      %get3A_515 = tpu.vector_load %arg10[%get3A_513, %get3A_514] {strides = array<i32>} : memref<32x1024xf32, #tpu.memory_space<vmem>>, vector<1x16xf32>,
      %get3A_516 = vector.shape_cast %get3A_515 : vector<1x16xf32> to vector<16xf32>
      %get3A_517 = arith.index_cast %scan3A_133 : i32 to index
      %get3A_518 = arith.constant 432 : index
      %get3A_519 = tpu.vector_load %arg11[%get3A_517, %get3A_518] {strides = array<i32>} : memref<32x1024xf32, #tpu.memory_space<vmem>>, vector<1x16xf32>,
      %get3A_520 = vector.shape_cast %get3A_519 : vector<1x16xf32> to vector<16xf32>
      %add3A_521 = arith.addf %get3A_516, %get3A_520 : vector<16xf32>
      %swap3A_522 = arith.index_cast %scan3A_133 : i32 to index
      %swap3A_523 = arith.constant 432 : index
      %swap3A_524 = tpu.vector_load %arg10[%swap3A_522, %swap3A_523] {strides = array<i32>} : memref<32x1024xf32, #tpu.memory_space<vmem>>, vector<1x16xf32>,
      %swap3A_525 = vector.shape_cast %swap3A_524 : vector<1x16xf32> to vector<16xf32>
      %swap3A_526 = vector.shape_cast %add3A_521 : vector<16xf32> to vector<1x16xf32>
      tpu.vector_store %arg10[%swap3A_522, %swap3A_523], %swap3A_526 {strides = array<i32>} : memref<32x1024xf32, #tpu.memory_space<vmem>>, vector<1x16xf32>,
      %get3A_527 = arith.index_cast %scan3A_133 : i32 to index
      %get3A_528 = arith.constant 448 : index
      %get3A_529 = tpu.vector_load %arg10[%get3A_527, %get3A_528] {strides = array<i32>} : memref<32x1024xf32, #tpu.memory_space<vmem>>, vector<1x16xf32>,
      %get3A_530 = vector.shape_cast %get3A_529 : vector<1x16xf32> to vector<16xf32>
      %get3A_531 = arith.index_cast %scan3A_133 : i32 to index
      %get3A_532 = arith.constant 448 : index
      %get3A_533 = tpu.vector_load %arg11[%get3A_531, %get3A_532] {strides = array<i32>} : memref<32x1024xf32, #tpu.memory_space<vmem>>, vector<1x16xf32>,
      %get3A_534 = vector.shape_cast %get3A_533 : vector<1x16xf32> to vector<16xf32>
      %add3A_535 = arith.addf %get3A_530, %get3A_534 : vector<16xf32>
      %swap3A_536 = arith.index_cast %scan3A_133 : i32 to index
      %swap3A_537 = arith.constant 448 : index
      %swap3A_538 = tpu.vector_load %arg10[%swap3A_536, %swap3A_537] {strides = array<i32>} : memref<32x1024xf32, #tpu.memory_space<vmem>>, vector<1x16xf32>,
      %swap3A_539 = vector.shape_cast %swap3A_538 : vector<1x16xf32> to vector<16xf32>
      %swap3A_540 = vector.shape_cast %add3A_535 : vector<16xf32> to vector<1x16xf32>
      tpu.vector_store %arg10[%swap3A_536, %swap3A_537], %swap3A_540 {strides = array<i32>} : memref<32x1024xf32, #tpu.memory_space<vmem>>, vector<1x16xf32>,
      %get3A_541 = arith.index_cast %scan3A_133 : i32 to index
      %get3A_542 = arith.constant 464 : index
      %get3A_543 = tpu.vector_load %arg10[%get3A_541, %get3A_542] {strides = array<i32>} : memref<32x1024xf32, #tpu.memory_space<vmem>>, vector<1x16xf32>,
      %get3A_544 = vector.shape_cast %get3A_543 : vector<1x16xf32> to vector<16xf32>
      %get3A_545 = arith.index_cast %scan3A_133 : i32 to index
      %get3A_546 = arith.constant 464 : index
      %get3A_547 = tpu.vector_load %arg11[%get3A_545, %get3A_546] {strides = array<i32>} : memref<32x1024xf32, #tpu.memory_space<vmem>>, vector<1x16xf32>,
      %get3A_548 = vector.shape_cast %get3A_547 : vector<1x16xf32> to vector<16xf32>
      %add3A_549 = arith.addf %get3A_544, %get3A_548 : vector<16xf32>
      %swap3A_550 = arith.index_cast %scan3A_133 : i32 to index
      %swap3A_551 = arith.constant 464 : index
      %swap3A_552 = tpu.vector_load %arg10[%swap3A_550, %swap3A_551] {strides = array<i32>} : memref<32x1024xf32, #tpu.memory_space<vmem>>, vector<1x16xf32>,
      %swap3A_553 = vector.shape_cast %swap3A_552 : vector<1x16xf32> to vector<16xf32>
      %swap3A_554 = vector.shape_cast %add3A_549 : vector<16xf32> to vector<1x16xf32>
      tpu.vector_store %arg10[%swap3A_550, %swap3A_551], %swap3A_554 {strides = array<i32>} : memref<32x1024xf32, #tpu.memory_space<vmem>>, vector<1x16xf32>,
      %get3A_555 = arith.index_cast %scan3A_133 : i32 to index
      %get3A_556 = arith.constant 480 : index
      %get3A_557 = tpu.vector_load %arg10[%get3A_555, %get3A_556] {strides = array<i32>} : memref<32x1024xf32, #tpu.memory_space<vmem>>, vector<1x16xf32>,
      %get3A_558 = vector.shape_cast %get3A_557 : vector<1x16xf32> to vector<16xf32>
      %get3A_559 = arith.index_cast %scan3A_133 : i32 to index
      %get3A_560 = arith.constant 480 : index
      %get3A_561 = tpu.vector_load %arg11[%get3A_559, %get3A_560] {strides = array<i32>} : memref<32x1024xf32, #tpu.memory_space<vmem>>, vector<1x16xf32>,
      %get3A_562 = vector.shape_cast %get3A_561 : vector<1x16xf32> to vector<16xf32>
      %add3A_563 = arith.addf %get3A_558, %get3A_562 : vector<16xf32>
      %swap3A_564 = arith.index_cast %scan3A_133 : i32 to index
      %swap3A_565 = arith.constant 480 : index
      %swap3A_566 = tpu.vector_load %arg10[%swap3A_564, %swap3A_565] {strides = array<i32>} : memref<32x1024xf32, #tpu.memory_space<vmem>>, vector<1x16xf32>,
      %swap3A_567 = vector.shape_cast %swap3A_566 : vector<1x16xf32> to vector<16xf32>
      %swap3A_568 = vector.shape_cast %add3A_563 : vector<16xf32> to vector<1x16xf32>
      tpu.vector_store %arg10[%swap3A_564, %swap3A_565], %swap3A_568 {strides = array<i32>} : memref<32x1024xf32, #tpu.memory_space<vmem>>, vector<1x16xf32>,
      %get3A_569 = arith.index_cast %scan3A_133 : i32 to index
      %get3A_570 = arith.constant 496 : index
      %get3A_571 = tpu.vector_load %arg10[%get3A_569, %get3A_570] {strides = array<i32>} : memref<32x1024xf32, #tpu.memory_space<vmem>>, vector<1x16xf32>,
      %get3A_572 = vector.shape_cast %get3A_571 : vector<1x16xf32> to vector<16xf32>
      %get3A_573 = arith.index_cast %scan3A_133 : i32 to index
      %get3A_574 = arith.constant 496 : index
      %get3A_575 = tpu.vector_load %arg11[%get3A_573, %get3A_574] {strides = array<i32>} : memref<32x1024xf32, #tpu.memory_space<vmem>>, vector<1x16xf32>,
      %get3A_576 = vector.shape_cast %get3A_575 : vector<1x16xf32> to vector<16xf32>
      %add3A_577 = arith.addf %get3A_572, %get3A_576 : vector<16xf32>
      %swap3A_578 = arith.index_cast %scan3A_133 : i32 to index
      %swap3A_579 = arith.constant 496 : index
      %swap3A_580 = tpu.vector_load %arg10[%swap3A_578, %swap3A_579] {strides = array<i32>} : memref<32x1024xf32, #tpu.memory_space<vmem>>, vector<1x16xf32>,
      %swap3A_581 = vector.shape_cast %swap3A_580 : vector<1x16xf32> to vector<16xf32>
      %swap3A_582 = vector.shape_cast %add3A_577 : vector<16xf32> to vector<1x16xf32>
      tpu.vector_store %arg10[%swap3A_578, %swap3A_579], %swap3A_582 {strides = array<i32>} : memref<32x1024xf32, #tpu.memory_space<vmem>>, vector<1x16xf32>,
      %get3A_583 = arith.index_cast %scan3A_133 : i32 to index
      %get3A_584 = arith.constant 512 : index
      %get3A_585 = tpu.vector_load %arg10[%get3A_583, %get3A_584] {strides = array<i32>} : memref<32x1024xf32, #tpu.memory_space<vmem>>, vector<1x16xf32>,
      %get3A_586 = vector.shape_cast %get3A_585 : vector<1x16xf32> to vector<16xf32>
      %get3A_587 = arith.index_cast %scan3A_133 : i32 to index
      %get3A_588 = arith.constant 512 : index
      %get3A_589 = tpu.vector_load %arg11[%get3A_587, %get3A_588] {strides = array<i32>} : memref<32x1024xf32, #tpu.memory_space<vmem>>, vector<1x16xf32>,
      %get3A_590 = vector.shape_cast %get3A_589 : vector<1x16xf32> to vector<16xf32>
      %add3A_591 = arith.addf %get3A_586, %get3A_590 : vector<16xf32>
      %swap3A_592 = arith.index_cast %scan3A_133 : i32 to index
      %swap3A_593 = arith.constant 512 : index
      %swap3A_594 = tpu.vector_load %arg10[%swap3A_592, %swap3A_593] {strides = array<i32>} : memref<32x1024xf32, #tpu.memory_space<vmem>>, vector<1x16xf32>,
      %swap3A_595 = vector.shape_cast %swap3A_594 : vector<1x16xf32> to vector<16xf32>
      %swap3A_596 = vector.shape_cast %add3A_591 : vector<16xf32> to vector<1x16xf32>
      tpu.vector_store %arg10[%swap3A_592, %swap3A_593], %swap3A_596 {strides = array<i32>} : memref<32x1024xf32, #tpu.memory_space<vmem>>, vector<1x16xf32>,
      %get3A_597 = arith.index_cast %scan3A_133 : i32 to index
      %get3A_598 = arith.constant 528 : index
      %get3A_599 = tpu.vector_load %arg10[%get3A_597, %get3A_598] {strides = array<i32>} : memref<32x1024xf32, #tpu.memory_space<vmem>>, vector<1x16xf32>,
      %get3A_600 = vector.shape_cast %get3A_599 : vector<1x16xf32> to vector<16xf32>
      %get3A_601 = arith.index_cast %scan3A_133 : i32 to index
      %get3A_602 = arith.constant 528 : index
      %get3A_603 = tpu.vector_load %arg11[%get3A_601, %get3A_602] {strides = array<i32>} : memref<32x1024xf32, #tpu.memory_space<vmem>>, vector<1x16xf32>,
      %get3A_604 = vector.shape_cast %get3A_603 : vector<1x16xf32> to vector<16xf32>
      %add3A_605 = arith.addf %get3A_600, %get3A_604 : vector<16xf32>
      %swap3A_606 = arith.index_cast %scan3A_133 : i32 to index
      %swap3A_607 = arith.constant 528 : index
      %swap3A_608 = tpu.vector_load %arg10[%swap3A_606, %swap3A_607] {strides = array<i32>} : memref<32x1024xf32, #tpu.memory_space<vmem>>, vector<1x16xf32>,
      %swap3A_609 = vector.shape_cast %swap3A_608 : vector<1x16xf32> to vector<16xf32>
      %swap3A_610 = vector.shape_cast %add3A_605 : vector<16xf32> to vector<1x16xf32>
      tpu.vector_store %arg10[%swap3A_606, %swap3A_607], %swap3A_610 {strides = array<i32>} : memref<32x1024xf32, #tpu.memory_space<vmem>>, vector<1x16xf32>,
      %get3A_611 = arith.index_cast %scan3A_133 : i32 to index
      %get3A_612 = arith.constant 544 : index
      %get3A_613 = tpu.vector_load %arg10[%get3A_611, %get3A_612] {strides = array<i32>} : memref<32x1024xf32, #tpu.memory_space<vmem>>, vector<1x16xf32>,
      %get3A_614 = vector.shape_cast %get3A_613 : vector<1x16xf32> to vector<16xf32>
      %get3A_615 = arith.index_cast %scan3A_133 : i32 to index
      %get3A_616 = arith.constant 544 : index
      %get3A_617 = tpu.vector_load %arg11[%get3A_615, %get3A_616] {strides = array<i32>} : memref<32x1024xf32, #tpu.memory_space<vmem>>, vector<1x16xf32>,
      %get3A_618 = vector.shape_cast %get3A_617 : vector<1x16xf32> to vector<16xf32>
      %add3A_619 = arith.addf %get3A_614, %get3A_618 : vector<16xf32>
      %swap3A_620 = arith.index_cast %scan3A_133 : i32 to index
      %swap3A_621 = arith.constant 544 : index
      %swap3A_622 = tpu.vector_load %arg10[%swap3A_620, %swap3A_621] {strides = array<i32>} : memref<32x1024xf32, #tpu.memory_space<vmem>>, vector<1x16xf32>,
      %swap3A_623 = vector.shape_cast %swap3A_622 : vector<1x16xf32> to vector<16xf32>
      %swap3A_624 = vector.shape_cast %add3A_619 : vector<16xf32> to vector<1x16xf32>
      tpu.vector_store %arg10[%swap3A_620, %swap3A_621], %swap3A_624 {strides = array<i32>} : memref<32x1024xf32, #tpu.memory_space<vmem>>, vector<1x16xf32>,
      %get3A_625 = arith.index_cast %scan3A_133 : i32 to index
      %get3A_626 = arith.constant 560 : index
      %get3A_627 = tpu.vector_load %arg10[%get3A_625, %get3A_626] {strides = array<i32>} : memref<32x1024xf32, #tpu.memory_space<vmem>>, vector<1x16xf32>,
      %get3A_628 = vector.shape_cast %get3A_627 : vector<1x16xf32> to vector<16xf32>
      %get3A_629 = arith.index_cast %scan3A_133 : i32 to index
      %get3A_630 = arith.constant 560 : index
      %get3A_631 = tpu.vector_load %arg11[%get3A_629, %get3A_630] {strides = array<i32>} : memref<32x1024xf32, #tpu.memory_space<vmem>>, vector<1x16xf32>,
      %get3A_632 = vector.shape_cast %get3A_631 : vector<1x16xf32> to vector<16xf32>
      %add3A_633 = arith.addf %get3A_628, %get3A_632 : vector<16xf32>
      %swap3A_634 = arith.index_cast %scan3A_133 : i32 to index
      %swap3A_635 = arith.constant 560 : index
      %swap3A_636 = tpu.vector_load %arg10[%swap3A_634, %swap3A_635] {strides = array<i32>} : memref<32x1024xf32, #tpu.memory_space<vmem>>, vector<1x16xf32>,
      %swap3A_637 = vector.shape_cast %swap3A_636 : vector<1x16xf32> to vector<16xf32>
      %swap3A_638 = vector.shape_cast %add3A_633 : vector<16xf32> to vector<1x16xf32>
      tpu.vector_store %arg10[%swap3A_634, %swap3A_635], %swap3A_638 {strides = array<i32>} : memref<32x1024xf32, #tpu.memory_space<vmem>>, vector<1x16xf32>,
      %get3A_639 = arith.index_cast %scan3A_133 : i32 to index
      %get3A_640 = arith.constant 576 : index
      %get3A_641 = tpu.vector_load %arg10[%get3A_639, %get3A_640] {strides = array<i32>} : memref<32x1024xf32, #tpu.memory_space<vmem>>, vector<1x16xf32>,
      %get3A_642 = vector.shape_cast %get3A_641 : vector<1x16xf32> to vector<16xf32>
      %get3A_643 = arith.index_cast %scan3A_133 : i32 to index
      %get3A_644 = arith.constant 576 : index
      %get3A_645 = tpu.vector_load %arg11[%get3A_643, %get3A_644] {strides = array<i32>} : memref<32x1024xf32, #tpu.memory_space<vmem>>, vector<1x16xf32>,
      %get3A_646 = vector.shape_cast %get3A_645 : vector<1x16xf32> to vector<16xf32>
      %add3A_647 = arith.addf %get3A_642, %get3A_646 : vector<16xf32>
      %swap3A_648 = arith.index_cast %scan3A_133 : i32 to index
      %swap3A_649 = arith.constant 576 : index
      %swap3A_650 = tpu.vector_load %arg10[%swap3A_648, %swap3A_649] {strides = array<i32>} : memref<32x1024xf32, #tpu.memory_space<vmem>>, vector<1x16xf32>,
      %swap3A_651 = vector.shape_cast %swap3A_650 : vector<1x16xf32> to vector<16xf32>
      %swap3A_652 = vector.shape_cast %add3A_647 : vector<16xf32> to vector<1x16xf32>
      tpu.vector_store %arg10[%swap3A_648, %swap3A_649], %swap3A_652 {strides = array<i32>} : memref<32x1024xf32, #tpu.memory_space<vmem>>, vector<1x16xf32>,
      %get3A_653 = arith.index_cast %scan3A_133 : i32 to index
      %get3A_654 = arith.constant 592 : index
      %get3A_655 = tpu.vector_load %arg10[%get3A_653, %get3A_654] {strides = array<i32>} : memref<32x1024xf32, #tpu.memory_space<vmem>>, vector<1x16xf32>,
      %get3A_656 = vector.shape_cast %get3A_655 : vector<1x16xf32> to vector<16xf32>
      %get3A_657 = arith.index_cast %scan3A_133 : i32 to index
      %get3A_658 = arith.constant 592 : index
      %get3A_659 = tpu.vector_load %arg11[%get3A_657, %get3A_658] {strides = array<i32>} : memref<32x1024xf32, #tpu.memory_space<vmem>>, vector<1x16xf32>,
      %get3A_660 = vector.shape_cast %get3A_659 : vector<1x16xf32> to vector<16xf32>
      %add3A_661 = arith.addf %get3A_656, %get3A_660 : vector<16xf32>
      %swap3A_662 = arith.index_cast %scan3A_133 : i32 to index
      %swap3A_663 = arith.constant 592 : index
      %swap3A_664 = tpu.vector_load %arg10[%swap3A_662, %swap3A_663] {strides = array<i32>} : memref<32x1024xf32, #tpu.memory_space<vmem>>, vector<1x16xf32>,
      %swap3A_665 = vector.shape_cast %swap3A_664 : vector<1x16xf32> to vector<16xf32>
      %swap3A_666 = vector.shape_cast %add3A_661 : vector<16xf32> to vector<1x16xf32>
      tpu.vector_store %arg10[%swap3A_662, %swap3A_663], %swap3A_666 {strides = array<i32>} : memref<32x1024xf32, #tpu.memory_space<vmem>>, vector<1x16xf32>,
      %get3A_667 = arith.index_cast %scan3A_133 : i32 to index
      %get3A_668 = arith.constant 608 : index
      %get3A_669 = tpu.vector_load %arg10[%get3A_667, %get3A_668] {strides = array<i32>} : memref<32x1024xf32, #tpu.memory_space<vmem>>, vector<1x16xf32>,
      %get3A_670 = vector.shape_cast %get3A_669 : vector<1x16xf32> to vector<16xf32>
      %get3A_671 = arith.index_cast %scan3A_133 : i32 to index
      %get3A_672 = arith.constant 608 : index
      %get3A_673 = tpu.vector_load %arg11[%get3A_671, %get3A_672] {strides = array<i32>} : memref<32x1024xf32, #tpu.memory_space<vmem>>, vector<1x16xf32>,
      %get3A_674 = vector.shape_cast %get3A_673 : vector<1x16xf32> to vector<16xf32>
      %add3A_675 = arith.addf %get3A_670, %get3A_674 : vector<16xf32>
      %swap3A_676 = arith.index_cast %scan3A_133 : i32 to index
      %swap3A_677 = arith.constant 608 : index
      %swap3A_678 = tpu.vector_load %arg10[%swap3A_676, %swap3A_677] {strides = array<i32>} : memref<32x1024xf32, #tpu.memory_space<vmem>>, vector<1x16xf32>,
      %swap3A_679 = vector.shape_cast %swap3A_678 : vector<1x16xf32> to vector<16xf32>
      %swap3A_680 = vector.shape_cast %add3A_675 : vector<16xf32> to vector<1x16xf32>
      tpu.vector_store %arg10[%swap3A_676, %swap3A_677], %swap3A_680 {strides = array<i32>} : memref<32x1024xf32, #tpu.memory_space<vmem>>, vector<1x16xf32>,
      %get3A_681 = arith.index_cast %scan3A_133 : i32 to index
      %get3A_682 = arith.constant 624 : index
      %get3A_683 = tpu.vector_load %arg10[%get3A_681, %get3A_682] {strides = array<i32>} : memref<32x1024xf32, #tpu.memory_space<vmem>>, vector<1x16xf32>,
      %get3A_684 = vector.shape_cast %get3A_683 : vector<1x16xf32> to vector<16xf32>
      %get3A_685 = arith.index_cast %scan3A_133 : i32 to index
      %get3A_686 = arith.constant 624 : index
      %get3A_687 = tpu.vector_load %arg11[%get3A_685, %get3A_686] {strides = array<i32>} : memref<32x1024xf32, #tpu.memory_space<vmem>>, vector<1x16xf32>,
      %get3A_688 = vector.shape_cast %get3A_687 : vector<1x16xf32> to vector<16xf32>
      %add3A_689 = arith.addf %get3A_684, %get3A_688 : vector<16xf32>
      %swap3A_690 = arith.index_cast %scan3A_133 : i32 to index
      %swap3A_691 = arith.constant 624 : index
      %swap3A_692 = tpu.vector_load %arg10[%swap3A_690, %swap3A_691] {strides = array<i32>} : memref<32x1024xf32, #tpu.memory_space<vmem>>, vector<1x16xf32>,
      %swap3A_693 = vector.shape_cast %swap3A_692 : vector<1x16xf32> to vector<16xf32>
      %swap3A_694 = vector.shape_cast %add3A_689 : vector<16xf32> to vector<1x16xf32>
      tpu.vector_store %arg10[%swap3A_690, %swap3A_691], %swap3A_694 {strides = array<i32>} : memref<32x1024xf32, #tpu.memory_space<vmem>>, vector<1x16xf32>,
      %get3A_695 = arith.index_cast %scan3A_133 : i32 to index
      %get3A_696 = arith.constant 640 : index
      %get3A_697 = tpu.vector_load %arg10[%get3A_695, %get3A_696] {strides = array<i32>} : memref<32x1024xf32, #tpu.memory_space<vmem>>, vector<1x16xf32>,
      %get3A_698 = vector.shape_cast %get3A_697 : vector<1x16xf32> to vector<16xf32>
      %get3A_699 = arith.index_cast %scan3A_133 : i32 to index
      %get3A_700 = arith.constant 640 : index
      %get3A_701 = tpu.vector_load %arg11[%get3A_699, %get3A_700] {strides = array<i32>} : memref<32x1024xf32, #tpu.memory_space<vmem>>, vector<1x16xf32>,
      %get3A_702 = vector.shape_cast %get3A_701 : vector<1x16xf32> to vector<16xf32>
      %add3A_703 = arith.addf %get3A_698, %get3A_702 : vector<16xf32>
      %swap3A_704 = arith.index_cast %scan3A_133 : i32 to index
      %swap3A_705 = arith.constant 640 : index
      %swap3A_706 = tpu.vector_load %arg10[%swap3A_704, %swap3A_705] {strides = array<i32>} : memref<32x1024xf32, #tpu.memory_space<vmem>>, vector<1x16xf32>,
      %swap3A_707 = vector.shape_cast %swap3A_706 : vector<1x16xf32> to vector<16xf32>
      %swap3A_708 = vector.shape_cast %add3A_703 : vector<16xf32> to vector<1x16xf32>
      tpu.vector_store %arg10[%swap3A_704, %swap3A_705], %swap3A_708 {strides = array<i32>} : memref<32x1024xf32, #tpu.memory_space<vmem>>, vector<1x16xf32>,
      %get3A_709 = arith.index_cast %scan3A_133 : i32 to index
      %get3A_710 = arith.constant 656 : index
      %get3A_711 = tpu.vector_load %arg10[%get3A_709, %get3A_710] {strides = array<i32>} : memref<32x1024xf32, #tpu.memory_space<vmem>>, vector<1x16xf32>,
      %get3A_712 = vector.shape_cast %get3A_711 : vector<1x16xf32> to vector<16xf32>
      %get3A_713 = arith.index_cast %scan3A_133 : i32 to index
      %get3A_714 = arith.constant 656 : index
      %get3A_715 = tpu.vector_load %arg11[%get3A_713, %get3A_714] {strides = array<i32>} : memref<32x1024xf32, #tpu.memory_space<vmem>>, vector<1x16xf32>,
      %get3A_716 = vector.shape_cast %get3A_715 : vector<1x16xf32> to vector<16xf32>
      %add3A_717 = arith.addf %get3A_712, %get3A_716 : vector<16xf32>
      %swap3A_718 = arith.index_cast %scan3A_133 : i32 to index
      %swap3A_719 = arith.constant 656 : index
      %swap3A_720 = tpu.vector_load %arg10[%swap3A_718, %swap3A_719] {strides = array<i32>} : memref<32x1024xf32, #tpu.memory_space<vmem>>, vector<1x16xf32>,
      %swap3A_721 = vector.shape_cast %swap3A_720 : vector<1x16xf32> to vector<16xf32>
      %swap3A_722 = vector.shape_cast %add3A_717 : vector<16xf32> to vector<1x16xf32>
      tpu.vector_store %arg10[%swap3A_718, %swap3A_719], %swap3A_722 {strides = array<i32>} : memref<32x1024xf32, #tpu.memory_space<vmem>>, vector<1x16xf32>,
      %get3A_723 = arith.index_cast %scan3A_133 : i32 to index
      %get3A_724 = arith.constant 672 : index
      %get3A_725 = tpu.vector_load %arg10[%get3A_723, %get3A_724] {strides = array<i32>} : memref<32x1024xf32, #tpu.memory_space<vmem>>, vector<1x16xf32>,
      %get3A_726 = vector.shape_cast %get3A_725 : vector<1x16xf32> to vector<16xf32>
      %get3A_727 = arith.index_cast %scan3A_133 : i32 to index
      %get3A_728 = arith.constant 672 : index
      %get3A_729 = tpu.vector_load %arg11[%get3A_727, %get3A_728] {strides = array<i32>} : memref<32x1024xf32, #tpu.memory_space<vmem>>, vector<1x16xf32>,
      %get3A_730 = vector.shape_cast %get3A_729 : vector<1x16xf32> to vector<16xf32>
      %add3A_731 = arith.addf %get3A_726, %get3A_730 : vector<16xf32>
      %swap3A_732 = arith.index_cast %scan3A_133 : i32 to index
      %swap3A_733 = arith.constant 672 : index
      %swap3A_734 = tpu.vector_load %arg10[%swap3A_732, %swap3A_733] {strides = array<i32>} : memref<32x1024xf32, #tpu.memory_space<vmem>>, vector<1x16xf32>,
      %swap3A_735 = vector.shape_cast %swap3A_734 : vector<1x16xf32> to vector<16xf32>
      %swap3A_736 = vector.shape_cast %add3A_731 : vector<16xf32> to vector<1x16xf32>
      tpu.vector_store %arg10[%swap3A_732, %swap3A_733], %swap3A_736 {strides = array<i32>} : memref<32x1024xf32, #tpu.memory_space<vmem>>, vector<1x16xf32>,
      %get3A_737 = arith.index_cast %scan3A_133 : i32 to index
      %get3A_738 = arith.constant 688 : index
      %get3A_739 = tpu.vector_load %arg10[%get3A_737, %get3A_738] {strides = array<i32>} : memref<32x1024xf32, #tpu.memory_space<vmem>>, vector<1x16xf32>,
      %get3A_740 = vector.shape_cast %get3A_739 : vector<1x16xf32> to vector<16xf32>
      %get3A_741 = arith.index_cast %scan3A_133 : i32 to index
      %get3A_742 = arith.constant 688 : index
      %get3A_743 = tpu.vector_load %arg11[%get3A_741, %get3A_742] {strides = array<i32>} : memref<32x1024xf32, #tpu.memory_space<vmem>>, vector<1x16xf32>,
      %get3A_744 = vector.shape_cast %get3A_743 : vector<1x16xf32> to vector<16xf32>
      %add3A_745 = arith.addf %get3A_740, %get3A_744 : vector<16xf32>
      %swap3A_746 = arith.index_cast %scan3A_133 : i32 to index
      %swap3A_747 = arith.constant 688 : index
      %swap3A_748 = tpu.vector_load %arg10[%swap3A_746, %swap3A_747] {strides = array<i32>} : memref<32x1024xf32, #tpu.memory_space<vmem>>, vector<1x16xf32>,
      %swap3A_749 = vector.shape_cast %swap3A_748 : vector<1x16xf32> to vector<16xf32>
      %swap3A_750 = vector.shape_cast %add3A_745 : vector<16xf32> to vector<1x16xf32>
      tpu.vector_store %arg10[%swap3A_746, %swap3A_747], %swap3A_750 {strides = array<i32>} : memref<32x1024xf32, #tpu.memory_space<vmem>>, vector<1x16xf32>,
      %get3A_751 = arith.index_cast %scan3A_133 : i32 to index
      %get3A_752 = arith.constant 704 : index
      %get3A_753 = tpu.vector_load %arg10[%get3A_751, %get3A_752] {strides = array<i32>} : memref<32x1024xf32, #tpu.memory_space<vmem>>, vector<1x16xf32>,
      %get3A_754 = vector.shape_cast %get3A_753 : vector<1x16xf32> to vector<16xf32>
      %get3A_755 = arith.index_cast %scan3A_133 : i32 to index
      %get3A_756 = arith.constant 704 : index
      %get3A_757 = tpu.vector_load %arg11[%get3A_755, %get3A_756] {strides = array<i32>} : memref<32x1024xf32, #tpu.memory_space<vmem>>, vector<1x16xf32>,
      %get3A_758 = vector.shape_cast %get3A_757 : vector<1x16xf32> to vector<16xf32>
      %add3A_759 = arith.addf %get3A_754, %get3A_758 : vector<16xf32>
      %swap3A_760 = arith.index_cast %scan3A_133 : i32 to index
      %swap3A_761 = arith.constant 704 : index
      %swap3A_762 = tpu.vector_load %arg10[%swap3A_760, %swap3A_761] {strides = array<i32>} : memref<32x1024xf32, #tpu.memory_space<vmem>>, vector<1x16xf32>,
      %swap3A_763 = vector.shape_cast %swap3A_762 : vector<1x16xf32> to vector<16xf32>
      %swap3A_764 = vector.shape_cast %add3A_759 : vector<16xf32> to vector<1x16xf32>
      tpu.vector_store %arg10[%swap3A_760, %swap3A_761], %swap3A_764 {strides = array<i32>} : memref<32x1024xf32, #tpu.memory_space<vmem>>, vector<1x16xf32>,
      %get3A_765 = arith.index_cast %scan3A_133 : i32 to index
      %get3A_766 = arith.constant 720 : index
      %get3A_767 = tpu.vector_load %arg10[%get3A_765, %get3A_766] {strides = array<i32>} : memref<32x1024xf32, #tpu.memory_space<vmem>>, vector<1x16xf32>,
      %get3A_768 = vector.shape_cast %get3A_767 : vector<1x16xf32> to vector<16xf32>
      %get3A_769 = arith.index_cast %scan3A_133 : i32 to index
      %get3A_770 = arith.constant 720 : index
      %get3A_771 = tpu.vector_load %arg11[%get3A_769, %get3A_770] {strides = array<i32>} : memref<32x1024xf32, #tpu.memory_space<vmem>>, vector<1x16xf32>,
      %get3A_772 = vector.shape_cast %get3A_771 : vector<1x16xf32> to vector<16xf32>
      %add3A_773 = arith.addf %get3A_768, %get3A_772 : vector<16xf32>
      %swap3A_774 = arith.index_cast %scan3A_133 : i32 to index
      %swap3A_775 = arith.constant 720 : index
      %swap3A_776 = tpu.vector_load %arg10[%swap3A_774, %swap3A_775] {strides = array<i32>} : memref<32x1024xf32, #tpu.memory_space<vmem>>, vector<1x16xf32>,
      %swap3A_777 = vector.shape_cast %swap3A_776 : vector<1x16xf32> to vector<16xf32>
      %swap3A_778 = vector.shape_cast %add3A_773 : vector<16xf32> to vector<1x16xf32>
      tpu.vector_store %arg10[%swap3A_774, %swap3A_775], %swap3A_778 {strides = array<i32>} : memref<32x1024xf32, #tpu.memory_space<vmem>>, vector<1x16xf32>,
      %get3A_779 = arith.index_cast %scan3A_133 : i32 to index
      %get3A_780 = arith.constant 736 : index
      %get3A_781 = tpu.vector_load %arg10[%get3A_779, %get3A_780] {strides = array<i32>} : memref<32x1024xf32, #tpu.memory_space<vmem>>, vector<1x16xf32>,
      %get3A_782 = vector.shape_cast %get3A_781 : vector<1x16xf32> to vector<16xf32>
      %get3A_783 = arith.index_cast %scan3A_133 : i32 to index
      %get3A_784 = arith.constant 736 : index
      %get3A_785 = tpu.vector_load %arg11[%get3A_783, %get3A_784] {strides = array<i32>} : memref<32x1024xf32, #tpu.memory_space<vmem>>, vector<1x16xf32>,
      %get3A_786 = vector.shape_cast %get3A_785 : vector<1x16xf32> to vector<16xf32>
      %add3A_787 = arith.addf %get3A_782, %get3A_786 : vector<16xf32>
      %swap3A_788 = arith.index_cast %scan3A_133 : i32 to index
      %swap3A_789 = arith.constant 736 : index
      %swap3A_790 = tpu.vector_load %arg10[%swap3A_788, %swap3A_789] {strides = array<i32>} : memref<32x1024xf32, #tpu.memory_space<vmem>>, vector<1x16xf32>,
      %swap3A_791 = vector.shape_cast %swap3A_790 : vector<1x16xf32> to vector<16xf32>
      %swap3A_792 = vector.shape_cast %add3A_787 : vector<16xf32> to vector<1x16xf32>
      tpu.vector_store %arg10[%swap3A_788, %swap3A_789], %swap3A_792 {strides = array<i32>} : memref<32x1024xf32, #tpu.memory_space<vmem>>, vector<1x16xf32>,
      %get3A_793 = arith.index_cast %scan3A_133 : i32 to index
      %get3A_794 = arith.constant 752 : index
      %get3A_795 = tpu.vector_load %arg10[%get3A_793, %get3A_794] {strides = array<i32>} : memref<32x1024xf32, #tpu.memory_space<vmem>>, vector<1x16xf32>,
      %get3A_796 = vector.shape_cast %get3A_795 : vector<1x16xf32> to vector<16xf32>
      %get3A_797 = arith.index_cast %scan3A_133 : i32 to index
      %get3A_798 = arith.constant 752 : index
      %get3A_799 = tpu.vector_load %arg11[%get3A_797, %get3A_798] {strides = array<i32>} : memref<32x1024xf32, #tpu.memory_space<vmem>>, vector<1x16xf32>,
      %get3A_800 = vector.shape_cast %get3A_799 : vector<1x16xf32> to vector<16xf32>
      %add3A_801 = arith.addf %get3A_796, %get3A_800 : vector<16xf32>
      %swap3A_802 = arith.index_cast %scan3A_133 : i32 to index
      %swap3A_803 = arith.constant 752 : index
      %swap3A_804 = tpu.vector_load %arg10[%swap3A_802, %swap3A_803] {strides = array<i32>} : memref<32x1024xf32, #tpu.memory_space<vmem>>, vector<1x16xf32>,
      %swap3A_805 = vector.shape_cast %swap3A_804 : vector<1x16xf32> to vector<16xf32>
      %swap3A_806 = vector.shape_cast %add3A_801 : vector<16xf32> to vector<1x16xf32>
      tpu.vector_store %arg10[%swap3A_802, %swap3A_803], %swap3A_806 {strides = array<i32>} : memref<32x1024xf32, #tpu.memory_space<vmem>>, vector<1x16xf32>,
      %get3A_807 = arith.index_cast %scan3A_133 : i32 to index
      %get3A_808 = arith.constant 768 : index
      %get3A_809 = tpu.vector_load %arg10[%get3A_807, %get3A_808] {strides = array<i32>} : memref<32x1024xf32, #tpu.memory_space<vmem>>, vector<1x16xf32>,
      %get3A_810 = vector.shape_cast %get3A_809 : vector<1x16xf32> to vector<16xf32>
      %get3A_811 = arith.index_cast %scan3A_133 : i32 to index
      %get3A_812 = arith.constant 768 : index
      %get3A_813 = tpu.vector_load %arg11[%get3A_811, %get3A_812] {strides = array<i32>} : memref<32x1024xf32, #tpu.memory_space<vmem>>, vector<1x16xf32>,
      %get3A_814 = vector.shape_cast %get3A_813 : vector<1x16xf32> to vector<16xf32>
      %add3A_815 = arith.addf %get3A_810, %get3A_814 : vector<16xf32>
      %swap3A_816 = arith.index_cast %scan3A_133 : i32 to index
      %swap3A_817 = arith.constant 768 : index
      %swap3A_818 = tpu.vector_load %arg10[%swap3A_816, %swap3A_817] {strides = array<i32>} : memref<32x1024xf32, #tpu.memory_space<vmem>>, vector<1x16xf32>,
      %swap3A_819 = vector.shape_cast %swap3A_818 : vector<1x16xf32> to vector<16xf32>
      %swap3A_820 = vector.shape_cast %add3A_815 : vector<16xf32> to vector<1x16xf32>
      tpu.vector_store %arg10[%swap3A_816, %swap3A_817], %swap3A_820 {strides = array<i32>} : memref<32x1024xf32, #tpu.memory_space<vmem>>, vector<1x16xf32>,
      %get3A_821 = arith.index_cast %scan3A_133 : i32 to index
      %get3A_822 = arith.constant 784 : index
      %get3A_823 = tpu.vector_load %arg10[%get3A_821, %get3A_822] {strides = array<i32>} : memref<32x1024xf32, #tpu.memory_space<vmem>>, vector<1x16xf32>,
      %get3A_824 = vector.shape_cast %get3A_823 : vector<1x16xf32> to vector<16xf32>
      %get3A_825 = arith.index_cast %scan3A_133 : i32 to index
      %get3A_826 = arith.constant 784 : index
      %get3A_827 = tpu.vector_load %arg11[%get3A_825, %get3A_826] {strides = array<i32>} : memref<32x1024xf32, #tpu.memory_space<vmem>>, vector<1x16xf32>,
      %get3A_828 = vector.shape_cast %get3A_827 : vector<1x16xf32> to vector<16xf32>
      %add3A_829 = arith.addf %get3A_824, %get3A_828 : vector<16xf32>
      %swap3A_830 = arith.index_cast %scan3A_133 : i32 to index
      %swap3A_831 = arith.constant 784 : index
      %swap3A_832 = tpu.vector_load %arg10[%swap3A_830, %swap3A_831] {strides = array<i32>} : memref<32x1024xf32, #tpu.memory_space<vmem>>, vector<1x16xf32>,
      %swap3A_833 = vector.shape_cast %swap3A_832 : vector<1x16xf32> to vector<16xf32>
      %swap3A_834 = vector.shape_cast %add3A_829 : vector<16xf32> to vector<1x16xf32>
      tpu.vector_store %arg10[%swap3A_830, %swap3A_831], %swap3A_834 {strides = array<i32>} : memref<32x1024xf32, #tpu.memory_space<vmem>>, vector<1x16xf32>,
      %get3A_835 = arith.index_cast %scan3A_133 : i32 to index
      %get3A_836 = arith.constant 800 : index
      %get3A_837 = tpu.vector_load %arg10[%get3A_835, %get3A_836] {strides = array<i32>} : memref<32x1024xf32, #tpu.memory_space<vmem>>, vector<1x16xf32>,
      %get3A_838 = vector.shape_cast %get3A_837 : vector<1x16xf32> to vector<16xf32>
      %get3A_839 = arith.index_cast %scan3A_133 : i32 to index
      %get3A_840 = arith.constant 800 : index
      %get3A_841 = tpu.vector_load %arg11[%get3A_839, %get3A_840] {strides = array<i32>} : memref<32x1024xf32, #tpu.memory_space<vmem>>, vector<1x16xf32>,
      %get3A_842 = vector.shape_cast %get3A_841 : vector<1x16xf32> to vector<16xf32>
      %add3A_843 = arith.addf %get3A_838, %get3A_842 : vector<16xf32>
      %swap3A_844 = arith.index_cast %scan3A_133 : i32 to index
      %swap3A_845 = arith.constant 800 : index
      %swap3A_846 = tpu.vector_load %arg10[%swap3A_844, %swap3A_845] {strides = array<i32>} : memref<32x1024xf32, #tpu.memory_space<vmem>>, vector<1x16xf32>,
      %swap3A_847 = vector.shape_cast %swap3A_846 : vector<1x16xf32> to vector<16xf32>
      %swap3A_848 = vector.shape_cast %add3A_843 : vector<16xf32> to vector<1x16xf32>
      tpu.vector_store %arg10[%swap3A_844, %swap3A_845], %swap3A_848 {strides = array<i32>} : memref<32x1024xf32, #tpu.memory_space<vmem>>, vector<1x16xf32>,
      %get3A_849 = arith.index_cast %scan3A_133 : i32 to index
      %get3A_850 = arith.constant 816 : index
      %get3A_851 = tpu.vector_load %arg10[%get3A_849, %get3A_850] {strides = array<i32>} : memref<32x1024xf32, #tpu.memory_space<vmem>>, vector<1x16xf32>,
      %get3A_852 = vector.shape_cast %get3A_851 : vector<1x16xf32> to vector<16xf32>
      %get3A_853 = arith.index_cast %scan3A_133 : i32 to index
      %get3A_854 = arith.constant 816 : index
      %get3A_855 = tpu.vector_load %arg11[%get3A_853, %get3A_854] {strides = array<i32>} : memref<32x1024xf32, #tpu.memory_space<vmem>>, vector<1x16xf32>,
      %get3A_856 = vector.shape_cast %get3A_855 : vector<1x16xf32> to vector<16xf32>
      %add3A_857 = arith.addf %get3A_852, %get3A_856 : vector<16xf32>
      %swap3A_858 = arith.index_cast %scan3A_133 : i32 to index
      %swap3A_859 = arith.constant 816 : index
      %swap3A_860 = tpu.vector_load %arg10[%swap3A_858, %swap3A_859] {strides = array<i32>} : memref<32x1024xf32, #tpu.memory_space<vmem>>, vector<1x16xf32>,
      %swap3A_861 = vector.shape_cast %swap3A_860 : vector<1x16xf32> to vector<16xf32>
      %swap3A_862 = vector.shape_cast %add3A_857 : vector<16xf32> to vector<1x16xf32>
      tpu.vector_store %arg10[%swap3A_858, %swap3A_859], %swap3A_862 {strides = array<i32>} : memref<32x1024xf32, #tpu.memory_space<vmem>>, vector<1x16xf32>,
      %get3A_863 = arith.index_cast %scan3A_133 : i32 to index
      %get3A_864 = arith.constant 832 : index
      %get3A_865 = tpu.vector_load %arg10[%get3A_863, %get3A_864] {strides = array<i32>} : memref<32x1024xf32, #tpu.memory_space<vmem>>, vector<1x16xf32>,
      %get3A_866 = vector.shape_cast %get3A_865 : vector<1x16xf32> to vector<16xf32>
      %get3A_867 = arith.index_cast %scan3A_133 : i32 to index
      %get3A_868 = arith.constant 832 : index
      %get3A_869 = tpu.vector_load %arg11[%get3A_867, %get3A_868] {strides = array<i32>} : memref<32x1024xf32, #tpu.memory_space<vmem>>, vector<1x16xf32>,
      %get3A_870 = vector.shape_cast %get3A_869 : vector<1x16xf32> to vector<16xf32>
      %add3A_871 = arith.addf %get3A_866, %get3A_870 : vector<16xf32>
      %swap3A_872 = arith.index_cast %scan3A_133 : i32 to index
      %swap3A_873 = arith.constant 832 : index
      %swap3A_874 = tpu.vector_load %arg10[%swap3A_872, %swap3A_873] {strides = array<i32>} : memref<32x1024xf32, #tpu.memory_space<vmem>>, vector<1x16xf32>,
      %swap3A_875 = vector.shape_cast %swap3A_874 : vector<1x16xf32> to vector<16xf32>
      %swap3A_876 = vector.shape_cast %add3A_871 : vector<16xf32> to vector<1x16xf32>
      tpu.vector_store %arg10[%swap3A_872, %swap3A_873], %swap3A_876 {strides = array<i32>} : memref<32x1024xf32, #tpu.memory_space<vmem>>, vector<1x16xf32>,
      %get3A_877 = arith.index_cast %scan3A_133 : i32 to index
      %get3A_878 = arith.constant 848 : index
      %get3A_879 = tpu.vector_load %arg10[%get3A_877, %get3A_878] {strides = array<i32>} : memref<32x1024xf32, #tpu.memory_space<vmem>>, vector<1x16xf32>,
      %get3A_880 = vector.shape_cast %get3A_879 : vector<1x16xf32> to vector<16xf32>
      %get3A_881 = arith.index_cast %scan3A_133 : i32 to index
      %get3A_882 = arith.constant 848 : index
      %get3A_883 = tpu.vector_load %arg11[%get3A_881, %get3A_882] {strides = array<i32>} : memref<32x1024xf32, #tpu.memory_space<vmem>>, vector<1x16xf32>,
      %get3A_884 = vector.shape_cast %get3A_883 : vector<1x16xf32> to vector<16xf32>
      %add3A_885 = arith.addf %get3A_880, %get3A_884 : vector<16xf32>
      %swap3A_886 = arith.index_cast %scan3A_133 : i32 to index
      %swap3A_887 = arith.constant 848 : index
      %swap3A_888 = tpu.vector_load %arg10[%swap3A_886, %swap3A_887] {strides = array<i32>} : memref<32x1024xf32, #tpu.memory_space<vmem>>, vector<1x16xf32>,
      %swap3A_889 = vector.shape_cast %swap3A_888 : vector<1x16xf32> to vector<16xf32>
      %swap3A_890 = vector.shape_cast %add3A_885 : vector<16xf32> to vector<1x16xf32>
      tpu.vector_store %arg10[%swap3A_886, %swap3A_887], %swap3A_890 {strides = array<i32>} : memref<32x1024xf32, #tpu.memory_space<vmem>>, vector<1x16xf32>,
      %get3A_891 = arith.index_cast %scan3A_133 : i32 to index
      %get3A_892 = arith.constant 864 : index
      %get3A_893 = tpu.vector_load %arg10[%get3A_891, %get3A_892] {strides = array<i32>} : memref<32x1024xf32, #tpu.memory_space<vmem>>, vector<1x16xf32>,
      %get3A_894 = vector.shape_cast %get3A_893 : vector<1x16xf32> to vector<16xf32>
      %get3A_895 = arith.index_cast %scan3A_133 : i32 to index
      %get3A_896 = arith.constant 864 : index
      %get3A_897 = tpu.vector_load %arg11[%get3A_895, %get3A_896] {strides = array<i32>} : memref<32x1024xf32, #tpu.memory_space<vmem>>, vector<1x16xf32>,
      %get3A_898 = vector.shape_cast %get3A_897 : vector<1x16xf32> to vector<16xf32>
      %add3A_899 = arith.addf %get3A_894, %get3A_898 : vector<16xf32>
      %swap3A_900 = arith.index_cast %scan3A_133 : i32 to index
      %swap3A_901 = arith.constant 864 : index
      %swap3A_902 = tpu.vector_load %arg10[%swap3A_900, %swap3A_901] {strides = array<i32>} : memref<32x1024xf32, #tpu.memory_space<vmem>>, vector<1x16xf32>,
      %swap3A_903 = vector.shape_cast %swap3A_902 : vector<1x16xf32> to vector<16xf32>
      %swap3A_904 = vector.shape_cast %add3A_899 : vector<16xf32> to vector<1x16xf32>
      tpu.vector_store %arg10[%swap3A_900, %swap3A_901], %swap3A_904 {strides = array<i32>} : memref<32x1024xf32, #tpu.memory_space<vmem>>, vector<1x16xf32>,
      %get3A_905 = arith.index_cast %scan3A_133 : i32 to index
      %get3A_906 = arith.constant 880 : index
      %get3A_907 = tpu.vector_load %arg10[%get3A_905, %get3A_906] {strides = array<i32>} : memref<32x1024xf32, #tpu.memory_space<vmem>>, vector<1x16xf32>,
      %get3A_908 = vector.shape_cast %get3A_907 : vector<1x16xf32> to vector<16xf32>
      %get3A_909 = arith.index_cast %scan3A_133 : i32 to index
      %get3A_910 = arith.constant 880 : index
      %get3A_911 = tpu.vector_load %arg11[%get3A_909, %get3A_910] {strides = array<i32>} : memref<32x1024xf32, #tpu.memory_space<vmem>>, vector<1x16xf32>,
      %get3A_912 = vector.shape_cast %get3A_911 : vector<1x16xf32> to vector<16xf32>
      %add3A_913 = arith.addf %get3A_908, %get3A_912 : vector<16xf32>
      %swap3A_914 = arith.index_cast %scan3A_133 : i32 to index
      %swap3A_915 = arith.constant 880 : index
      %swap3A_916 = tpu.vector_load %arg10[%swap3A_914, %swap3A_915] {strides = array<i32>} : memref<32x1024xf32, #tpu.memory_space<vmem>>, vector<1x16xf32>,
      %swap3A_917 = vector.shape_cast %swap3A_916 : vector<1x16xf32> to vector<16xf32>
      %swap3A_918 = vector.shape_cast %add3A_913 : vector<16xf32> to vector<1x16xf32>
      tpu.vector_store %arg10[%swap3A_914, %swap3A_915], %swap3A_918 {strides = array<i32>} : memref<32x1024xf32, #tpu.memory_space<vmem>>, vector<1x16xf32>,
      %get3A_919 = arith.index_cast %scan3A_133 : i32 to index
      %get3A_920 = arith.constant 896 : index
      %get3A_921 = tpu.vector_load %arg10[%get3A_919, %get3A_920] {strides = array<i32>} : memref<32x1024xf32, #tpu.memory_space<vmem>>, vector<1x16xf32>,
      %get3A_922 = vector.shape_cast %get3A_921 : vector<1x16xf32> to vector<16xf32>
      %get3A_923 = arith.index_cast %scan3A_133 : i32 to index
      %get3A_924 = arith.constant 896 : index
      %get3A_925 = tpu.vector_load %arg11[%get3A_923, %get3A_924] {strides = array<i32>} : memref<32x1024xf32, #tpu.memory_space<vmem>>, vector<1x16xf32>,
      %get3A_926 = vector.shape_cast %get3A_925 : vector<1x16xf32> to vector<16xf32>
      %add3A_927 = arith.addf %get3A_922, %get3A_926 : vector<16xf32>
      %swap3A_928 = arith.index_cast %scan3A_133 : i32 to index
      %swap3A_929 = arith.constant 896 : index
      %swap3A_930 = tpu.vector_load %arg10[%swap3A_928, %swap3A_929] {strides = array<i32>} : memref<32x1024xf32, #tpu.memory_space<vmem>>, vector<1x16xf32>,
      %swap3A_931 = vector.shape_cast %swap3A_930 : vector<1x16xf32> to vector<16xf32>
      %swap3A_932 = vector.shape_cast %add3A_927 : vector<16xf32> to vector<1x16xf32>
      tpu.vector_store %arg10[%swap3A_928, %swap3A_929], %swap3A_932 {strides = array<i32>} : memref<32x1024xf32, #tpu.memory_space<vmem>>, vector<1x16xf32>,
      %get3A_933 = arith.index_cast %scan3A_133 : i32 to index
      %get3A_934 = arith.constant 912 : index
      %get3A_935 = tpu.vector_load %arg10[%get3A_933, %get3A_934] {strides = array<i32>} : memref<32x1024xf32, #tpu.memory_space<vmem>>, vector<1x16xf32>,
      %get3A_936 = vector.shape_cast %get3A_935 : vector<1x16xf32> to vector<16xf32>
      %get3A_937 = arith.index_cast %scan3A_133 : i32 to index
      %get3A_938 = arith.constant 912 : index
      %get3A_939 = tpu.vector_load %arg11[%get3A_937, %get3A_938] {strides = array<i32>} : memref<32x1024xf32, #tpu.memory_space<vmem>>, vector<1x16xf32>,
      %get3A_940 = vector.shape_cast %get3A_939 : vector<1x16xf32> to vector<16xf32>
      %add3A_941 = arith.addf %get3A_936, %get3A_940 : vector<16xf32>
      %swap3A_942 = arith.index_cast %scan3A_133 : i32 to index
      %swap3A_943 = arith.constant 912 : index
      %swap3A_944 = tpu.vector_load %arg10[%swap3A_942, %swap3A_943] {strides = array<i32>} : memref<32x1024xf32, #tpu.memory_space<vmem>>, vector<1x16xf32>,
      %swap3A_945 = vector.shape_cast %swap3A_944 : vector<1x16xf32> to vector<16xf32>
      %swap3A_946 = vector.shape_cast %add3A_941 : vector<16xf32> to vector<1x16xf32>
      tpu.vector_store %arg10[%swap3A_942, %swap3A_943], %swap3A_946 {strides = array<i32>} : memref<32x1024xf32, #tpu.memory_space<vmem>>, vector<1x16xf32>,
      %get3A_947 = arith.index_cast %scan3A_133 : i32 to index
      %get3A_948 = arith.constant 928 : index
      %get3A_949 = tpu.vector_load %arg10[%get3A_947, %get3A_948] {strides = array<i32>} : memref<32x1024xf32, #tpu.memory_space<vmem>>, vector<1x16xf32>,
      %get3A_950 = vector.shape_cast %get3A_949 : vector<1x16xf32> to vector<16xf32>
      %get3A_951 = arith.index_cast %scan3A_133 : i32 to index
      %get3A_952 = arith.constant 928 : index
      %get3A_953 = tpu.vector_load %arg11[%get3A_951, %get3A_952] {strides = array<i32>} : memref<32x1024xf32, #tpu.memory_space<vmem>>, vector<1x16xf32>,
      %get3A_954 = vector.shape_cast %get3A_953 : vector<1x16xf32> to vector<16xf32>
      %add3A_955 = arith.addf %get3A_950, %get3A_954 : vector<16xf32>
      %swap3A_956 = arith.index_cast %scan3A_133 : i32 to index
      %swap3A_957 = arith.constant 928 : index
      %swap3A_958 = tpu.vector_load %arg10[%swap3A_956, %swap3A_957] {strides = array<i32>} : memref<32x1024xf32, #tpu.memory_space<vmem>>, vector<1x16xf32>,
      %swap3A_959 = vector.shape_cast %swap3A_958 : vector<1x16xf32> to vector<16xf32>
      %swap3A_960 = vector.shape_cast %add3A_955 : vector<16xf32> to vector<1x16xf32>
      tpu.vector_store %arg10[%swap3A_956, %swap3A_957], %swap3A_960 {strides = array<i32>} : memref<32x1024xf32, #tpu.memory_space<vmem>>, vector<1x16xf32>,
      %get3A_961 = arith.index_cast %scan3A_133 : i32 to index
      %get3A_962 = arith.constant 944 : index
      %get3A_963 = tpu.vector_load %arg10[%get3A_961, %get3A_962] {strides = array<i32>} : memref<32x1024xf32, #tpu.memory_space<vmem>>, vector<1x16xf32>,
      %get3A_964 = vector.shape_cast %get3A_963 : vector<1x16xf32> to vector<16xf32>
      %get3A_965 = arith.index_cast %scan3A_133 : i32 to index
      %get3A_966 = arith.constant 944 : index
      %get3A_967 = tpu.vector_load %arg11[%get3A_965, %get3A_966] {strides = array<i32>} : memref<32x1024xf32, #tpu.memory_space<vmem>>, vector<1x16xf32>,
      %get3A_968 = vector.shape_cast %get3A_967 : vector<1x16xf32> to vector<16xf32>
      %add3A_969 = arith.addf %get3A_964, %get3A_968 : vector<16xf32>
      %swap3A_970 = arith.index_cast %scan3A_133 : i32 to index
      %swap3A_971 = arith.constant 944 : index
      %swap3A_972 = tpu.vector_load %arg10[%swap3A_970, %swap3A_971] {strides = array<i32>} : memref<32x1024xf32, #tpu.memory_space<vmem>>, vector<1x16xf32>,
      %swap3A_973 = vector.shape_cast %swap3A_972 : vector<1x16xf32> to vector<16xf32>
      %swap3A_974 = vector.shape_cast %add3A_969 : vector<16xf32> to vector<1x16xf32>
      tpu.vector_store %arg10[%swap3A_970, %swap3A_971], %swap3A_974 {strides = array<i32>} : memref<32x1024xf32, #tpu.memory_space<vmem>>, vector<1x16xf32>,
      %get3A_975 = arith.index_cast %scan3A_133 : i32 to index
      %get3A_976 = arith.constant 960 : index
      %get3A_977 = tpu.vector_load %arg10[%get3A_975, %get3A_976] {strides = array<i32>} : memref<32x1024xf32, #tpu.memory_space<vmem>>, vector<1x16xf32>,
      %get3A_978 = vector.shape_cast %get3A_977 : vector<1x16xf32> to vector<16xf32>
      %get3A_979 = arith.index_cast %scan3A_133 : i32 to index
      %get3A_980 = arith.constant 960 : index
      %get3A_981 = tpu.vector_load %arg11[%get3A_979, %get3A_980] {strides = array<i32>} : memref<32x1024xf32, #tpu.memory_space<vmem>>, vector<1x16xf32>,
      %get3A_982 = vector.shape_cast %get3A_981 : vector<1x16xf32> to vector<16xf32>
      %add3A_983 = arith.addf %get3A_978, %get3A_982 : vector<16xf32>
      %swap3A_984 = arith.index_cast %scan3A_133 : i32 to index
      %swap3A_985 = arith.constant 960 : index
      %swap3A_986 = tpu.vector_load %arg10[%swap3A_984, %swap3A_985] {strides = array<i32>} : memref<32x1024xf32, #tpu.memory_space<vmem>>, vector<1x16xf32>,
      %swap3A_987 = vector.shape_cast %swap3A_986 : vector<1x16xf32> to vector<16xf32>
      %swap3A_988 = vector.shape_cast %add3A_983 : vector<16xf32> to vector<1x16xf32>
      tpu.vector_store %arg10[%swap3A_984, %swap3A_985], %swap3A_988 {strides = array<i32>} : memref<32x1024xf32, #tpu.memory_space<vmem>>, vector<1x16xf32>,
      %get3A_989 = arith.index_cast %scan3A_133 : i32 to index
      %get3A_990 = arith.constant 976 : index
      %get3A_991 = tpu.vector_load %arg10[%get3A_989, %get3A_990] {strides = array<i32>} : memref<32x1024xf32, #tpu.memory_space<vmem>>, vector<1x16xf32>,
      %get3A_992 = vector.shape_cast %get3A_991 : vector<1x16xf32> to vector<16xf32>
      %get3A_993 = arith.index_cast %scan3A_133 : i32 to index
      %get3A_994 = arith.constant 976 : index
      %get3A_995 = tpu.vector_load %arg11[%get3A_993, %get3A_994] {strides = array<i32>} : memref<32x1024xf32, #tpu.memory_space<vmem>>, vector<1x16xf32>,
      %get3A_996 = vector.shape_cast %get3A_995 : vector<1x16xf32> to vector<16xf32>
      %add3A_997 = arith.addf %get3A_992, %get3A_996 : vector<16xf32>
      %swap3A_998 = arith.index_cast %scan3A_133 : i32 to index
      %swap3A_999 = arith.constant 976 : index
      %swap3A_1000 = tpu.vector_load %arg10[%swap3A_998, %swap3A_999] {strides = array<i32>} : memref<32x1024xf32, #tpu.memory_space<vmem>>, vector<1x16xf32>,
      %swap3A_1001 = vector.shape_cast %swap3A_1000 : vector<1x16xf32> to vector<16xf32>
      %swap3A_1002 = vector.shape_cast %add3A_997 : vector<16xf32> to vector<1x16xf32>
      tpu.vector_store %arg10[%swap3A_998, %swap3A_999], %swap3A_1002 {strides = array<i32>} : memref<32x1024xf32, #tpu.memory_space<vmem>>, vector<1x16xf32>,
      %get3A_1003 = arith.index_cast %scan3A_133 : i32 to index
      %get3A_1004 = arith.constant 992 : index
      %get3A_1005 = tpu.vector_load %arg10[%get3A_1003, %get3A_1004] {strides = array<i32>} : memref<32x1024xf32, #tpu.memory_space<vmem>>, vector<1x16xf32>,
      %get3A_1006 = vector.shape_cast %get3A_1005 : vector<1x16xf32> to vector<16xf32>
      %get3A_1007 = arith.index_cast %scan3A_133 : i32 to index
      %get3A_1008 = arith.constant 992 : index
      %get3A_1009 = tpu.vector_load %arg11[%get3A_1007, %get3A_1008] {strides = array<i32>} : memref<32x1024xf32, #tpu.memory_space<vmem>>, vector<1x16xf32>,
      %get3A_1010 = vector.shape_cast %get3A_1009 : vector<1x16xf32> to vector<16xf32>
      %add3A_1011 = arith.addf %get3A_1006, %get3A_1010 : vector<16xf32>
      %swap3A_1012 = arith.index_cast %scan3A_133 : i32 to index
      %swap3A_1013 = arith.constant 992 : index
      %swap3A_1014 = tpu.vector_load %arg10[%swap3A_1012, %swap3A_1013] {strides = array<i32>} : memref<32x1024xf32, #tpu.memory_space<vmem>>, vector<1x16xf32>,
      %swap3A_1015 = vector.shape_cast %swap3A_1014 : vector<1x16xf32> to vector<16xf32>
      %swap3A_1016 = vector.shape_cast %add3A_1011 : vector<16xf32> to vector<1x16xf32>
      tpu.vector_store %arg10[%swap3A_1012, %swap3A_1013], %swap3A_1016 {strides = array<i32>} : memref<32x1024xf32, #tpu.memory_space<vmem>>, vector<1x16xf32>,
      %get3A_1017 = arith.index_cast %scan3A_133 : i32 to index
      %get3A_1018 = arith.constant 1008 : index
      %get3A_1019 = tpu.vector_load %arg10[%get3A_1017, %get3A_1018] {strides = array<i32>} : memref<32x1024xf32, #tpu.memory_space<vmem>>, vector<1x16xf32>,
      %get3A_1020 = vector.shape_cast %get3A_1019 : vector<1x16xf32> to vector<16xf32>
      %get3A_1021 = arith.index_cast %scan3A_133 : i32 to index
      %get3A_1022 = arith.constant 1008 : index
      %get3A_1023 = tpu.vector_load %arg11[%get3A_1021, %get3A_1022] {strides = array<i32>} : memref<32x1024xf32, #tpu.memory_space<vmem>>, vector<1x16xf32>,
      %get3A_1024 = vector.shape_cast %get3A_1023 : vector<1x16xf32> to vector<16xf32>
      %add3A_1025 = arith.addf %get3A_1020, %get3A_1024 : vector<16xf32>
      %swap3A_1026 = arith.index_cast %scan3A_133 : i32 to index
      %swap3A_1027 = arith.constant 1008 : index
      %swap3A_1028 = tpu.vector_load %arg10[%swap3A_1026, %swap3A_1027] {strides = array<i32>} : memref<32x1024xf32, #tpu.memory_space<vmem>>, vector<1x16xf32>,
      %swap3A_1029 = vector.shape_cast %swap3A_1028 : vector<1x16xf32> to vector<16xf32>
      %swap3A_1030 = vector.shape_cast %add3A_1025 : vector<16xf32> to vector<1x16xf32>
      tpu.vector_store %arg10[%swap3A_1026, %swap3A_1027], %swap3A_1030 {strides = array<i32>} : memref<32x1024xf32, #tpu.memory_space<vmem>>, vector<1x16xf32>,
      %scan3A_1031 = arith.constant 0 : i32
      scf.yield %scan3A_1031 : i32
    }
    %scan3A_130 = arith.constant 32 : i32
    %add3A_131 = arith.constant 32 : i32
    %add3A_132 = arith.addi %mul3A_2, %add3A_131 : i32
    "tpu.region"() ({
      %run_scoped3A_133 = tpu.sem_alloc : memref<!tpu.dma_semaphore, #tpu.memory_space<semaphore_mem>>
      %dma_start3A = arith.constant 0 : i32
      %dma_start3A_134 = tpu.memref_slice %arg5[%add3A_132, %dma_start3A] : memref<2048x1024xf32, #tpu.memory_space<hbm>> -> memref<32x1024xf32, #tpu.memory_space<hbm>>
      %dma_start3A_135 = arith.constant 0 : i32
      %dma_start3A_136 = tpu.memref_slice %arg5[%add3A_132, %dma_start3A_135] : memref<2048x1024xf32, #tpu.memory_space<hbm>> -> memref<32x1024xf32, #tpu.memory_space<hbm>>
      tpu.enqueue_dma source(%arg10 : memref<32x1024xf32, #tpu.memory_space<vmem>>) target(%dma_start3A_136 : memref<32x1024xf32, #tpu.memory_space<hbm>>) target_semaphore(%run_scoped3A_133 : memref<!tpu.dma_semaphore, #tpu.memory_space<semaphore_mem>>)
      %dma_wait3A = arith.constant 0 : i32
      %dma_wait3A_137 = tpu.memref_slice %arg5[%add3A_132, %dma_wait3A] : memref<2048x1024xf32, #tpu.memory_space<hbm>> -> memref<32x1024xf32, #tpu.memory_space<hbm>>
      %dma_wait3A_138 = arith.constant 0 : i32
      %dma_wait3A_139 = tpu.memref_slice %arg5[%add3A_132, %dma_wait3A_138] : memref<2048x1024xf32, #tpu.memory_space<hbm>> -> memref<32x1024xf32, #tpu.memory_space<hbm>>
      tpu.wait_dma2 semaphore(%run_scoped3A_133 : memref<!tpu.dma_semaphore, #tpu.memory_space<semaphore_mem>>) src(%arg10 : memref<32x1024xf32, #tpu.memory_space<vmem>>) dst(%dma_wait3A_139 : memref<32x1024xf32, #tpu.memory_space<hbm>>)
      tpu.yield
    }) : () -> ()
    return
  }
}

module attributes {stable_mosaic.version = 14 : i64} {
  func.func @_gmm_body(%arg0: i32, %arg1: memref<48xi32, #tpu.memory_space<smem>>, %arg2: memref<48xi32, #tpu.memory_space<smem>>, %arg3: memref<1xi32, #tpu.memory_space<smem>>, %arg4: memref<128x1024xf32, #tpu.memory_space<vmem>>, %arg5: memref<128x128xf32, #tpu.memory_space<vmem>>, %arg6: memref<1x1024x512xf32, #tpu.memory_space<vmem>>, %arg7: memref<1x1024x512xf32, #tpu.memory_space<vmem>>, %arg8: memref<1x512x1024xf32, #tpu.memory_space<vmem>>, %arg9: memref<128x1024xf32, #tpu.memory_space<vmem>>) attributes {dimension_semantics = [#tpu.dimension_semantics<arbitrary>], iteration_bounds = array<i64: 48>, scalar_prefetch = 3 : i64, scratch_operands = 0 : i64, tpu.core_type = #tpu.core_type<tc>, window_params = [{transform_indices = @transform_0, window_bounds = array<i64: 128, 1024>}, {transform_indices = @transform_1, window_bounds = array<i64: 128, 128>}, {transform_indices = @transform_2, window_bounds = array<i64: 1, 1024, 512>}, {transform_indices = @transform_3, window_bounds = array<i64: 1, 1024, 512>}, {transform_indices = @transform_4, window_bounds = array<i64: 1, 512, 1024>}, {transform_indices = @transform_5, window_bounds = array<i64: 128, 1024>}]} {
    %get3A = arith.constant 0 : index
    %get3A_0 = memref.load %arg3[%get3A] : memref<1xi32, #tpu.memory_space<smem>>
    %lt3A = arith.cmpi slt, %arg0, %get3A_0 : i32
    %convert_element_type3A = arith.extui %lt3A : i1 to i32
    %cond3A = arith.constant 0 : i32
    %cond3A_1 = arith.cmpi ne, %convert_element_type3A, %cond3A : i32
    scf.if %cond3A_1 {
      %get3A_2 = arith.constant 0 : index
      %get3A_3 = arith.constant 0 : index
      %get3A_4 = vector.load %arg4[%get3A_2, %get3A_3] : memref<128x1024xf32, #tpu.memory_space<vmem>>, vector<128x1024xf32>
      %get3A_5 = arith.constant 0 : index
      %get3A_6 = arith.constant 0 : index
      %get3A_7 = arith.constant 0 : index
      %get3A_8 = vector.load %arg6[%get3A_5, %get3A_6, %get3A_7] : memref<1x1024x512xf32, #tpu.memory_space<vmem>>, vector<1x1024x512xf32>
      %get3A_9 = vector.shape_cast %get3A_8 : vector<1x1024x512xf32> to vector<1024x512xf32>
      %dot_general3A = arith.constant dense<0.000000e+00> : vector<128x512xf32>
      %dot_general3A_10 = tpu.matmul %get3A_4, %get3A_9, %dot_general3A {dimension_numbers = #tpu.dot_dimension_numbers<[1], [0], [0], [1], [0, 0, 1, 1], [], []>, transpose_lhs_hint = false} : vector<128x1024xf32>, vector<1024x512xf32>, vector<128x512xf32> -> vector<128x512xf32>
      %get3A_11 = arith.constant 0 : index
      %get3A_12 = arith.constant 0 : index
      %get3A_13 = arith.constant 0 : index
      %get3A_14 = vector.load %arg7[%get3A_11, %get3A_12, %get3A_13] : memref<1x1024x512xf32, #tpu.memory_space<vmem>>, vector<1x1024x512xf32>
      %get3A_15 = vector.shape_cast %get3A_14 : vector<1x1024x512xf32> to vector<1024x512xf32>
      %dot_general3A_16 = arith.constant dense<0.000000e+00> : vector<128x512xf32>
      %dot_general3A_17 = tpu.matmul %get3A_4, %get3A_15, %dot_general3A_16 {dimension_numbers = #tpu.dot_dimension_numbers<[1], [0], [0], [1], [0, 0, 1, 1], [], []>, transpose_lhs_hint = false} : vector<128x1024xf32>, vector<1024x512xf32>, vector<128x512xf32> -> vector<128x512xf32>
      %neg3A = arith.constant 0.000000e+00 : f32
      %neg3A_18 = vector.broadcast %neg3A : f32 to vector<128x512xf32>
      %neg3A_19 = arith.subf %neg3A_18, %dot_general3A_10 : vector<128x512xf32>
      %exp3A = math.exp %neg3A_19 : vector<128x512xf32>
      %add3A = arith.constant 1.000000e+00 : f32
      %add3A_20 = vector.broadcast %add3A : f32 to vector<128x512xf32>
      %add3A_21 = arith.addf %add3A_20, %exp3A : vector<128x512xf32>
      %div3A = arith.divf %dot_general3A_10, %add3A_21 : vector<128x512xf32>
      %mul3A = arith.mulf %div3A, %dot_general3A_17 : vector<128x512xf32>
      %get3A_22 = arith.constant 0 : index
      %get3A_23 = arith.constant 0 : index
      %get3A_24 = arith.constant 0 : index
      %get3A_25 = vector.load %arg8[%get3A_22, %get3A_23, %get3A_24] : memref<1x512x1024xf32, #tpu.memory_space<vmem>>, vector<1x512x1024xf32>
      %get3A_26 = vector.shape_cast %get3A_25 : vector<1x512x1024xf32> to vector<512x1024xf32>
      %dot_general3A_27 = arith.constant dense<0.000000e+00> : vector<128x1024xf32>
      %dot_general3A_28 = tpu.matmul %mul3A, %get3A_26, %dot_general3A_27 {dimension_numbers = #tpu.dot_dimension_numbers<[1], [0], [0], [1], [0, 0, 1, 1], [], []>, transpose_lhs_hint = false} : vector<128x512xf32>, vector<512x1024xf32>, vector<128x1024xf32> -> vector<128x1024xf32>
      %get3A_29 = arith.constant 0 : index
      %get3A_30 = arith.constant 0 : index
      %get3A_31 = vector.load %arg5[%get3A_29, %get3A_30] : memref<128x128xf32, #tpu.memory_space<vmem>>, vector<128x1xf32>
      %mul3A_32 = vector.broadcast %get3A_31 : vector<128x1xf32> to vector<128x1024xf32>
      %mul3A_33 = arith.mulf %dot_general3A_28, %mul3A_32 : vector<128x1024xf32>
      %swap3A = arith.constant 0 : index
      %swap3A_34 = arith.constant 0 : index
      %swap3A_35 = vector.load %arg9[%swap3A, %swap3A_34] : memref<128x1024xf32, #tpu.memory_space<vmem>>, vector<128x1024xf32>
      tpu.vector_store %arg9[%swap3A, %swap3A_34], %mul3A_33 {strides = array<i32>} : memref<128x1024xf32, #tpu.memory_space<vmem>>, vector<128x1024xf32>,
    } else {
    }
    return
  }
  func.func @transform_0(%arg0: i32, %arg1: memref<48xi32, #tpu.memory_space<smem>>, %arg2: memref<48xi32, #tpu.memory_space<smem>>, %arg3: memref<1xi32, #tpu.memory_space<smem>>) -> (i32, i32) {
    %get3A = arith.index_cast %arg0 : i32 to index
    %get3A_0 = memref.load %arg1[%get3A] : memref<48xi32, #tpu.memory_space<smem>>
    %mul3A = arith.constant 16 : i32
    %mul3A_1 = arith.muli %get3A_0, %mul3A : i32
    %get3A_2 = arith.index_cast %arg0 : i32 to index
    %get3A_3 = memref.load %arg2[%get3A_2] : memref<48xi32, #tpu.memory_space<smem>>
    %add3A = arith.addi %mul3A_1, %get3A_3 : i32
    %c0_i32 = arith.constant 0 : i32
    %c0_i32_4 = arith.constant 0 : i32
    return %add3A, %c0_i32 : i32, i32
  }
  func.func @transform_1(%arg0: i32, %arg1: memref<48xi32, #tpu.memory_space<smem>>, %arg2: memref<48xi32, #tpu.memory_space<smem>>, %arg3: memref<1xi32, #tpu.memory_space<smem>>) -> (i32, i32) {
    %get3A = arith.index_cast %arg0 : i32 to index
    %get3A_0 = memref.load %arg1[%get3A] : memref<48xi32, #tpu.memory_space<smem>>
    %mul3A = arith.constant 16 : i32
    %mul3A_1 = arith.muli %get3A_0, %mul3A : i32
    %get3A_2 = arith.index_cast %arg0 : i32 to index
    %get3A_3 = memref.load %arg2[%get3A_2] : memref<48xi32, #tpu.memory_space<smem>>
    %add3A = arith.addi %mul3A_1, %get3A_3 : i32
    %c0_i32 = arith.constant 0 : i32
    %c0_i32_4 = arith.constant 0 : i32
    return %add3A, %c0_i32 : i32, i32
  }
  func.func @transform_2(%arg0: i32, %arg1: memref<48xi32, #tpu.memory_space<smem>>, %arg2: memref<48xi32, #tpu.memory_space<smem>>, %arg3: memref<1xi32, #tpu.memory_space<smem>>) -> (i32, i32, i32) {
    %get3A = arith.index_cast %arg0 : i32 to index
    %get3A_0 = memref.load %arg1[%get3A] : memref<48xi32, #tpu.memory_space<smem>>
    %c0_i32 = arith.constant 0 : i32
    %c0_i32_1 = arith.constant 0 : i32
    %c0_i32_2 = arith.constant 0 : i32
    return %get3A_0, %c0_i32, %c0_i32_1 : i32, i32, i32
  }
  func.func @transform_3(%arg0: i32, %arg1: memref<48xi32, #tpu.memory_space<smem>>, %arg2: memref<48xi32, #tpu.memory_space<smem>>, %arg3: memref<1xi32, #tpu.memory_space<smem>>) -> (i32, i32, i32) {
    %get3A = arith.index_cast %arg0 : i32 to index
    %get3A_0 = memref.load %arg1[%get3A] : memref<48xi32, #tpu.memory_space<smem>>
    %c0_i32 = arith.constant 0 : i32
    %c0_i32_1 = arith.constant 0 : i32
    %c0_i32_2 = arith.constant 0 : i32
    return %get3A_0, %c0_i32, %c0_i32_1 : i32, i32, i32
  }
  func.func @transform_4(%arg0: i32, %arg1: memref<48xi32, #tpu.memory_space<smem>>, %arg2: memref<48xi32, #tpu.memory_space<smem>>, %arg3: memref<1xi32, #tpu.memory_space<smem>>) -> (i32, i32, i32) {
    %get3A = arith.index_cast %arg0 : i32 to index
    %get3A_0 = memref.load %arg1[%get3A] : memref<48xi32, #tpu.memory_space<smem>>
    %c0_i32 = arith.constant 0 : i32
    %c0_i32_1 = arith.constant 0 : i32
    %c0_i32_2 = arith.constant 0 : i32
    return %get3A_0, %c0_i32, %c0_i32_1 : i32, i32, i32
  }
  func.func @transform_5(%arg0: i32, %arg1: memref<48xi32, #tpu.memory_space<smem>>, %arg2: memref<48xi32, #tpu.memory_space<smem>>, %arg3: memref<1xi32, #tpu.memory_space<smem>>) -> (i32, i32) {
    %get3A = arith.index_cast %arg0 : i32 to index
    %get3A_0 = memref.load %arg1[%get3A] : memref<48xi32, #tpu.memory_space<smem>>
    %mul3A = arith.constant 16 : i32
    %mul3A_1 = arith.muli %get3A_0, %mul3A : i32
    %get3A_2 = arith.index_cast %arg0 : i32 to index
    %get3A_3 = memref.load %arg2[%get3A_2] : memref<48xi32, #tpu.memory_space<smem>>
    %add3A = arith.addi %mul3A_1, %get3A_3 : i32
    %c0_i32 = arith.constant 0 : i32
    %c0_i32_4 = arith.constant 0 : i32
    return %add3A, %c0_i32 : i32, i32
  }
}

module attributes {stable_mosaic.version = 14 : i64} {
  func.func @_router_body(%arg0: memref<2048x1024xf32, #tpu.memory_space<vmem>>, %arg1: memref<1024x16xf32, #tpu.memory_space<vmem>>, %arg2: memref<2048x1xi32, #tpu.memory_space<vmem>>, %arg3: memref<2048x1xi32, #tpu.memory_space<vmem>>, %arg4: memref<2048x1xi32, #tpu.memory_space<vmem>>, %arg5: memref<2048x1xi32, #tpu.memory_space<vmem>>, %arg6: memref<2048x128xf32, #tpu.memory_space<vmem>>, %arg7: memref<2048x128xf32, #tpu.memory_space<vmem>>, %arg8: memref<1x16xi32, #tpu.memory_space<vmem>>, %arg9: memref<48x1xi32, #tpu.memory_space<vmem>>, %arg10: memref<48x1xi32, #tpu.memory_space<vmem>>, %arg11: memref<1x1xi32, #tpu.memory_space<vmem>>) attributes {dimension_semantics = [], scalar_prefetch = 0 : i64, scratch_operands = 0 : i64, tpu.core_type = #tpu.core_type<tc>} {
    %get3A = arith.constant 0 : index
    %get3A_0 = arith.constant 0 : index
    %get3A_1 = vector.load %arg0[%get3A, %get3A_0] : memref<2048x1024xf32, #tpu.memory_space<vmem>>, vector<2048x1024xf32>
    %get3A_2 = arith.constant 0 : index
    %get3A_3 = arith.constant 0 : index
    %get3A_4 = vector.load %arg1[%get3A_2, %get3A_3] : memref<1024x16xf32, #tpu.memory_space<vmem>>, vector<1024x16xf32>
    %dot_general3A = arith.constant dense<0.000000e+00> : vector<2048x16xf32>
    %dot_general3A_5 = tpu.matmul %get3A_1, %get3A_4, %dot_general3A {dimension_numbers = #tpu.dot_dimension_numbers<[1], [0], [0], [1], [0, 0, 1, 1], [], []>, transpose_lhs_hint = false} : vector<2048x1024xf32>, vector<1024x16xf32>, vector<2048x16xf32> -> vector<2048x16xf32>
    %reduce_max3A = arith.constant dense<0xFF800000> : vector<2048xf32>
    %reduce_max3A_6 = vector.multi_reduction <maximumf>, %dot_general3A_5, %reduce_max3A [1] : vector<2048x16xf32> to vector<2048xf32>
    %broadcast_in_dim3A = vector.shape_cast %reduce_max3A_6 : vector<2048xf32> to vector<2048x1xf32>
    %sub3A = vector.broadcast %broadcast_in_dim3A : vector<2048x1xf32> to vector<2048x16xf32>
    %sub3A_7 = arith.subf %dot_general3A_5, %sub3A : vector<2048x16xf32>
    %exp3A = math.exp %sub3A_7 : vector<2048x16xf32>
    %reduce_sum3A = arith.constant dense<0.000000e+00> : vector<2048xf32>
    %reduce_sum3A_8 = vector.multi_reduction <add>, %exp3A, %reduce_sum3A [1] : vector<2048x16xf32> to vector<2048xf32>
    %broadcast_in_dim3A_9 = vector.shape_cast %reduce_sum3A_8 : vector<2048xf32> to vector<2048x1xf32>
    %div3A = vector.broadcast %broadcast_in_dim3A_9 : vector<2048x1xf32> to vector<2048x16xf32>
    %div3A_10 = arith.divf %exp3A, %div3A : vector<2048x16xf32>
    %iota3A = tpu.iota {dimensions = array<i32: 1>} : vector<2048x16xi32>
    %reduce_max3A_11 = arith.constant dense<0xFF800000> : vector<2048xf32>
    %reduce_max3A_12 = vector.multi_reduction <maximumf>, %div3A_10, %reduce_max3A_11 [1] : vector<2048x16xf32> to vector<2048xf32>
    %broadcast_in_dim3A_13 = vector.shape_cast %reduce_max3A_12 : vector<2048xf32> to vector<2048x1xf32>
    %ge3A = vector.broadcast %broadcast_in_dim3A_13 : vector<2048x1xf32> to vector<2048x16xf32>
    %ge3A_14 = arith.cmpf oge, %div3A_10, %ge3A : vector<2048x16xf32>
    %jit3A = arith.constant 17 : i32
    %broadcast_in_dim3A_15 = vector.broadcast %jit3A : i32 to vector<2048x16xi32>
    %select_n3A = arith.select %ge3A_14, %iota3A, %broadcast_in_dim3A_15 : vector<2048x16xi1>, vector<2048x16xi32>
    %reduce_min3A = arith.constant dense<2147483647> : vector<2048xi32>
    %reduce_min3A_16 = vector.multi_reduction <minsi>, %select_n3A, %reduce_min3A [1] : vector<2048x16xi32> to vector<2048xi32>
    %broadcast_in_dim3A_17 = vector.shape_cast %reduce_min3A_16 : vector<2048xi32> to vector<2048x1xi32>
    %eq3A = vector.broadcast %broadcast_in_dim3A_17 : vector<2048x1xi32> to vector<2048x16xi32>
    %eq3A_18 = arith.cmpi eq, %iota3A, %eq3A : vector<2048x16xi32>
    %jit3A_19 = arith.constant 0xFF800000 : f32
    %broadcast_in_dim3A_20 = vector.broadcast %jit3A_19 : f32 to vector<2048x16xf32>
    %select_n3A_21 = arith.select %eq3A_18, %broadcast_in_dim3A_20, %div3A_10 : vector<2048x16xi1>, vector<2048x16xf32>
    %reduce_max3A_22 = arith.constant dense<0xFF800000> : vector<2048xf32>
    %reduce_max3A_23 = vector.multi_reduction <maximumf>, %select_n3A_21, %reduce_max3A_22 [1] : vector<2048x16xf32> to vector<2048xf32>
    %broadcast_in_dim3A_24 = vector.shape_cast %reduce_max3A_23 : vector<2048xf32> to vector<2048x1xf32>
    %ge3A_25 = vector.broadcast %broadcast_in_dim3A_24 : vector<2048x1xf32> to vector<2048x16xf32>
    %ge3A_26 = arith.cmpf oge, %select_n3A_21, %ge3A_25 : vector<2048x16xf32>
    %jit3A_27 = arith.constant 17 : i32
    %broadcast_in_dim3A_28 = vector.broadcast %jit3A_27 : i32 to vector<2048x16xi32>
    %select_n3A_29 = arith.select %ge3A_26, %iota3A, %broadcast_in_dim3A_28 : vector<2048x16xi1>, vector<2048x16xi32>
    %reduce_min3A_30 = arith.constant dense<2147483647> : vector<2048xi32>
    %reduce_min3A_31 = vector.multi_reduction <minsi>, %select_n3A_29, %reduce_min3A_30 [1] : vector<2048x16xi32> to vector<2048xi32>
    %broadcast_in_dim3A_32 = vector.shape_cast %reduce_min3A_31 : vector<2048xi32> to vector<2048x1xi32>
    %eq3A_33 = vector.broadcast %broadcast_in_dim3A_17 : vector<2048x1xi32> to vector<2048x16xi32>
    %eq3A_34 = arith.cmpi eq, %iota3A, %eq3A_33 : vector<2048x16xi32>
    %convert_element_type3A = arith.extui %eq3A_34 : vector<2048x16xi1> to vector<2048x16xi32>
    %convert_element_type3A_35 = arith.sitofp %convert_element_type3A : vector<2048x16xi32> to vector<2048x16xf32>
    %eq3A_36 = vector.broadcast %broadcast_in_dim3A_32 : vector<2048x1xi32> to vector<2048x16xi32>
    %eq3A_37 = arith.cmpi eq, %iota3A, %eq3A_36 : vector<2048x16xi32>
    %convert_element_type3A_38 = arith.extui %eq3A_37 : vector<2048x16xi1> to vector<2048x16xi32>
    %convert_element_type3A_39 = arith.sitofp %convert_element_type3A_38 : vector<2048x16xi32> to vector<2048x16xf32>
    %add3A = arith.addf %convert_element_type3A_35, %convert_element_type3A_39 : vector<2048x16xf32>
    %broadcast_in_dim3A_40 = arith.constant 0.000000e+00 : f32
    %broadcast_in_dim3A_41 = vector.broadcast %broadcast_in_dim3A_40 : f32 to vector<1x16xf32>
    %slice3A = vector.extract_strided_slice %add3A {offsets = [0, 0], sizes = [2047, 16], strides = [1, 1]} : vector<2048x16xf32> to vector<2047x16xf32>
    %concatenate3A = tpu.concatenate %broadcast_in_dim3A_41, %slice3A in 0 : vector<1x16xf32>, vector<2047x16xf32> -> vector<2048x16xf32>
    %add3A_42 = arith.addf %add3A, %concatenate3A : vector<2048x16xf32>
    %broadcast_in_dim3A_43 = arith.constant 0.000000e+00 : f32
    %broadcast_in_dim3A_44 = vector.broadcast %broadcast_in_dim3A_43 : f32 to vector<2x16xf32>
    %slice3A_45 = vector.extract_strided_slice %add3A_42 {offsets = [0, 0], sizes = [2046, 16], strides = [1, 1]} : vector<2048x16xf32> to vector<2046x16xf32>
    %concatenate3A_46 = tpu.concatenate %broadcast_in_dim3A_44, %slice3A_45 in 0 : vector<2x16xf32>, vector<2046x16xf32> -> vector<2048x16xf32>
    %add3A_47 = arith.addf %add3A_42, %concatenate3A_46 : vector<2048x16xf32>
    %broadcast_in_dim3A_48 = arith.constant 0.000000e+00 : f32
    %broadcast_in_dim3A_49 = vector.broadcast %broadcast_in_dim3A_48 : f32 to vector<4x16xf32>
    %slice3A_50 = vector.extract_strided_slice %add3A_47 {offsets = [0, 0], sizes = [2044, 16], strides = [1, 1]} : vector<2048x16xf32> to vector<2044x16xf32>
    %concatenate3A_51 = tpu.concatenate %broadcast_in_dim3A_49, %slice3A_50 in 0 : vector<4x16xf32>, vector<2044x16xf32> -> vector<2048x16xf32>
    %add3A_52 = arith.addf %add3A_47, %concatenate3A_51 : vector<2048x16xf32>
    %broadcast_in_dim3A_53 = arith.constant 0.000000e+00 : f32
    %broadcast_in_dim3A_54 = vector.broadcast %broadcast_in_dim3A_53 : f32 to vector<8x16xf32>
    %slice3A_55 = vector.extract_strided_slice %add3A_52 {offsets = [0, 0], sizes = [2040, 16], strides = [1, 1]} : vector<2048x16xf32> to vector<2040x16xf32>
    %concatenate3A_56 = tpu.concatenate %broadcast_in_dim3A_54, %slice3A_55 in 0 : vector<8x16xf32>, vector<2040x16xf32> -> vector<2048x16xf32>
    %add3A_57 = arith.addf %add3A_52, %concatenate3A_56 : vector<2048x16xf32>
    %broadcast_in_dim3A_58 = arith.constant 0.000000e+00 : f32
    %broadcast_in_dim3A_59 = vector.broadcast %broadcast_in_dim3A_58 : f32 to vector<16x16xf32>
    %slice3A_60 = vector.extract_strided_slice %add3A_57 {offsets = [0, 0], sizes = [2032, 16], strides = [1, 1]} : vector<2048x16xf32> to vector<2032x16xf32>
    %concatenate3A_61 = tpu.concatenate %broadcast_in_dim3A_59, %slice3A_60 in 0 : vector<16x16xf32>, vector<2032x16xf32> -> vector<2048x16xf32>
    %add3A_62 = arith.addf %add3A_57, %concatenate3A_61 : vector<2048x16xf32>
    %broadcast_in_dim3A_63 = arith.constant 0.000000e+00 : f32
    %broadcast_in_dim3A_64 = vector.broadcast %broadcast_in_dim3A_63 : f32 to vector<32x16xf32>
    %slice3A_65 = vector.extract_strided_slice %add3A_62 {offsets = [0, 0], sizes = [2016, 16], strides = [1, 1]} : vector<2048x16xf32> to vector<2016x16xf32>
    %concatenate3A_66 = tpu.concatenate %broadcast_in_dim3A_64, %slice3A_65 in 0 : vector<32x16xf32>, vector<2016x16xf32> -> vector<2048x16xf32>
    %add3A_67 = arith.addf %add3A_62, %concatenate3A_66 : vector<2048x16xf32>
    %broadcast_in_dim3A_68 = arith.constant 0.000000e+00 : f32
    %broadcast_in_dim3A_69 = vector.broadcast %broadcast_in_dim3A_68 : f32 to vector<64x16xf32>
    %slice3A_70 = vector.extract_strided_slice %add3A_67 {offsets = [0, 0], sizes = [1984, 16], strides = [1, 1]} : vector<2048x16xf32> to vector<1984x16xf32>
    %concatenate3A_71 = tpu.concatenate %broadcast_in_dim3A_69, %slice3A_70 in 0 : vector<64x16xf32>, vector<1984x16xf32> -> vector<2048x16xf32>
    %add3A_72 = arith.addf %add3A_67, %concatenate3A_71 : vector<2048x16xf32>
    %broadcast_in_dim3A_73 = arith.constant 0.000000e+00 : f32
    %broadcast_in_dim3A_74 = vector.broadcast %broadcast_in_dim3A_73 : f32 to vector<128x16xf32>
    %slice3A_75 = vector.extract_strided_slice %add3A_72 {offsets = [0, 0], sizes = [1920, 16], strides = [1, 1]} : vector<2048x16xf32> to vector<1920x16xf32>
    %concatenate3A_76 = tpu.concatenate %broadcast_in_dim3A_74, %slice3A_75 in 0 : vector<128x16xf32>, vector<1920x16xf32> -> vector<2048x16xf32>
    %add3A_77 = arith.addf %add3A_72, %concatenate3A_76 : vector<2048x16xf32>
    %broadcast_in_dim3A_78 = arith.constant 0.000000e+00 : f32
    %broadcast_in_dim3A_79 = vector.broadcast %broadcast_in_dim3A_78 : f32 to vector<256x16xf32>
    %slice3A_80 = vector.extract_strided_slice %add3A_77 {offsets = [0, 0], sizes = [1792, 16], strides = [1, 1]} : vector<2048x16xf32> to vector<1792x16xf32>
    %concatenate3A_81 = tpu.concatenate %broadcast_in_dim3A_79, %slice3A_80 in 0 : vector<256x16xf32>, vector<1792x16xf32> -> vector<2048x16xf32>
    %add3A_82 = arith.addf %add3A_77, %concatenate3A_81 : vector<2048x16xf32>
    %broadcast_in_dim3A_83 = arith.constant 0.000000e+00 : f32
    %broadcast_in_dim3A_84 = vector.broadcast %broadcast_in_dim3A_83 : f32 to vector<512x16xf32>
    %slice3A_85 = vector.extract_strided_slice %add3A_82 {offsets = [0, 0], sizes = [1536, 16], strides = [1, 1]} : vector<2048x16xf32> to vector<1536x16xf32>
    %concatenate3A_86 = tpu.concatenate %broadcast_in_dim3A_84, %slice3A_85 in 0 : vector<512x16xf32>, vector<1536x16xf32> -> vector<2048x16xf32>
    %add3A_87 = arith.addf %add3A_82, %concatenate3A_86 : vector<2048x16xf32>
    %broadcast_in_dim3A_88 = arith.constant 0.000000e+00 : f32
    %broadcast_in_dim3A_89 = vector.broadcast %broadcast_in_dim3A_88 : f32 to vector<1024x16xf32>
    %slice3A_90 = vector.extract_strided_slice %add3A_87 {offsets = [0, 0], sizes = [1024, 16], strides = [1, 1]} : vector<2048x16xf32> to vector<1024x16xf32>
    %concatenate3A_91 = tpu.concatenate %broadcast_in_dim3A_89, %slice3A_90 in 0 : vector<1024x16xf32>, vector<1024x16xf32> -> vector<2048x16xf32>
    %add3A_92 = arith.addf %add3A_87, %concatenate3A_91 : vector<2048x16xf32>
    %sub3A_93 = arith.subf %add3A_92, %add3A : vector<2048x16xf32>
    %mul3A = arith.mulf %sub3A_93, %convert_element_type3A_35 : vector<2048x16xf32>
    %reduce_sum3A_94 = arith.constant dense<0.000000e+00> : vector<2048xf32>
    %reduce_sum3A_95 = vector.multi_reduction <add>, %mul3A, %reduce_sum3A_94 [1] : vector<2048x16xf32> to vector<2048xf32>
    %broadcast_in_dim3A_96 = vector.shape_cast %reduce_sum3A_95 : vector<2048xf32> to vector<2048x1xf32>
    %add3A_97 = arith.addf %sub3A_93, %convert_element_type3A_35 : vector<2048x16xf32>
    %mul3A_98 = arith.mulf %add3A_97, %convert_element_type3A_39 : vector<2048x16xf32>
    %reduce_sum3A_99 = arith.constant dense<0.000000e+00> : vector<2048xf32>
    %reduce_sum3A_100 = vector.multi_reduction <add>, %mul3A_98, %reduce_sum3A_99 [1] : vector<2048x16xf32> to vector<2048xf32>
    %broadcast_in_dim3A_101 = vector.shape_cast %reduce_sum3A_100 : vector<2048xf32> to vector<2048x1xf32>
    %swap3A = arith.constant 0 : index
    %swap3A_102 = arith.constant 0 : index
    %swap3A_103 = vector.load %arg2[%swap3A, %swap3A_102] : memref<2048x1xi32, #tpu.memory_space<vmem>>, vector<2048x1xi32>
    tpu.vector_store %arg2[%swap3A, %swap3A_102], %broadcast_in_dim3A_17 {strides = array<i32>} : memref<2048x1xi32, #tpu.memory_space<vmem>>, vector<2048x1xi32>,
    %swap3A_104 = arith.constant 0 : index
    %swap3A_105 = arith.constant 0 : index
    %swap3A_106 = vector.load %arg3[%swap3A_104, %swap3A_105] : memref<2048x1xi32, #tpu.memory_space<vmem>>, vector<2048x1xi32>
    tpu.vector_store %arg3[%swap3A_104, %swap3A_105], %broadcast_in_dim3A_32 {strides = array<i32>} : memref<2048x1xi32, #tpu.memory_space<vmem>>, vector<2048x1xi32>,
    %convert_element_type3A_107 = arith.fptosi %broadcast_in_dim3A_96 : vector<2048x1xf32> to vector<2048x1xi32>
    %swap3A_108 = arith.constant 0 : index
    %swap3A_109 = arith.constant 0 : index
    %swap3A_110 = vector.load %arg4[%swap3A_108, %swap3A_109] : memref<2048x1xi32, #tpu.memory_space<vmem>>, vector<2048x1xi32>
    tpu.vector_store %arg4[%swap3A_108, %swap3A_109], %convert_element_type3A_107 {strides = array<i32>} : memref<2048x1xi32, #tpu.memory_space<vmem>>, vector<2048x1xi32>,
    %convert_element_type3A_111 = arith.fptosi %broadcast_in_dim3A_101 : vector<2048x1xf32> to vector<2048x1xi32>
    %swap3A_112 = arith.constant 0 : index
    %swap3A_113 = arith.constant 0 : index
    %swap3A_114 = vector.load %arg5[%swap3A_112, %swap3A_113] : memref<2048x1xi32, #tpu.memory_space<vmem>>, vector<2048x1xi32>
    tpu.vector_store %arg5[%swap3A_112, %swap3A_113], %convert_element_type3A_111 {strides = array<i32>} : memref<2048x1xi32, #tpu.memory_space<vmem>>, vector<2048x1xi32>,
    %broadcast_in_dim3A_115 = vector.shape_cast %broadcast_in_dim3A_13 : vector<2048x1xf32> to vector<2048x1xf32>
    %broadcast_in_dim3A_116 = vector.broadcast %broadcast_in_dim3A_115 : vector<2048x1xf32> to vector<2048x128xf32>
    %swap3A_117 = arith.constant 0 : index
    %swap3A_118 = arith.constant 0 : index
    %swap3A_119 = vector.load %arg6[%swap3A_117, %swap3A_118] : memref<2048x128xf32, #tpu.memory_space<vmem>>, vector<2048x128xf32>
    tpu.vector_store %arg6[%swap3A_117, %swap3A_118], %broadcast_in_dim3A_116 {strides = array<i32>} : memref<2048x128xf32, #tpu.memory_space<vmem>>, vector<2048x128xf32>,
    %broadcast_in_dim3A_120 = vector.shape_cast %broadcast_in_dim3A_24 : vector<2048x1xf32> to vector<2048x1xf32>
    %broadcast_in_dim3A_121 = vector.broadcast %broadcast_in_dim3A_120 : vector<2048x1xf32> to vector<2048x128xf32>
    %swap3A_122 = arith.constant 0 : index
    %swap3A_123 = arith.constant 0 : index
    %swap3A_124 = vector.load %arg7[%swap3A_122, %swap3A_123] : memref<2048x128xf32, #tpu.memory_space<vmem>>, vector<2048x128xf32>
    tpu.vector_store %arg7[%swap3A_122, %swap3A_123], %broadcast_in_dim3A_121 {strides = array<i32>} : memref<2048x128xf32, #tpu.memory_space<vmem>>, vector<2048x128xf32>,
    %reduce_sum3A_125 = arith.constant dense<0.000000e+00> : vector<16xf32>
    %reduce_sum3A_126 = vector.multi_reduction <add>, %add3A, %reduce_sum3A_125 [0] : vector<2048x16xf32> to vector<16xf32>
    %broadcast_in_dim3A_127 = vector.shape_cast %reduce_sum3A_126 : vector<16xf32> to vector<1x16xf32>
    %convert_element_type3A_128 = arith.fptosi %broadcast_in_dim3A_127 : vector<1x16xf32> to vector<1x16xi32>
    %swap3A_129 = arith.constant 0 : index
    %swap3A_130 = arith.constant 0 : index
    %swap3A_131 = vector.load %arg8[%swap3A_129, %swap3A_130] : memref<1x16xi32, #tpu.memory_space<vmem>>, vector<1x16xi32>
    tpu.vector_store %arg8[%swap3A_129, %swap3A_130], %convert_element_type3A_128 {strides = array<i32>} : memref<1x16xi32, #tpu.memory_space<vmem>>, vector<1x16xi32>,
    %add3A_132 = arith.constant 1.270000e+02 : f32
    %add3A_133 = vector.broadcast %add3A_132 : f32 to vector<1x16xf32>
    %add3A_134 = arith.addf %broadcast_in_dim3A_127, %add3A_133 : vector<1x16xf32>
    %div3A_135 = arith.constant 1.280000e+02 : f32
    %div3A_136 = vector.broadcast %div3A_135 : f32 to vector<1x16xf32>
    %div3A_137 = arith.divf %add3A_134, %div3A_136 : vector<1x16xf32>
    %floor3A = math.floor %div3A_137 : vector<1x16xf32>
    %iota3A_138 = tpu.iota {dimensions = array<i32: 0>} : vector<16x16xi32>
    %iota3A_139 = tpu.iota {dimensions = array<i32: 1>} : vector<16x16xi32>
    %le3A = arith.cmpi sle, %iota3A_138, %iota3A_139 : vector<16x16xi32>
    %convert_element_type3A_140 = arith.extui %le3A : vector<16x16xi1> to vector<16x16xi32>
    %convert_element_type3A_141 = arith.sitofp %convert_element_type3A_140 : vector<16x16xi32> to vector<16x16xf32>
    %dot_general3A_142 = arith.constant dense<0.000000e+00> : vector<1x16xf32>
    %dot_general3A_143 = tpu.matmul %floor3A, %convert_element_type3A_141, %dot_general3A_142 {dimension_numbers = #tpu.dot_dimension_numbers<[1], [0], [0], [1], [0, 0, 1, 1], [], []>, transpose_lhs_hint = false} : vector<1x16xf32>, vector<16x16xf32>, vector<1x16xf32> -> vector<1x16xf32>
    %sub3A_144 = arith.subf %dot_general3A_143, %floor3A : vector<1x16xf32>
    %iota3A_145 = tpu.iota {dimensions = array<i32: 0>} : vector<48x16xi32>
    %convert_element_type3A_146 = arith.sitofp %iota3A_145 : vector<48x16xi32> to vector<48x16xf32>
    %broadcast_in_dim3A_147 = vector.shape_cast %sub3A_144 : vector<1x16xf32> to vector<1x16xf32>
    %broadcast_in_dim3A_148 = vector.broadcast %broadcast_in_dim3A_147 : vector<1x16xf32> to vector<48x16xf32>
    %broadcast_in_dim3A_149 = vector.shape_cast %dot_general3A_143 : vector<1x16xf32> to vector<1x16xf32>
    %broadcast_in_dim3A_150 = vector.broadcast %broadcast_in_dim3A_149 : vector<1x16xf32> to vector<48x16xf32>
    %ge3A_151 = arith.cmpf oge, %convert_element_type3A_146, %broadcast_in_dim3A_148 : vector<48x16xf32>
    %lt3A = arith.cmpf olt, %convert_element_type3A_146, %broadcast_in_dim3A_150 : vector<48x16xf32>
    %and3A = arith.andi %ge3A_151, %lt3A : vector<48x16xi1>
    %convert_element_type3A_152 = arith.extui %and3A : vector<48x16xi1> to vector<48x16xi32>
    %convert_element_type3A_153 = arith.sitofp %convert_element_type3A_152 : vector<48x16xi32> to vector<48x16xf32>
    %iota3A_154 = tpu.iota {dimensions = array<i32: 1>} : vector<48x16xi32>
    %convert_element_type3A_155 = arith.sitofp %iota3A_154 : vector<48x16xi32> to vector<48x16xf32>
    %mul3A_156 = arith.mulf %convert_element_type3A_153, %convert_element_type3A_155 : vector<48x16xf32>
    %reduce_sum3A_157 = arith.constant dense<0.000000e+00> : vector<48xf32>
    %reduce_sum3A_158 = vector.multi_reduction <add>, %mul3A_156, %reduce_sum3A_157 [1] : vector<48x16xf32> to vector<48xf32>
    %broadcast_in_dim3A_159 = vector.shape_cast %reduce_sum3A_158 : vector<48xf32> to vector<48x1xf32>
    %sub3A_160 = arith.subf %convert_element_type3A_146, %broadcast_in_dim3A_148 : vector<48x16xf32>
    %mul3A_161 = arith.mulf %convert_element_type3A_153, %sub3A_160 : vector<48x16xf32>
    %reduce_sum3A_162 = arith.constant dense<0.000000e+00> : vector<48xf32>
    %reduce_sum3A_163 = vector.multi_reduction <add>, %mul3A_161, %reduce_sum3A_162 [1] : vector<48x16xf32> to vector<48xf32>
    %broadcast_in_dim3A_164 = vector.shape_cast %reduce_sum3A_163 : vector<48xf32> to vector<48x1xf32>
    %reduce_max3A_165 = arith.constant dense<0xFF800000> : vector<1xf32>
    %reduce_max3A_166 = vector.multi_reduction <maximumf>, %dot_general3A_143, %reduce_max3A_165 [1] : vector<1x16xf32> to vector<1xf32>
    %broadcast_in_dim3A_167 = vector.shape_cast %reduce_max3A_166 : vector<1xf32> to vector<1x1xf32>
    %iota3A_168 = tpu.iota {dimensions = array<i32: 1>} : vector<1x16xi32>
    %eq3A_169 = arith.constant 15 : i32
    %eq3A_170 = vector.broadcast %eq3A_169 : i32 to vector<1x16xi32>
    %eq3A_171 = arith.cmpi eq, %iota3A_168, %eq3A_170 : vector<1x16xi32>
    %jit3A_172 = arith.constant 0.000000e+00 : f32
    %broadcast_in_dim3A_173 = vector.broadcast %jit3A_172 : f32 to vector<1x16xf32>
    %select_n3A_174 = arith.select %eq3A_171, %floor3A, %broadcast_in_dim3A_173 : vector<1x16xi1>, vector<1x16xf32>
    %reduce_sum3A_175 = arith.constant dense<0.000000e+00> : vector<1xf32>
    %reduce_sum3A_176 = vector.multi_reduction <add>, %select_n3A_174, %reduce_sum3A_175 [1] : vector<1x16xf32> to vector<1xf32>
    %broadcast_in_dim3A_177 = vector.shape_cast %reduce_sum3A_176 : vector<1xf32> to vector<1x1xf32>
    %iota3A_178 = tpu.iota {dimensions = array<i32: 0>} : vector<48x1xi32>
    %convert_element_type3A_179 = arith.sitofp %iota3A_178 : vector<48x1xi32> to vector<48x1xf32>
    %lt3A_180 = vector.broadcast %broadcast_in_dim3A_167 : vector<1x1xf32> to vector<48x1xf32>
    %lt3A_181 = arith.cmpf olt, %convert_element_type3A_179, %lt3A_180 : vector<48x1xf32>
    %jit3A_182 = arith.constant 1.500000e+01 : f32
    %broadcast_in_dim3A_183 = vector.broadcast %jit3A_182 : f32 to vector<48x1xf32>
    %select_n3A_184 = arith.select %lt3A_181, %broadcast_in_dim3A_159, %broadcast_in_dim3A_183 : vector<48x1xi1>, vector<48x1xf32>
    %convert_element_type3A_185 = arith.fptosi %select_n3A_184 : vector<48x1xf32> to vector<48x1xi32>
    %swap3A_186 = arith.constant 0 : index
    %swap3A_187 = arith.constant 0 : index
    %swap3A_188 = vector.load %arg9[%swap3A_186, %swap3A_187] : memref<48x1xi32, #tpu.memory_space<vmem>>, vector<48x1xi32>
    tpu.vector_store %arg9[%swap3A_186, %swap3A_187], %convert_element_type3A_185 {strides = array<i32>} : memref<48x1xi32, #tpu.memory_space<vmem>>, vector<48x1xi32>,
    %sub3A_189 = arith.constant 1.000000e+00 : f32
    %sub3A_190 = vector.broadcast %sub3A_189 : f32 to vector<1x1xf32>
    %sub3A_191 = arith.subf %broadcast_in_dim3A_177, %sub3A_190 : vector<1x1xf32>
    %max3A = arith.constant 0.000000e+00 : f32
    %max3A_192 = vector.broadcast %max3A : f32 to vector<1x1xf32>
    %max3A_193 = arith.maximumf %sub3A_191, %max3A_192 : vector<1x1xf32>
    %broadcast_in_dim3A_194 = vector.shape_cast %max3A_193 : vector<1x1xf32> to vector<1x1xf32>
    %broadcast_in_dim3A_195 = vector.broadcast %broadcast_in_dim3A_194 : vector<1x1xf32> to vector<48x1xf32>
    %select_n3A_196 = arith.select %lt3A_181, %broadcast_in_dim3A_164, %broadcast_in_dim3A_195 : vector<48x1xi1>, vector<48x1xf32>
    %convert_element_type3A_197 = arith.fptosi %select_n3A_196 : vector<48x1xf32> to vector<48x1xi32>
    %swap3A_198 = arith.constant 0 : index
    %swap3A_199 = arith.constant 0 : index
    %swap3A_200 = vector.load %arg10[%swap3A_198, %swap3A_199] : memref<48x1xi32, #tpu.memory_space<vmem>>, vector<48x1xi32>
    tpu.vector_store %arg10[%swap3A_198, %swap3A_199], %convert_element_type3A_197 {strides = array<i32>} : memref<48x1xi32, #tpu.memory_space<vmem>>, vector<48x1xi32>,
    %convert_element_type3A_201 = arith.fptosi %broadcast_in_dim3A_167 : vector<1x1xf32> to vector<1x1xi32>
    %swap3A_202 = arith.constant 0 : index
    %swap3A_203 = arith.constant 0 : index
    %swap3A_204 = vector.load %arg11[%swap3A_202, %swap3A_203] : memref<1x1xi32, #tpu.memory_space<vmem>>, vector<1x1xi32>
    tpu.vector_store %arg11[%swap3A_202, %swap3A_203], %convert_element_type3A_201 {strides = array<i32>} : memref<1x1xi32, #tpu.memory_space<vmem>>, vector<1x1xi32>,
    return
  }
}

</mosaic_0001>

<sc_bundles>
// kernel: kernel.6.cloned.1.call-start
scs
__scs_entry_jumppad:
0x0: {  	(pc) =	sbr.rel $0x88, $3  }
0x1: {  	(tag) =	ssettag $0x0;
	lr =	simm.s32 $0x1  }
0x2: {  	[smem:$0x3F9C] =	sst lr;
	_ =	strace $0xD0000000  }
0x3: {  	_ = 	snop  }
0x4: {  	_ = 	snop  }
0x5: {  	_ = 	snop  }
0x6: {  	_ = 	snop  }
0x7: {  	_ = 	snop  }
__scs_overlays_trampoline_lowered:
0x8: {  	[smem:$0x3FAB] =	sst s0  }
0x9: {  	[smem:$0x3FAC] =	sst s1  }
0xa: {  	[smem:$0x3FAD] =	sst s2  }
0xb: {  	[smem:$0x3FAE] =	sst s3  }
0xc: {  	[smem:$0x3FAF] =	sst s4  }
0xd: {  	[smem:$0x3FB0] =	sst s5  }
0xe: {  	[smem:$0x3FB1] =	sst s6  }
0xf: {  	[smem:$0x3FB2] =	sst s7  }
0x10: {  	[smem:$0x3FB3] =	sst s8  }
0x11: {  	[smem:$0x3FB4] =	sst s9;
	s0 =	simm.s32 @!p0 $0x0  }
0x12: {  	s1 =	sld [smem:$0x3F9A];
	s0 =	simm.s32 @p0 $0x1  }
0x13: {  	[smem:$0x3FB5] =	sst s0;
	s0 =	simm.s32 @!p1 $0x0  }
0x14: {  	s2 =	sld [smem:$0x3F99];
	s0 =	simm.s32 @p1 $0x1  }
0x15: {  	[smem:$0x3FB6] =	sst s0;
	s0 =	simm.s32 @!p2 $0x0  }
0x16: {  	s3 =	sld [smem:$0x3FDB];
	s0 =	simm.s32 @p2 $0x1  }
0x17: {  	s4 =	simm.s32 $0x1BF5;
	[smem:$0x3FB8] =	sst s0  }
0x18: {  	s0 =	sld [smem:$0x3F9B];
	_ =	swait.ge [sflag:s4], $0x0  }
0x19: {  	s7 =	sld [smem:$0x3F9C]  }
0x1a: {  	s8 =	sadd.s32 $0xFFFFE003, lr  }
0x1b: {  	s9 =	sadd.s32 $0xFFFFFEF7, lr;
	s5 =	simm.s32 $0xFFFFFFFF;
	p2 =	slt.u32 s8, $0xFFFFF086  }
0x1c: {  	p1 =	slt.u32 s9, $0xF7A;
	s5 =	simm.s32 @!p2 $0x0  }
0x1d: {  	s5 =	simm.s32 @p1 $0x1;
	p0 =	seq.s32 s7, s2  }
0x1e: {  	s7 =	smul.u32 @!p0 $0xF7A, s2;
	p2 =	seq.s32 @!p0 s5, $0x0  }
0x1f: {  	s9 =	smul.u32 $0xF7A, s1;
	s8 =	simm.s32 @!p0 $0x1BF5;
	p2 =	por !p2, p0  }
0x20: {  	[sflag:s8] =	ssyncset.s32 @!p0 $0xFFFFF086;
	s6 =	sadd.s32 @!p0 s3, s7;
	s7 =	simm.s32 @!p0 $0x108  }
0x21: {  	s3 =	sadd.s32 s3, s9;
	s6 =	sadd.s32 @!p0 $0x88, s6;
	s7 =	simm.s32 @p2 $0x1082  }
0x22: {  	[simem:s7], [sflag:s8] =	dma.local @!p0 [hbm:s6], $0xF7A  }
0x23: {  	s9 =	sor.u32 $0xD0000000, s2;
	s6 =	simm.s32 $0x108;
	_ =	swait.ge @!p0 [sflag:s8], $0x0  }
0x24: {  	s3 =	sadd.s32 $0x88, s3;
	s6 =	simm.s32 @!p1 $0x1082;
	[sflag:s4] =	ssyncset.s32 $0xFFFFF086  }
0x25: {  	[simem:s6], [sflag:s4] =	dma.local [hbm:s3], $0xF7A  }
0x26: {  	[smem:$0x3F9C] =	sst s1;
	(tag) =	ssettag s2;
	_ =	strace s9  }
0x27: {  	s1 =	sld [smem:$0x3FAC]  }
0x28: {  	s2 =	sld [smem:$0x3FAD]  }
0x29: {  	s4 =	sld [smem:$0x3FAF]  }
0x2a: {  	p0 =	seq.s32 s5, $0x0;
	s5 =	sld [smem:$0x3FB0]  }
0x2b: {  	s6 =	sld [smem:$0x3FB1]  }
0x2c: {  	s7 =	sld [smem:$0x3FB2]  }
0x2d: {  	s3 =	simm.s32 $0x108;
	s8 =	sld [smem:$0x3FB3]  }
0x2e: {  	s3 =	simm.s32 @!p0 $0x1082;
	s9 =	sld [smem:$0x3FB4]  }
0x2f: {  	lr =	sadd.s32 s0, s3;
	s0 =	sld [smem:$0x3FAB]  }
0x30: {  	s3 =	sld [smem:$0x3FAE]  }
0x31: {  	[smem:$0x3FB7] =	sst s10  }
0x32: {  	s10 =	sld [smem:$0x3FB5];
	_ =	sdelay $0x3  }
0x33: {  	p0 =	seq.s32 s10, $0x1;
	s10 =	sld [smem:$0x3FB7];
	_ =	sdelay $0x3  }
0x34: {  	[smem:$0x3FB7] =	sst s10  }
0x35: {  	s10 =	sld [smem:$0x3FB6];
	_ =	sdelay $0x3  }
0x36: {  	p1 =	seq.s32 s10, $0x1;
	s10 =	sld [smem:$0x3FB7];
	_ =	sdelay $0x3  }
0x37: {  	[smem:$0x3FB7] =	sst s10  }
0x38: {  	s10 =	sld [smem:$0x3FB8]  }
0x39: {  	_ = 	snop;
	(pc) =	sbr.ind lr, $3  }
0x3a: {  	_ = 	snop  }
0x3b: {  	_ = 	snop  }
0x3c: {  	p2 =	seq.s32 s10, $0x1;
	s10 =	sld [smem:$0x3FB7]  }
0x3d: {  	_ =	shalt  }
0x3e: {  	_ =	shalt  }
0x3f: {  	_ =	shalt  }
0x40: {  	_ =	shalt  }
0x41: {  	_ =	shalt  }
0x42: {  	_ =	shalt  }
0x43: {  	_ =	shalt  }
0x44: {  	_ =	shalt  }
0x45: {  	_ =	shalt  }
0x46: {  	_ =	shalt  }
0x47: {  	_ =	shalt  }
0x48: {  	_ =	shalt  }
0x49: {  	_ =	shalt  }
0x4a: {  	_ =	shalt  }
0x4b: {  	_ =	shalt  }
0x4c: {  	_ =	shalt  }
0x4d: {  	_ =	shalt  }
0x4e: {  	_ =	shalt  }
0x4f: {  	_ =	shalt  }
0x50: {  	_ =	shalt  }
0x51: {  	_ =	shalt  }
0x52: {  	_ =	shalt  }
0x53: {  	_ =	shalt  }
0x54: {  	_ =	shalt  }
0x55: {  	_ =	shalt  }
0x56: {  	_ =	shalt  }
0x57: {  	_ =	shalt  }
0x58: {  	_ =	shalt  }
0x59: {  	_ =	shalt  }
0x5a: {  	_ =	shalt  }
0x5b: {  	_ =	shalt  }
0x5c: {  	_ =	shalt  }
0x5d: {  	_ =	shalt  }
0x5e: {  	_ =	shalt  }
0x5f: {  	_ =	shalt  }
0x60: {  	_ =	shalt  }
0x61: {  	_ =	shalt  }
0x62: {  	_ =	shalt  }
0x63: {  	_ =	shalt  }
0x64: {  	_ =	shalt  }
0x65: {  	_ =	shalt  }
0x66: {  	_ =	shalt  }
0x67: {  	_ =	shalt  }
0x68: {  	_ =	shalt  }
0x69: {  	_ =	shalt  }
0x6a: {  	_ =	shalt  }
0x6b: {  	_ =	shalt  }
0x6c: {  	_ =	shalt  }
0x6d: {  	_ =	shalt  }
0x6e: {  	_ =	shalt  }
0x6f: {  	_ =	shalt  }
0x70: {  	_ =	shalt  }
0x71: {  	_ =	shalt  }
0x72: {  	_ =	shalt  }
0x73: {  	_ =	shalt  }
0x74: {  	_ =	shalt  }
0x75: {  	_ =	shalt  }
0x76: {  	_ =	shalt  }
0x77: {  	_ =	shalt  }
0x78: {  	_ =	shalt  }
0x79: {  	_ =	shalt  }
0x7a: {  	_ =	shalt  }
0x7b: {  	_ =	shalt  }
0x7c: {  	_ =	shalt  }
0x7d: {  	_ =	shalt  }
0x7e: {  	_ =	shalt  }
0x7f: {  	_ =	shalt  }
0x80: {  	_ =	shalt  }
0x81: {  	_ =	shalt  }
0x82: {  	_ =	shalt  }
0x83: {  	_ =	shalt  }
0x84: {  	_ =	shalt  }
0x85: {  	_ =	shalt  }
0x86: {  	_ =	shalt  }
0x87: {  	_ =	shalt  }
.Lfunc_end0:
.L_simem_size_0:
called_computation_lowered:
.L_overlay_start_0:
0x88: {  	s2 =	sld [smem:$0x3FD9]  }
0x89: {  	s3 =	sld [smem:$0x3FFE];
	_ =	sdelay $0x1  }
0x8a: {  	s1 =	srdreg.scid  }
0x8b: {  	s0 =	sand.u32 $0x1, s1  }
0x8c: {  	s17 =	sshll.u32 s0, $0xA;
	s2 =	sadd.s32 s3, s2  }
0x8d: {  	s2 =	sadd.s32 s2, s17  }
0x8e: {  	[smem:$0x3FC3] =	sst s2  }
0x8f: {  	_ = 	snop  }
0x90: {  	s2 =	sld [smem:$0x3FC9]  }
0x91: {  	s18 =	sld [smem:$0x3FD0];
	(tm) =	ssettm $0x1  }
0x92: {  	s4 =	sld [smem:$0x3FFB];
	_ =	sdelay $0x3  }
0x93: {  	_ =	strace s4  }
0x94: {  	s4 =	sld [smem:$0x3FFC];
	_ =	sdelay $0x3  }
0x95: {  	_ =	strace s4  }
0x96: {  	s4 =	sld [smem:$0x3FFD];
	_ =	sdelay $0x3  }
0x97: {  	_ =	strace s4  }
0x98: {  	_ =	strace $0x8FFFFFFF  }
0x99: {  	s19 =	sld [smem:$0x3FDB];
	_ =	sdelay $0x1  }
0x9a: {  	s5 =	simm.s32 $_scs_section_size  }
0x9b: {  	s6 =	simm.s32 $_size__tile_overlayer_lowered;
	s7 =	simm.s32 $_tile_overlayer_lowered  }
0x9c: {  	s22 =	simm.s32 $0x1BFF;
	s21 =	sshll.u32 s7, $0x1;
	s4 =	sadd.s32 s5, s19  }
0x9d: {  	s8 =	simm.s32 $0x0;
	s20 =	sshll.u32 s6, $0x1;
	s6 =	sadd.s32 s21, s4  }
0x9e: {  	[timem:s8], [sflag:s22] =	dma.local [hbm:s6], s20  }
0x9f: {  	_ =	swait.ge [sflag:s22], s20  }
0xa0: {  	s5 =	ssub.s32 $0x0, s20;
	[sflag:s22] =	ssyncset.done $0x0  }
0xa1: {  	[sflag:s22] =	ssyncadd.s32 s5;
	_ =	sdelay $0x1  }
0xa2: {  	s23 =	simm.s32 $0x1B8B  }
0xa3: {  	_ =	swait.ge [sflag:s23], $0x1  }
0xa4: {  	[sflag:s23] =	ssyncset.done $0x0  }
0xa5: {  	s25 =	simm.s32 $0x1B8E;
	s24 =	sld [smem:$0x3FFE];
	[sflag:s23] =	ssyncadd.s32 $0xFFFFFFFF  }
0xa6: {  	s26 =	simm.s32 $execute0_lowered;
	[smem:$0x3FD2] =	sst s25  }
0xa7: {  	s6 =	sshll.u32 s26, $0x1;
	_ =	strace $0x80000046;
	[dreg:$0x1] =	wrdreg $0xFFFFFFFF  }
0xa8: {  	s28 =	simm.s32 $_size_execute0_lowered;
	s4 =	sadd.s32 s4, s6;
	[dreg:$0x0] =	wrdreg $0x0  }
0xa9: {  	s6 =	sshll.u32 s28, $0x1;
	[dreg:$0x2] =	wrdreg s4  }
0xaa: {  	[dreg:$0x3] =	wrdreg s6  }
0xab: {  	[dreg:$0x4] =	wrdreg $0xC0  }
0xac: {  	_ =	task [dreg:s8], $0x5FFFF  }
0xad: {  	[dreg:$0x1] =	wrdreg $0xFFFFFFFF  }
0xae: {  	[dreg:$0x0] =	wrdreg $0x60  }
0xaf: {  	[dreg:$0x2] =	wrdreg s2  }
0xb0: {  	[dreg:$0x3] =	wrdreg s24  }
0xb1: {  	[dreg:$0x4] =	wrdreg s18  }
0xb2: {  	[dreg:$0x5] =	wrdreg $0x9  }
0xb3: {  	_ =	task.clear_ibuf [dreg:s8], $0x6FFFF;
	_ =	strace $0x90000046  }
0xb4: {  	s29 =	simm.s32 $0x9;
	_ =	strace $0x80000048  }
0xb5: {  	_ =	swait.ge [sflag:s29], $0x1  }
0xb6: {  	[sflag:s29] =	ssyncadd.s32 $0xFFFFFFFF  }
0xb7: {  	_ =	strace $0x90000048  }
0xb8: {  	_ =	sfence  }
0xb9: {  	s30 =	sld [smem:$0x0];
	_ =	sdelay $0x2  }
0xba: {  	s31 =	sshll.u32 s1, $0xD;
	s1 =	sshrl.u32 s1, $0x2  }
0xbb: {  	s3 =	sand.u32 $0x4000, s31;
	s1 =	sadd.s32 s1, s30  }
0xbc: {  	s0 =	sor.u32 s3, s0;
	s1 =	sshll.u32 s1, $0x11  }
0xbd: {  	s0 =	sor.u32 s1, s0  }
0xbe: {  	s0 =	sadd.s32 $0x8F2B, s0  }
0xbf: {  	[sflag:s0] =	ssyncadd.remote.s32 $0x1  }
0xc0: {  	_ =	sfence.sel $0xFFFF  }
0xc1: {  	[dreg:$0x0] =	wrdreg $0xFFFFFFFF;
	(pc) =	sbr.abs _section_cstart, $3  }
0xc2: {  	[dreg:$0x1] =	wrdreg $0xFFFFFFFF  }
0xc3: {  	_ =	task.clear_ibuf [dreg:s8], $0x2FFFF;
	_ =	strace $0x9FFFFFFF  }
0xc4: {  	(tm) =	ssettm $0x7FFFFFFF  }
0xc5: {  	_ =	shalt  }
tec
execute0_lowered:
.L_overlay_start_1:
0x0: {  	(tag) =	ssettag $0x1  }
0x1: {  	s0 =	rddreg [dreg:$0x0]  }
0x2: {  	s1 =	rddreg [dreg:$0x1]  }
0x3: {  	s5 =	rddreg [dreg:$0x2]  }
0x4: {  	s2 =	srdreg.scid;
	s10 =	stileid.u32  }
0x5: {  	s24 =	simm.s32 $0x80;
	s25 =	simm.s32 $0x100;
	s26 =	simm.s32 $0x180  }
0x6: {  	s28 =	simm.s32 $0x4200;
	s29 =	simm.s32 $0x4A00;
	s30 =	simm.s32 $0x5200  }
0x7: {  	s31 =	simm.s32 $0x5A00;
	s13 =	simm.s32 $0x7A00;
	s14 =	simm.s32 $0x8200  }
0x8: {  	s15 =	simm.s32 $0x8A00;
	s16 =	simm.s32 $0x9200;
	s17 =	simm.s32 $0x9A00  }
0x9: {  	s18 =	simm.s32 $0xA200;
	s19 =	simm.s32 $0xAA00;
	s6 =	sand.u32 $0x1, s2  }
0xa: {  	s2 =	simm.s32 $0x0;
	s3 =	sshll.u32 s10, $0x5;
	s20 =	sadd.s32 $0x600, s1  }
0xb: {  	s10 =	sshll.u32 s10, $0xE;
	s4 =	sshll.u32 s6, $0x4;
	[smem:$0x7FF] =	sst s2  }
0xc: {  	s23 =	sadd.s32 s0, s10;
	_ =	strace $0x80000047;
	[dreg:$0xd] =	wrdreg s20  }
0xd: {  	s8 =	ssub.s32 $0x2, s6;
	s6 =	sshll.u32 s6, $0x12;
	[dreg:$0x7] =	wrdreg s23  }
0xe: {  	s12 =	sor.u32 $0x2000, s10;
	s3 =	sor.u32 s4, s3;
	[dreg:$0xa] =	wrdreg s24  }
0xf: {  	s11 =	sshrl.u32 s8, $0x1;
	s21 =	sor.u32 s10, s6;
	[dreg:$0xb] =	wrdreg s25  }
0x10: {  	s6 =	sor.u32 s6, s12;
	s0 =	sadd.s32 s0, s12;
	[dreg:$0xc] =	wrdreg s26  }
0x11: {  	s4 =	simm.s32 $0x2200;
	s25 =	simm.s32 $0x3200;
	s26 =	simm.s32 $0x3A00  }
0x12: {  	s12 =	simm.s32 $0x7200;
	s20 =	simm.s32 $0xB200;
	s7 =	sadd.s32 s3, s1  }
0x13: {  	s3 =	sadd.s32 $0x80600, s1;
	s6 =	sshrl.u32 s6, $0x3;
	s8 =	ssub.s32 s8, s11  }
0x14: {  	[dreg:$0x9] =	wrdreg s0;
	s11 =	simm.s32 $0x6200;
	s9 =	sadd.s32 $0x200, s7  }
0x15: {  	s7 =	sadd.s32 $0x400, s7;
	s6 =	sadd.s32 s5, s6;
	[dreg:$0x4] =	wrdreg s9  }
0x16: {  	s8 =	smax.u32 s8, $0x1;
	s9 =	sshrl.u32 s21, $0x3;
	[dreg:$0x5] =	wrdreg s7  }
0x17: {  	v2 =	vlaneseq.u32;
	[dreg:$0x8] =	wrdreg s6;
	s6 =	sadd.s32 $0x80800, s1;
	s7 =	sadd.s32 $0x80900, s1  }
0x18: {  	vm0 =	vmmov $0xffff;
	v1 =	vshrl.u32 v2, $0x3;
	s21 =	simm.s32 $0xBA00;
	s22 =	sadd.s32 s5, s9;
	s5 =	sadd.s32 $0x80700, s1  }
0x19: {  	v0 =	vand.u32 $0x7, v2;
	v2 =	vor.u32 $0x8, v2;
	v1 =	vmul.u32 $0x8, v1;
	s9 =	simm.s32 $0x1;
	[dreg:$0x6] =	wrdreg s22;
	s22 =	simm.s32 $0xC200  }
.LBB2_1:
0x1a: {  	s23 =	rddreg [dreg:$0x4]  }
0x1b: {  	[tilespmem:s2], [sflag:$0x1] =	stream.linear.gather [hbm4b:s23+s2], $0x80, $0x38;
	[tilespmem:$0x12200] =	vst v63  }
0x1c: {  	_ =	swait.ge [sflag:s9], $0x80  }
0x1d: {  	s10 =	rddreg [dreg:$0x5];
	[sflag:s9] =	ssyncset.done $0x0  }
0x1e: {  	s24 =	rddreg [dreg:$0xa];
	[sflag:s9] =	ssyncadd.s32 $0xFFFFFF80  }
0x1f: {  	[tilespmem:s24], [sflag:$0x1] =	stream.linear.gather [hbm4b:s10+s2], $0x80, $0x38;
	[tilespmem:$0x12200] =	vst v63  }
0x20: {  	_ =	swait.ge [sflag:s9], $0x80  }
0x21: {  	[sflag:s9] =	ssyncset.done $0x0  }
0x22: {  	[sflag:s9] =	ssyncadd.s32 $0xFFFFFF80  }
0x23: {  	v3 =	vld [tilespmem:$0x0]  }
0x24: {  	v4 =	vld [tilespmem:$0x80]  }
0x25: {  	v5 =	vld [tilespmem:$0x10]  }
0x26: {  	v6 =	vld [tilespmem:$0x90]  }
0x27: {  	v7 =	vld [tilespmem:$0x20]  }
0x28: {  	v8 =	vld [tilespmem:$0xA0]  }
0x29: {  	v9 =	vld [tilespmem:$0x30]  }
0x2a: {  	v10 =	vld [tilespmem:$0xB0]  }
0x2b: {  	v11 =	vld [tilespmem:$0x40]  }
0x2c: {  	v12 =	vld [tilespmem:$0xC0]  }
0x2d: {  	v13 =	vld [tilespmem:$0x50]  }
0x2e: {  	v14 =	vld [tilespmem:$0xD0]  }
0x2f: {  	v15 =	vld [tilespmem:$0x60];
	v3 =	vshll.u32 v3, $0xB  }
0x30: {  	v47 =	vld [tilespmem:$0xE0];
	v46 =	vshll.u32 v5, $0xB;
	v3 =	vadd.s32 v4, v3  }
0x31: {  	v49 =	vld [tilespmem:$0x70];
	v48 =	vshll.u32 v7, $0xB;
	[tilespmem:$0x100] =	vst v3;
	v3 =	vadd.s32 v6, v46  }
0x32: {  	v51 =	vld [tilespmem:$0xF0];
	v50 =	vshll.u32 v9, $0xB;
	[tilespmem:$0x110] =	vst v3;
	v3 =	vadd.s32 v8, v48  }
0x33: {  	v52 =	vshll.u32 v11, $0xB;
	[tilespmem:$0x120] =	vst v3;
	v3 =	vadd.s32 v10, v50  }
0x34: {  	v53 =	vshll.u32 v13, $0xB;
	[tilespmem:$0x130] =	vst v3;
	v3 =	vadd.s32 v12, v52  }
0x35: {  	v54 =	vshll.u32 v15, $0xB;
	[tilespmem:$0x180] =	vst v3;
	v3 =	vadd.s32 v14, v53  }
0x36: {  	v55 =	vshll.u32 v49, $0xB;
	[tilespmem:$0x190] =	vst v3;
	v3 =	vadd.s32 v47, v54  }
0x37: {  	[tilespmem:$0x1A0] =	vst v3;
	v3 =	vadd.s32 v51, v55  }
0x38: {  	s0 =	simm.s32 $0x200;
	s24 =	rddreg [dreg:$0x6];
	[tilespmem:$0x1B0] =	vst v3  }
0x39: {  	[tilespmem:s0], [sflag:$0x1] =	stream.linear.gather [hbm4b:s24+s2], $0x2000, $0x38;
	[tilespmem:$0x12200] =	vst v63  }
0x3a: {  	_ =	swait.ge [sflag:s9], $0x2000  }
0x3b: {  	[sflag:s9] =	ssyncset.done $0x0  }
0x3c: {  	s0 =	rddreg [dreg:$0x7];
	[sflag:s9] =	ssyncadd.s32 $0xFFFFE000  }
0x3d: {  	[tilespmem:s4], [sflag:$0x1] =	stream.linear.gather [hbm4b:s0+s2], $0x10000, $0x38;
	[tilespmem:$0x12200] =	vst v63  }
0x3e: {  	_ =	swait.ge [sflag:s9], $0x10000  }
0x3f: {  	[sflag:s9] =	ssyncset.done $0x0  }
0x40: {  	[sflag:s9] =	ssyncadd.s32 $0xFFFF0000  }
0x41: {  	v3 =	vld [tilespmem:$0x100];
	_ =	sdelay $0x4  }
0x42: {  	v56 =	vshll.u32 v3, $0x3  }
0x43: {  	v3 =	vand.u32 $0x7, v3;
	v4 =	vand.u32 $0xFFFFFFC0, v56  }
0x44: {  	v3 =	vor.u32 v3, v4  }
0x45: {  	v4 =	vperm.xlane v3, v0;
	_ =	sdelay $0x1  }
0x46: {  	v4 =	vadd.s32 v1, v4;
	_ =	sdelay $0x4  }
0x47: {  	[hbm4b:s3+s2] =	stream.indirect_vreg.scatter [tilespmem:s4], [sflag:$0x1], $0x80, v4, vm0, $0xb8;
	[tilespmem:$0x12200] =	vst v63  }
0x48: {  	s24 =	simm.s32 $0x2A00;
	v3 =	vperm.xlane v3, v2  }
0x49: {  	[hbm4b:s5+s2] =	stream.indirect_vreg.scatter [tilespmem:s24], [sflag:$0x1], $0x80, v4, vm0, $0xb8;
	[tilespmem:$0x12200] =	vst v63  }
0x4a: {  	v3 =	vadd.s32 v1, v3  }
0x4b: {  	[hbm4b:s6+s2] =	stream.indirect_vreg.scatter [tilespmem:s25], [sflag:$0x1], $0x80, v4, vm0, $0xb8;
	[tilespmem:$0x12200] =	vst v63  }
0x4c: {  	_ = 	snop  }
0x4d: {  	[hbm4b:s7+s2] =	stream.indirect_vreg.scatter [tilespmem:s26], [sflag:$0x1], $0x80, v4, vm0, $0xb8;
	[tilespmem:$0x12200] =	vst v63  }
0x4e: {  	_ = 	snop  }
0x4f: {  	[hbm4b:s3+s2] =	stream.indirect_vreg.scatter [tilespmem:s28], [sflag:$0x1], $0x80, v3, vm0, $0xb8;
	[tilespmem:$0x12200] =	vst v63  }
0x50: {  	_ = 	snop  }
0x51: {  	[hbm4b:s5+s2] =	stream.indirect_vreg.scatter [tilespmem:s29], [sflag:$0x1], $0x80, v3, vm0, $0xb8;
	[tilespmem:$0x12200] =	vst v63  }
0x52: {  	_ = 	snop  }
0x53: {  	[hbm4b:s6+s2] =	stream.indirect_vreg.scatter [tilespmem:s30], [sflag:$0x1], $0x80, v3, vm0, $0xb8;
	[tilespmem:$0x12200] =	vst v63  }
0x54: {  	_ = 	snop  }
0x55: {  	[hbm4b:s7+s2] =	stream.indirect_vreg.scatter [tilespmem:s31], [sflag:$0x1], $0x80, v3, vm0, $0xb8;
	[tilespmem:$0x12200] =	vst v63  }
0x56: {  	v3 =	vld [tilespmem:$0x110];
	_ =	sdelay $0x4  }
0x57: {  	v57 =	vshll.u32 v3, $0x3  }
0x58: {  	v3 =	vand.u32 $0x7, v3;
	v4 =	vand.u32 $0xFFFFFFC0, v57  }
0x59: {  	v3 =	vor.u32 v3, v4  }
0x5a: {  	v4 =	vperm.xlane v3, v0;
	_ =	sdelay $0x1  }
0x5b: {  	v4 =	vadd.s32 v1, v4;
	_ =	sdelay $0x4  }
0x5c: {  	[hbm4b:s3+s2] =	stream.indirect_vreg.scatter [tilespmem:s11], [sflag:$0x1], $0x80, v4, vm0, $0xb8;
	[tilespmem:$0x12200] =	vst v63  }
0x5d: {  	s1 =	simm.s32 $0x6A00;
	v3 =	vperm.xlane v3, v2  }
0x5e: {  	[hbm4b:s5+s2] =	stream.indirect_vreg.scatter [tilespmem:s1], [sflag:$0x1], $0x80, v4, vm0, $0xb8;
	[tilespmem:$0x12200] =	vst v63  }
0x5f: {  	v3 =	vadd.s32 v1, v3  }
0x60: {  	[hbm4b:s6+s2] =	stream.indirect_vreg.scatter [tilespmem:s12], [sflag:$0x1], $0x80, v4, vm0, $0xb8;
	[tilespmem:$0x12200] =	vst v63  }
0x61: {  	_ = 	snop  }
0x62: {  	[hbm4b:s7+s2] =	stream.indirect_vreg.scatter [tilespmem:s13], [sflag:$0x1], $0x80, v4, vm0, $0xb8;
	[tilespmem:$0x12200] =	vst v63  }
0x63: {  	_ = 	snop  }
0x64: {  	[hbm4b:s3+s2] =	stream.indirect_vreg.scatter [tilespmem:s14], [sflag:$0x1], $0x80, v3, vm0, $0xb8;
	[tilespmem:$0x12200] =	vst v63  }
0x65: {  	_ = 	snop  }
0x66: {  	[hbm4b:s5+s2] =	stream.indirect_vreg.scatter [tilespmem:s15], [sflag:$0x1], $0x80, v3, vm0, $0xb8;
	[tilespmem:$0x12200] =	vst v63  }
0x67: {  	_ = 	snop  }
0x68: {  	[hbm4b:s6+s2] =	stream.indirect_vreg.scatter [tilespmem:s16], [sflag:$0x1], $0x80, v3, vm0, $0xb8;
	[tilespmem:$0x12200] =	vst v63  }
0x69: {  	_ = 	snop  }
0x6a: {  	[hbm4b:s7+s2] =	stream.indirect_vreg.scatter [tilespmem:s17], [sflag:$0x1], $0x80, v3, vm0, $0xb8;
	[tilespmem:$0x12200] =	vst v63  }
0x6b: {  	v3 =	vld [tilespmem:$0x120];
	_ =	sdelay $0x4  }
0x6c: {  	v58 =	vshll.u32 v3, $0x3  }
0x6d: {  	v3 =	vand.u32 $0x7, v3;
	v4 =	vand.u32 $0xFFFFFFC0, v58  }
0x6e: {  	v3 =	vor.u32 v3, v4  }
0x6f: {  	v4 =	vperm.xlane v3, v0;
	_ =	sdelay $0x1  }
0x70: {  	v4 =	vadd.s32 v1, v4;
	_ =	sdelay $0x4  }
0x71: {  	[hbm4b:s3+s2] =	stream.indirect_vreg.scatter [tilespmem:s18], [sflag:$0x1], $0x80, v4, vm0, $0xb8;
	[tilespmem:$0x12200] =	vst v63  }
0x72: {  	v3 =	vperm.xlane v3, v2  }
0x73: {  	[hbm4b:s5+s2] =	stream.indirect_vreg.scatter [tilespmem:s19], [sflag:$0x1], $0x80, v4, vm0, $0xb8;
	[tilespmem:$0x12200] =	vst v63  }
0x74: {  	v3 =	vadd.s32 v1, v3  }
0x75: {  	[hbm4b:s6+s2] =	stream.indirect_vreg.scatter [tilespmem:s20], [sflag:$0x1], $0x80, v4, vm0, $0xb8;
	[tilespmem:$0x12200] =	vst v63  }
0x76: {  	_ = 	snop  }
0x77: {  	[hbm4b:s7+s2] =	stream.indirect_vreg.scatter [tilespmem:s21], [sflag:$0x1], $0x80, v4, vm0, $0xb8;
	[tilespmem:$0x12200] =	vst v63  }
0x78: {  	_ = 	snop  }
0x79: {  	[hbm4b:s3+s2] =	stream.indirect_vreg.scatter [tilespmem:s22], [sflag:$0x1], $0x80, v3, vm0, $0xb8;
	[tilespmem:$0x12200] =	vst v63  }
0x7a: {  	s10 =	simm.s32 $0xCA00  }
0x7b: {  	[hbm4b:s5+s2] =	stream.indirect_vreg.scatter [tilespmem:s10], [sflag:$0x1], $0x80, v3, vm0, $0xb8;
	[tilespmem:$0x12200] =	vst v63  }
0x7c: {  	s23 =	simm.s32 $0xD200  }
0x7d: {  	[hbm4b:s6+s2] =	stream.indirect_vreg.scatter [tilespmem:s23], [sflag:$0x1], $0x80, v3, vm0, $0xb8;
	[tilespmem:$0x12200] =	vst v63  }
0x7e: {  	s1 =	simm.s32 $0xDA00  }
0x7f: {  	[hbm4b:s7+s2] =	stream.indirect_vreg.scatter [tilespmem:s1], [sflag:$0x1], $0x80, v3, vm0, $0xb8;
	[tilespmem:$0x12200] =	vst v63  }
0x80: {  	v3 =	vld [tilespmem:$0x130];
	_ =	sdelay $0x4  }
0x81: {  	v59 =	vshll.u32 v3, $0x3  }
0x82: {  	v3 =	vand.u32 $0x7, v3;
	v4 =	vand.u32 $0xFFFFFFC0, v59  }
0x83: {  	v3 =	vor.u32 v3, v4  }
0x84: {  	v4 =	vperm.xlane v3, v0;
	_ =	sdelay $0x1  }
0x85: {  	v4 =	vadd.s32 v1, v4;
	_ =	sdelay $0x3  }
0x86: {  	s10 =	simm.s32 $0xE200  }
0x87: {  	[hbm4b:s3+s2] =	stream.indirect_vreg.scatter [tilespmem:s10], [sflag:$0x1], $0x80, v4, vm0, $0xb8;
	[tilespmem:$0x12200] =	vst v63  }
0x88: {  	s23 =	simm.s32 $0xEA00;
	v3 =	vperm.xlane v3, v2  }
0x89: {  	[hbm4b:s5+s2] =	stream.indirect_vreg.scatter [tilespmem:s23], [sflag:$0x1], $0x80, v4, vm0, $0xb8;
	[tilespmem:$0x12200] =	vst v63  }
0x8a: {  	s1 =	simm.s32 $0xF200;
	v3 =	vadd.s32 v1, v3  }
0x8b: {  	[hbm4b:s6+s2] =	stream.indirect_vreg.scatter [tilespmem:s1], [sflag:$0x1], $0x80, v4, vm0, $0xb8;
	[tilespmem:$0x12200] =	vst v63  }
0x8c: {  	s10 =	simm.s32 $0xFA00  }
0x8d: {  	[hbm4b:s7+s2] =	stream.indirect_vreg.scatter [tilespmem:s10], [sflag:$0x1], $0x80, v4, vm0, $0xb8;
	[tilespmem:$0x12200] =	vst v63  }
0x8e: {  	s23 =	simm.s32 $0x10200  }
0x8f: {  	[hbm4b:s3+s2] =	stream.indirect_vreg.scatter [tilespmem:s23], [sflag:$0x1], $0x80, v3, vm0, $0xb8;
	[tilespmem:$0x12200] =	vst v63  }
0x90: {  	s1 =	simm.s32 $0x10A00  }
0x91: {  	[hbm4b:s5+s2] =	stream.indirect_vreg.scatter [tilespmem:s1], [sflag:$0x1], $0x80, v3, vm0, $0xb8;
	[tilespmem:$0x12200] =	vst v63  }
0x92: {  	s10 =	simm.s32 $0x11200  }
0x93: {  	[hbm4b:s6+s2] =	stream.indirect_vreg.scatter [tilespmem:s10], [sflag:$0x1], $0x80, v3, vm0, $0xb8;
	[tilespmem:$0x12200] =	vst v63  }
0x94: {  	s23 =	simm.s32 $0x11A00  }
0x95: {  	[hbm4b:s7+s2] =	stream.indirect_vreg.scatter [tilespmem:s23], [sflag:$0x1], $0x80, v3, vm0, $0xb8;
	[tilespmem:$0x12200] =	vst v63  }
0x96: {  	_ =	swait.ge [sflag:s9], $0x10000  }
0x97: {  	s0 =	simm.s32 $0x200;
	s23 =	rddreg [dreg:$0xb];
	[sflag:s9] =	ssyncset.done $0x0  }
0x98: {  	s1 =	simm.s32 $0x40;
	s10 =	rddreg [dreg:$0xd];
	[sflag:s9] =	ssyncadd.s32 $0xFFFF0000  }
0x99: {  	[hbm4b:s10+s1] =	stream.indirect.scatter [tilespmem:s0], [sflag:$0x1], $0x80, s23, s1, $0xb8;
	[tilespmem:$0x12200] =	vst v63  }
0x9a: {  	_ =	swait.ge [sflag:s9], $0x2000  }
0x9b: {  	[sflag:s9] =	ssyncset.done $0x0  }
0x9c: {  	s23 =	rddreg [dreg:$0x8];
	[sflag:s9] =	ssyncadd.s32 $0xFFFFE000  }
0x9d: {  	[tilespmem:s0], [sflag:$0x1] =	stream.linear.gather [hbm4b:s23+s2], $0x2000, $0x38;
	[tilespmem:$0x12200] =	vst v63  }
0x9e: {  	_ =	swait.ge [sflag:s9], $0x2000  }
0x9f: {  	[sflag:s9] =	ssyncset.done $0x0  }
0xa0: {  	s0 =	rddreg [dreg:$0x9];
	[sflag:s9] =	ssyncadd.s32 $0xFFFFE000  }
0xa1: {  	[tilespmem:s4], [sflag:$0x1] =	stream.linear.gather [hbm4b:s0+s2], $0x10000, $0x38;
	[tilespmem:$0x12200] =	vst v63  }
0xa2: {  	_ =	swait.ge [sflag:s9], $0x10000  }
0xa3: {  	[sflag:s9] =	ssyncset.done $0x0  }
0xa4: {  	[sflag:s9] =	ssyncadd.s32 $0xFFFF0000  }
0xa5: {  	v3 =	vld [tilespmem:$0x180];
	_ =	sdelay $0x4  }
0xa6: {  	v60 =	vshll.u32 v3, $0x3  }
0xa7: {  	v3 =	vand.u32 $0x7, v3;
	v4 =	vand.u32 $0xFFFFFFC0, v60  }
0xa8: {  	v3 =	vor.u32 v3, v4  }
0xa9: {  	v4 =	vperm.xlane v3, v0;
	_ =	sdelay $0x1  }
0xaa: {  	v4 =	vadd.s32 v1, v4;
	_ =	sdelay $0x4  }
0xab: {  	[hbm4b:s3+s2] =	stream.indirect_vreg.scatter [tilespmem:s4], [sflag:$0x1], $0x80, v4, vm0, $0xb8;
	[tilespmem:$0x12200] =	vst v63  }
0xac: {  	v3 =	vperm.xlane v3, v2  }
0xad: {  	[hbm4b:s5+s2] =	stream.indirect_vreg.scatter [tilespmem:s24], [sflag:$0x1], $0x80, v4, vm0, $0xb8;
	[tilespmem:$0x12200] =	vst v63  }
0xae: {  	v3 =	vadd.s32 v1, v3  }
0xaf: {  	[hbm4b:s6+s2] =	stream.indirect_vreg.scatter [tilespmem:s25], [sflag:$0x1], $0x80, v4, vm0, $0xb8;
	[tilespmem:$0x12200] =	vst v63  }
0xb0: {  	_ = 	snop  }
0xb1: {  	[hbm4b:s7+s2] =	stream.indirect_vreg.scatter [tilespmem:s26], [sflag:$0x1], $0x80, v4, vm0, $0xb8;
	[tilespmem:$0x12200] =	vst v63  }
0xb2: {  	_ = 	snop  }
0xb3: {  	[hbm4b:s3+s2] =	stream.indirect_vreg.scatter [tilespmem:s28], [sflag:$0x1], $0x80, v3, vm0, $0xb8;
	[tilespmem:$0x12200] =	vst v63  }
0xb4: {  	_ = 	snop  }
0xb5: {  	[hbm4b:s5+s2] =	stream.indirect_vreg.scatter [tilespmem:s29], [sflag:$0x1], $0x80, v3, vm0, $0xb8;
	[tilespmem:$0x12200] =	vst v63  }
0xb6: {  	_ = 	snop  }
0xb7: {  	[hbm4b:s6+s2] =	stream.indirect_vreg.scatter [tilespmem:s30], [sflag:$0x1], $0x80, v3, vm0, $0xb8;
	[tilespmem:$0x12200] =	vst v63  }
0xb8: {  	_ = 	snop  }
0xb9: {  	[hbm4b:s7+s2] =	stream.indirect_vreg.scatter [tilespmem:s31], [sflag:$0x1], $0x80, v3, vm0, $0xb8;
	[tilespmem:$0x12200] =	vst v63  }
0xba: {  	v3 =	vld [tilespmem:$0x190];
	_ =	sdelay $0x4  }
0xbb: {  	v61 =	vshll.u32 v3, $0x3  }
0xbc: {  	v3 =	vand.u32 $0x7, v3;
	v4 =	vand.u32 $0xFFFFFFC0, v61  }
0xbd: {  	v3 =	vor.u32 v3, v4  }
0xbe: {  	v4 =	vperm.xlane v3, v0;
	_ =	sdelay $0x1  }
0xbf: {  	v4 =	vadd.s32 v1, v4;
	_ =	sdelay $0x4  }
0xc0: {  	[hbm4b:s3+s2] =	stream.indirect_vreg.scatter [tilespmem:s11], [sflag:$0x1], $0x80, v4, vm0, $0xb8;
	[tilespmem:$0x12200] =	vst v63  }
0xc1: {  	s23 =	simm.s32 $0x6A00;
	v3 =	vperm.xlane v3, v2  }
0xc2: {  	[hbm4b:s5+s2] =	stream.indirect_vreg.scatter [tilespmem:s23], [sflag:$0x1], $0x80, v4, vm0, $0xb8;
	[tilespmem:$0x12200] =	vst v63  }
0xc3: {  	v3 =	vadd.s32 v1, v3  }
0xc4: {  	[hbm4b:s6+s2] =	stream.indirect_vreg.scatter [tilespmem:s12], [sflag:$0x1], $0x80, v4, vm0, $0xb8;
	[tilespmem:$0x12200] =	vst v63  }
0xc5: {  	_ = 	snop  }
0xc6: {  	[hbm4b:s7+s2] =	stream.indirect_vreg.scatter [tilespmem:s13], [sflag:$0x1], $0x80, v4, vm0, $0xb8;
	[tilespmem:$0x12200] =	vst v63  }
0xc7: {  	_ = 	snop  }
0xc8: {  	[hbm4b:s3+s2] =	stream.indirect_vreg.scatter [tilespmem:s14], [sflag:$0x1], $0x80, v3, vm0, $0xb8;
	[tilespmem:$0x12200] =	vst v63  }
0xc9: {  	_ = 	snop  }
0xca: {  	[hbm4b:s5+s2] =	stream.indirect_vreg.scatter [tilespmem:s15], [sflag:$0x1], $0x80, v3, vm0, $0xb8;
	[tilespmem:$0x12200] =	vst v63  }
0xcb: {  	_ = 	snop  }
0xcc: {  	[hbm4b:s6+s2] =	stream.indirect_vreg.scatter [tilespmem:s16], [sflag:$0x1], $0x80, v3, vm0, $0xb8;
	[tilespmem:$0x12200] =	vst v63  }
0xcd: {  	_ = 	snop  }
0xce: {  	[hbm4b:s7+s2] =	stream.indirect_vreg.scatter [tilespmem:s17], [sflag:$0x1], $0x80, v3, vm0, $0xb8;
	[tilespmem:$0x12200] =	vst v63  }
0xcf: {  	v3 =	vld [tilespmem:$0x1A0];
	_ =	sdelay $0x4  }
0xd0: {  	v62 =	vshll.u32 v3, $0x3  }
0xd1: {  	v3 =	vand.u32 $0x7, v3;
	v4 =	vand.u32 $0xFFFFFFC0, v62  }
0xd2: {  	v3 =	vor.u32 v3, v4  }
0xd3: {  	v4 =	vperm.xlane v3, v0;
	_ =	sdelay $0x1  }
0xd4: {  	v4 =	vadd.s32 v1, v4;
	_ =	sdelay $0x4  }
0xd5: {  	[hbm4b:s3+s2] =	stream.indirect_vreg.scatter [tilespmem:s18], [sflag:$0x1], $0x80, v4, vm0, $0xb8;
	[tilespmem:$0x12200] =	vst v63  }
0xd6: {  	v3 =	vperm.xlane v3, v2  }
0xd7: {  	[hbm4b:s5+s2] =	stream.indirect_vreg.scatter [tilespmem:s19], [sflag:$0x1], $0x80, v4, vm0, $0xb8;
	[tilespmem:$0x12200] =	vst v63  }
0xd8: {  	v3 =	vadd.s32 v1, v3  }
0xd9: {  	[hbm4b:s6+s2] =	stream.indirect_vreg.scatter [tilespmem:s20], [sflag:$0x1], $0x80, v4, vm0, $0xb8;
	[tilespmem:$0x12200] =	vst v63  }
0xda: {  	_ = 	snop  }
0xdb: {  	[hbm4b:s7+s2] =	stream.indirect_vreg.scatter [tilespmem:s21], [sflag:$0x1], $0x80, v4, vm0, $0xb8;
	[tilespmem:$0x12200] =	vst v63  }
0xdc: {  	_ = 	snop  }
0xdd: {  	[hbm4b:s3+s2] =	stream.indirect_vreg.scatter [tilespmem:s22], [sflag:$0x1], $0x80, v3, vm0, $0xb8;
	[tilespmem:$0x12200] =	vst v63  }
0xde: {  	s24 =	simm.s32 $0xCA00  }
0xdf: {  	[hbm4b:s5+s2] =	stream.indirect_vreg.scatter [tilespmem:s24], [sflag:$0x1], $0x80, v3, vm0, $0xb8;
	[tilespmem:$0x12200] =	vst v63  }
0xe0: {  	s23 =	simm.s32 $0xD200  }
0xe1: {  	[hbm4b:s6+s2] =	stream.indirect_vreg.scatter [tilespmem:s23], [sflag:$0x1], $0x80, v3, vm0, $0xb8;
	[tilespmem:$0x12200] =	vst v63  }
0xe2: {  	s24 =	simm.s32 $0xDA00  }
0xe3: {  	[hbm4b:s7+s2] =	stream.indirect_vreg.scatter [tilespmem:s24], [sflag:$0x1], $0x80, v3, vm0, $0xb8;
	[tilespmem:$0x12200] =	vst v63  }
0xe4: {  	v3 =	vld [tilespmem:$0x1B0];
	_ =	sdelay $0x4  }
0xe5: {  	v63 =	vshll.u32 v3, $0x3  }
0xe6: {  	v3 =	vand.u32 $0x7, v3;
	v4 =	vand.u32 $0xFFFFFFC0, v63  }
0xe7: {  	v3 =	vor.u32 v3, v4  }
0xe8: {  	v4 =	vperm.xlane v3, v0;
	_ =	sdelay $0x1  }
0xe9: {  	v4 =	vadd.s32 v1, v4;
	_ =	sdelay $0x3  }
0xea: {  	s23 =	simm.s32 $0xE200  }
0xeb: {  	[hbm4b:s3+s2] =	stream.indirect_vreg.scatter [tilespmem:s23], [sflag:$0x1], $0x80, v4, vm0, $0xb8;
	[tilespmem:$0x12200] =	vst v63  }
0xec: {  	s24 =	simm.s32 $0xEA00;
	v3 =	vperm.xlane v3, v2  }
0xed: {  	[hbm4b:s5+s2] =	stream.indirect_vreg.scatter [tilespmem:s24], [sflag:$0x1], $0x80, v4, vm0, $0xb8;
	[tilespmem:$0x12200] =	vst v63  }
0xee: {  	v3 =	vadd.s32 v1, v3;
	s23 =	simm.s32 $0xF200  }
0xef: {  	[hbm4b:s6+s2] =	stream.indirect_vreg.scatter [tilespmem:s23], [sflag:$0x1], $0x80, v4, vm0, $0xb8;
	[tilespmem:$0x12200] =	vst v63  }
0xf0: {  	s24 =	simm.s32 $0xFA00  }
0xf1: {  	[hbm4b:s7+s2] =	stream.indirect_vreg.scatter [tilespmem:s24], [sflag:$0x1], $0x80, v4, vm0, $0xb8;
	[tilespmem:$0x12200] =	vst v63  }
0xf2: {  	s23 =	simm.s32 $0x10200  }
0xf3: {  	[hbm4b:s3+s2] =	stream.indirect_vreg.scatter [tilespmem:s23], [sflag:$0x1], $0x80, v3, vm0, $0xb8;
	[tilespmem:$0x12200] =	vst v63  }
0xf4: {  	s24 =	simm.s32 $0x10A00  }
0xf5: {  	[hbm4b:s5+s2] =	stream.indirect_vreg.scatter [tilespmem:s24], [sflag:$0x1], $0x80, v3, vm0, $0xb8;
	[tilespmem:$0x12200] =	vst v63  }
0xf6: {  	s23 =	simm.s32 $0x11200  }
0xf7: {  	[hbm4b:s6+s2] =	stream.indirect_vreg.scatter [tilespmem:s23], [sflag:$0x1], $0x80, v3, vm0, $0xb8;
	[tilespmem:$0x12200] =	vst v63  }
0xf8: {  	s24 =	simm.s32 $0x11A00  }
0xf9: {  	[hbm4b:s7+s2] =	stream.indirect_vreg.scatter [tilespmem:s24], [sflag:$0x1], $0x80, v3, vm0, $0xb8;
	[tilespmem:$0x12200] =	vst v63  }
0xfa: {  	p0 =	sne.s32 s8, $0x1;
	_ =	swait.ge [sflag:s9], $0x10000  }
0xfb: {  	s1 =	simm.s32 $0x40;
	s24 =	simm.s32 $0x200;
	[sflag:s9] =	ssyncset.done $0x0  }
.Ltmp0:
0xfc: {  	s0 =	rddreg [dreg:$0xc];
	[sflag:s9] =	ssyncadd.s32 $0xFFFF0000;
	(pc) =	sbr.rel @p0 .LBB2_1-.Ltmp0, $4  }
0xfd: {  	[hbm4b:s10+s1] =	stream.indirect.scatter [tilespmem:s24], [sflag:$0x1], $0x80, s0, s1, $0xb8;
	[tilespmem:$0x12200] =	vst v63  }
0xfe: {  	_ =	swait.ge [sflag:s9], $0x2000  }
0xff: {  	[sflag:s9] =	ssyncset.done $0x0  }
0x100: {  	s8 =	sadd.s32 $0xFFFFFFFF, s8;
	[sflag:s9] =	ssyncadd.s32 $0xFFFFE000  }
0x101: {  	_ =	sfence.sel $0x180000  }
0x102: {  	[bflag:$0x0] =	sbarrier.arrive $0xFFFF  }
0x103: {  	_ =	strace $0x90000047  }
0x104: {  	s0 =	stileid.u32;
	[bflag:$0x2] =	sbarrier.arrive $0xFFFF  }
0x105: {  	p0 =	sne.s32 s0, $0x0;
	s0 =	rddreg [dreg:$0x3]  }
0x106: {  	s0 =	sadd.s32 @!p0 $0x100000, s0  }
0x107: {  	[sflag:s0] =	ssyncadd.tile.s32 @!p0 $0x1;
	_ =	shalt  }
.Lfunc_end2:
_tile_overlayer_lowered:
.L_overlay_start_2:
0x108: {  	(tag) =	ssettag $0x2  }
0x109: {  	s0 =	rddreg [dreg:$0x0];
	s2 =	stileid.u32  }
0x10a: {  	s1 =	rddreg [dreg:$0x1];
	p0 =	sne.s32 s2, $0x0  }
0x10b: {  	s3 =	rddreg [dreg:$0x2];
	[bflag:$0x3] =	sbarrier.arrive $0xFFFF;
	s2 =	simm.s32 @!p0 $0x1C01  }
0x10c: {  	[timem:s3], [sflag:s2] =	dma.local @!p0 [hbm:s0], s1  }
0x10d: {  	s0 =	simm.s32 @!p0 $0x1  }
0x10e: {  	_ =	swait.ge @!p0 [sflag:s0], s1  }
0x10f: {  	s1 =	ssub.s32 @!p0 $0x0, s1;
	[sflag:s0] =	ssyncset.done @!p0 $0x0  }
0x110: {  	[sflag:s0] =	ssyncadd.s32 @!p0 s1  }
0x111: {  	[bflag:$0x3] =	sbarrier.arrive $0xFFFF  }
0x112: {  	_ =	shalt  }

// kernel: kernel.9.cloned.1.call-start
scs
__scs_entry_jumppad:
0x0: {  	(pc) =	sbr.rel $0x88, $3  }
0x1: {  	(tag) =	ssettag $0x0;
	lr =	simm.s32 $0x1  }
0x2: {  	[smem:$0x3F9C] =	sst lr;
	_ =	strace $0xD0000000  }
0x3: {  	_ = 	snop  }
0x4: {  	_ = 	snop  }
0x5: {  	_ = 	snop  }
0x6: {  	_ = 	snop  }
0x7: {  	_ = 	snop  }
__scs_overlays_trampoline_lowered:
0x8: {  	[smem:$0x3FAB] =	sst s0  }
0x9: {  	[smem:$0x3FAC] =	sst s1  }
0xa: {  	[smem:$0x3FAD] =	sst s2  }
0xb: {  	[smem:$0x3FAE] =	sst s3  }
0xc: {  	[smem:$0x3FAF] =	sst s4  }
0xd: {  	[smem:$0x3FB0] =	sst s5  }
0xe: {  	[smem:$0x3FB1] =	sst s6  }
0xf: {  	[smem:$0x3FB2] =	sst s7  }
0x10: {  	[smem:$0x3FB3] =	sst s8  }
0x11: {  	[smem:$0x3FB4] =	sst s9;
	s0 =	simm.s32 @!p0 $0x0  }
0x12: {  	s1 =	sld [smem:$0x3F9A];
	s0 =	simm.s32 @p0 $0x1  }
0x13: {  	[smem:$0x3FB5] =	sst s0;
	s0 =	simm.s32 @!p1 $0x0  }
0x14: {  	s2 =	sld [smem:$0x3F99];
	s0 =	simm.s32 @p1 $0x1  }
0x15: {  	[smem:$0x3FB6] =	sst s0;
	s0 =	simm.s32 @!p2 $0x0  }
0x16: {  	s3 =	sld [smem:$0x3FDB];
	s0 =	simm.s32 @p2 $0x1  }
0x17: {  	s4 =	simm.s32 $0x1BF5;
	[smem:$0x3FB8] =	sst s0  }
0x18: {  	s0 =	sld [smem:$0x3F9B];
	_ =	swait.ge [sflag:s4], $0x0  }
0x19: {  	s7 =	sld [smem:$0x3F9C]  }
0x1a: {  	s8 =	sadd.s32 $0xFFFFE003, lr  }
0x1b: {  	s9 =	sadd.s32 $0xFFFFFEF7, lr;
	s5 =	simm.s32 $0xFFFFFFFF;
	p2 =	slt.u32 s8, $0xFFFFF086  }
0x1c: {  	p1 =	slt.u32 s9, $0xF7A;
	s5 =	simm.s32 @!p2 $0x0  }
0x1d: {  	s5 =	simm.s32 @p1 $0x1;
	p0 =	seq.s32 s7, s2  }
0x1e: {  	s7 =	smul.u32 @!p0 $0xF7A, s2;
	p2 =	seq.s32 @!p0 s5, $0x0  }
0x1f: {  	s9 =	smul.u32 $0xF7A, s1;
	s8 =	simm.s32 @!p0 $0x1BF5;
	p2 =	por !p2, p0  }
0x20: {  	[sflag:s8] =	ssyncset.s32 @!p0 $0xFFFFF086;
	s6 =	sadd.s32 @!p0 s3, s7;
	s7 =	simm.s32 @!p0 $0x108  }
0x21: {  	s3 =	sadd.s32 s3, s9;
	s6 =	sadd.s32 @!p0 $0x88, s6;
	s7 =	simm.s32 @p2 $0x1082  }
0x22: {  	[simem:s7], [sflag:s8] =	dma.local @!p0 [hbm:s6], $0xF7A  }
0x23: {  	s9 =	sor.u32 $0xD0000000, s2;
	s6 =	simm.s32 $0x108;
	_ =	swait.ge @!p0 [sflag:s8], $0x0  }
0x24: {  	s3 =	sadd.s32 $0x88, s3;
	s6 =	simm.s32 @!p1 $0x1082;
	[sflag:s4] =	ssyncset.s32 $0xFFFFF086  }
0x25: {  	[simem:s6], [sflag:s4] =	dma.local [hbm:s3], $0xF7A  }
0x26: {  	[smem:$0x3F9C] =	sst s1;
	(tag) =	ssettag s2;
	_ =	strace s9  }
0x27: {  	s1 =	sld [smem:$0x3FAC]  }
0x28: {  	s2 =	sld [smem:$0x3FAD]  }
0x29: {  	s4 =	sld [smem:$0x3FAF]  }
0x2a: {  	p0 =	seq.s32 s5, $0x0;
	s5 =	sld [smem:$0x3FB0]  }
0x2b: {  	s6 =	sld [smem:$0x3FB1]  }
0x2c: {  	s7 =	sld [smem:$0x3FB2]  }
0x2d: {  	s3 =	simm.s32 $0x108;
	s8 =	sld [smem:$0x3FB3]  }
0x2e: {  	s3 =	simm.s32 @!p0 $0x1082;
	s9 =	sld [smem:$0x3FB4]  }
0x2f: {  	lr =	sadd.s32 s0, s3;
	s0 =	sld [smem:$0x3FAB]  }
0x30: {  	s3 =	sld [smem:$0x3FAE]  }
0x31: {  	[smem:$0x3FB7] =	sst s10  }
0x32: {  	s10 =	sld [smem:$0x3FB5];
	_ =	sdelay $0x3  }
0x33: {  	p0 =	seq.s32 s10, $0x1;
	s10 =	sld [smem:$0x3FB7];
	_ =	sdelay $0x3  }
0x34: {  	[smem:$0x3FB7] =	sst s10  }
0x35: {  	s10 =	sld [smem:$0x3FB6];
	_ =	sdelay $0x3  }
0x36: {  	p1 =	seq.s32 s10, $0x1;
	s10 =	sld [smem:$0x3FB7];
	_ =	sdelay $0x3  }
0x37: {  	[smem:$0x3FB7] =	sst s10  }
0x38: {  	s10 =	sld [smem:$0x3FB8]  }
0x39: {  	_ = 	snop;
	(pc) =	sbr.ind lr, $3  }
0x3a: {  	_ = 	snop  }
0x3b: {  	_ = 	snop  }
0x3c: {  	p2 =	seq.s32 s10, $0x1;
	s10 =	sld [smem:$0x3FB7]  }
0x3d: {  	_ =	shalt  }
0x3e: {  	_ =	shalt  }
0x3f: {  	_ =	shalt  }
0x40: {  	_ =	shalt  }
0x41: {  	_ =	shalt  }
0x42: {  	_ =	shalt  }
0x43: {  	_ =	shalt  }
0x44: {  	_ =	shalt  }
0x45: {  	_ =	shalt  }
0x46: {  	_ =	shalt  }
0x47: {  	_ =	shalt  }
0x48: {  	_ =	shalt  }
0x49: {  	_ =	shalt  }
0x4a: {  	_ =	shalt  }
0x4b: {  	_ =	shalt  }
0x4c: {  	_ =	shalt  }
0x4d: {  	_ =	shalt  }
0x4e: {  	_ =	shalt  }
0x4f: {  	_ =	shalt  }
0x50: {  	_ =	shalt  }
0x51: {  	_ =	shalt  }
0x52: {  	_ =	shalt  }
0x53: {  	_ =	shalt  }
0x54: {  	_ =	shalt  }
0x55: {  	_ =	shalt  }
0x56: {  	_ =	shalt  }
0x57: {  	_ =	shalt  }
0x58: {  	_ =	shalt  }
0x59: {  	_ =	shalt  }
0x5a: {  	_ =	shalt  }
0x5b: {  	_ =	shalt  }
0x5c: {  	_ =	shalt  }
0x5d: {  	_ =	shalt  }
0x5e: {  	_ =	shalt  }
0x5f: {  	_ =	shalt  }
0x60: {  	_ =	shalt  }
0x61: {  	_ =	shalt  }
0x62: {  	_ =	shalt  }
0x63: {  	_ =	shalt  }
0x64: {  	_ =	shalt  }
0x65: {  	_ =	shalt  }
0x66: {  	_ =	shalt  }
0x67: {  	_ =	shalt  }
0x68: {  	_ =	shalt  }
0x69: {  	_ =	shalt  }
0x6a: {  	_ =	shalt  }
0x6b: {  	_ =	shalt  }
0x6c: {  	_ =	shalt  }
0x6d: {  	_ =	shalt  }
0x6e: {  	_ =	shalt  }
0x6f: {  	_ =	shalt  }
0x70: {  	_ =	shalt  }
0x71: {  	_ =	shalt  }
0x72: {  	_ =	shalt  }
0x73: {  	_ =	shalt  }
0x74: {  	_ =	shalt  }
0x75: {  	_ =	shalt  }
0x76: {  	_ =	shalt  }
0x77: {  	_ =	shalt  }
0x78: {  	_ =	shalt  }
0x79: {  	_ =	shalt  }
0x7a: {  	_ =	shalt  }
0x7b: {  	_ =	shalt  }
0x7c: {  	_ =	shalt  }
0x7d: {  	_ =	shalt  }
0x7e: {  	_ =	shalt  }
0x7f: {  	_ =	shalt  }
0x80: {  	_ =	shalt  }
0x81: {  	_ =	shalt  }
0x82: {  	_ =	shalt  }
0x83: {  	_ =	shalt  }
0x84: {  	_ =	shalt  }
0x85: {  	_ =	shalt  }
0x86: {  	_ =	shalt  }
0x87: {  	_ =	shalt  }
.Lfunc_end0:
.L_simem_size_0:
called_computation.1_lowered:
.L_overlay_start_0:
0x88: {  	s2 =	sld [smem:$0x3FD9]  }
0x89: {  	s3 =	sld [smem:$0x3FFE];
	_ =	sdelay $0x1  }
0x8a: {  	s1 =	srdreg.scid  }
0x8b: {  	s0 =	sand.u32 $0x1, s1  }
0x8c: {  	s17 =	sshll.u32 s0, $0xA;
	s2 =	sadd.s32 s3, s2  }
0x8d: {  	s2 =	sadd.s32 s2, s17  }
0x8e: {  	[smem:$0x3FC3] =	sst s2  }
0x8f: {  	_ = 	snop  }
0x90: {  	s2 =	sld [smem:$0x3FD0];
	(tm) =	ssettm $0x1  }
0x91: {  	s18 =	sld [smem:$0x3FFB];
	_ =	sdelay $0x3  }
0x92: {  	_ =	strace s18  }
0x93: {  	s3 =	sld [smem:$0x3FFC];
	_ =	sdelay $0x3  }
0x94: {  	_ =	strace s3  }
0x95: {  	s3 =	sld [smem:$0x3FFD];
	_ =	sdelay $0x3  }
0x96: {  	_ =	strace s3  }
0x97: {  	_ =	strace $0x8FFFFFFF  }
0x98: {  	s19 =	sld [smem:$0x3FDB];
	_ =	sdelay $0x1  }
0x99: {  	s4 =	simm.s32 $_scs_section_size  }
0x9a: {  	s5 =	simm.s32 $_size__tile_overlayer_lowered;
	s6 =	simm.s32 $_tile_overlayer_lowered  }
0x9b: {  	s22 =	simm.s32 $0x1BFF;
	s21 =	sshll.u32 s6, $0x1;
	s3 =	sadd.s32 s4, s19  }
0x9c: {  	s7 =	simm.s32 $0x0;
	s20 =	sshll.u32 s5, $0x1;
	s5 =	sadd.s32 s21, s3  }
0x9d: {  	[timem:s7], [sflag:s22] =	dma.local [hbm:s5], s20  }
0x9e: {  	_ =	swait.ge [sflag:s22], s20  }
0x9f: {  	s4 =	ssub.s32 $0x0, s20;
	[sflag:s22] =	ssyncset.done $0x0  }
0xa0: {  	[sflag:s22] =	ssyncadd.s32 s4;
	_ =	sdelay $0x1  }
0xa1: {  	s23 =	simm.s32 $0x1B8B  }
0xa2: {  	_ =	swait.ge [sflag:s23], $0x1  }
0xa3: {  	[sflag:s23] =	ssyncset.done $0x0  }
0xa4: {  	s25 =	simm.s32 $0x1B8E;
	s24 =	sld [smem:$0x3FFE];
	[sflag:s23] =	ssyncadd.s32 $0xFFFFFFFF  }
0xa5: {  	s26 =	simm.s32 $execute0_lowered;
	[smem:$0x3FD2] =	sst s25  }
0xa6: {  	s5 =	sshll.u32 s26, $0x1;
	_ =	strace $0x80000049;
	[dreg:$0x1] =	wrdreg $0xFFFFFFFF  }
0xa7: {  	s28 =	simm.s32 $_size_execute0_lowered;
	s3 =	sadd.s32 s3, s5;
	[dreg:$0x0] =	wrdreg $0x0  }
0xa8: {  	s5 =	sshll.u32 s28, $0x1;
	[dreg:$0x2] =	wrdreg s3  }
0xa9: {  	[dreg:$0x3] =	wrdreg s5  }
0xaa: {  	[dreg:$0x4] =	wrdreg $0xC0  }
0xab: {  	_ =	task [dreg:s7], $0x5FFFF  }
0xac: {  	[dreg:$0x1] =	wrdreg $0xFFFFFFFF  }
0xad: {  	[dreg:$0x0] =	wrdreg $0x60  }
0xae: {  	[dreg:$0x2] =	wrdreg s24  }
0xaf: {  	[dreg:$0x3] =	wrdreg s2  }
0xb0: {  	[dreg:$0x4] =	wrdreg $0x9  }
0xb1: {  	_ =	task.clear_ibuf [dreg:s7], $0x5FFFF;
	_ =	strace $0x90000049  }
0xb2: {  	s29 =	simm.s32 $0x9;
	_ =	strace $0x8000004B  }
0xb3: {  	_ =	swait.ge [sflag:s29], $0x1  }
0xb4: {  	[sflag:s29] =	ssyncadd.s32 $0xFFFFFFFF  }
0xb5: {  	_ =	strace $0x9000004B  }
0xb6: {  	_ =	sfence  }
0xb7: {  	s30 =	sld [smem:$0x0];
	_ =	sdelay $0x2  }
0xb8: {  	s31 =	sshll.u32 s1, $0xD;
	s1 =	sshrl.u32 s1, $0x2  }
0xb9: {  	s3 =	sand.u32 $0x4000, s31;
	s1 =	sadd.s32 s1, s30  }
0xba: {  	s0 =	sor.u32 s3, s0;
	s1 =	sshll.u32 s1, $0x11  }
0xbb: {  	s0 =	sor.u32 s1, s0  }
0xbc: {  	s0 =	sadd.s32 $0x8F2B, s0  }
0xbd: {  	[sflag:s0] =	ssyncadd.remote.s32 $0x1  }
0xbe: {  	_ =	sfence.sel $0xFFFF  }
0xbf: {  	[dreg:$0x0] =	wrdreg $0xFFFFFFFF;
	(pc) =	sbr.abs _section_cstart, $3  }
0xc0: {  	[dreg:$0x1] =	wrdreg $0xFFFFFFFF  }
0xc1: {  	_ =	task.clear_ibuf [dreg:s7], $0x2FFFF;
	_ =	strace $0x9FFFFFFF  }
0xc2: {  	(tm) =	ssettm $0x7FFFFFFF  }
0xc3: {  	_ =	shalt  }
tec
execute0_lowered:
.L_overlay_start_1:
0x0: {  	(tag) =	ssettag $0x1  }
0x1: {  	s0 =	rddreg [dreg:$0x0]  }
0x2: {  	s1 =	rddreg [dreg:$0x1]  }
0x3: {  	s3 =	srdreg.scid;
	s2 =	simm.s32 $0x0;
	s5 =	stileid.u32  }
0x4: {  	s15 =	simm.s32 $0x1;
	s17 =	simm.s32 $0x200;
	s16 =	simm.s32 $0x9200  }
0x5: {  	s18 =	simm.s32 $0xA200;
	s19 =	simm.s32 $0xB200;
	s20 =	simm.s32 $0xC200  }
0x6: {  	s21 =	simm.s32 $0xCA00;
	s22 =	simm.s32 $0xD200;
	s23 =	simm.s32 $0xDA00  }
0x7: {  	s24 =	simm.s32 $0xE200;
	s12 =	simm.s32 $0xEA00;
	s13 =	simm.s32 $0xFA00  }
0x8: {  	s4 =	sand.u32 $0x1, s3;
	[smem:$0x7FF] =	sst s2;
	s25 =	sshll.u32 s5, $0x7  }
0x9: {  	s3 =	sadd.s32 $0x480600, s0;
	s7 =	sadd.s32 $0x200, s0;
	s9 =	sadd.s32 $0x400, s0  }
0xa: {  	s26 =	sshll.u32 s4, $0x6;
	_ =	strace $0x8000004A;
	s4 =	ssub.s32 $0x2, s4  }
0xb: {  	s6 =	sor.u32 s26, s25;
	s11 =	sshrl.u32 s4, $0x1;
	s25 =	simm.s32 $0xF200  }
0xc: {  	s8 =	sshll.u32 s6, $0x1;
	s4 =	ssub.s32 s4, s11;
	s29 =	sshll.u32 s6, $0x7  }
0xd: {  	s11 =	sadd.s32 $0x480900, s0;
	s6 =	simm.s32 $0xAA00;
	s10 =	sand.u32 $0xF00, s8  }
0xe: {  	s5 =	sor.u32 s26, s8;
	s31 =	smax.u32 s4, $0x1;
	s10 =	sor.u32 s26, s10  }
0xf: {  	s4 =	simm.s32 $0x8A00;
	s5 =	sshrl.u32 s5, $0x3;
	s28 =	sshrl.u32 s10, $0x3  }
0x10: {  	[dreg:$0x8] =	wrdreg s31;
	s26 =	simm.s32 $0x0;
	s10 =	sadd.s32 s7, s28  }
0x11: {  	s5 =	sor.u32 $0x10, s5;
	s8 =	sadd.s32 s9, s28;
	[dreg:$0x3] =	wrdreg s10  }
0x12: {  	s7 =	sadd.s32 s7, s5;
	s5 =	sadd.s32 s9, s5;
	[dreg:$0x4] =	wrdreg s8  }
0x13: {  	v2 =	vlaneseq.u32;
	s9 =	sadd.s32 $0x480800, s0;
	[dreg:$0x5] =	wrdreg s7;
	s10 =	sadd.s32 s1, s29  }
0x14: {  	vm0 =	vmmov $0xffff;
	v1 =	vshrl.u32 v2, $0x3;
	[dreg:$0x6] =	wrdreg s5;
	s8 =	sadd.s32 $0x480700, s0;
	s30 =	sadd.s32 $0x1000, s10  }
0x15: {  	v0 =	vand.u32 $0x7, v2;
	v2 =	vor.u32 $0x8, v2;
	v1 =	vmul.u32 $0x8, v1;
	s5 =	simm.s32 $0x9A00;
	s7 =	simm.s32 $0xBA00;
	[dreg:$0x7] =	wrdreg s30  }
.LBB2_1:
0x16: {  	s0 =	rddreg [dreg:$0x3];
	s1 =	simm.s32 $0x100  }
0x17: {  	[tilespmem:s1], [sflag:$0x1] =	stream.linear.gather [hbm4b:s0+s2], $0x40, $0x38;
	[tilespmem:$0x10200] =	vst v63  }
0x18: {  	_ =	swait.ge [sflag:s15], $0x40  }
0x19: {  	[sflag:s15] =	ssyncset.done $0x0  }
0x1a: {  	s14 =	simm.s32 $0x180;
	s0 =	rddreg [dreg:$0x4];
	[sflag:s15] =	ssyncadd.s32 $0xFFFFFFC0  }
0x1b: {  	[tilespmem:s14], [sflag:$0x1] =	stream.linear.gather [hbm4b:s0+s2], $0x40, $0x38;
	[tilespmem:$0x10200] =	vst v63  }
0x1c: {  	_ =	swait.ge [sflag:s15], $0x40  }
0x1d: {  	[sflag:s15] =	ssyncset.done $0x0  }
0x1e: {  	[sflag:s15] =	ssyncadd.s32 $0xFFFFFFC0  }
0x1f: {  	v3 =	vld [tilespmem:$0x100]  }
0x20: {  	v4 =	vld [tilespmem:$0x180]  }
0x21: {  	v5 =	vld [tilespmem:$0x110]  }
0x22: {  	v6 =	vld [tilespmem:$0x190]  }
0x23: {  	v7 =	vld [tilespmem:$0x120]  }
0x24: {  	v8 =	vld [tilespmem:$0x1A0]  }
0x25: {  	v9 =	vld [tilespmem:$0x130]  }
0x26: {  	v10 =	vld [tilespmem:$0x1B0]  }
0x27: {  	v3 =	vshll.u32 v3, $0xB  }
0x28: {  	v43 =	vshll.u32 v5, $0xB;
	v3 =	vadd.s32 v4, v3  }
0x29: {  	v44 =	vshll.u32 v7, $0xB;
	[tilespmem:$0x0] =	vst v3;
	v3 =	vadd.s32 v6, v43  }
0x2a: {  	v45 =	vshll.u32 v9, $0xB;
	[tilespmem:$0x10] =	vst v3;
	v3 =	vadd.s32 v8, v44  }
0x2b: {  	[tilespmem:$0x20] =	vst v3;
	v3 =	vadd.s32 v10, v45  }
0x2c: {  	s0 =	rddreg [dreg:$0x5];
	[tilespmem:$0x30] =	vst v3  }
0x2d: {  	[tilespmem:s1], [sflag:$0x1] =	stream.linear.gather [hbm4b:s0+s2], $0x40, $0x38;
	[tilespmem:$0x10200] =	vst v63  }
0x2e: {  	_ =	swait.ge [sflag:s15], $0x40  }
0x2f: {  	[sflag:s15] =	ssyncset.done $0x0  }
0x30: {  	s1 =	rddreg [dreg:$0x6];
	[sflag:s15] =	ssyncadd.s32 $0xFFFFFFC0  }
0x31: {  	[tilespmem:s14], [sflag:$0x1] =	stream.linear.gather [hbm4b:s1+s2], $0x40, $0x38;
	[tilespmem:$0x10200] =	vst v63  }
0x32: {  	_ =	swait.ge [sflag:s15], $0x40  }
0x33: {  	[sflag:s15] =	ssyncset.done $0x0  }
0x34: {  	[sflag:s15] =	ssyncadd.s32 $0xFFFFFFC0  }
0x35: {  	v3 =	vld [tilespmem:$0x0]  }
0x36: {  	v46 =	vld [tilespmem:$0x100]  }
0x37: {  	v47 =	vld [tilespmem:$0x180]  }
0x38: {  	v48 =	vld [tilespmem:$0x110]  }
0x39: {  	v49 =	vld [tilespmem:$0x190]  }
0x3a: {  	v50 =	vld [tilespmem:$0x120];
	v51 =	vshll.u32 v3, $0x3  }
0x3b: {  	v52 =	vld [tilespmem:$0x1A0];
	v3 =	vand.u32 $0x7, v3;
	v9 =	vand.u32 $0xFFFFFFC0, v51  }
0x3c: {  	v11 =	vld [tilespmem:$0x130];
	v3 =	vor.u32 v3, v9  }
0x3d: {  	v53 =	vld [tilespmem:$0x1B0];
	v12 =	vperm.xlane v3, v0  }
0x3e: {  	v4 =	vshll.u32 v46, $0xB  }
0x3f: {  	v54 =	vshll.u32 v48, $0xB;
	v4 =	vadd.s32 v47, v4;
	v55 =	vadd.s32 v1, v12  }
0x40: {  	v57 =	vshll.u32 v50, $0xB;
	v56 =	vadd.s32 v49, v54;
	[tilespmem:$0x80] =	vst v4  }
0x41: {  	v59 =	vshll.u32 v11, $0xB;
	v58 =	vadd.s32 v52, v57;
	[tilespmem:$0x90] =	vst v56  }
0x42: {  	v60 =	vadd.s32 v53, v59;
	[tilespmem:$0xA0] =	vst v58  }
0x43: {  	[tilespmem:$0xB0] =	vst v60  }
0x44: {  	[tilespmem:s17], [sflag:$0x1] =	stream.indirect_vreg.gather [hbm4b:s3+s2], $0x80, v55, vm0, $0xb8;
	[tilespmem:$0x10200] =	vst v63  }
0x45: {  	s1 =	simm.s32 $0xA00;
	v3 =	vperm.xlane v3, v2  }
0x46: {  	[tilespmem:s1], [sflag:$0x1] =	stream.indirect_vreg.gather [hbm4b:s8+s2], $0x80, v55, vm0, $0xb8;
	[tilespmem:$0x10200] =	vst v63  }
0x47: {  	s14 =	simm.s32 $0x1200;
	v3 =	vadd.s32 v1, v3  }
0x48: {  	[tilespmem:s14], [sflag:$0x1] =	stream.indirect_vreg.gather [hbm4b:s9+s2], $0x80, v55, vm0, $0xb8;
	[tilespmem:$0x10200] =	vst v63  }
0x49: {  	s1 =	simm.s32 $0x1A00  }
0x4a: {  	[tilespmem:s1], [sflag:$0x1] =	stream.indirect_vreg.gather [hbm4b:s11+s2], $0x80, v55, vm0, $0xb8;
	[tilespmem:$0x10200] =	vst v63  }
0x4b: {  	s14 =	simm.s32 $0x2200  }
0x4c: {  	[tilespmem:s14], [sflag:$0x1] =	stream.indirect_vreg.gather [hbm4b:s3+s2], $0x80, v3, vm0, $0xb8;
	[tilespmem:$0x10200] =	vst v63  }
0x4d: {  	s1 =	simm.s32 $0x2A00  }
0x4e: {  	[tilespmem:s1], [sflag:$0x1] =	stream.indirect_vreg.gather [hbm4b:s8+s2], $0x80, v3, vm0, $0xb8;
	[tilespmem:$0x10200] =	vst v63  }
0x4f: {  	s14 =	simm.s32 $0x3200  }
0x50: {  	[tilespmem:s14], [sflag:$0x1] =	stream.indirect_vreg.gather [hbm4b:s9+s2], $0x80, v3, vm0, $0xb8;
	[tilespmem:$0x10200] =	vst v63  }
0x51: {  	s1 =	simm.s32 $0x3A00  }
0x52: {  	[tilespmem:s1], [sflag:$0x1] =	stream.indirect_vreg.gather [hbm4b:s11+s2], $0x80, v3, vm0, $0xb8;
	[tilespmem:$0x10200] =	vst v63  }
0x53: {  	v3 =	vld [tilespmem:$0x10];
	_ =	sdelay $0x4  }
0x54: {  	v61 =	vshll.u32 v3, $0x3  }
0x55: {  	v3 =	vand.u32 $0x7, v3;
	v4 =	vand.u32 $0xFFFFFFC0, v61  }
0x56: {  	v3 =	vor.u32 v3, v4  }
0x57: {  	v4 =	vperm.xlane v3, v0;
	_ =	sdelay $0x1  }
0x58: {  	v4 =	vadd.s32 v1, v4;
	_ =	sdelay $0x3  }
0x59: {  	s14 =	simm.s32 $0x4200  }
0x5a: {  	[tilespmem:s14], [sflag:$0x1] =	stream.indirect_vreg.gather [hbm4b:s3+s2], $0x80, v4, vm0, $0xb8;
	[tilespmem:$0x10200] =	vst v63  }
0x5b: {  	s1 =	simm.s32 $0x4A00;
	v3 =	vperm.xlane v3, v2  }
0x5c: {  	[tilespmem:s1], [sflag:$0x1] =	stream.indirect_vreg.gather [hbm4b:s8+s2], $0x80, v4, vm0, $0xb8;
	[tilespmem:$0x10200] =	vst v63  }
0x5d: {  	v3 =	vadd.s32 v1, v3;
	s14 =	simm.s32 $0x5200  }
0x5e: {  	[tilespmem:s14], [sflag:$0x1] =	stream.indirect_vreg.gather [hbm4b:s9+s2], $0x80, v4, vm0, $0xb8;
	[tilespmem:$0x10200] =	vst v63  }
0x5f: {  	s1 =	simm.s32 $0x5A00  }
0x60: {  	[tilespmem:s1], [sflag:$0x1] =	stream.indirect_vreg.gather [hbm4b:s11+s2], $0x80, v4, vm0, $0xb8;
	[tilespmem:$0x10200] =	vst v63  }
0x61: {  	s14 =	simm.s32 $0x6200  }
0x62: {  	[tilespmem:s14], [sflag:$0x1] =	stream.indirect_vreg.gather [hbm4b:s3+s2], $0x80, v3, vm0, $0xb8;
	[tilespmem:$0x10200] =	vst v63  }
0x63: {  	s1 =	simm.s32 $0x6A00  }
0x64: {  	[tilespmem:s1], [sflag:$0x1] =	stream.indirect_vreg.gather [hbm4b:s8+s2], $0x80, v3, vm0, $0xb8;
	[tilespmem:$0x10200] =	vst v63  }
0x65: {  	s14 =	simm.s32 $0x7200  }
0x66: {  	[tilespmem:s14], [sflag:$0x1] =	stream.indirect_vreg.gather [hbm4b:s9+s2], $0x80, v3, vm0, $0xb8;
	[tilespmem:$0x10200] =	vst v63  }
0x67: {  	s1 =	simm.s32 $0x7A00  }
0x68: {  	[tilespmem:s1], [sflag:$0x1] =	stream.indirect_vreg.gather [hbm4b:s11+s2], $0x80, v3, vm0, $0xb8;
	[tilespmem:$0x10200] =	vst v63  }
0x69: {  	_ =	swait.ge [sflag:s15], $0x8000  }
0x6a: {  	[sflag:s15] =	ssyncset.done $0x0  }
0x6b: {  	[sflag:s15] =	ssyncadd.s32 $0xFFFF8000  }
0x6c: {  	v3 =	vld [tilespmem:$0x80];
	_ =	sdelay $0x4  }
0x6d: {  	v62 =	vshll.u32 v3, $0x3  }
0x6e: {  	v3 =	vand.u32 $0x7, v3;
	v4 =	vand.u32 $0xFFFFFFC0, v62  }
0x6f: {  	v3 =	vor.u32 v3, v4  }
0x70: {  	v4 =	vperm.xlane v3, v0;
	_ =	sdelay $0x1  }
0x71: {  	v4 =	vadd.s32 v1, v4;
	_ =	sdelay $0x3  }
0x72: {  	s14 =	simm.s32 $0x8200  }
0x73: {  	[tilespmem:s14], [sflag:$0x1] =	stream.indirect_vreg.gather [hbm4b:s3+s2], $0x80, v4, vm0, $0xb8;
	[tilespmem:$0x10200] =	vst v63  }
0x74: {  	v3 =	vperm.xlane v3, v2  }
0x75: {  	[tilespmem:s4], [sflag:$0x1] =	stream.indirect_vreg.gather [hbm4b:s8+s2], $0x80, v4, vm0, $0xb8;
	[tilespmem:$0x10200] =	vst v63  }
0x76: {  	v3 =	vadd.s32 v1, v3  }
0x77: {  	[tilespmem:s16], [sflag:$0x1] =	stream.indirect_vreg.gather [hbm4b:s9+s2], $0x80, v4, vm0, $0xb8;
	[tilespmem:$0x10200] =	vst v63  }
0x78: {  	_ = 	snop  }
0x79: {  	[tilespmem:s5], [sflag:$0x1] =	stream.indirect_vreg.gather [hbm4b:s11+s2], $0x80, v4, vm0, $0xb8;
	[tilespmem:$0x10200] =	vst v63  }
0x7a: {  	_ = 	snop  }
0x7b: {  	[tilespmem:s18], [sflag:$0x1] =	stream.indirect_vreg.gather [hbm4b:s3+s2], $0x80, v3, vm0, $0xb8;
	[tilespmem:$0x10200] =	vst v63  }
0x7c: {  	_ = 	snop  }
0x7d: {  	[tilespmem:s6], [sflag:$0x1] =	stream.indirect_vreg.gather [hbm4b:s8+s2], $0x80, v3, vm0, $0xb8;
	[tilespmem:$0x10200] =	vst v63  }
0x7e: {  	_ = 	snop  }
0x7f: {  	[tilespmem:s19], [sflag:$0x1] =	stream.indirect_vreg.gather [hbm4b:s9+s2], $0x80, v3, vm0, $0xb8;
	[tilespmem:$0x10200] =	vst v63  }
0x80: {  	_ = 	snop  }
0x81: {  	[tilespmem:s7], [sflag:$0x1] =	stream.indirect_vreg.gather [hbm4b:s11+s2], $0x80, v3, vm0, $0xb8;
	[tilespmem:$0x10200] =	vst v63  }
0x82: {  	v3 =	vld [tilespmem:$0x90];
	_ =	sdelay $0x4  }
0x83: {  	v63 =	vshll.u32 v3, $0x3  }
0x84: {  	v3 =	vand.u32 $0x7, v3;
	v4 =	vand.u32 $0xFFFFFFC0, v63  }
0x85: {  	v3 =	vor.u32 v3, v4  }
0x86: {  	v4 =	vperm.xlane v3, v0;
	_ =	sdelay $0x1  }
0x87: {  	v4 =	vadd.s32 v1, v4;
	_ =	sdelay $0x4  }
0x88: {  	[tilespmem:s20], [sflag:$0x1] =	stream.indirect_vreg.gather [hbm4b:s3+s2], $0x80, v4, vm0, $0xb8;
	[tilespmem:$0x10200] =	vst v63  }
0x89: {  	v3 =	vperm.xlane v3, v2  }
0x8a: {  	[tilespmem:s21], [sflag:$0x1] =	stream.indirect_vreg.gather [hbm4b:s8+s2], $0x80, v4, vm0, $0xb8;
	[tilespmem:$0x10200] =	vst v63  }
0x8b: {  	v3 =	vadd.s32 v1, v3  }
0x8c: {  	[tilespmem:s22], [sflag:$0x1] =	stream.indirect_vreg.gather [hbm4b:s9+s2], $0x80, v4, vm0, $0xb8;
	[tilespmem:$0x10200] =	vst v63  }
0x8d: {  	_ = 	snop  }
0x8e: {  	[tilespmem:s23], [sflag:$0x1] =	stream.indirect_vreg.gather [hbm4b:s11+s2], $0x80, v4, vm0, $0xb8;
	[tilespmem:$0x10200] =	vst v63  }
0x8f: {  	_ = 	snop  }
0x90: {  	[tilespmem:s24], [sflag:$0x1] =	stream.indirect_vreg.gather [hbm4b:s3+s2], $0x80, v3, vm0, $0xb8;
	[tilespmem:$0x10200] =	vst v63  }
0x91: {  	_ = 	snop  }
0x92: {  	[tilespmem:s12], [sflag:$0x1] =	stream.indirect_vreg.gather [hbm4b:s8+s2], $0x80, v3, vm0, $0xb8;
	[tilespmem:$0x10200] =	vst v63  }
0x93: {  	_ = 	snop  }
0x94: {  	[tilespmem:s25], [sflag:$0x1] =	stream.indirect_vreg.gather [hbm4b:s9+s2], $0x80, v3, vm0, $0xb8;
	[tilespmem:$0x10200] =	vst v63  }
0x95: {  	_ = 	snop  }
0x96: {  	[tilespmem:s13], [sflag:$0x1] =	stream.indirect_vreg.gather [hbm4b:s11+s2], $0x80, v3, vm0, $0xb8;
	[tilespmem:$0x10200] =	vst v63  }
0x97: {  	_ =	swait.ge [sflag:s15], $0x8000  }
0x98: {  	s28 =	simm.s32 $0xFFFF8000;
	s29 =	simm.s32 $0x0;
	[sflag:s15] =	ssyncset.done $0x0  }
0x99: {  	s30 =	simm.s32 $0x0;
	s31 =	simm.s32 $0x0;
	[sflag:s15] =	ssyncadd.s32 $0xFFFF8000  }
.LBB2_2:
0x9a: {  	s0 =	sadd.s32 $0x8000, s28  }
0x9b: {  	s1 =	sand.u32 $0x380, s31;
	s0 =	sand.u32 $0x6000, s0  }
0x9c: {  	s0 =	sor.u32 s1, s0  }
0x9d: {  	v3 =	vld [tilespmem:s0+$0x200]  }
0x9e: {  	v4 =	vld [tilespmem:s0+$0x8200]  }
0x9f: {  	v5 =	vld [tilespmem:s0+$0x210]  }
0xa0: {  	v6 =	vld [tilespmem:s0+$0x8210]  }
0xa1: {  	v7 =	vld [tilespmem:s0+$0x220]  }
0xa2: {  	v8 =	vld [tilespmem:s0+$0x8220]  }
0xa3: {  	v9 =	vld [tilespmem:s0+$0x230]  }
0xa4: {  	v10 =	vld [tilespmem:s0+$0x8230]  }
0xa5: {  	v11 =	vld [tilespmem:s0+$0x240]  }
0xa6: {  	v12 =	vld [tilespmem:s0+$0x8240]  }
0xa7: {  	v13 =	vld [tilespmem:s0+$0x250]  }
0xa8: {  	v14 =	vld [tilespmem:s0+$0x8250]  }
0xa9: {  	v15 =	vld [tilespmem:s0+$0x260]  }
0xaa: {  	v16 =	vld [tilespmem:s0+$0x8260]  }
0xab: {  	v17 =	vld [tilespmem:s0+$0x270]  }
0xac: {  	v18 =	vld [tilespmem:s0+$0x8270]  }
0xad: {  	v19 =	vld [tilespmem:s0+$0x600]  }
0xae: {  	v20 =	vld [tilespmem:s0+$0x8600]  }
0xaf: {  	v21 =	vld [tilespmem:s0+$0x610]  }
0xb0: {  	v22 =	vld [tilespmem:s0+$0x8610]  }
0xb1: {  	v23 =	vld [tilespmem:s0+$0x620]  }
0xb2: {  	v24 =	vld [tilespmem:s0+$0x8620]  }
0xb3: {  	v25 =	vld [tilespmem:s0+$0x630]  }
0xb4: {  	v26 =	vld [tilespmem:s0+$0x8630]  }
0xb5: {  	v27 =	vld [tilespmem:s0+$0x640]  }
0xb6: {  	v28 =	vld [tilespmem:s0+$0x8640]  }
0xb7: {  	v29 =	vld [tilespmem:s0+$0x650]  }
0xb8: {  	v30 =	vld [tilespmem:s0+$0x8650]  }
0xb9: {  	v31 =	vld [tilespmem:s0+$0x660]  }
0xba: {  	v32 =	vld [tilespmem:s0+$0x8660]  }
0xbb: {  	v33 =	vld [tilespmem:s0+$0x670]  }
0xbc: {  	v34 =	vld [tilespmem:s0+$0x8670]  }
0xbd: {  	v35 =	vld [tilespmem:s0+$0xA00]  }
0xbe: {  	v36 =	vld [tilespmem:s0+$0x8A00]  }
0xbf: {  	v37 =	vld [tilespmem:s0+$0xA10]  }
0xc0: {  	v38 =	vld [tilespmem:s0+$0x8A10]  }
0xc1: {  	v39 =	vld [tilespmem:s0+$0xA20]  }
0xc2: {  	v40 =	vld [tilespmem:s0+$0x8A20]  }
0xc3: {  	v41 =	vld [tilespmem:s0+$0xA30]  }
0xc4: {  	v42 =	vld [tilespmem:s0+$0x8A30]  }
0xc5: {  	v43 =	vld [tilespmem:s0+$0xA40]  }
0xc6: {  	v44 =	vld [tilespmem:s0+$0x8A40]  }
0xc7: {  	v45 =	vld [tilespmem:s0+$0xA50]  }
0xc8: {  	v46 =	vld [tilespmem:s0+$0x8A50]  }
0xc9: {  	v47 =	vld [tilespmem:s0+$0xA60]  }
0xca: {  	v48 =	vld [tilespmem:s0+$0x8A60]  }
0xcb: {  	v49 =	vld [tilespmem:s0+$0xA70]  }
0xcc: {  	v50 =	vld [tilespmem:s0+$0x8A70]  }
0xcd: {  	v51 =	vld [tilespmem:s0+$0xE00]  }
0xce: {  	v52 =	vld [tilespmem:s0+$0x8E00]  }
0xcf: {  	v53 =	vld [tilespmem:s0+$0xE10]  }
0xd0: {  	v54 =	vld [tilespmem:s0+$0x8E10]  }
0xd1: {  	v55 =	vld [tilespmem:s0+$0xE20]  }
0xd2: {  	v56 =	vld [tilespmem:s0+$0x8E20]  }
0xd3: {  	v57 =	vld [tilespmem:s0+$0xE30]  }
0xd4: {  	v58 =	vld [tilespmem:s0+$0x8E30]  }
0xd5: {  	v59 =	vld [tilespmem:s0+$0xE40]  }
0xd6: {  	v60 =	vld [tilespmem:s0+$0x8E40]  }
0xd7: {  	v61 =	vld [tilespmem:s0+$0xE50]  }
0xd8: {  	v62 =	vld [tilespmem:s0+$0x8E50]  }
0xd9: {  	v63 =	vld [tilespmem:s0+$0xE60]  }
0xda: {  	v3 =	vadd.f32 v4, v3;
	v4 =	vld [tilespmem:s0+$0x8E60]  }
0xdb: {  	v5 =	vadd.f32 v6, v5;
	v6 =	vld [tilespmem:s0+$0xE70]  }
0xdc: {  	v14 =	vadd.f32 v14, v13;
	v13 =	vld [tilespmem:s0+$0x9220];
	[tilespmem:s0+$0x200] =	vst v3;
	v3 =	vadd.f32 v8, v7  }
0xdd: {  	v18 =	vadd.f32 v18, v17;
	v17 =	vld [tilespmem:s0+$0x9240];
	[tilespmem:s0+$0x210] =	vst v5  }
0xde: {  	v22 =	vadd.f32 v22, v21;
	v21 =	vld [tilespmem:s0+$0x9260];
	[tilespmem:s0+$0x220] =	vst v3;
	v3 =	vadd.f32 v12, v11  }
0xdf: {  	v7 =	vld [tilespmem:s0+$0x8E70];
	[tilespmem:s0+$0x250] =	vst v14  }
0xe0: {  	v8 =	vld [tilespmem:s0+$0x1200];
	[tilespmem:s0+$0x240] =	vst v3;
	v3 =	vadd.f32 v16, v15  }
0xe1: {  	v5 =	vadd.f32 v10, v9;
	v9 =	vld [tilespmem:s0+$0x9200];
	[tilespmem:s0+$0x270] =	vst v18  }
0xe2: {  	v10 =	vld [tilespmem:s0+$0x1210];
	[tilespmem:s0+$0x260] =	vst v3;
	v3 =	vadd.f32 v20, v19  }
0xe3: {  	v26 =	vadd.f32 v26, v25;
	v14 =	vld [tilespmem:s0+$0x1230];
	[tilespmem:s0+$0x610] =	vst v22  }
0xe4: {  	v18 =	vld [tilespmem:s0+$0x1250];
	[tilespmem:s0+$0x600] =	vst v3;
	v3 =	vadd.f32 v24, v23  }
0xe5: {  	v30 =	vadd.f32 v30, v29;
	[tilespmem:s0+$0x630] =	vst v26;
	v22 =	vld [tilespmem:s0+$0x1270]  }
0xe6: {  	v19 =	vld [tilespmem:s0+$0x9250];
	[tilespmem:s0+$0x620] =	vst v3;
	v3 =	vadd.f32 v28, v27  }
0xe7: {  	v34 =	vadd.f32 v34, v33;
	[tilespmem:s0+$0x650] =	vst v30;
	v11 =	vld [tilespmem:s0+$0x9210]  }
0xe8: {  	v12 =	vld [tilespmem:s0+$0x1220];
	[tilespmem:s0+$0x640] =	vst v3;
	v3 =	vadd.f32 v32, v31  }
0xe9: {  	[tilespmem:s0+$0x670] =	vst v34;
	v15 =	vld [tilespmem:s0+$0x9230]  }
0xea: {  	v16 =	vld [tilespmem:s0+$0x1240];
	[tilespmem:s0+$0x660] =	vst v3;
	v3 =	vadd.f32 v36, v35  }
0xeb: {  	[tilespmem:s0+$0x230] =	vst v5;
	v20 =	vld [tilespmem:s0+$0x1260];
	v19 =	vadd.f32 v19, v18  }
0xec: {  	v24 =	vld [tilespmem:s0+$0x1600];
	[tilespmem:s0+$0xA00] =	vst v3;
	v3 =	vadd.f32 v40, v39  }
0xed: {  	[tilespmem:s0+$0x1250] =	vst v19;
	v36 =	vadd.f32 v38, v37;
	v37 =	vld [tilespmem:s0+$0x9270]  }
0xee: {  	v38 =	vadd.f32 v42, v41;
	v41 =	vld [tilespmem:s0+$0x1610];
	[tilespmem:s0+$0xA20] =	vst v3;
	v3 =	vadd.f32 v44, v43  }
0xef: {  	v42 =	vld [tilespmem:s0+$0x9610];
	[tilespmem:s0+$0xA10] =	vst v36  }
0xf0: {  	v35 =	vld [tilespmem:s0+$0x1A10];
	[tilespmem:s0+$0xA40] =	vst v3;
	v3 =	vadd.f32 v48, v47  }
0xf1: {  	v39 =	vld [tilespmem:s0+$0x9600];
	[tilespmem:s0+$0xA30] =	vst v38;
	v40 =	vadd.f32 v46, v45  }
0xf2: {  	v45 =	vld [tilespmem:s0+$0x9620];
	[tilespmem:s0+$0xA60] =	vst v3;
	v3 =	vadd.f32 v52, v51  }
0xf3: {  	v46 =	vadd.f32 v54, v53;
	v53 =	vld [tilespmem:s0+$0x1650];
	[tilespmem:s0+$0xA50] =	vst v40  }
0xf4: {  	v54 =	vld [tilespmem:s0+$0x9650];
	[tilespmem:s0+$0xE00] =	vst v3;
	v3 =	vadd.f32 v56, v55  }
0xf5: {  	v36 =	vld [tilespmem:s0+$0x9A10];
	v43 =	vadd.f32 v50, v49;
	[tilespmem:s0+$0xE10] =	vst v46  }
0xf6: {  	v38 =	vld [tilespmem:s0+$0x1A20];
	[tilespmem:s0+$0xE20] =	vst v3;
	v3 =	vadd.f32 v60, v59  }
0xf7: {  	v44 =	vld [tilespmem:s0+$0x1620];
	v49 =	vadd.f32 v58, v57;
	[tilespmem:s0+$0xA70] =	vst v43  }
0xf8: {  	v50 =	vld [tilespmem:s0+$0x1640];
	[tilespmem:s0+$0xE40] =	vst v3;
	v3 =	vadd.f32 v4, v63  }
0xf9: {  	v57 =	vld [tilespmem:s0+$0x9660];
	v58 =	vadd.f32 v11, v10;
	[tilespmem:s0+$0xE30] =	vst v49  }
0xfa: {  	v46 =	vld [tilespmem:s0+$0x9A50];
	[tilespmem:s0+$0xE60] =	vst v3;
	v3 =	vadd.f32 v9, v8  }
0xfb: {  	v37 =	vadd.f32 v37, v22;
	v40 =	vadd.f32 v42, v41;
	v41 =	vld [tilespmem:s0+$0x1A30];
	[tilespmem:s0+$0x1210] =	vst v58  }
0xfc: {  	v42 =	vld [tilespmem:s0+$0x9A30];
	[tilespmem:s0+$0x1200] =	vst v3;
	v3 =	vadd.f32 v13, v12  }
0xfd: {  	v47 =	vld [tilespmem:s0+$0x1630];
	[tilespmem:s0+$0x1270] =	vst v37  }
0xfe: {  	v48 =	vld [tilespmem:s0+$0x9630];
	[tilespmem:s0+$0x1220] =	vst v3;
	v3 =	vadd.f32 v17, v16  }
0xff: {  	v49 =	vld [tilespmem:s0+$0x9A60];
	[tilespmem:s0+$0x1610] =	vst v40;
	v52 =	vadd.f32 v62, v61  }
0x100: {  	v51 =	vld [tilespmem:s0+$0x9640];
	[tilespmem:s0+$0x1240] =	vst v3;
	v3 =	vadd.f32 v21, v20  }
0x101: {  	v61 =	vadd.f32 v15, v14;
	v62 =	vld [tilespmem:s0+$0x1A00];
	[tilespmem:s0+$0xE50] =	vst v52  }
0x102: {  	v56 =	vld [tilespmem:s0+$0x1660];
	[tilespmem:s0+$0x1260] =	vst v3;
	v3 =	vadd.f32 v39, v24  }
0x103: {  	v55 =	vadd.f32 v7, v6;
	[tilespmem:s0+$0x1230] =	vst v61;
	v52 =	vld [tilespmem:s0+$0x9A70]  }
0x104: {  	v43 =	vadd.f32 v48, v47;
	v47 =	vld [tilespmem:s0+$0x1A60];
	[tilespmem:s0+$0x1600] =	vst v3;
	v3 =	vadd.f32 v45, v44  }
0x105: {  	[tilespmem:s0+$0xE70] =	vst v55;
	v63 =	vld [tilespmem:s0+$0x9A00]  }
0x106: {  	v59 =	vld [tilespmem:s0+$0x1670];
	[tilespmem:s0+$0x1620] =	vst v3;
	v3 =	vadd.f32 v51, v50  }
0x107: {  	[tilespmem:s0+$0x1630] =	vst v43;
	v4 =	vadd.f32 v54, v53;
	v39 =	vld [tilespmem:s0+$0x9A20]  }
0x108: {  	v60 =	vld [tilespmem:s0+$0x9670];
	[tilespmem:s0+$0x1640] =	vst v3;
	v3 =	vadd.f32 v57, v56  }
0x109: {  	v54 =	vadd.f32 v42, v41;
	[tilespmem:s0+$0x1650] =	vst v4;
	v45 =	vld [tilespmem:s0+$0x1A50]  }
0x10a: {  	v53 =	vld [tilespmem:s0+$0x9A40];
	[tilespmem:s0+$0x1660] =	vst v3;
	v3 =	vadd.f32 v63, v62  }
0x10b: {  	[tilespmem:s0+$0x1A30] =	vst v54;
	v55 =	vadd.f32 v49, v47;
	v50 =	vld [tilespmem:s0+$0x1A70]  }
0x10c: {  	v44 =	vld [tilespmem:s0+$0x1A40];
	[tilespmem:s0+$0x1A00] =	vst v3;
	v3 =	vadd.f32 v39, v38  }
0x10d: {  	v48 =	vadd.f32 v60, v59;
	[tilespmem:s0+$0x1A60] =	vst v55  }
0x10e: {  	[tilespmem:s0+$0x1A20] =	vst v3;
	v3 =	vadd.f32 v46, v45  }
0x10f: {  	s14 =	sand.u32 $0x7, s29;
	[tilespmem:s0+$0x1670] =	vst v48;
	v51 =	vadd.f32 v36, v35  }
0x110: {  	s1 =	sshll.u32 s14, $0x7;
	[tilespmem:s0+$0x1A50] =	vst v3;
	v3 =	vadd.f32 v52, v50  }
0x111: {  	s1 =	sadd.s32 s1, s30;
	[tilespmem:s0+$0x1A10] =	vst v51;
	v56 =	vadd.f32 v53, v44  }
0x112: {  	s14 =	sor.u32 $0x1C00, s1;
	[tilespmem:s0+$0x1A70] =	vst v3  }
0x113: {  	[tilespmem:s0+$0x1A40] =	vst v56;
	v3 =	vld [tilespmem:s14+$0x200]  }
0x114: {  	v4 =	vld [tilespmem:s14+$0x8200];
	_ =	sdelay $0x4  }
0x115: {  	v3 =	vadd.f32 v4, v3;
	_ =	sdelay $0x1  }
0x116: {  	[tilespmem:s14+$0x200] =	vst v3;
	s14 =	sor.u32 $0x1C10, s1  }
0x117: {  	v3 =	vld [tilespmem:s14+$0x200]  }
0x118: {  	v57 =	vld [tilespmem:s14+$0x8200];
	_ =	sdelay $0x4  }
0x119: {  	v3 =	vadd.f32 v57, v3;
	_ =	sdelay $0x1  }
0x11a: {  	[tilespmem:s14+$0x200] =	vst v3;
	s14 =	sor.u32 $0x1C20, s1  }
0x11b: {  	v3 =	vld [tilespmem:s14+$0x200]  }
0x11c: {  	v58 =	vld [tilespmem:s14+$0x8200];
	_ =	sdelay $0x4  }
0x11d: {  	v3 =	vadd.f32 v58, v3;
	_ =	sdelay $0x1  }
0x11e: {  	[tilespmem:s14+$0x200] =	vst v3;
	s14 =	sor.u32 $0x1C30, s1  }
0x11f: {  	v3 =	vld [tilespmem:s14+$0x200]  }
0x120: {  	v59 =	vld [tilespmem:s14+$0x8200];
	_ =	sdelay $0x4  }
0x121: {  	v3 =	vadd.f32 v59, v3;
	_ =	sdelay $0x1  }
0x122: {  	[tilespmem:s14+$0x200] =	vst v3;
	s14 =	sor.u32 $0x1C40, s1  }
0x123: {  	v3 =	vld [tilespmem:s14+$0x200]  }
0x124: {  	v60 =	vld [tilespmem:s14+$0x8200];
	_ =	sdelay $0x4  }
0x125: {  	v3 =	vadd.f32 v60, v3;
	_ =	sdelay $0x1  }
0x126: {  	[tilespmem:s14+$0x200] =	vst v3;
	s14 =	sor.u32 $0x1C50, s1  }
0x127: {  	v3 =	vld [tilespmem:s14+$0x200]  }
0x128: {  	v61 =	vld [tilespmem:s14+$0x8200];
	_ =	sdelay $0x4  }
0x129: {  	v3 =	vadd.f32 v61, v3;
	_ =	sdelay $0x1  }
0x12a: {  	[tilespmem:s14+$0x200] =	vst v3;
	s14 =	sor.u32 $0x1C60, s1  }
0x12b: {  	v3 =	vld [tilespmem:s14+$0x200]  }
0x12c: {  	v62 =	vld [tilespmem:s14+$0x8200];
	_ =	sdelay $0x4  }
0x12d: {  	v3 =	vadd.f32 v62, v3;
	_ =	sdelay $0x1  }
0x12e: {  	[tilespmem:s14+$0x200] =	vst v3;
	s14 =	sor.u32 $0x1C70, s1  }
0x12f: {  	v3 =	vld [tilespmem:s14+$0x200]  }
0x130: {  	v63 =	vld [tilespmem:s14+$0x8200];
	_ =	sdelay $0x1  }
0x131: {  	p0 =	sne.s32 s31, $0xF80  }
.Ltmp0:
0x132: {  	_ = 	snop;
	(pc) =	sbr.rel @p0 .LBB2_2-.Ltmp0, $4  }
0x133: {  	_ = 	snop  }
0x134: {  	v3 =	vadd.f32 v63, v3  }
0x135: {  	s29 =	sadd.s32 $0x1, s29  }
0x136: {  	s28 =	sadd.s32 $0x400, s28;
	s31 =	sadd.s32 $0x80, s31;
	s30 =	sadd.s32 $0x400, s30;
	[tilespmem:s14+$0x200] =	vst v3  }
0x137: {  	s28 =	simm.s32 $0x0  }
0x138: {  	[hbm4b:s10+s28] =	stream.linear.scatter [tilespmem:s17], [sflag:$0x1], $0x8000, $0x38;
	[tilespmem:$0x10200] =	vst v63  }
0x139: {  	_ =	swait.ge [sflag:s15], $0x8000  }
0x13a: {  	[sflag:s15] =	ssyncset.done $0x0  }
0x13b: {  	[sflag:s15] =	ssyncadd.s32 $0xFFFF8000  }
0x13c: {  	v3 =	vld [tilespmem:$0x20];
	_ =	sdelay $0x4  }
0x13d: {  	v4 =	vshll.u32 v3, $0x3  }
0x13e: {  	v3 =	vand.u32 $0x7, v3;
	v4 =	vand.u32 $0xFFFFFFC0, v4  }
0x13f: {  	v3 =	vor.u32 v3, v4  }
0x140: {  	v4 =	vperm.xlane v3, v0;
	_ =	sdelay $0x1  }
0x141: {  	v4 =	vadd.s32 v1, v4;
	_ =	sdelay $0x4  }
0x142: {  	[tilespmem:s17], [sflag:$0x1] =	stream.indirect_vreg.gather [hbm4b:s3+s28], $0x80, v4, vm0, $0xb8;
	[tilespmem:$0x10200] =	vst v63  }
0x143: {  	s0 =	simm.s32 $0xA00;
	v3 =	vperm.xlane v3, v2  }
0x144: {  	[tilespmem:s0], [sflag:$0x1] =	stream.indirect_vreg.gather [hbm4b:s8+s28], $0x80, v4, vm0, $0xb8;
	[tilespmem:$0x10200] =	vst v63  }
0x145: {  	s14 =	simm.s32 $0x1200;
	v3 =	vadd.s32 v1, v3  }
0x146: {  	[tilespmem:s14], [sflag:$0x1] =	stream.indirect_vreg.gather [hbm4b:s9+s28], $0x80, v4, vm0, $0xb8;
	[tilespmem:$0x10200] =	vst v63  }
0x147: {  	s1 =	simm.s32 $0x1A00  }
0x148: {  	[tilespmem:s1], [sflag:$0x1] =	stream.indirect_vreg.gather [hbm4b:s11+s28], $0x80, v4, vm0, $0xb8;
	[tilespmem:$0x10200] =	vst v63  }
0x149: {  	s14 =	simm.s32 $0x2200  }
0x14a: {  	[tilespmem:s14], [sflag:$0x1] =	stream.indirect_vreg.gather [hbm4b:s3+s28], $0x80, v3, vm0, $0xb8;
	[tilespmem:$0x10200] =	vst v63  }
0x14b: {  	s1 =	simm.s32 $0x2A00  }
0x14c: {  	[tilespmem:s1], [sflag:$0x1] =	stream.indirect_vreg.gather [hbm4b:s8+s28], $0x80, v3, vm0, $0xb8;
	[tilespmem:$0x10200] =	vst v63  }
0x14d: {  	s14 =	simm.s32 $0x3200  }
0x14e: {  	[tilespmem:s14], [sflag:$0x1] =	stream.indirect_vreg.gather [hbm4b:s9+s28], $0x80, v3, vm0, $0xb8;
	[tilespmem:$0x10200] =	vst v63  }
0x14f: {  	s1 =	simm.s32 $0x3A00  }
0x150: {  	[tilespmem:s1], [sflag:$0x1] =	stream.indirect_vreg.gather [hbm4b:s11+s28], $0x80, v3, vm0, $0xb8;
	[tilespmem:$0x10200] =	vst v63  }
0x151: {  	v3 =	vld [tilespmem:$0x30];
	_ =	sdelay $0x4  }
0x152: {  	v61 =	vshll.u32 v3, $0x3  }
0x153: {  	v3 =	vand.u32 $0x7, v3;
	v4 =	vand.u32 $0xFFFFFFC0, v61  }
0x154: {  	v3 =	vor.u32 v3, v4  }
0x155: {  	v4 =	vperm.xlane v3, v0;
	_ =	sdelay $0x1  }
0x156: {  	v4 =	vadd.s32 v1, v4;
	_ =	sdelay $0x3  }
0x157: {  	s14 =	simm.s32 $0x4200  }
0x158: {  	[tilespmem:s14], [sflag:$0x1] =	stream.indirect_vreg.gather [hbm4b:s3+s28], $0x80, v4, vm0, $0xb8;
	[tilespmem:$0x10200] =	vst v63  }
0x159: {  	s1 =	simm.s32 $0x4A00;
	v3 =	vperm.xlane v3, v2  }
0x15a: {  	[tilespmem:s1], [sflag:$0x1] =	stream.indirect_vreg.gather [hbm4b:s8+s28], $0x80, v4, vm0, $0xb8;
	[tilespmem:$0x10200] =	vst v63  }
0x15b: {  	v3 =	vadd.s32 v1, v3;
	s14 =	simm.s32 $0x5200  }
0x15c: {  	[tilespmem:s14], [sflag:$0x1] =	stream.indirect_vreg.gather [hbm4b:s9+s28], $0x80, v4, vm0, $0xb8;
	[tilespmem:$0x10200] =	vst v63  }
0x15d: {  	s1 =	simm.s32 $0x5A00  }
0x15e: {  	[tilespmem:s1], [sflag:$0x1] =	stream.indirect_vreg.gather [hbm4b:s11+s28], $0x80, v4, vm0, $0xb8;
	[tilespmem:$0x10200] =	vst v63  }
0x15f: {  	s14 =	simm.s32 $0x6200  }
0x160: {  	[tilespmem:s14], [sflag:$0x1] =	stream.indirect_vreg.gather [hbm4b:s3+s28], $0x80, v3, vm0, $0xb8;
	[tilespmem:$0x10200] =	vst v63  }
0x161: {  	s1 =	simm.s32 $0x6A00  }
0x162: {  	[tilespmem:s1], [sflag:$0x1] =	stream.indirect_vreg.gather [hbm4b:s8+s28], $0x80, v3, vm0, $0xb8;
	[tilespmem:$0x10200] =	vst v63  }
0x163: {  	s14 =	simm.s32 $0x7200  }
0x164: {  	[tilespmem:s14], [sflag:$0x1] =	stream.indirect_vreg.gather [hbm4b:s9+s28], $0x80, v3, vm0, $0xb8;
	[tilespmem:$0x10200] =	vst v63  }
0x165: {  	s1 =	simm.s32 $0x7A00  }
0x166: {  	[tilespmem:s1], [sflag:$0x1] =	stream.indirect_vreg.gather [hbm4b:s11+s28], $0x80, v3, vm0, $0xb8;
	[tilespmem:$0x10200] =	vst v63  }
0x167: {  	_ =	swait.ge [sflag:s15], $0x8000  }
0x168: {  	[sflag:s15] =	ssyncset.done $0x0  }
0x169: {  	[sflag:s15] =	ssyncadd.s32 $0xFFFF8000  }
0x16a: {  	v3 =	vld [tilespmem:$0xA0];
	_ =	sdelay $0x4  }
0x16b: {  	v62 =	vshll.u32 v3, $0x3  }
0x16c: {  	v3 =	vand.u32 $0x7, v3;
	v4 =	vand.u32 $0xFFFFFFC0, v62  }
0x16d: {  	v3 =	vor.u32 v3, v4  }
0x16e: {  	v4 =	vperm.xlane v3, v0;
	_ =	sdelay $0x1  }
0x16f: {  	v4 =	vadd.s32 v1, v4;
	_ =	sdelay $0x3  }
0x170: {  	s14 =	simm.s32 $0x8200  }
0x171: {  	[tilespmem:s14], [sflag:$0x1] =	stream.indirect_vreg.gather [hbm4b:s3+s28], $0x80, v4, vm0, $0xb8;
	[tilespmem:$0x10200] =	vst v63  }
0x172: {  	v3 =	vperm.xlane v3, v2  }
0x173: {  	[tilespmem:s4], [sflag:$0x1] =	stream.indirect_vreg.gather [hbm4b:s8+s28], $0x80, v4, vm0, $0xb8;
	[tilespmem:$0x10200] =	vst v63  }
0x174: {  	v3 =	vadd.s32 v1, v3  }
0x175: {  	[tilespmem:s16], [sflag:$0x1] =	stream.indirect_vreg.gather [hbm4b:s9+s28], $0x80, v4, vm0, $0xb8;
	[tilespmem:$0x10200] =	vst v63  }
0x176: {  	_ = 	snop  }
0x177: {  	[tilespmem:s5], [sflag:$0x1] =	stream.indirect_vreg.gather [hbm4b:s11+s28], $0x80, v4, vm0, $0xb8;
	[tilespmem:$0x10200] =	vst v63  }
0x178: {  	_ = 	snop  }
0x179: {  	[tilespmem:s18], [sflag:$0x1] =	stream.indirect_vreg.gather [hbm4b:s3+s28], $0x80, v3, vm0, $0xb8;
	[tilespmem:$0x10200] =	vst v63  }
0x17a: {  	_ = 	snop  }
0x17b: {  	[tilespmem:s6], [sflag:$0x1] =	stream.indirect_vreg.gather [hbm4b:s8+s28], $0x80, v3, vm0, $0xb8;
	[tilespmem:$0x10200] =	vst v63  }
0x17c: {  	_ = 	snop  }
0x17d: {  	[tilespmem:s19], [sflag:$0x1] =	stream.indirect_vreg.gather [hbm4b:s9+s28], $0x80, v3, vm0, $0xb8;
	[tilespmem:$0x10200] =	vst v63  }
0x17e: {  	_ = 	snop  }
0x17f: {  	[tilespmem:s7], [sflag:$0x1] =	stream.indirect_vreg.gather [hbm4b:s11+s28], $0x80, v3, vm0, $0xb8;
	[tilespmem:$0x10200] =	vst v63  }
0x180: {  	v3 =	vld [tilespmem:$0xB0];
	_ =	sdelay $0x4  }
0x181: {  	v63 =	vshll.u32 v3, $0x3  }
0x182: {  	v3 =	vand.u32 $0x7, v3;
	v4 =	vand.u32 $0xFFFFFFC0, v63  }
0x183: {  	v3 =	vor.u32 v3, v4  }
0x184: {  	v4 =	vperm.xlane v3, v0;
	_ =	sdelay $0x1  }
0x185: {  	v4 =	vadd.s32 v1, v4;
	_ =	sdelay $0x4  }
0x186: {  	[tilespmem:s20], [sflag:$0x1] =	stream.indirect_vreg.gather [hbm4b:s3+s28], $0x80, v4, vm0, $0xb8;
	[tilespmem:$0x10200] =	vst v63  }
0x187: {  	v3 =	vperm.xlane v3, v2  }
0x188: {  	[tilespmem:s21], [sflag:$0x1] =	stream.indirect_vreg.gather [hbm4b:s8+s28], $0x80, v4, vm0, $0xb8;
	[tilespmem:$0x10200] =	vst v63  }
0x189: {  	v3 =	vadd.s32 v1, v3  }
0x18a: {  	[tilespmem:s22], [sflag:$0x1] =	stream.indirect_vreg.gather [hbm4b:s9+s28], $0x80, v4, vm0, $0xb8;
	[tilespmem:$0x10200] =	vst v63  }
0x18b: {  	_ = 	snop  }
0x18c: {  	[tilespmem:s23], [sflag:$0x1] =	stream.indirect_vreg.gather [hbm4b:s11+s28], $0x80, v4, vm0, $0xb8;
	[tilespmem:$0x10200] =	vst v63  }
0x18d: {  	_ = 	snop  }
0x18e: {  	[tilespmem:s24], [sflag:$0x1] =	stream.indirect_vreg.gather [hbm4b:s3+s28], $0x80, v3, vm0, $0xb8;
	[tilespmem:$0x10200] =	vst v63  }
0x18f: {  	_ = 	snop  }
0x190: {  	[tilespmem:s12], [sflag:$0x1] =	stream.indirect_vreg.gather [hbm4b:s8+s28], $0x80, v3, vm0, $0xb8;
	[tilespmem:$0x10200] =	vst v63  }
0x191: {  	_ = 	snop  }
0x192: {  	[tilespmem:s25], [sflag:$0x1] =	stream.indirect_vreg.gather [hbm4b:s9+s28], $0x80, v3, vm0, $0xb8;
	[tilespmem:$0x10200] =	vst v63  }
0x193: {  	_ = 	snop  }
0x194: {  	[tilespmem:s13], [sflag:$0x1] =	stream.indirect_vreg.gather [hbm4b:s11+s28], $0x80, v3, vm0, $0xb8;
	[tilespmem:$0x10200] =	vst v63  }
0x195: {  	_ =	swait.ge [sflag:s15], $0x8000  }
0x196: {  	s29 =	simm.s32 $0xFFFF8000;
	[sflag:s15] =	ssyncset.done $0x0  }
0x197: {  	s30 =	simm.s32 $0x0;
	s31 =	simm.s32 $0x0;
	[sflag:s15] =	ssyncadd.s32 $0xFFFF8000  }
.LBB2_4:
0x198: {  	s0 =	sadd.s32 $0x8000, s29  }
0x199: {  	s1 =	sand.u32 $0x380, s31;
	s0 =	sand.u32 $0x6000, s0  }
0x19a: {  	s0 =	sor.u32 s1, s0  }
0x19b: {  	v3 =	vld [tilespmem:s0+$0x200]  }
0x19c: {  	v4 =	vld [tilespmem:s0+$0x8200]  }
0x19d: {  	v5 =	vld [tilespmem:s0+$0x210]  }
0x19e: {  	v6 =	vld [tilespmem:s0+$0x8210]  }
0x19f: {  	v7 =	vld [tilespmem:s0+$0x220]  }
0x1a0: {  	v8 =	vld [tilespmem:s0+$0x8220]  }
0x1a1: {  	v9 =	vld [tilespmem:s0+$0x230]  }
0x1a2: {  	v10 =	vld [tilespmem:s0+$0x8230]  }
0x1a3: {  	v11 =	vld [tilespmem:s0+$0x240]  }
0x1a4: {  	v12 =	vld [tilespmem:s0+$0x8240]  }
0x1a5: {  	v13 =	vld [tilespmem:s0+$0x250]  }
0x1a6: {  	v14 =	vld [tilespmem:s0+$0x8250]  }
0x1a7: {  	v15 =	vld [tilespmem:s0+$0x260]  }
0x1a8: {  	v16 =	vld [tilespmem:s0+$0x8260]  }
0x1a9: {  	v17 =	vld [tilespmem:s0+$0x270]  }
0x1aa: {  	v18 =	vld [tilespmem:s0+$0x8270]  }
0x1ab: {  	v19 =	vld [tilespmem:s0+$0x600]  }
0x1ac: {  	v20 =	vld [tilespmem:s0+$0x8600]  }
0x1ad: {  	v21 =	vld [tilespmem:s0+$0x610]  }
0x1ae: {  	v22 =	vld [tilespmem:s0+$0x8610]  }
0x1af: {  	v23 =	vld [tilespmem:s0+$0x620]  }
0x1b0: {  	v24 =	vld [tilespmem:s0+$0x8620]  }
0x1b1: {  	v25 =	vld [tilespmem:s0+$0x630]  }
0x1b2: {  	v26 =	vld [tilespmem:s0+$0x8630]  }
0x1b3: {  	v27 =	vld [tilespmem:s0+$0x640]  }
0x1b4: {  	v28 =	vld [tilespmem:s0+$0x8640]  }
0x1b5: {  	v29 =	vld [tilespmem:s0+$0x650]  }
0x1b6: {  	v30 =	vld [tilespmem:s0+$0x8650]  }
0x1b7: {  	v31 =	vld [tilespmem:s0+$0x660]  }
0x1b8: {  	v32 =	vld [tilespmem:s0+$0x8660]  }
0x1b9: {  	v33 =	vld [tilespmem:s0+$0x670]  }
0x1ba: {  	v34 =	vld [tilespmem:s0+$0x8670]  }
0x1bb: {  	v35 =	vld [tilespmem:s0+$0xA00]  }
0x1bc: {  	v36 =	vld [tilespmem:s0+$0x8A00]  }
0x1bd: {  	v37 =	vld [tilespmem:s0+$0xA10]  }
0x1be: {  	v38 =	vld [tilespmem:s0+$0x8A10]  }
0x1bf: {  	v39 =	vld [tilespmem:s0+$0xA20]  }
0x1c0: {  	v40 =	vld [tilespmem:s0+$0x8A20]  }
0x1c1: {  	v41 =	vld [tilespmem:s0+$0xA30]  }
0x1c2: {  	v42 =	vld [tilespmem:s0+$0x8A30]  }
0x1c3: {  	v43 =	vld [tilespmem:s0+$0xA40]  }
0x1c4: {  	v44 =	vld [tilespmem:s0+$0x8A40]  }
0x1c5: {  	v45 =	vld [tilespmem:s0+$0xA50]  }
0x1c6: {  	v46 =	vld [tilespmem:s0+$0x8A50]  }
0x1c7: {  	v47 =	vld [tilespmem:s0+$0xA60]  }
0x1c8: {  	v48 =	vld [tilespmem:s0+$0x8A60]  }
0x1c9: {  	v49 =	vld [tilespmem:s0+$0xA70]  }
0x1ca: {  	v50 =	vld [tilespmem:s0+$0x8A70]  }
0x1cb: {  	v51 =	vld [tilespmem:s0+$0xE00]  }
0x1cc: {  	v52 =	vld [tilespmem:s0+$0x8E00]  }
0x1cd: {  	v53 =	vld [tilespmem:s0+$0xE10]  }
0x1ce: {  	v54 =	vld [tilespmem:s0+$0x8E10]  }
0x1cf: {  	v55 =	vld [tilespmem:s0+$0xE20]  }
0x1d0: {  	v56 =	vld [tilespmem:s0+$0x8E20]  }
0x1d1: {  	v57 =	vld [tilespmem:s0+$0xE30]  }
0x1d2: {  	v58 =	vld [tilespmem:s0+$0x8E30]  }
0x1d3: {  	v59 =	vld [tilespmem:s0+$0xE40]  }
0x1d4: {  	v60 =	vld [tilespmem:s0+$0x8E40]  }
0x1d5: {  	v61 =	vld [tilespmem:s0+$0xE50]  }
0x1d6: {  	v62 =	vld [tilespmem:s0+$0x8E50]  }
0x1d7: {  	v63 =	vld [tilespmem:s0+$0xE60]  }
0x1d8: {  	v3 =	vadd.f32 v4, v3;
	v4 =	vld [tilespmem:s0+$0x8E60]  }
0x1d9: {  	v5 =	vadd.f32 v6, v5;
	v6 =	vld [tilespmem:s0+$0xE70]  }
0x1da: {  	v14 =	vadd.f32 v14, v13;
	v13 =	vld [tilespmem:s0+$0x9220];
	[tilespmem:s0+$0x200] =	vst v3;
	v3 =	vadd.f32 v8, v7  }
0x1db: {  	v18 =	vadd.f32 v18, v17;
	v17 =	vld [tilespmem:s0+$0x9240];
	[tilespmem:s0+$0x210] =	vst v5  }
0x1dc: {  	v22 =	vadd.f32 v22, v21;
	v21 =	vld [tilespmem:s0+$0x9260];
	[tilespmem:s0+$0x220] =	vst v3;
	v3 =	vadd.f32 v12, v11  }
0x1dd: {  	v7 =	vld [tilespmem:s0+$0x8E70];
	[tilespmem:s0+$0x250] =	vst v14  }
0x1de: {  	v8 =	vld [tilespmem:s0+$0x1200];
	[tilespmem:s0+$0x240] =	vst v3;
	v3 =	vadd.f32 v16, v15  }
0x1df: {  	v5 =	vadd.f32 v10, v9;
	v9 =	vld [tilespmem:s0+$0x9200];
	[tilespmem:s0+$0x270] =	vst v18  }
0x1e0: {  	v10 =	vld [tilespmem:s0+$0x1210];
	[tilespmem:s0+$0x260] =	vst v3;
	v3 =	vadd.f32 v20, v19  }
0x1e1: {  	v26 =	vadd.f32 v26, v25;
	v14 =	vld [tilespmem:s0+$0x1230];
	[tilespmem:s0+$0x610] =	vst v22  }
0x1e2: {  	v18 =	vld [tilespmem:s0+$0x1250];
	[tilespmem:s0+$0x600] =	vst v3;
	v3 =	vadd.f32 v24, v23  }
0x1e3: {  	v30 =	vadd.f32 v30, v29;
	[tilespmem:s0+$0x630] =	vst v26;
	v22 =	vld [tilespmem:s0+$0x1270]  }
0x1e4: {  	v19 =	vld [tilespmem:s0+$0x9250];
	[tilespmem:s0+$0x620] =	vst v3;
	v3 =	vadd.f32 v28, v27  }
0x1e5: {  	v34 =	vadd.f32 v34, v33;
	[tilespmem:s0+$0x650] =	vst v30;
	v11 =	vld [tilespmem:s0+$0x9210]  }
0x1e6: {  	v12 =	vld [tilespmem:s0+$0x1220];
	[tilespmem:s0+$0x640] =	vst v3;
	v3 =	vadd.f32 v32, v31  }
0x1e7: {  	[tilespmem:s0+$0x670] =	vst v34;
	v15 =	vld [tilespmem:s0+$0x9230]  }
0x1e8: {  	v16 =	vld [tilespmem:s0+$0x1240];
	[tilespmem:s0+$0x660] =	vst v3;
	v3 =	vadd.f32 v36, v35  }
0x1e9: {  	[tilespmem:s0+$0x230] =	vst v5;
	v20 =	vld [tilespmem:s0+$0x1260];
	v19 =	vadd.f32 v19, v18  }
0x1ea: {  	v24 =	vld [tilespmem:s0+$0x1600];
	[tilespmem:s0+$0xA00] =	vst v3;
	v3 =	vadd.f32 v40, v39  }
0x1eb: {  	[tilespmem:s0+$0x1250] =	vst v19;
	v36 =	vadd.f32 v38, v37;
	v37 =	vld [tilespmem:s0+$0x9270]  }
0x1ec: {  	v38 =	vadd.f32 v42, v41;
	v41 =	vld [tilespmem:s0+$0x1610];
	[tilespmem:s0+$0xA20] =	vst v3;
	v3 =	vadd.f32 v44, v43  }
0x1ed: {  	v42 =	vld [tilespmem:s0+$0x9610];
	[tilespmem:s0+$0xA10] =	vst v36  }
0x1ee: {  	v35 =	vld [tilespmem:s0+$0x1A10];
	[tilespmem:s0+$0xA40] =	vst v3;
	v3 =	vadd.f32 v48, v47  }
0x1ef: {  	v39 =	vld [tilespmem:s0+$0x9600];
	[tilespmem:s0+$0xA30] =	vst v38;
	v40 =	vadd.f32 v46, v45  }
0x1f0: {  	v45 =	vld [tilespmem:s0+$0x9620];
	[tilespmem:s0+$0xA60] =	vst v3;
	v3 =	vadd.f32 v52, v51  }
0x1f1: {  	v46 =	vadd.f32 v54, v53;
	v53 =	vld [tilespmem:s0+$0x1650];
	[tilespmem:s0+$0xA50] =	vst v40  }
0x1f2: {  	v54 =	vld [tilespmem:s0+$0x9650];
	[tilespmem:s0+$0xE00] =	vst v3;
	v3 =	vadd.f32 v56, v55  }
0x1f3: {  	v36 =	vld [tilespmem:s0+$0x9A10];
	v43 =	vadd.f32 v50, v49;
	[tilespmem:s0+$0xE10] =	vst v46  }
0x1f4: {  	v38 =	vld [tilespmem:s0+$0x1A20];
	[tilespmem:s0+$0xE20] =	vst v3;
	v3 =	vadd.f32 v60, v59  }
0x1f5: {  	v44 =	vld [tilespmem:s0+$0x1620];
	v49 =	vadd.f32 v58, v57;
	[tilespmem:s0+$0xA70] =	vst v43  }
0x1f6: {  	v50 =	vld [tilespmem:s0+$0x1640];
	[tilespmem:s0+$0xE40] =	vst v3;
	v3 =	vadd.f32 v4, v63  }
0x1f7: {  	v57 =	vld [tilespmem:s0+$0x9660];
	v58 =	vadd.f32 v11, v10;
	[tilespmem:s0+$0xE30] =	vst v49  }
0x1f8: {  	v46 =	vld [tilespmem:s0+$0x9A50];
	[tilespmem:s0+$0xE60] =	vst v3;
	v3 =	vadd.f32 v9, v8  }
0x1f9: {  	v37 =	vadd.f32 v37, v22;
	v40 =	vadd.f32 v42, v41;
	v41 =	vld [tilespmem:s0+$0x1A30];
	[tilespmem:s0+$0x1210] =	vst v58  }
0x1fa: {  	v42 =	vld [tilespmem:s0+$0x9A30];
	[tilespmem:s0+$0x1200] =	vst v3;
	v3 =	vadd.f32 v13, v12  }
0x1fb: {  	v47 =	vld [tilespmem:s0+$0x1630];
	[tilespmem:s0+$0x1270] =	vst v37  }
0x1fc: {  	v48 =	vld [tilespmem:s0+$0x9630];
	[tilespmem:s0+$0x1220] =	vst v3;
	v3 =	vadd.f32 v17, v16  }
0x1fd: {  	v49 =	vld [tilespmem:s0+$0x9A60];
	[tilespmem:s0+$0x1610] =	vst v40;
	v52 =	vadd.f32 v62, v61  }
0x1fe: {  	v51 =	vld [tilespmem:s0+$0x9640];
	[tilespmem:s0+$0x1240] =	vst v3;
	v3 =	vadd.f32 v21, v20  }
0x1ff: {  	v61 =	vadd.f32 v15, v14;
	v62 =	vld [tilespmem:s0+$0x1A00];
	[tilespmem:s0+$0xE50] =	vst v52  }
0x200: {  	v56 =	vld [tilespmem:s0+$0x1660];
	[tilespmem:s0+$0x1260] =	vst v3;
	v3 =	vadd.f32 v39, v24  }
0x201: {  	v55 =	vadd.f32 v7, v6;
	[tilespmem:s0+$0x1230] =	vst v61;
	v52 =	vld [tilespmem:s0+$0x9A70]  }
0x202: {  	v43 =	vadd.f32 v48, v47;
	v47 =	vld [tilespmem:s0+$0x1A60];
	[tilespmem:s0+$0x1600] =	vst v3;
	v3 =	vadd.f32 v45, v44  }
0x203: {  	[tilespmem:s0+$0xE70] =	vst v55;
	v63 =	vld [tilespmem:s0+$0x9A00]  }
0x204: {  	v59 =	vld [tilespmem:s0+$0x1670];
	[tilespmem:s0+$0x1620] =	vst v3;
	v3 =	vadd.f32 v51, v50  }
0x205: {  	[tilespmem:s0+$0x1630] =	vst v43;
	v4 =	vadd.f32 v54, v53;
	v39 =	vld [tilespmem:s0+$0x9A20]  }
0x206: {  	v60 =	vld [tilespmem:s0+$0x9670];
	[tilespmem:s0+$0x1640] =	vst v3;
	v3 =	vadd.f32 v57, v56  }
0x207: {  	v54 =	vadd.f32 v42, v41;
	[tilespmem:s0+$0x1650] =	vst v4;
	v45 =	vld [tilespmem:s0+$0x1A50]  }
0x208: {  	v53 =	vld [tilespmem:s0+$0x9A40];
	[tilespmem:s0+$0x1660] =	vst v3;
	v3 =	vadd.f32 v63, v62  }
0x209: {  	[tilespmem:s0+$0x1A30] =	vst v54;
	v55 =	vadd.f32 v49, v47;
	v50 =	vld [tilespmem:s0+$0x1A70]  }
0x20a: {  	v44 =	vld [tilespmem:s0+$0x1A40];
	[tilespmem:s0+$0x1A00] =	vst v3;
	v3 =	vadd.f32 v39, v38  }
0x20b: {  	v48 =	vadd.f32 v60, v59;
	[tilespmem:s0+$0x1A60] =	vst v55  }
0x20c: {  	[tilespmem:s0+$0x1A20] =	vst v3;
	v3 =	vadd.f32 v46, v45  }
0x20d: {  	s14 =	sand.u32 $0x7, s28;
	[tilespmem:s0+$0x1670] =	vst v48;
	v51 =	vadd.f32 v36, v35  }
0x20e: {  	s1 =	sshll.u32 s14, $0x7;
	[tilespmem:s0+$0x1A50] =	vst v3;
	v3 =	vadd.f32 v52, v50  }
0x20f: {  	s1 =	sadd.s32 s1, s30;
	[tilespmem:s0+$0x1A10] =	vst v51;
	v56 =	vadd.f32 v53, v44  }
0x210: {  	s14 =	sor.u32 $0x1C00, s1;
	[tilespmem:s0+$0x1A70] =	vst v3  }
0x211: {  	[tilespmem:s0+$0x1A40] =	vst v56;
	v3 =	vld [tilespmem:s14+$0x200]  }
0x212: {  	v4 =	vld [tilespmem:s14+$0x8200];
	_ =	sdelay $0x4  }
0x213: {  	v3 =	vadd.f32 v4, v3;
	_ =	sdelay $0x1  }
0x214: {  	[tilespmem:s14+$0x200] =	vst v3;
	s14 =	sor.u32 $0x1C10, s1  }
0x215: {  	v3 =	vld [tilespmem:s14+$0x200]  }
0x216: {  	v57 =	vld [tilespmem:s14+$0x8200];
	_ =	sdelay $0x4  }
0x217: {  	v3 =	vadd.f32 v57, v3;
	_ =	sdelay $0x1  }
0x218: {  	[tilespmem:s14+$0x200] =	vst v3;
	s14 =	sor.u32 $0x1C20, s1  }
0x219: {  	v3 =	vld [tilespmem:s14+$0x200]  }
0x21a: {  	v58 =	vld [tilespmem:s14+$0x8200];
	_ =	sdelay $0x4  }
0x21b: {  	v3 =	vadd.f32 v58, v3;
	_ =	sdelay $0x1  }
0x21c: {  	[tilespmem:s14+$0x200] =	vst v3;
	s14 =	sor.u32 $0x1C30, s1  }
0x21d: {  	v3 =	vld [tilespmem:s14+$0x200]  }
0x21e: {  	v59 =	vld [tilespmem:s14+$0x8200];
	_ =	sdelay $0x4  }
0x21f: {  	v3 =	vadd.f32 v59, v3;
	_ =	sdelay $0x1  }
0x220: {  	[tilespmem:s14+$0x200] =	vst v3;
	s14 =	sor.u32 $0x1C40, s1  }
0x221: {  	v3 =	vld [tilespmem:s14+$0x200]  }
0x222: {  	v60 =	vld [tilespmem:s14+$0x8200];
	_ =	sdelay $0x4  }
0x223: {  	v3 =	vadd.f32 v60, v3;
	_ =	sdelay $0x1  }
0x224: {  	[tilespmem:s14+$0x200] =	vst v3;
	s14 =	sor.u32 $0x1C50, s1  }
0x225: {  	v3 =	vld [tilespmem:s14+$0x200]  }
0x226: {  	v61 =	vld [tilespmem:s14+$0x8200];
	_ =	sdelay $0x4  }
0x227: {  	v3 =	vadd.f32 v61, v3;
	_ =	sdelay $0x1  }
0x228: {  	[tilespmem:s14+$0x200] =	vst v3;
	s14 =	sor.u32 $0x1C60, s1  }
0x229: {  	v3 =	vld [tilespmem:s14+$0x200]  }
0x22a: {  	v62 =	vld [tilespmem:s14+$0x8200];
	_ =	sdelay $0x4  }
0x22b: {  	v3 =	vadd.f32 v62, v3;
	_ =	sdelay $0x1  }
0x22c: {  	[tilespmem:s14+$0x200] =	vst v3;
	s14 =	sor.u32 $0x1C70, s1  }
0x22d: {  	v3 =	vld [tilespmem:s14+$0x200]  }
0x22e: {  	v63 =	vld [tilespmem:s14+$0x8200];
	_ =	sdelay $0x1  }
0x22f: {  	p0 =	sne.s32 s31, $0xF80  }
.Ltmp1:
0x230: {  	_ = 	snop;
	(pc) =	sbr.rel @p0 .LBB2_4-.Ltmp1, $4  }
0x231: {  	_ = 	snop  }
0x232: {  	v3 =	vadd.f32 v63, v3  }
0x233: {  	s28 =	sadd.s32 $0x1, s28  }
0x234: {  	s29 =	sadd.s32 $0x400, s29;
	s31 =	sadd.s32 $0x80, s31;
	s30 =	sadd.s32 $0x400, s30;
	[tilespmem:s14+$0x200] =	vst v3  }
0x235: {  	s0 =	rddreg [dreg:$0x7]  }
0x236: {  	[hbm4b:s0+s2] =	stream.linear.scatter [tilespmem:s17], [sflag:$0x1], $0x8000, $0x38;
	[tilespmem:$0x10200] =	vst v63  }
0x237: {  	_ =	swait.ge [sflag:s15], $0x8000  }
0x238: {  	s26 =	sadd.s32 $0x1, s26;
	s31 =	rddreg [dreg:$0x8]  }
0x239: {  	p0 =	sne.s32 s26, s31  }
.Ltmp2:
0x23a: {  	_ = 	snop;
	(pc) =	sbr.rel @p0 .LBB2_1-.Ltmp2, $3  }
0x23b: {  	_ =	sdelay $0x1  }
0x23c: {  	[sflag:s15] =	ssyncset.done $0x0  }
0x23d: {  	[sflag:s15] =	ssyncadd.s32 $0xFFFF8000  }
0x23e: {  	_ =	sfence.sel $0x180000  }
0x23f: {  	[bflag:$0x0] =	sbarrier.arrive $0xFFFF  }
0x240: {  	_ =	strace $0x9000004A  }
0x241: {  	s0 =	stileid.u32;
	[bflag:$0x2] =	sbarrier.arrive $0xFFFF  }
0x242: {  	p0 =	sne.s32 s0, $0x0;
	s0 =	rddreg [dreg:$0x2]  }
0x243: {  	s0 =	sadd.s32 @!p0 $0x100000, s0  }
0x244: {  	[sflag:s0] =	ssyncadd.tile.s32 @!p0 $0x1;
	_ =	shalt  }
.Lfunc_end2:
_tile_overlayer_lowered:
.L_overlay_start_2:
0x245: {  	(tag) =	ssettag $0x2  }
0x246: {  	s0 =	rddreg [dreg:$0x0];
	s2 =	stileid.u32  }
0x247: {  	s1 =	rddreg [dreg:$0x1];
	p0 =	sne.s32 s2, $0x0  }
0x248: {  	s3 =	rddreg [dreg:$0x2];
	[bflag:$0x3] =	sbarrier.arrive $0xFFFF;
	s2 =	simm.s32 @!p0 $0x1C01  }
0x249: {  	[timem:s3], [sflag:s2] =	dma.local @!p0 [hbm:s0], s1  }
0x24a: {  	s0 =	simm.s32 @!p0 $0x1  }
0x24b: {  	_ =	swait.ge @!p0 [sflag:s0], s1  }
0x24c: {  	s1 =	ssub.s32 @!p0 $0x0, s1;
	[sflag:s0] =	ssyncset.done @!p0 $0x0  }
0x24d: {  	[sflag:s0] =	ssyncadd.s32 @!p0 s1  }
0x24e: {  	[bflag:$0x3] =	sbarrier.arrive $0xFFFF  }
0x24f: {  	_ =	shalt  }

</sc_bundles>
